<compile_context>
chip_gen: v7x
topology: tpu7x:2x2x1
jax: 0.10.2.dev20260603
libtpu: 0.0.44.dev20260713+nightly
codegen_flags: <defaults>
</compile_context>

<pallas_src>
import functools

import jax
import jax.numpy as jnp
from jax import lax
from jax.experimental import pallas as pl
from jax.experimental.pallas import tpu as pltpu
from jax.experimental.pallas import tpu_sc as plsc

_SIG2 = 0.05 * 0.05
_SIGV2 = 0.1 * 0.1

_BQ = 2048
_BN = 4096
_QPW = 256


_CH = 1024


def _nn_body(q_ref, qm_ref, pt_ref, pn_ref, o_ref, bv_ref, bs_ref):
    j = pl.program_id(1)
    nslab = _BN // 128
    q = q_ref[...]
    qq = jnp.sum(q * q, axis=1, keepdims=True)
    pn = pn_ref[...]

    @pl.when(j == 0)
    def _():
        bv_ref[...] = jnp.full((_BQ, 128), jnp.inf, jnp.float32)
        bs_ref[...] = jnp.zeros((_BQ, 128), jnp.int32)

    acc = None
    for c in range(_BN // _CH):
        qp2 = jnp.dot(qm_ref[...], pt_ref[:, c * _CH:(c + 1) * _CH],
                      preferred_element_type=jnp.float32)
        lvl = []
        for s in range(_CH // 128):
            g = c * (_CH // 128) + s
            d = ((qq + pn[:, g * 128:(g + 1) * 128])
                 + qp2[:, s * 128:(s + 1) * 128])
            lvl.append((d, jnp.int32(j * nslab + g)))
        while len(lvl) > 1:
            nxt = []
            for t in range(0, len(lvl), 2):
                (va, ia), (vb, ib) = lvl[t], lvl[t + 1]
                lt = vb < va
                nxt.append((jnp.where(lt, vb, va), jnp.where(lt, ib, ia)))
            lvl = nxt
        cv, ci = lvl[0]
        if acc is None:
            acc = (cv, ci)
        else:
            av, ai = acc
            lt = cv < av
            acc = (jnp.where(lt, cv, av), jnp.where(lt, ci, ai))
    av, ai = acc
    lt = av < bv_ref[...]
    bv_ref[...] = jnp.where(lt, av, bv_ref[...])
    bs_ref[...] = jnp.where(lt, ai, bs_ref[...])

    @pl.when(j == pl.num_programs(1) - 1)
    def _():
        bv = bv_ref[...]
        bs = bs_ref[...]
        m = jnp.min(bv, axis=1, keepdims=True)
        lane = lax.broadcasted_iota(jnp.int32, (_BQ, 128), 1)
        n_idx = bs * 128 + lane
        o_ref[...] = jnp.min(
            jnp.where(bv == m, n_idx, jnp.int32(2**30)), axis=1,
            keepdims=True)


def _nearest_pallas(query, points):
    b = query.shape[0]
    n = points.shape[0]
    npad = ((n + _BN - 1) // _BN) * _BN
    pts = jnp.concatenate(
        [points, jnp.full((npad - n, 3), 100.0, jnp.float32)], axis=0)
    pn = jnp.sum(pts * pts, axis=1)[None, :]
    pt8 = jnp.concatenate([pts.T, jnp.zeros((5, npad), jnp.float32)], axis=0)
    q8 = jnp.concatenate([query, jnp.zeros((b, 5), jnp.float32)], axis=1)
    qm8 = -2.0 * q8
    grid = (b // _BQ, npad // _BN)
    nn = pl.pallas_call(
        _nn_body,
        grid=grid,
        in_specs=[
            pl.BlockSpec((_BQ, 8), lambda i, j: (i, 0)),
            pl.BlockSpec((_BQ, 8), lambda i, j: (i, 0)),
            pl.BlockSpec((8, _BN), lambda i, j: (0, j)),
            pl.BlockSpec((1, _BN), lambda i, j: (0, j)),
        ],
        out_specs=pl.BlockSpec((_BQ, 1), lambda i, j: (i, 0)),
        out_shape=jax.ShapeDtypeStruct((b, 1), jnp.int32),
        scratch_shapes=[
            pltpu.VMEM((_BQ, 128), jnp.float32),
            pltpu.VMEM((_BQ, 128), jnp.int32),
        ],
    )(q8, qm8, pt8, pn)
    return nn[:, 0]


def _idw_body(qpw, q_hbm, pf_hbm, a_hbm, adj_hbm, off_hbm, nn_hbm, out_hbm,
              qbuf, nn128, nn3, offs, offs2, refv, ctrx, ctry, ctrz, w0buf,
              abuf, vbuf, pxb, pyb, pzb, obuf, sem_a, sem_b, sem_c, sem_d):
    wid = lax.axis_index("s") * 2 + lax.axis_index("c")
    base = wid * qpw
    iota16 = lax.broadcasted_iota(jnp.int32, (16,), 0)

    ch = min(128, qpw)
    pltpu.sync_copy(q_hbm.at[pl.ds(base * 3, qpw * 3)], qbuf)
    for j in range(qpw // ch):
        sl = pl.ds(j * ch, ch)
        pltpu.sync_copy(nn_hbm.at[pl.ds(base + j * ch, ch)], nn128)
        for g in range(ch // 16):
            s = pl.ds(g * 16, 16)
            nn3[s] = nn128[s] + 1
        c1 = pltpu.async_copy(off_hbm.at[nn128], offs.at[sl], sem_a)
        c2 = pltpu.async_copy(off_hbm.at[nn3], offs2.at[sl], sem_b)
        c3 = pltpu.async_copy(a_hbm.at[nn128], refv.at[sl], sem_c)
        c1.wait()
        c2.wait()
        c3.wait()
        for comp, dst in ((0, ctrx), (1, ctry), (2, ctrz)):
            for g in range(ch // 16):
                s = pl.ds(g * 16, 16)
                nn3[s] = nn128[s] * 3 + comp
            pltpu.async_copy(pf_hbm.at[nn3], dst.at[sl], sem_a).wait()

    for g in range(qpw // 16):
        rows3 = (iota16 + g * 16) * 3
        s = pl.ds(g * 16, 16)
        qx = plsc.load_gather(qbuf, [rows3])
        qy = plsc.load_gather(qbuf, [rows3 + 1])
        qz = plsc.load_gather(qbuf, [rows3 + 2])
        dx = qx - ctrx[s]
        dy = qy - ctry[s]
        dz = qz - ctrz[s]
        d0 = dx * dx + dy * dy + dz * dz
        w0buf[s] = jnp.exp(-d0 / _SIG2) + 1e-6

    def q_body(qi, carry):
        qsel = iota16 * 0 + qi
        off = plsc.load_gather(offs, [qsel])[0]
        cnt = plsc.load_gather(offs2, [qsel])[0] - off
        rv = plsc.load_gather(refv, [qsel])[0]
        qxs = plsc.load_gather(qbuf, [qsel * 3])[0]
        qys = plsc.load_gather(qbuf, [qsel * 3 + 1])[0]
        qzs = plsc.load_gather(qbuf, [qsel * 3 + 2])[0]

        def cond(c):
            return c[0] < cnt

        def body(c):
            k, aw, av = c
            off_k = off + k
            al = (off_k // 8) * 8
            sh = off_k - al
            pltpu.sync_copy(adj_hbm.at[pl.ds(al, 24)], abuf)
            idxv = plsc.load_gather(abuf, [iota16 + sh])
            idx3 = idxv * 3
            cv = pltpu.async_copy(a_hbm.at[idxv], vbuf, sem_a)
            cx = pltpu.async_copy(pf_hbm.at[idx3], pxb, sem_b)
            cy = pltpu.async_copy(pf_hbm.at[idx3 + 1], pyb, sem_c)
            cz = pltpu.async_copy(pf_hbm.at[idx3 + 2], pzb, sem_d)
            cv.wait()
            cx.wait()
            cy.wait()
            cz.wait()
            vals = vbuf[...]
            px = pxb[...]
            py = pyb[...]
            pz = pzb[...]
            dx = qxs - px
            dy = qys - py
            dz = qzs - pz
            dsq = dx * dx + dy * dy + dz * dz
            w = jnp.exp(-dsq / _SIG2)
            vd = vals - rv
            w = w * jnp.exp(-vd * vd / _SIGV2)
            valid = (iota16 + k) < cnt
            w = jnp.where(valid, w, 0.0) + valid.astype(jnp.float32) * 1e-6
            mv = jnp.where(valid, vals, 0.0)
            return (k + 16, aw + w, av + w * mv)

        z16 = jnp.zeros((16,), jnp.float32)
        _, aw, av = lax.while_loop(cond, body, (jnp.int32(0), z16, z16))
        w0 = plsc.load_gather(w0buf, [qsel])[0]
        tw = w0 + jnp.sum(aw)
        tv = w0 * rv + jnp.sum(av)
        z16f = jnp.zeros((16,), jnp.float32)
        res = (z16f + tv) / (z16f + tw)
        plsc.store_scatter(obuf, [qsel], res, mask=iota16 == 0)
        return carry

    lax.fori_loop(0, qpw, q_body, 0)
    pltpu.sync_copy(obuf, out_hbm.at[pl.ds(base, qpw)])


def _idw_pallas(query, points, activated, adj_pad, adj_off, nn_idx):
    b = query.shape[0]
    qpw = b // 32
    mesh = plsc.VectorSubcoreMesh(core_axis_name="c", subcore_axis_name="s")
    fn = pl.kernel(
        functools.partial(_idw_body, qpw),
        out_type=jax.ShapeDtypeStruct((b,), jnp.float32),
        mesh=mesh,
        compiler_params=pltpu.CompilerParams(needs_layout_passes=False),
        scratch_types=[
            pltpu.VMEM((qpw * 3,), jnp.float32),
            pltpu.VMEM((min(128, qpw),), jnp.int32),
            pltpu.VMEM((min(128, qpw),), jnp.int32),
            pltpu.VMEM((qpw,), jnp.int32),
            pltpu.VMEM((qpw,), jnp.int32),
            pltpu.VMEM((qpw,), jnp.float32),
            pltpu.VMEM((qpw,), jnp.float32),
            pltpu.VMEM((qpw,), jnp.float32),
            pltpu.VMEM((qpw,), jnp.float32),
            pltpu.VMEM((qpw,), jnp.float32),
            pltpu.VMEM((24,), jnp.int32),
            pltpu.VMEM((16,), jnp.float32),
            pltpu.VMEM((16,), jnp.float32),
            pltpu.VMEM((16,), jnp.float32),
            pltpu.VMEM((16,), jnp.float32),
            pltpu.VMEM((qpw,), jnp.float32),
            pltpu.SemaphoreType.DMA,
            pltpu.SemaphoreType.DMA,
            pltpu.SemaphoreType.DMA,
            pltpu.SemaphoreType.DMA,
        ],
    )
    return fn(query.reshape(-1), points.reshape(-1), activated, adj_pad,
              adj_off, nn_idx)


@functools.partial(jax.jit)
def kernel(query, points, activated, adjacency, adjacency_offsets):
    adj_pad = jnp.concatenate(
        [adjacency, jnp.zeros((32,), adjacency.dtype)], axis=0)
    h = query.shape[0] // 2
    outs = []
    for q in (query[:h], query[h:]):
        nn_idx = _nearest_pallas(q, points)
        outs.append(_idw_pallas(q, points, activated, adj_pad,
                                adjacency_offsets, nn_idx))
    return jnp.concatenate(outs, axis=0)

# --- scband reference (transcript-rebuilt; emitter-appended) ---
"""Pipeline reference for scband-ctscene-81965155877407 (READ-ONLY COPY).

The authoritative reference and input builder live on the scoring server;
editing this copy changes nothing except your own understanding.
"""

import jax, jax.numpy as jnp
import numpy as np

N = 100000
B = 8192
E = 1600000
SIGMA = 0.05
SIGMA_V = 0.1


def setup_inputs(seed: int = 0):
    key = jax.random.key(seed)
    k1, k2, k3, k4, k5 = jax.random.split(key, 5)
    query = jax.random.uniform(k1, (B, 3), dtype=jnp.float32, minval=-1.1, maxval=1.1)
    points = jax.random.uniform(k2, (N, 3), dtype=jnp.float32, minval=-1.1, maxval=1.1)
    activated = jax.random.uniform(k3, (N,), dtype=jnp.float32)
    adjacency = jax.random.randint(k4, (E,), 0, N)
    adjacency_offsets = jnp.sort(jax.random.randint(k5, (N + 1,), 0, E))
    return {"query": query, "points": points, "activated": activated,
            "adjacency": adjacency, "adjacency_offsets": adjacency_offsets}


def _nearest(query, points):
    # brute-force nearest-neighbor (replaces radfoam.nn AABB-tree query),
    # chunked over queries to bound the distance-matrix working set.
    pn = jnp.sum(points * points, axis=1)
    out = []
    chunk = 1024
    for i in range(0, query.shape[0], chunk):
        q = query[i:i + chunk]
        d = jnp.sum(q * q, axis=1)[:, None] + pn[None, :] - 2.0 * (q @ points.T)
        out.append(jnp.argmin(d, axis=1))
    return jnp.concatenate(out, axis=0)


def reference(query, points, activated, adjacency, adjacency_offsets):
    adj = adjacency
    adj_off = adjacency_offsets
    gmax = jnp.max(adj_off[1:] - adj_off[:-1])
    nn_idx = _nearest(query, points)
    counts = adj_off[nn_idx + 1] - adj_off[nn_idx]
    offsets = adj_off[nn_idx]
    ref_val = activated[nn_idx]

    def _column(k):
        valid_k = counts > k
        flat = jnp.clip(offsets + k, 0, adj.shape[0] - 1)
        neigh = adj[flat]
        centers = points[neigh]
        diff = query - centers
        dist_sq = jnp.sum(diff * diff, axis=-1)
        w = jnp.exp(-dist_sq / (SIGMA * SIGMA))
        vals = activated[neigh]
        vd = vals - ref_val
        w = w * jnp.exp(-vd * vd / (SIGMA_V * SIGMA_V))
        w = jnp.where(valid_k, w, 0.0) + valid_k.astype(w.dtype) * 1e-6
        mv = jnp.where(valid_k, vals, 0.0)
        return w, mv

    centers0 = points[nn_idx]
    diff0 = query - centers0
    dist_sq0 = jnp.sum(diff0 * diff0, axis=-1)
    w0 = jnp.exp(-dist_sq0 / (SIGMA * SIGMA))
    vd0 = ref_val - ref_val
    w0 = w0 * jnp.exp(-vd0 * vd0 / (SIGMA_V * SIGMA_V))
    w0 = w0 + 1e-6
    mv0 = ref_val

    def body_sum(k, acc):
        w, _ = _column(k)
        return acc + w

    w_sum = jax.lax.fori_loop(0, gmax, body_sum, w0)

    def body_idw(k, acc):
        w, mv = _column(k)
        return acc + (w / w_sum) * mv

    idw_result = jax.lax.fori_loop(0, gmax, body_idw, (w0 / w_sum) * mv0)
    return idw_result

if __name__ == "__main__":
    import jax
    _d = setup_inputs()
    print(jax.jit(kernel)(*tuple(_d.values())))

</pallas_src>

<mosaic_0001>
#map = affine_map<(d0, d1) -> (0)>
module attributes {stable_mosaic.version = 14 : i64} {
  func.func @_idw_body(%arg0: i32, %arg1: i32, %arg2: memref<12288xf32, #tpu.memory_space<hbm>>, %arg3: memref<300000xf32, #tpu.memory_space<hbm>>, %arg4: memref<100000xf32, #tpu.memory_space<hbm>>, %arg5: memref<1600032xi32, #tpu.memory_space<hbm>>, %arg6: memref<100001xi32, #tpu.memory_space<hbm>>, %arg7: memref<4096xi32, #tpu.memory_space<hbm>>, %arg8: memref<4096xf32, #tpu.memory_space<hbm>>, %arg9: memref<384xf32, #tpu.memory_space<vmem>>, %arg10: memref<128xi32, #tpu.memory_space<vmem>>, %arg11: memref<128xi32, #tpu.memory_space<vmem>>, %arg12: memref<128xi32, #tpu.memory_space<vmem>>, %arg13: memref<128xi32, #tpu.memory_space<vmem>>, %arg14: memref<128xf32, #tpu.memory_space<vmem>>, %arg15: memref<128xf32, #tpu.memory_space<vmem>>, %arg16: memref<128xf32, #tpu.memory_space<vmem>>, %arg17: memref<128xf32, #tpu.memory_space<vmem>>, %arg18: memref<128xf32, #tpu.memory_space<vmem>>, %arg19: memref<24xi32, #tpu.memory_space<vmem>>, %arg20: memref<16xf32, #tpu.memory_space<vmem>>, %arg21: memref<16xf32, #tpu.memory_space<vmem>>, %arg22: memref<16xf32, #tpu.memory_space<vmem>>, %arg23: memref<16xf32, #tpu.memory_space<vmem>>, %arg24: memref<128xf32, #tpu.memory_space<vmem>>, %arg25: memref<!tpu.dma_semaphore, #tpu.memory_space<semaphore_mem>>, %arg26: memref<!tpu.dma_semaphore, #tpu.memory_space<semaphore_mem>>, %arg27: memref<!tpu.dma_semaphore, #tpu.memory_space<semaphore_mem>>, %arg28: memref<!tpu.dma_semaphore, #tpu.memory_space<semaphore_mem>>) attributes {dimension_semantics = [#tpu.dimension_semantics<core_parallel>, #tpu.dimension_semantics<subcore_parallel>], iteration_bounds = array<i64: 2, 16>, scalar_prefetch = 0 : i64, scratch_operands = 20 : i64, tpu.core_type = #tpu.core_type<sc_vector_subcore>, window_params = [{transform_indices = #map}, {transform_indices = #map}, {transform_indices = #map}, {transform_indices = #map}, {transform_indices = #map}, {transform_indices = #map}, {transform_indices = #map}]} {
    %mul3A = arith.constant 2 : i32
    %mul3A_0 = arith.muli %arg1, %mul3A : i32
    %add3A = arith.addi %mul3A_0, %arg0 : i32
    %mul3A_1 = arith.constant 128 : i32
    %mul3A_2 = arith.muli %add3A, %mul3A_1 : i32
    %iota3A = tpu.iota {dimensions = array<i32: 0>} : vector<16xi32>
    %mul3A_3 = arith.constant 3 : i32
    %mul3A_4 = arith.muli %mul3A_2, %mul3A_3 : i32
    "tpu.region"() ({
      %run_scoped3A = tpu.sem_alloc : memref<!tpu.dma_semaphore, #tpu.memory_space<semaphore_mem>>
      %dma_start3A_675 = tpu.memref_slice %arg2[%mul3A_4] : memref<12288xf32, #tpu.memory_space<hbm>> -> memref<384xf32, #tpu.memory_space<hbm>>
      %dma_start3A_676 = tpu.memref_slice %arg2[%mul3A_4] : memref<12288xf32, #tpu.memory_space<hbm>> -> memref<384xf32, #tpu.memory_space<hbm>>
      tpu.enqueue_dma source(%dma_start3A_676 : memref<384xf32, #tpu.memory_space<hbm>>) target(%arg9 : memref<384xf32, #tpu.memory_space<vmem>>) target_semaphore(%run_scoped3A : memref<!tpu.dma_semaphore, #tpu.memory_space<semaphore_mem>>)
      %dma_wait3A_677 = tpu.memref_slice %arg2[%mul3A_4] : memref<12288xf32, #tpu.memory_space<hbm>> -> memref<384xf32, #tpu.memory_space<hbm>>
      %dma_wait3A_678 = tpu.memref_slice %arg2[%mul3A_4] : memref<12288xf32, #tpu.memory_space<hbm>> -> memref<384xf32, #tpu.memory_space<hbm>>
      tpu.wait_dma2 semaphore(%run_scoped3A : memref<!tpu.dma_semaphore, #tpu.memory_space<semaphore_mem>>) src(%dma_wait3A_678 : memref<384xf32, #tpu.memory_space<hbm>>) dst(%arg9 : memref<384xf32, #tpu.memory_space<vmem>>)
      tpu.yield
    }) : () -> ()
    %add3A_5 = arith.constant 0 : i32
    %add3A_6 = arith.addi %mul3A_2, %add3A_5 : i32
    "tpu.region"() ({
      %run_scoped3A = tpu.sem_alloc : memref<!tpu.dma_semaphore, #tpu.memory_space<semaphore_mem>>
      %dma_start3A_675 = tpu.memref_slice %arg7[%add3A_6] : memref<4096xi32, #tpu.memory_space<hbm>> -> memref<128xi32, #tpu.memory_space<hbm>>
      %dma_start3A_676 = tpu.memref_slice %arg7[%add3A_6] : memref<4096xi32, #tpu.memory_space<hbm>> -> memref<128xi32, #tpu.memory_space<hbm>>
      tpu.enqueue_dma source(%dma_start3A_676 : memref<128xi32, #tpu.memory_space<hbm>>) target(%arg10 : memref<128xi32, #tpu.memory_space<vmem>>) target_semaphore(%run_scoped3A : memref<!tpu.dma_semaphore, #tpu.memory_space<semaphore_mem>>)
      %dma_wait3A_677 = tpu.memref_slice %arg7[%add3A_6] : memref<4096xi32, #tpu.memory_space<hbm>> -> memref<128xi32, #tpu.memory_space<hbm>>
      %dma_wait3A_678 = tpu.memref_slice %arg7[%add3A_6] : memref<4096xi32, #tpu.memory_space<hbm>> -> memref<128xi32, #tpu.memory_space<hbm>>
      tpu.wait_dma2 semaphore(%run_scoped3A : memref<!tpu.dma_semaphore, #tpu.memory_space<semaphore_mem>>) src(%dma_wait3A_678 : memref<128xi32, #tpu.memory_space<hbm>>) dst(%arg10 : memref<128xi32, #tpu.memory_space<vmem>>)
      tpu.yield
    }) : () -> ()
    %get3A = arith.constant 0 : index
    %get3A_7 = tpu.vector_load %arg10[%get3A] {strides = array<i32>} : memref<128xi32, #tpu.memory_space<vmem>>, vector<16xi32>,
    %add3A_8 = arith.constant 1 : i32
    %add3A_9 = vector.broadcast %add3A_8 : i32 to vector<16xi32>
    %add3A_10 = arith.addi %get3A_7, %add3A_9 : vector<16xi32>
    %swap3A = arith.constant 0 : index
    %swap3A_11 = tpu.vector_load %arg11[%swap3A] {strides = array<i32>} : memref<128xi32, #tpu.memory_space<vmem>>, vector<16xi32>,
    tpu.vector_store %arg11[%swap3A], %add3A_10 {strides = array<i32>} : memref<128xi32, #tpu.memory_space<vmem>>, vector<16xi32>,
    %get3A_12 = arith.constant 16 : index
    %get3A_13 = tpu.vector_load %arg10[%get3A_12] {strides = array<i32>} : memref<128xi32, #tpu.memory_space<vmem>>, vector<16xi32>,
    %add3A_14 = arith.constant 1 : i32
    %add3A_15 = vector.broadcast %add3A_14 : i32 to vector<16xi32>
    %add3A_16 = arith.addi %get3A_13, %add3A_15 : vector<16xi32>
    %swap3A_17 = arith.constant 16 : index
    %swap3A_18 = tpu.vector_load %arg11[%swap3A_17] {strides = array<i32>} : memref<128xi32, #tpu.memory_space<vmem>>, vector<16xi32>,
    tpu.vector_store %arg11[%swap3A_17], %add3A_16 {strides = array<i32>} : memref<128xi32, #tpu.memory_space<vmem>>, vector<16xi32>,
    %get3A_19 = arith.constant 32 : index
    %get3A_20 = tpu.vector_load %arg10[%get3A_19] {strides = array<i32>} : memref<128xi32, #tpu.memory_space<vmem>>, vector<16xi32>,
    %add3A_21 = arith.constant 1 : i32
    %add3A_22 = vector.broadcast %add3A_21 : i32 to vector<16xi32>
    %add3A_23 = arith.addi %get3A_20, %add3A_22 : vector<16xi32>
    %swap3A_24 = arith.constant 32 : index
    %swap3A_25 = tpu.vector_load %arg11[%swap3A_24] {strides = array<i32>} : memref<128xi32, #tpu.memory_space<vmem>>, vector<16xi32>,
    tpu.vector_store %arg11[%swap3A_24], %add3A_23 {strides = array<i32>} : memref<128xi32, #tpu.memory_space<vmem>>, vector<16xi32>,
    %get3A_26 = arith.constant 48 : index
    %get3A_27 = tpu.vector_load %arg10[%get3A_26] {strides = array<i32>} : memref<128xi32, #tpu.memory_space<vmem>>, vector<16xi32>,
    %add3A_28 = arith.constant 1 : i32
    %add3A_29 = vector.broadcast %add3A_28 : i32 to vector<16xi32>
    %add3A_30 = arith.addi %get3A_27, %add3A_29 : vector<16xi32>
    %swap3A_31 = arith.constant 48 : index
    %swap3A_32 = tpu.vector_load %arg11[%swap3A_31] {strides = array<i32>} : memref<128xi32, #tpu.memory_space<vmem>>, vector<16xi32>,
    tpu.vector_store %arg11[%swap3A_31], %add3A_30 {strides = array<i32>} : memref<128xi32, #tpu.memory_space<vmem>>, vector<16xi32>,
    %get3A_33 = arith.constant 64 : index
    %get3A_34 = tpu.vector_load %arg10[%get3A_33] {strides = array<i32>} : memref<128xi32, #tpu.memory_space<vmem>>, vector<16xi32>,
    %add3A_35 = arith.constant 1 : i32
    %add3A_36 = vector.broadcast %add3A_35 : i32 to vector<16xi32>
    %add3A_37 = arith.addi %get3A_34, %add3A_36 : vector<16xi32>
    %swap3A_38 = arith.constant 64 : index
    %swap3A_39 = tpu.vector_load %arg11[%swap3A_38] {strides = array<i32>} : memref<128xi32, #tpu.memory_space<vmem>>, vector<16xi32>,
    tpu.vector_store %arg11[%swap3A_38], %add3A_37 {strides = array<i32>} : memref<128xi32, #tpu.memory_space<vmem>>, vector<16xi32>,
    %get3A_40 = arith.constant 80 : index
    %get3A_41 = tpu.vector_load %arg10[%get3A_40] {strides = array<i32>} : memref<128xi32, #tpu.memory_space<vmem>>, vector<16xi32>,
    %add3A_42 = arith.constant 1 : i32
    %add3A_43 = vector.broadcast %add3A_42 : i32 to vector<16xi32>
    %add3A_44 = arith.addi %get3A_41, %add3A_43 : vector<16xi32>
    %swap3A_45 = arith.constant 80 : index
    %swap3A_46 = tpu.vector_load %arg11[%swap3A_45] {strides = array<i32>} : memref<128xi32, #tpu.memory_space<vmem>>, vector<16xi32>,
    tpu.vector_store %arg11[%swap3A_45], %add3A_44 {strides = array<i32>} : memref<128xi32, #tpu.memory_space<vmem>>, vector<16xi32>,
    %get3A_47 = arith.constant 96 : index
    %get3A_48 = tpu.vector_load %arg10[%get3A_47] {strides = array<i32>} : memref<128xi32, #tpu.memory_space<vmem>>, vector<16xi32>,
    %add3A_49 = arith.constant 1 : i32
    %add3A_50 = vector.broadcast %add3A_49 : i32 to vector<16xi32>
    %add3A_51 = arith.addi %get3A_48, %add3A_50 : vector<16xi32>
    %swap3A_52 = arith.constant 96 : index
    %swap3A_53 = tpu.vector_load %arg11[%swap3A_52] {strides = array<i32>} : memref<128xi32, #tpu.memory_space<vmem>>, vector<16xi32>,
    tpu.vector_store %arg11[%swap3A_52], %add3A_51 {strides = array<i32>} : memref<128xi32, #tpu.memory_space<vmem>>, vector<16xi32>,
    %get3A_54 = arith.constant 112 : index
    %get3A_55 = tpu.vector_load %arg10[%get3A_54] {strides = array<i32>} : memref<128xi32, #tpu.memory_space<vmem>>, vector<16xi32>,
    %add3A_56 = arith.constant 1 : i32
    %add3A_57 = vector.broadcast %add3A_56 : i32 to vector<16xi32>
    %add3A_58 = arith.addi %get3A_55, %add3A_57 : vector<16xi32>
    %swap3A_59 = arith.constant 112 : index
    %swap3A_60 = tpu.vector_load %arg11[%swap3A_59] {strides = array<i32>} : memref<128xi32, #tpu.memory_space<vmem>>, vector<16xi32>,
    tpu.vector_store %arg11[%swap3A_59], %add3A_58 {strides = array<i32>} : memref<128xi32, #tpu.memory_space<vmem>>, vector<16xi32>,
    %dma_start3A = arith.constant 0 : i32
    %dma_start3A_61 = tpu.memref_slice %arg12[%dma_start3A] : memref<128xi32, #tpu.memory_space<vmem>> -> memref<128xi32, #tpu.memory_space<vmem>>
    %dma_start3A_62 = arith.constant 0 : i32
    %dma_start3A_63 = tpu.memref_slice %arg6[%dma_start3A_62] : memref<100001xi32, #tpu.memory_space<hbm>> -> memref<100001xi32, #tpu.memory_space<hbm>>
    tpu.enqueue_indirect_dma source(%dma_start3A_63 : memref<100001xi32, #tpu.memory_space<hbm>>) target(%dma_start3A_61 : memref<128xi32, #tpu.memory_space<vmem>>) offsets(%arg10 : memref<128xi32, #tpu.memory_space<vmem>>) semaphore(%arg25 : memref<!tpu.dma_semaphore, #tpu.memory_space<semaphore_mem>>)
    %dma_start3A_64 = arith.constant 0 : i32
    %dma_start3A_65 = tpu.memref_slice %arg13[%dma_start3A_64] : memref<128xi32, #tpu.memory_space<vmem>> -> memref<128xi32, #tpu.memory_space<vmem>>
    %dma_start3A_66 = arith.constant 0 : i32
    %dma_start3A_67 = tpu.memref_slice %arg6[%dma_start3A_66] : memref<100001xi32, #tpu.memory_space<hbm>> -> memref<100001xi32, #tpu.memory_space<hbm>>
    tpu.enqueue_indirect_dma source(%dma_start3A_67 : memref<100001xi32, #tpu.memory_space<hbm>>) target(%dma_start3A_65 : memref<128xi32, #tpu.memory_space<vmem>>) offsets(%arg11 : memref<128xi32, #tpu.memory_space<vmem>>) semaphore(%arg26 : memref<!tpu.dma_semaphore, #tpu.memory_space<semaphore_mem>>)
    %dma_start3A_68 = arith.constant 0 : i32
    %dma_start3A_69 = tpu.memref_slice %arg14[%dma_start3A_68] : memref<128xf32, #tpu.memory_space<vmem>> -> memref<128xf32, #tpu.memory_space<vmem>>
    %dma_start3A_70 = arith.constant 0 : i32
    %dma_start3A_71 = tpu.memref_slice %arg4[%dma_start3A_70] : memref<100000xf32, #tpu.memory_space<hbm>> -> memref<100000xf32, #tpu.memory_space<hbm>>
    tpu.enqueue_indirect_dma source(%dma_start3A_71 : memref<100000xf32, #tpu.memory_space<hbm>>) target(%dma_start3A_69 : memref<128xf32, #tpu.memory_space<vmem>>) offsets(%arg10 : memref<128xi32, #tpu.memory_space<vmem>>) semaphore(%arg27 : memref<!tpu.dma_semaphore, #tpu.memory_space<semaphore_mem>>)
    %dma_wait3A = arith.constant 0 : i32
    %dma_wait3A_72 = tpu.memref_slice %arg12[%dma_wait3A] : memref<128xi32, #tpu.memory_space<vmem>> -> memref<128xi32, #tpu.memory_space<vmem>>
    %dma_wait3A_73 = arith.constant 0 : i32
    %dma_wait3A_74 = tpu.memref_slice %arg6[%dma_wait3A_73] : memref<100001xi32, #tpu.memory_space<hbm>> -> memref<100001xi32, #tpu.memory_space<hbm>>
    tpu.wait_indirect_dma semaphore(%arg25 : memref<!tpu.dma_semaphore, #tpu.memory_space<semaphore_mem>>) src(%dma_wait3A_74 : memref<100001xi32, #tpu.memory_space<hbm>>) dst(%dma_wait3A_72 : memref<128xi32, #tpu.memory_space<vmem>>)
    %dma_wait3A_75 = arith.constant 0 : i32
    %dma_wait3A_76 = tpu.memref_slice %arg13[%dma_wait3A_75] : memref<128xi32, #tpu.memory_space<vmem>> -> memref<128xi32, #tpu.memory_space<vmem>>
    %dma_wait3A_77 = arith.constant 0 : i32
    %dma_wait3A_78 = tpu.memref_slice %arg6[%dma_wait3A_77] : memref<100001xi32, #tpu.memory_space<hbm>> -> memref<100001xi32, #tpu.memory_space<hbm>>
    tpu.wait_indirect_dma semaphore(%arg26 : memref<!tpu.dma_semaphore, #tpu.memory_space<semaphore_mem>>) src(%dma_wait3A_78 : memref<100001xi32, #tpu.memory_space<hbm>>) dst(%dma_wait3A_76 : memref<128xi32, #tpu.memory_space<vmem>>)
    %dma_wait3A_79 = arith.constant 0 : i32
    %dma_wait3A_80 = tpu.memref_slice %arg14[%dma_wait3A_79] : memref<128xf32, #tpu.memory_space<vmem>> -> memref<128xf32, #tpu.memory_space<vmem>>
    %dma_wait3A_81 = arith.constant 0 : i32
    %dma_wait3A_82 = tpu.memref_slice %arg4[%dma_wait3A_81] : memref<100000xf32, #tpu.memory_space<hbm>> -> memref<100000xf32, #tpu.memory_space<hbm>>
    tpu.wait_indirect_dma semaphore(%arg27 : memref<!tpu.dma_semaphore, #tpu.memory_space<semaphore_mem>>) src(%dma_wait3A_82 : memref<100000xf32, #tpu.memory_space<hbm>>) dst(%dma_wait3A_80 : memref<128xf32, #tpu.memory_space<vmem>>)
    %get3A_83 = arith.constant 0 : index
    %get3A_84 = tpu.vector_load %arg10[%get3A_83] {strides = array<i32>} : memref<128xi32, #tpu.memory_space<vmem>>, vector<16xi32>,
    %mul3A_85 = arith.constant 3 : i32
    %mul3A_86 = vector.broadcast %mul3A_85 : i32 to vector<16xi32>
    %mul3A_87 = arith.muli %get3A_84, %mul3A_86 : vector<16xi32>
    %add3A_88 = arith.constant 0 : i32
    %add3A_89 = vector.broadcast %add3A_88 : i32 to vector<16xi32>
    %add3A_90 = arith.addi %mul3A_87, %add3A_89 : vector<16xi32>
    %swap3A_91 = arith.constant 0 : index
    %swap3A_92 = tpu.vector_load %arg11[%swap3A_91] {strides = array<i32>} : memref<128xi32, #tpu.memory_space<vmem>>, vector<16xi32>,
    tpu.vector_store %arg11[%swap3A_91], %add3A_90 {strides = array<i32>} : memref<128xi32, #tpu.memory_space<vmem>>, vector<16xi32>,
    %get3A_93 = arith.constant 16 : index
    %get3A_94 = tpu.vector_load %arg10[%get3A_93] {strides = array<i32>} : memref<128xi32, #tpu.memory_space<vmem>>, vector<16xi32>,
    %mul3A_95 = arith.constant 3 : i32
    %mul3A_96 = vector.broadcast %mul3A_95 : i32 to vector<16xi32>
    %mul3A_97 = arith.muli %get3A_94, %mul3A_96 : vector<16xi32>
    %add3A_98 = arith.constant 0 : i32
    %add3A_99 = vector.broadcast %add3A_98 : i32 to vector<16xi32>
    %add3A_100 = arith.addi %mul3A_97, %add3A_99 : vector<16xi32>
    %swap3A_101 = arith.constant 16 : index
    %swap3A_102 = tpu.vector_load %arg11[%swap3A_101] {strides = array<i32>} : memref<128xi32, #tpu.memory_space<vmem>>, vector<16xi32>,
    tpu.vector_store %arg11[%swap3A_101], %add3A_100 {strides = array<i32>} : memref<128xi32, #tpu.memory_space<vmem>>, vector<16xi32>,
    %get3A_103 = arith.constant 32 : index
    %get3A_104 = tpu.vector_load %arg10[%get3A_103] {strides = array<i32>} : memref<128xi32, #tpu.memory_space<vmem>>, vector<16xi32>,
    %mul3A_105 = arith.constant 3 : i32
    %mul3A_106 = vector.broadcast %mul3A_105 : i32 to vector<16xi32>
    %mul3A_107 = arith.muli %get3A_104, %mul3A_106 : vector<16xi32>
    %add3A_108 = arith.constant 0 : i32
    %add3A_109 = vector.broadcast %add3A_108 : i32 to vector<16xi32>
    %add3A_110 = arith.addi %mul3A_107, %add3A_109 : vector<16xi32>
    %swap3A_111 = arith.constant 32 : index
    %swap3A_112 = tpu.vector_load %arg11[%swap3A_111] {strides = array<i32>} : memref<128xi32, #tpu.memory_space<vmem>>, vector<16xi32>,
    tpu.vector_store %arg11[%swap3A_111], %add3A_110 {strides = array<i32>} : memref<128xi32, #tpu.memory_space<vmem>>, vector<16xi32>,
    %get3A_113 = arith.constant 48 : index
    %get3A_114 = tpu.vector_load %arg10[%get3A_113] {strides = array<i32>} : memref<128xi32, #tpu.memory_space<vmem>>, vector<16xi32>,
    %mul3A_115 = arith.constant 3 : i32
    %mul3A_116 = vector.broadcast %mul3A_115 : i32 to vector<16xi32>
    %mul3A_117 = arith.muli %get3A_114, %mul3A_116 : vector<16xi32>
    %add3A_118 = arith.constant 0 : i32
    %add3A_119 = vector.broadcast %add3A_118 : i32 to vector<16xi32>
    %add3A_120 = arith.addi %mul3A_117, %add3A_119 : vector<16xi32>
    %swap3A_121 = arith.constant 48 : index
    %swap3A_122 = tpu.vector_load %arg11[%swap3A_121] {strides = array<i32>} : memref<128xi32, #tpu.memory_space<vmem>>, vector<16xi32>,
    tpu.vector_store %arg11[%swap3A_121], %add3A_120 {strides = array<i32>} : memref<128xi32, #tpu.memory_space<vmem>>, vector<16xi32>,
    %get3A_123 = arith.constant 64 : index
    %get3A_124 = tpu.vector_load %arg10[%get3A_123] {strides = array<i32>} : memref<128xi32, #tpu.memory_space<vmem>>, vector<16xi32>,
    %mul3A_125 = arith.constant 3 : i32
    %mul3A_126 = vector.broadcast %mul3A_125 : i32 to vector<16xi32>
    %mul3A_127 = arith.muli %get3A_124, %mul3A_126 : vector<16xi32>
    %add3A_128 = arith.constant 0 : i32
    %add3A_129 = vector.broadcast %add3A_128 : i32 to vector<16xi32>
    %add3A_130 = arith.addi %mul3A_127, %add3A_129 : vector<16xi32>
    %swap3A_131 = arith.constant 64 : index
    %swap3A_132 = tpu.vector_load %arg11[%swap3A_131] {strides = array<i32>} : memref<128xi32, #tpu.memory_space<vmem>>, vector<16xi32>,
    tpu.vector_store %arg11[%swap3A_131], %add3A_130 {strides = array<i32>} : memref<128xi32, #tpu.memory_space<vmem>>, vector<16xi32>,
    %get3A_133 = arith.constant 80 : index
    %get3A_134 = tpu.vector_load %arg10[%get3A_133] {strides = array<i32>} : memref<128xi32, #tpu.memory_space<vmem>>, vector<16xi32>,
    %mul3A_135 = arith.constant 3 : i32
    %mul3A_136 = vector.broadcast %mul3A_135 : i32 to vector<16xi32>
    %mul3A_137 = arith.muli %get3A_134, %mul3A_136 : vector<16xi32>
    %add3A_138 = arith.constant 0 : i32
    %add3A_139 = vector.broadcast %add3A_138 : i32 to vector<16xi32>
    %add3A_140 = arith.addi %mul3A_137, %add3A_139 : vector<16xi32>
    %swap3A_141 = arith.constant 80 : index
    %swap3A_142 = tpu.vector_load %arg11[%swap3A_141] {strides = array<i32>} : memref<128xi32, #tpu.memory_space<vmem>>, vector<16xi32>,
    tpu.vector_store %arg11[%swap3A_141], %add3A_140 {strides = array<i32>} : memref<128xi32, #tpu.memory_space<vmem>>, vector<16xi32>,
    %get3A_143 = arith.constant 96 : index
    %get3A_144 = tpu.vector_load %arg10[%get3A_143] {strides = array<i32>} : memref<128xi32, #tpu.memory_space<vmem>>, vector<16xi32>,
    %mul3A_145 = arith.constant 3 : i32
    %mul3A_146 = vector.broadcast %mul3A_145 : i32 to vector<16xi32>
    %mul3A_147 = arith.muli %get3A_144, %mul3A_146 : vector<16xi32>
    %add3A_148 = arith.constant 0 : i32
    %add3A_149 = vector.broadcast %add3A_148 : i32 to vector<16xi32>
    %add3A_150 = arith.addi %mul3A_147, %add3A_149 : vector<16xi32>
    %swap3A_151 = arith.constant 96 : index
    %swap3A_152 = tpu.vector_load %arg11[%swap3A_151] {strides = array<i32>} : memref<128xi32, #tpu.memory_space<vmem>>, vector<16xi32>,
    tpu.vector_store %arg11[%swap3A_151], %add3A_150 {strides = array<i32>} : memref<128xi32, #tpu.memory_space<vmem>>, vector<16xi32>,
    %get3A_153 = arith.constant 112 : index
    %get3A_154 = tpu.vector_load %arg10[%get3A_153] {strides = array<i32>} : memref<128xi32, #tpu.memory_space<vmem>>, vector<16xi32>,
    %mul3A_155 = arith.constant 3 : i32
    %mul3A_156 = vector.broadcast %mul3A_155 : i32 to vector<16xi32>
    %mul3A_157 = arith.muli %get3A_154, %mul3A_156 : vector<16xi32>
    %add3A_158 = arith.constant 0 : i32
    %add3A_159 = vector.broadcast %add3A_158 : i32 to vector<16xi32>
    %add3A_160 = arith.addi %mul3A_157, %add3A_159 : vector<16xi32>
    %swap3A_161 = arith.constant 112 : index
    %swap3A_162 = tpu.vector_load %arg11[%swap3A_161] {strides = array<i32>} : memref<128xi32, #tpu.memory_space<vmem>>, vector<16xi32>,
    tpu.vector_store %arg11[%swap3A_161], %add3A_160 {strides = array<i32>} : memref<128xi32, #tpu.memory_space<vmem>>, vector<16xi32>,
    %dma_start3A_163 = arith.constant 0 : i32
    %dma_start3A_164 = tpu.memref_slice %arg15[%dma_start3A_163] : memref<128xf32, #tpu.memory_space<vmem>> -> memref<128xf32, #tpu.memory_space<vmem>>
    %dma_start3A_165 = arith.constant 0 : i32
    %dma_start3A_166 = tpu.memref_slice %arg3[%dma_start3A_165] : memref<300000xf32, #tpu.memory_space<hbm>> -> memref<300000xf32, #tpu.memory_space<hbm>>
    tpu.enqueue_indirect_dma source(%dma_start3A_166 : memref<300000xf32, #tpu.memory_space<hbm>>) target(%dma_start3A_164 : memref<128xf32, #tpu.memory_space<vmem>>) offsets(%arg11 : memref<128xi32, #tpu.memory_space<vmem>>) semaphore(%arg25 : memref<!tpu.dma_semaphore, #tpu.memory_space<semaphore_mem>>)
    %dma_wait3A_167 = arith.constant 0 : i32
    %dma_wait3A_168 = tpu.memref_slice %arg15[%dma_wait3A_167] : memref<128xf32, #tpu.memory_space<vmem>> -> memref<128xf32, #tpu.memory_space<vmem>>
    %dma_wait3A_169 = arith.constant 0 : i32
    %dma_wait3A_170 = tpu.memref_slice %arg3[%dma_wait3A_169] : memref<300000xf32, #tpu.memory_space<hbm>> -> memref<300000xf32, #tpu.memory_space<hbm>>
    tpu.wait_indirect_dma semaphore(%arg25 : memref<!tpu.dma_semaphore, #tpu.memory_space<semaphore_mem>>) src(%dma_wait3A_170 : memref<300000xf32, #tpu.memory_space<hbm>>) dst(%dma_wait3A_168 : memref<128xf32, #tpu.memory_space<vmem>>)
    %get3A_171 = arith.constant 0 : index
    %get3A_172 = tpu.vector_load %arg10[%get3A_171] {strides = array<i32>} : memref<128xi32, #tpu.memory_space<vmem>>, vector<16xi32>,
    %mul3A_173 = arith.constant 3 : i32
    %mul3A_174 = vector.broadcast %mul3A_173 : i32 to vector<16xi32>
    %mul3A_175 = arith.muli %get3A_172, %mul3A_174 : vector<16xi32>
    %add3A_176 = arith.constant 1 : i32
    %add3A_177 = vector.broadcast %add3A_176 : i32 to vector<16xi32>
    %add3A_178 = arith.addi %mul3A_175, %add3A_177 : vector<16xi32>
    %swap3A_179 = arith.constant 0 : index
    %swap3A_180 = tpu.vector_load %arg11[%swap3A_179] {strides = array<i32>} : memref<128xi32, #tpu.memory_space<vmem>>, vector<16xi32>,
    tpu.vector_store %arg11[%swap3A_179], %add3A_178 {strides = array<i32>} : memref<128xi32, #tpu.memory_space<vmem>>, vector<16xi32>,
    %get3A_181 = arith.constant 16 : index
    %get3A_182 = tpu.vector_load %arg10[%get3A_181] {strides = array<i32>} : memref<128xi32, #tpu.memory_space<vmem>>, vector<16xi32>,
    %mul3A_183 = arith.constant 3 : i32
    %mul3A_184 = vector.broadcast %mul3A_183 : i32 to vector<16xi32>
    %mul3A_185 = arith.muli %get3A_182, %mul3A_184 : vector<16xi32>
    %add3A_186 = arith.constant 1 : i32
    %add3A_187 = vector.broadcast %add3A_186 : i32 to vector<16xi32>
    %add3A_188 = arith.addi %mul3A_185, %add3A_187 : vector<16xi32>
    %swap3A_189 = arith.constant 16 : index
    %swap3A_190 = tpu.vector_load %arg11[%swap3A_189] {strides = array<i32>} : memref<128xi32, #tpu.memory_space<vmem>>, vector<16xi32>,
    tpu.vector_store %arg11[%swap3A_189], %add3A_188 {strides = array<i32>} : memref<128xi32, #tpu.memory_space<vmem>>, vector<16xi32>,
    %get3A_191 = arith.constant 32 : index
    %get3A_192 = tpu.vector_load %arg10[%get3A_191] {strides = array<i32>} : memref<128xi32, #tpu.memory_space<vmem>>, vector<16xi32>,
    %mul3A_193 = arith.constant 3 : i32
    %mul3A_194 = vector.broadcast %mul3A_193 : i32 to vector<16xi32>
    %mul3A_195 = arith.muli %get3A_192, %mul3A_194 : vector<16xi32>
    %add3A_196 = arith.constant 1 : i32
    %add3A_197 = vector.broadcast %add3A_196 : i32 to vector<16xi32>
    %add3A_198 = arith.addi %mul3A_195, %add3A_197 : vector<16xi32>
    %swap3A_199 = arith.constant 32 : index
    %swap3A_200 = tpu.vector_load %arg11[%swap3A_199] {strides = array<i32>} : memref<128xi32, #tpu.memory_space<vmem>>, vector<16xi32>,
    tpu.vector_store %arg11[%swap3A_199], %add3A_198 {strides = array<i32>} : memref<128xi32, #tpu.memory_space<vmem>>, vector<16xi32>,
    %get3A_201 = arith.constant 48 : index
    %get3A_202 = tpu.vector_load %arg10[%get3A_201] {strides = array<i32>} : memref<128xi32, #tpu.memory_space<vmem>>, vector<16xi32>,
    %mul3A_203 = arith.constant 3 : i32
    %mul3A_204 = vector.broadcast %mul3A_203 : i32 to vector<16xi32>
    %mul3A_205 = arith.muli %get3A_202, %mul3A_204 : vector<16xi32>
    %add3A_206 = arith.constant 1 : i32
    %add3A_207 = vector.broadcast %add3A_206 : i32 to vector<16xi32>
    %add3A_208 = arith.addi %mul3A_205, %add3A_207 : vector<16xi32>
    %swap3A_209 = arith.constant 48 : index
    %swap3A_210 = tpu.vector_load %arg11[%swap3A_209] {strides = array<i32>} : memref<128xi32, #tpu.memory_space<vmem>>, vector<16xi32>,
    tpu.vector_store %arg11[%swap3A_209], %add3A_208 {strides = array<i32>} : memref<128xi32, #tpu.memory_space<vmem>>, vector<16xi32>,
    %get3A_211 = arith.constant 64 : index
    %get3A_212 = tpu.vector_load %arg10[%get3A_211] {strides = array<i32>} : memref<128xi32, #tpu.memory_space<vmem>>, vector<16xi32>,
    %mul3A_213 = arith.constant 3 : i32
    %mul3A_214 = vector.broadcast %mul3A_213 : i32 to vector<16xi32>
    %mul3A_215 = arith.muli %get3A_212, %mul3A_214 : vector<16xi32>
    %add3A_216 = arith.constant 1 : i32
    %add3A_217 = vector.broadcast %add3A_216 : i32 to vector<16xi32>
    %add3A_218 = arith.addi %mul3A_215, %add3A_217 : vector<16xi32>
    %swap3A_219 = arith.constant 64 : index
    %swap3A_220 = tpu.vector_load %arg11[%swap3A_219] {strides = array<i32>} : memref<128xi32, #tpu.memory_space<vmem>>, vector<16xi32>,
    tpu.vector_store %arg11[%swap3A_219], %add3A_218 {strides = array<i32>} : memref<128xi32, #tpu.memory_space<vmem>>, vector<16xi32>,
    %get3A_221 = arith.constant 80 : index
    %get3A_222 = tpu.vector_load %arg10[%get3A_221] {strides = array<i32>} : memref<128xi32, #tpu.memory_space<vmem>>, vector<16xi32>,
    %mul3A_223 = arith.constant 3 : i32
    %mul3A_224 = vector.broadcast %mul3A_223 : i32 to vector<16xi32>
    %mul3A_225 = arith.muli %get3A_222, %mul3A_224 : vector<16xi32>
    %add3A_226 = arith.constant 1 : i32
    %add3A_227 = vector.broadcast %add3A_226 : i32 to vector<16xi32>
    %add3A_228 = arith.addi %mul3A_225, %add3A_227 : vector<16xi32>
    %swap3A_229 = arith.constant 80 : index
    %swap3A_230 = tpu.vector_load %arg11[%swap3A_229] {strides = array<i32>} : memref<128xi32, #tpu.memory_space<vmem>>, vector<16xi32>,
    tpu.vector_store %arg11[%swap3A_229], %add3A_228 {strides = array<i32>} : memref<128xi32, #tpu.memory_space<vmem>>, vector<16xi32>,
    %get3A_231 = arith.constant 96 : index
    %get3A_232 = tpu.vector_load %arg10[%get3A_231] {strides = array<i32>} : memref<128xi32, #tpu.memory_space<vmem>>, vector<16xi32>,
    %mul3A_233 = arith.constant 3 : i32
    %mul3A_234 = vector.broadcast %mul3A_233 : i32 to vector<16xi32>
    %mul3A_235 = arith.muli %get3A_232, %mul3A_234 : vector<16xi32>
    %add3A_236 = arith.constant 1 : i32
    %add3A_237 = vector.broadcast %add3A_236 : i32 to vector<16xi32>
    %add3A_238 = arith.addi %mul3A_235, %add3A_237 : vector<16xi32>
    %swap3A_239 = arith.constant 96 : index
    %swap3A_240 = tpu.vector_load %arg11[%swap3A_239] {strides = array<i32>} : memref<128xi32, #tpu.memory_space<vmem>>, vector<16xi32>,
    tpu.vector_store %arg11[%swap3A_239], %add3A_238 {strides = array<i32>} : memref<128xi32, #tpu.memory_space<vmem>>, vector<16xi32>,
    %get3A_241 = arith.constant 112 : index
    %get3A_242 = tpu.vector_load %arg10[%get3A_241] {strides = array<i32>} : memref<128xi32, #tpu.memory_space<vmem>>, vector<16xi32>,
    %mul3A_243 = arith.constant 3 : i32
    %mul3A_244 = vector.broadcast %mul3A_243 : i32 to vector<16xi32>
    %mul3A_245 = arith.muli %get3A_242, %mul3A_244 : vector<16xi32>
    %add3A_246 = arith.constant 1 : i32
    %add3A_247 = vector.broadcast %add3A_246 : i32 to vector<16xi32>
    %add3A_248 = arith.addi %mul3A_245, %add3A_247 : vector<16xi32>
    %swap3A_249 = arith.constant 112 : index
    %swap3A_250 = tpu.vector_load %arg11[%swap3A_249] {strides = array<i32>} : memref<128xi32, #tpu.memory_space<vmem>>, vector<16xi32>,
    tpu.vector_store %arg11[%swap3A_249], %add3A_248 {strides = array<i32>} : memref<128xi32, #tpu.memory_space<vmem>>, vector<16xi32>,
    %dma_start3A_251 = arith.constant 0 : i32
    %dma_start3A_252 = tpu.memref_slice %arg16[%dma_start3A_251] : memref<128xf32, #tpu.memory_space<vmem>> -> memref<128xf32, #tpu.memory_space<vmem>>
    %dma_start3A_253 = arith.constant 0 : i32
    %dma_start3A_254 = tpu.memref_slice %arg3[%dma_start3A_253] : memref<300000xf32, #tpu.memory_space<hbm>> -> memref<300000xf32, #tpu.memory_space<hbm>>
    tpu.enqueue_indirect_dma source(%dma_start3A_254 : memref<300000xf32, #tpu.memory_space<hbm>>) target(%dma_start3A_252 : memref<128xf32, #tpu.memory_space<vmem>>) offsets(%arg11 : memref<128xi32, #tpu.memory_space<vmem>>) semaphore(%arg25 : memref<!tpu.dma_semaphore, #tpu.memory_space<semaphore_mem>>)
    %dma_wait3A_255 = arith.constant 0 : i32
    %dma_wait3A_256 = tpu.memref_slice %arg16[%dma_wait3A_255] : memref<128xf32, #tpu.memory_space<vmem>> -> memref<128xf32, #tpu.memory_space<vmem>>
    %dma_wait3A_257 = arith.constant 0 : i32
    %dma_wait3A_258 = tpu.memref_slice %arg3[%dma_wait3A_257] : memref<300000xf32, #tpu.memory_space<hbm>> -> memref<300000xf32, #tpu.memory_space<hbm>>
    tpu.wait_indirect_dma semaphore(%arg25 : memref<!tpu.dma_semaphore, #tpu.memory_space<semaphore_mem>>) src(%dma_wait3A_258 : memref<300000xf32, #tpu.memory_space<hbm>>) dst(%dma_wait3A_256 : memref<128xf32, #tpu.memory_space<vmem>>)
    %get3A_259 = arith.constant 0 : index
    %get3A_260 = tpu.vector_load %arg10[%get3A_259] {strides = array<i32>} : memref<128xi32, #tpu.memory_space<vmem>>, vector<16xi32>,
    %mul3A_261 = arith.constant 3 : i32
    %mul3A_262 = vector.broadcast %mul3A_261 : i32 to vector<16xi32>
    %mul3A_263 = arith.muli %get3A_260, %mul3A_262 : vector<16xi32>
    %add3A_264 = arith.constant 2 : i32
    %add3A_265 = vector.broadcast %add3A_264 : i32 to vector<16xi32>
    %add3A_266 = arith.addi %mul3A_263, %add3A_265 : vector<16xi32>
    %swap3A_267 = arith.constant 0 : index
    %swap3A_268 = tpu.vector_load %arg11[%swap3A_267] {strides = array<i32>} : memref<128xi32, #tpu.memory_space<vmem>>, vector<16xi32>,
    tpu.vector_store %arg11[%swap3A_267], %add3A_266 {strides = array<i32>} : memref<128xi32, #tpu.memory_space<vmem>>, vector<16xi32>,
    %get3A_269 = arith.constant 16 : index
    %get3A_270 = tpu.vector_load %arg10[%get3A_269] {strides = array<i32>} : memref<128xi32, #tpu.memory_space<vmem>>, vector<16xi32>,
    %mul3A_271 = arith.constant 3 : i32
    %mul3A_272 = vector.broadcast %mul3A_271 : i32 to vector<16xi32>
    %mul3A_273 = arith.muli %get3A_270, %mul3A_272 : vector<16xi32>
    %add3A_274 = arith.constant 2 : i32
    %add3A_275 = vector.broadcast %add3A_274 : i32 to vector<16xi32>
    %add3A_276 = arith.addi %mul3A_273, %add3A_275 : vector<16xi32>
    %swap3A_277 = arith.constant 16 : index
    %swap3A_278 = tpu.vector_load %arg11[%swap3A_277] {strides = array<i32>} : memref<128xi32, #tpu.memory_space<vmem>>, vector<16xi32>,
    tpu.vector_store %arg11[%swap3A_277], %add3A_276 {strides = array<i32>} : memref<128xi32, #tpu.memory_space<vmem>>, vector<16xi32>,
    %get3A_279 = arith.constant 32 : index
    %get3A_280 = tpu.vector_load %arg10[%get3A_279] {strides = array<i32>} : memref<128xi32, #tpu.memory_space<vmem>>, vector<16xi32>,
    %mul3A_281 = arith.constant 3 : i32
    %mul3A_282 = vector.broadcast %mul3A_281 : i32 to vector<16xi32>
    %mul3A_283 = arith.muli %get3A_280, %mul3A_282 : vector<16xi32>
    %add3A_284 = arith.constant 2 : i32
    %add3A_285 = vector.broadcast %add3A_284 : i32 to vector<16xi32>
    %add3A_286 = arith.addi %mul3A_283, %add3A_285 : vector<16xi32>
    %swap3A_287 = arith.constant 32 : index
    %swap3A_288 = tpu.vector_load %arg11[%swap3A_287] {strides = array<i32>} : memref<128xi32, #tpu.memory_space<vmem>>, vector<16xi32>,
    tpu.vector_store %arg11[%swap3A_287], %add3A_286 {strides = array<i32>} : memref<128xi32, #tpu.memory_space<vmem>>, vector<16xi32>,
    %get3A_289 = arith.constant 48 : index
    %get3A_290 = tpu.vector_load %arg10[%get3A_289] {strides = array<i32>} : memref<128xi32, #tpu.memory_space<vmem>>, vector<16xi32>,
    %mul3A_291 = arith.constant 3 : i32
    %mul3A_292 = vector.broadcast %mul3A_291 : i32 to vector<16xi32>
    %mul3A_293 = arith.muli %get3A_290, %mul3A_292 : vector<16xi32>
    %add3A_294 = arith.constant 2 : i32
    %add3A_295 = vector.broadcast %add3A_294 : i32 to vector<16xi32>
    %add3A_296 = arith.addi %mul3A_293, %add3A_295 : vector<16xi32>
    %swap3A_297 = arith.constant 48 : index
    %swap3A_298 = tpu.vector_load %arg11[%swap3A_297] {strides = array<i32>} : memref<128xi32, #tpu.memory_space<vmem>>, vector<16xi32>,
    tpu.vector_store %arg11[%swap3A_297], %add3A_296 {strides = array<i32>} : memref<128xi32, #tpu.memory_space<vmem>>, vector<16xi32>,
    %get3A_299 = arith.constant 64 : index
    %get3A_300 = tpu.vector_load %arg10[%get3A_299] {strides = array<i32>} : memref<128xi32, #tpu.memory_space<vmem>>, vector<16xi32>,
    %mul3A_301 = arith.constant 3 : i32
    %mul3A_302 = vector.broadcast %mul3A_301 : i32 to vector<16xi32>
    %mul3A_303 = arith.muli %get3A_300, %mul3A_302 : vector<16xi32>
    %add3A_304 = arith.constant 2 : i32
    %add3A_305 = vector.broadcast %add3A_304 : i32 to vector<16xi32>
    %add3A_306 = arith.addi %mul3A_303, %add3A_305 : vector<16xi32>
    %swap3A_307 = arith.constant 64 : index
    %swap3A_308 = tpu.vector_load %arg11[%swap3A_307] {strides = array<i32>} : memref<128xi32, #tpu.memory_space<vmem>>, vector<16xi32>,
    tpu.vector_store %arg11[%swap3A_307], %add3A_306 {strides = array<i32>} : memref<128xi32, #tpu.memory_space<vmem>>, vector<16xi32>,
    %get3A_309 = arith.constant 80 : index
    %get3A_310 = tpu.vector_load %arg10[%get3A_309] {strides = array<i32>} : memref<128xi32, #tpu.memory_space<vmem>>, vector<16xi32>,
    %mul3A_311 = arith.constant 3 : i32
    %mul3A_312 = vector.broadcast %mul3A_311 : i32 to vector<16xi32>
    %mul3A_313 = arith.muli %get3A_310, %mul3A_312 : vector<16xi32>
    %add3A_314 = arith.constant 2 : i32
    %add3A_315 = vector.broadcast %add3A_314 : i32 to vector<16xi32>
    %add3A_316 = arith.addi %mul3A_313, %add3A_315 : vector<16xi32>
    %swap3A_317 = arith.constant 80 : index
    %swap3A_318 = tpu.vector_load %arg11[%swap3A_317] {strides = array<i32>} : memref<128xi32, #tpu.memory_space<vmem>>, vector<16xi32>,
    tpu.vector_store %arg11[%swap3A_317], %add3A_316 {strides = array<i32>} : memref<128xi32, #tpu.memory_space<vmem>>, vector<16xi32>,
    %get3A_319 = arith.constant 96 : index
    %get3A_320 = tpu.vector_load %arg10[%get3A_319] {strides = array<i32>} : memref<128xi32, #tpu.memory_space<vmem>>, vector<16xi32>,
    %mul3A_321 = arith.constant 3 : i32
    %mul3A_322 = vector.broadcast %mul3A_321 : i32 to vector<16xi32>
    %mul3A_323 = arith.muli %get3A_320, %mul3A_322 : vector<16xi32>
    %add3A_324 = arith.constant 2 : i32
    %add3A_325 = vector.broadcast %add3A_324 : i32 to vector<16xi32>
    %add3A_326 = arith.addi %mul3A_323, %add3A_325 : vector<16xi32>
    %swap3A_327 = arith.constant 96 : index
    %swap3A_328 = tpu.vector_load %arg11[%swap3A_327] {strides = array<i32>} : memref<128xi32, #tpu.memory_space<vmem>>, vector<16xi32>,
    tpu.vector_store %arg11[%swap3A_327], %add3A_326 {strides = array<i32>} : memref<128xi32, #tpu.memory_space<vmem>>, vector<16xi32>,
    %get3A_329 = arith.constant 112 : index
    %get3A_330 = tpu.vector_load %arg10[%get3A_329] {strides = array<i32>} : memref<128xi32, #tpu.memory_space<vmem>>, vector<16xi32>,
    %mul3A_331 = arith.constant 3 : i32
    %mul3A_332 = vector.broadcast %mul3A_331 : i32 to vector<16xi32>
    %mul3A_333 = arith.muli %get3A_330, %mul3A_332 : vector<16xi32>
    %add3A_334 = arith.constant 2 : i32
    %add3A_335 = vector.broadcast %add3A_334 : i32 to vector<16xi32>
    %add3A_336 = arith.addi %mul3A_333, %add3A_335 : vector<16xi32>
    %swap3A_337 = arith.constant 112 : index
    %swap3A_338 = tpu.vector_load %arg11[%swap3A_337] {strides = array<i32>} : memref<128xi32, #tpu.memory_space<vmem>>, vector<16xi32>,
    tpu.vector_store %arg11[%swap3A_337], %add3A_336 {strides = array<i32>} : memref<128xi32, #tpu.memory_space<vmem>>, vector<16xi32>,
    %dma_start3A_339 = arith.constant 0 : i32
    %dma_start3A_340 = tpu.memref_slice %arg17[%dma_start3A_339] : memref<128xf32, #tpu.memory_space<vmem>> -> memref<128xf32, #tpu.memory_space<vmem>>
    %dma_start3A_341 = arith.constant 0 : i32
    %dma_start3A_342 = tpu.memref_slice %arg3[%dma_start3A_341] : memref<300000xf32, #tpu.memory_space<hbm>> -> memref<300000xf32, #tpu.memory_space<hbm>>
    tpu.enqueue_indirect_dma source(%dma_start3A_342 : memref<300000xf32, #tpu.memory_space<hbm>>) target(%dma_start3A_340 : memref<128xf32, #tpu.memory_space<vmem>>) offsets(%arg11 : memref<128xi32, #tpu.memory_space<vmem>>) semaphore(%arg25 : memref<!tpu.dma_semaphore, #tpu.memory_space<semaphore_mem>>)
    %dma_wait3A_343 = arith.constant 0 : i32
    %dma_wait3A_344 = tpu.memref_slice %arg17[%dma_wait3A_343] : memref<128xf32, #tpu.memory_space<vmem>> -> memref<128xf32, #tpu.memory_space<vmem>>
    %dma_wait3A_345 = arith.constant 0 : i32
    %dma_wait3A_346 = tpu.memref_slice %arg3[%dma_wait3A_345] : memref<300000xf32, #tpu.memory_space<hbm>> -> memref<300000xf32, #tpu.memory_space<hbm>>
    tpu.wait_indirect_dma semaphore(%arg25 : memref<!tpu.dma_semaphore, #tpu.memory_space<semaphore_mem>>) src(%dma_wait3A_346 : memref<300000xf32, #tpu.memory_space<hbm>>) dst(%dma_wait3A_344 : memref<128xf32, #tpu.memory_space<vmem>>)
    %add3A_347 = arith.constant 0 : i32
    %add3A_348 = vector.broadcast %add3A_347 : i32 to vector<16xi32>
    %add3A_349 = arith.addi %iota3A, %add3A_348 : vector<16xi32>
    %mul3A_350 = arith.constant 3 : i32
    %mul3A_351 = vector.broadcast %mul3A_350 : i32 to vector<16xi32>
    %mul3A_352 = arith.muli %add3A_349, %mul3A_351 : vector<16xi32>
    %gather3A = tpu.vector_load_idx %arg9[%mul3A_352] : memref<384xf32, #tpu.memory_space<vmem>>[vector<16xi32>], vector<16xf32>,
    %add3A_353 = arith.constant 1 : i32
    %add3A_354 = vector.broadcast %add3A_353 : i32 to vector<16xi32>
    %add3A_355 = arith.addi %mul3A_352, %add3A_354 : vector<16xi32>
    %gather3A_356 = tpu.vector_load_idx %arg9[%add3A_355] : memref<384xf32, #tpu.memory_space<vmem>>[vector<16xi32>], vector<16xf32>,
    %add3A_357 = arith.constant 2 : i32
    %add3A_358 = vector.broadcast %add3A_357 : i32 to vector<16xi32>
    %add3A_359 = arith.addi %mul3A_352, %add3A_358 : vector<16xi32>
    %gather3A_360 = tpu.vector_load_idx %arg9[%add3A_359] : memref<384xf32, #tpu.memory_space<vmem>>[vector<16xi32>], vector<16xf32>,
    %get3A_361 = arith.constant 0 : index
    %get3A_362 = tpu.vector_load %arg15[%get3A_361] {strides = array<i32>} : memref<128xf32, #tpu.memory_space<vmem>>, vector<16xf32>,
    %sub3A = arith.subf %gather3A, %get3A_362 : vector<16xf32>
    %get3A_363 = arith.constant 0 : index
    %get3A_364 = tpu.vector_load %arg16[%get3A_363] {strides = array<i32>} : memref<128xf32, #tpu.memory_space<vmem>>, vector<16xf32>,
    %sub3A_365 = arith.subf %gather3A_356, %get3A_364 : vector<16xf32>
    %get3A_366 = arith.constant 0 : index
    %get3A_367 = tpu.vector_load %arg17[%get3A_366] {strides = array<i32>} : memref<128xf32, #tpu.memory_space<vmem>>, vector<16xf32>,
    %sub3A_368 = arith.subf %gather3A_360, %get3A_367 : vector<16xf32>
    %mul3A_369 = arith.mulf %sub3A, %sub3A : vector<16xf32>
    %mul3A_370 = arith.mulf %sub3A_365, %sub3A_365 : vector<16xf32>
    %add3A_371 = arith.addf %mul3A_369, %mul3A_370 : vector<16xf32>
    %mul3A_372 = arith.mulf %sub3A_368, %sub3A_368 : vector<16xf32>
    %add3A_373 = arith.addf %add3A_371, %mul3A_372 : vector<16xf32>
    %neg3A = arith.constant 0.000000e+00 : f32
    %neg3A_374 = vector.broadcast %neg3A : f32 to vector<16xf32>
    %neg3A_375 = arith.subf %neg3A_374, %add3A_373 : vector<16xf32>
    %div3A = arith.constant 2.500000e-03 : f32
    %div3A_376 = vector.broadcast %div3A : f32 to vector<16xf32>
    %div3A_377 = arith.divf %neg3A_375, %div3A_376 : vector<16xf32>
    %exp3A = math.exp %div3A_377 : vector<16xf32>
    %add3A_378 = arith.constant 9.99999997E-7 : f32
    %add3A_379 = vector.broadcast %add3A_378 : f32 to vector<16xf32>
    %add3A_380 = arith.addf %exp3A, %add3A_379 : vector<16xf32>
    %swap3A_381 = arith.constant 0 : index
    %swap3A_382 = tpu.vector_load %arg18[%swap3A_381] {strides = array<i32>} : memref<128xf32, #tpu.memory_space<vmem>>, vector<16xf32>,
    tpu.vector_store %arg18[%swap3A_381], %add3A_380 {strides = array<i32>} : memref<128xf32, #tpu.memory_space<vmem>>, vector<16xf32>,
    %add3A_383 = arith.constant 16 : i32
    %add3A_384 = vector.broadcast %add3A_383 : i32 to vector<16xi32>
    %add3A_385 = arith.addi %iota3A, %add3A_384 : vector<16xi32>
    %mul3A_386 = arith.constant 3 : i32
    %mul3A_387 = vector.broadcast %mul3A_386 : i32 to vector<16xi32>
    %mul3A_388 = arith.muli %add3A_385, %mul3A_387 : vector<16xi32>
    %gather3A_389 = tpu.vector_load_idx %arg9[%mul3A_388] : memref<384xf32, #tpu.memory_space<vmem>>[vector<16xi32>], vector<16xf32>,
    %add3A_390 = arith.constant 1 : i32
    %add3A_391 = vector.broadcast %add3A_390 : i32 to vector<16xi32>
    %add3A_392 = arith.addi %mul3A_388, %add3A_391 : vector<16xi32>
    %gather3A_393 = tpu.vector_load_idx %arg9[%add3A_392] : memref<384xf32, #tpu.memory_space<vmem>>[vector<16xi32>], vector<16xf32>,
    %add3A_394 = arith.constant 2 : i32
    %add3A_395 = vector.broadcast %add3A_394 : i32 to vector<16xi32>
    %add3A_396 = arith.addi %mul3A_388, %add3A_395 : vector<16xi32>
    %gather3A_397 = tpu.vector_load_idx %arg9[%add3A_396] : memref<384xf32, #tpu.memory_space<vmem>>[vector<16xi32>], vector<16xf32>,
    %get3A_398 = arith.constant 16 : index
    %get3A_399 = tpu.vector_load %arg15[%get3A_398] {strides = array<i32>} : memref<128xf32, #tpu.memory_space<vmem>>, vector<16xf32>,
    %sub3A_400 = arith.subf %gather3A_389, %get3A_399 : vector<16xf32>
    %get3A_401 = arith.constant 16 : index
    %get3A_402 = tpu.vector_load %arg16[%get3A_401] {strides = array<i32>} : memref<128xf32, #tpu.memory_space<vmem>>, vector<16xf32>,
    %sub3A_403 = arith.subf %gather3A_393, %get3A_402 : vector<16xf32>
    %get3A_404 = arith.constant 16 : index
    %get3A_405 = tpu.vector_load %arg17[%get3A_404] {strides = array<i32>} : memref<128xf32, #tpu.memory_space<vmem>>, vector<16xf32>,
    %sub3A_406 = arith.subf %gather3A_397, %get3A_405 : vector<16xf32>
    %mul3A_407 = arith.mulf %sub3A_400, %sub3A_400 : vector<16xf32>
    %mul3A_408 = arith.mulf %sub3A_403, %sub3A_403 : vector<16xf32>
    %add3A_409 = arith.addf %mul3A_407, %mul3A_408 : vector<16xf32>
    %mul3A_410 = arith.mulf %sub3A_406, %sub3A_406 : vector<16xf32>
    %add3A_411 = arith.addf %add3A_409, %mul3A_410 : vector<16xf32>
    %neg3A_412 = arith.constant 0.000000e+00 : f32
    %neg3A_413 = vector.broadcast %neg3A_412 : f32 to vector<16xf32>
    %neg3A_414 = arith.subf %neg3A_413, %add3A_411 : vector<16xf32>
    %div3A_415 = arith.constant 2.500000e-03 : f32
    %div3A_416 = vector.broadcast %div3A_415 : f32 to vector<16xf32>
    %div3A_417 = arith.divf %neg3A_414, %div3A_416 : vector<16xf32>
    %exp3A_418 = math.exp %div3A_417 : vector<16xf32>
    %add3A_419 = arith.constant 9.99999997E-7 : f32
    %add3A_420 = vector.broadcast %add3A_419 : f32 to vector<16xf32>
    %add3A_421 = arith.addf %exp3A_418, %add3A_420 : vector<16xf32>
    %swap3A_422 = arith.constant 16 : index
    %swap3A_423 = tpu.vector_load %arg18[%swap3A_422] {strides = array<i32>} : memref<128xf32, #tpu.memory_space<vmem>>, vector<16xf32>,
    tpu.vector_store %arg18[%swap3A_422], %add3A_421 {strides = array<i32>} : memref<128xf32, #tpu.memory_space<vmem>>, vector<16xf32>,
    %add3A_424 = arith.constant 32 : i32
    %add3A_425 = vector.broadcast %add3A_424 : i32 to vector<16xi32>
    %add3A_426 = arith.addi %iota3A, %add3A_425 : vector<16xi32>
    %mul3A_427 = arith.constant 3 : i32
    %mul3A_428 = vector.broadcast %mul3A_427 : i32 to vector<16xi32>
    %mul3A_429 = arith.muli %add3A_426, %mul3A_428 : vector<16xi32>
    %gather3A_430 = tpu.vector_load_idx %arg9[%mul3A_429] : memref<384xf32, #tpu.memory_space<vmem>>[vector<16xi32>], vector<16xf32>,
    %add3A_431 = arith.constant 1 : i32
    %add3A_432 = vector.broadcast %add3A_431 : i32 to vector<16xi32>
    %add3A_433 = arith.addi %mul3A_429, %add3A_432 : vector<16xi32>
    %gather3A_434 = tpu.vector_load_idx %arg9[%add3A_433] : memref<384xf32, #tpu.memory_space<vmem>>[vector<16xi32>], vector<16xf32>,
    %add3A_435 = arith.constant 2 : i32
    %add3A_436 = vector.broadcast %add3A_435 : i32 to vector<16xi32>
    %add3A_437 = arith.addi %mul3A_429, %add3A_436 : vector<16xi32>
    %gather3A_438 = tpu.vector_load_idx %arg9[%add3A_437] : memref<384xf32, #tpu.memory_space<vmem>>[vector<16xi32>], vector<16xf32>,
    %get3A_439 = arith.constant 32 : index
    %get3A_440 = tpu.vector_load %arg15[%get3A_439] {strides = array<i32>} : memref<128xf32, #tpu.memory_space<vmem>>, vector<16xf32>,
    %sub3A_441 = arith.subf %gather3A_430, %get3A_440 : vector<16xf32>
    %get3A_442 = arith.constant 32 : index
    %get3A_443 = tpu.vector_load %arg16[%get3A_442] {strides = array<i32>} : memref<128xf32, #tpu.memory_space<vmem>>, vector<16xf32>,
    %sub3A_444 = arith.subf %gather3A_434, %get3A_443 : vector<16xf32>
    %get3A_445 = arith.constant 32 : index
    %get3A_446 = tpu.vector_load %arg17[%get3A_445] {strides = array<i32>} : memref<128xf32, #tpu.memory_space<vmem>>, vector<16xf32>,
    %sub3A_447 = arith.subf %gather3A_438, %get3A_446 : vector<16xf32>
    %mul3A_448 = arith.mulf %sub3A_441, %sub3A_441 : vector<16xf32>
    %mul3A_449 = arith.mulf %sub3A_444, %sub3A_444 : vector<16xf32>
    %add3A_450 = arith.addf %mul3A_448, %mul3A_449 : vector<16xf32>
    %mul3A_451 = arith.mulf %sub3A_447, %sub3A_447 : vector<16xf32>
    %add3A_452 = arith.addf %add3A_450, %mul3A_451 : vector<16xf32>
    %neg3A_453 = arith.constant 0.000000e+00 : f32
    %neg3A_454 = vector.broadcast %neg3A_453 : f32 to vector<16xf32>
    %neg3A_455 = arith.subf %neg3A_454, %add3A_452 : vector<16xf32>
    %div3A_456 = arith.constant 2.500000e-03 : f32
    %div3A_457 = vector.broadcast %div3A_456 : f32 to vector<16xf32>
    %div3A_458 = arith.divf %neg3A_455, %div3A_457 : vector<16xf32>
    %exp3A_459 = math.exp %div3A_458 : vector<16xf32>
    %add3A_460 = arith.constant 9.99999997E-7 : f32
    %add3A_461 = vector.broadcast %add3A_460 : f32 to vector<16xf32>
    %add3A_462 = arith.addf %exp3A_459, %add3A_461 : vector<16xf32>
    %swap3A_463 = arith.constant 32 : index
    %swap3A_464 = tpu.vector_load %arg18[%swap3A_463] {strides = array<i32>} : memref<128xf32, #tpu.memory_space<vmem>>, vector<16xf32>,
    tpu.vector_store %arg18[%swap3A_463], %add3A_462 {strides = array<i32>} : memref<128xf32, #tpu.memory_space<vmem>>, vector<16xf32>,
    %add3A_465 = arith.constant 48 : i32
    %add3A_466 = vector.broadcast %add3A_465 : i32 to vector<16xi32>
    %add3A_467 = arith.addi %iota3A, %add3A_466 : vector<16xi32>
    %mul3A_468 = arith.constant 3 : i32
    %mul3A_469 = vector.broadcast %mul3A_468 : i32 to vector<16xi32>
    %mul3A_470 = arith.muli %add3A_467, %mul3A_469 : vector<16xi32>
    %gather3A_471 = tpu.vector_load_idx %arg9[%mul3A_470] : memref<384xf32, #tpu.memory_space<vmem>>[vector<16xi32>], vector<16xf32>,
    %add3A_472 = arith.constant 1 : i32
    %add3A_473 = vector.broadcast %add3A_472 : i32 to vector<16xi32>
    %add3A_474 = arith.addi %mul3A_470, %add3A_473 : vector<16xi32>
    %gather3A_475 = tpu.vector_load_idx %arg9[%add3A_474] : memref<384xf32, #tpu.memory_space<vmem>>[vector<16xi32>], vector<16xf32>,
    %add3A_476 = arith.constant 2 : i32
    %add3A_477 = vector.broadcast %add3A_476 : i32 to vector<16xi32>
    %add3A_478 = arith.addi %mul3A_470, %add3A_477 : vector<16xi32>
    %gather3A_479 = tpu.vector_load_idx %arg9[%add3A_478] : memref<384xf32, #tpu.memory_space<vmem>>[vector<16xi32>], vector<16xf32>,
    %get3A_480 = arith.constant 48 : index
    %get3A_481 = tpu.vector_load %arg15[%get3A_480] {strides = array<i32>} : memref<128xf32, #tpu.memory_space<vmem>>, vector<16xf32>,
    %sub3A_482 = arith.subf %gather3A_471, %get3A_481 : vector<16xf32>
    %get3A_483 = arith.constant 48 : index
    %get3A_484 = tpu.vector_load %arg16[%get3A_483] {strides = array<i32>} : memref<128xf32, #tpu.memory_space<vmem>>, vector<16xf32>,
    %sub3A_485 = arith.subf %gather3A_475, %get3A_484 : vector<16xf32>
    %get3A_486 = arith.constant 48 : index
    %get3A_487 = tpu.vector_load %arg17[%get3A_486] {strides = array<i32>} : memref<128xf32, #tpu.memory_space<vmem>>, vector<16xf32>,
    %sub3A_488 = arith.subf %gather3A_479, %get3A_487 : vector<16xf32>
    %mul3A_489 = arith.mulf %sub3A_482, %sub3A_482 : vector<16xf32>
    %mul3A_490 = arith.mulf %sub3A_485, %sub3A_485 : vector<16xf32>
    %add3A_491 = arith.addf %mul3A_489, %mul3A_490 : vector<16xf32>
    %mul3A_492 = arith.mulf %sub3A_488, %sub3A_488 : vector<16xf32>
    %add3A_493 = arith.addf %add3A_491, %mul3A_492 : vector<16xf32>
    %neg3A_494 = arith.constant 0.000000e+00 : f32
    %neg3A_495 = vector.broadcast %neg3A_494 : f32 to vector<16xf32>
    %neg3A_496 = arith.subf %neg3A_495, %add3A_493 : vector<16xf32>
    %div3A_497 = arith.constant 2.500000e-03 : f32
    %div3A_498 = vector.broadcast %div3A_497 : f32 to vector<16xf32>
    %div3A_499 = arith.divf %neg3A_496, %div3A_498 : vector<16xf32>
    %exp3A_500 = math.exp %div3A_499 : vector<16xf32>
    %add3A_501 = arith.constant 9.99999997E-7 : f32
    %add3A_502 = vector.broadcast %add3A_501 : f32 to vector<16xf32>
    %add3A_503 = arith.addf %exp3A_500, %add3A_502 : vector<16xf32>
    %swap3A_504 = arith.constant 48 : index
    %swap3A_505 = tpu.vector_load %arg18[%swap3A_504] {strides = array<i32>} : memref<128xf32, #tpu.memory_space<vmem>>, vector<16xf32>,
    tpu.vector_store %arg18[%swap3A_504], %add3A_503 {strides = array<i32>} : memref<128xf32, #tpu.memory_space<vmem>>, vector<16xf32>,
    %add3A_506 = arith.constant 64 : i32
    %add3A_507 = vector.broadcast %add3A_506 : i32 to vector<16xi32>
    %add3A_508 = arith.addi %iota3A, %add3A_507 : vector<16xi32>
    %mul3A_509 = arith.constant 3 : i32
    %mul3A_510 = vector.broadcast %mul3A_509 : i32 to vector<16xi32>
    %mul3A_511 = arith.muli %add3A_508, %mul3A_510 : vector<16xi32>
    %gather3A_512 = tpu.vector_load_idx %arg9[%mul3A_511] : memref<384xf32, #tpu.memory_space<vmem>>[vector<16xi32>], vector<16xf32>,
    %add3A_513 = arith.constant 1 : i32
    %add3A_514 = vector.broadcast %add3A_513 : i32 to vector<16xi32>
    %add3A_515 = arith.addi %mul3A_511, %add3A_514 : vector<16xi32>
    %gather3A_516 = tpu.vector_load_idx %arg9[%add3A_515] : memref<384xf32, #tpu.memory_space<vmem>>[vector<16xi32>], vector<16xf32>,
    %add3A_517 = arith.constant 2 : i32
    %add3A_518 = vector.broadcast %add3A_517 : i32 to vector<16xi32>
    %add3A_519 = arith.addi %mul3A_511, %add3A_518 : vector<16xi32>
    %gather3A_520 = tpu.vector_load_idx %arg9[%add3A_519] : memref<384xf32, #tpu.memory_space<vmem>>[vector<16xi32>], vector<16xf32>,
    %get3A_521 = arith.constant 64 : index
    %get3A_522 = tpu.vector_load %arg15[%get3A_521] {strides = array<i32>} : memref<128xf32, #tpu.memory_space<vmem>>, vector<16xf32>,
    %sub3A_523 = arith.subf %gather3A_512, %get3A_522 : vector<16xf32>
    %get3A_524 = arith.constant 64 : index
    %get3A_525 = tpu.vector_load %arg16[%get3A_524] {strides = array<i32>} : memref<128xf32, #tpu.memory_space<vmem>>, vector<16xf32>,
    %sub3A_526 = arith.subf %gather3A_516, %get3A_525 : vector<16xf32>
    %get3A_527 = arith.constant 64 : index
    %get3A_528 = tpu.vector_load %arg17[%get3A_527] {strides = array<i32>} : memref<128xf32, #tpu.memory_space<vmem>>, vector<16xf32>,
    %sub3A_529 = arith.subf %gather3A_520, %get3A_528 : vector<16xf32>
    %mul3A_530 = arith.mulf %sub3A_523, %sub3A_523 : vector<16xf32>
    %mul3A_531 = arith.mulf %sub3A_526, %sub3A_526 : vector<16xf32>
    %add3A_532 = arith.addf %mul3A_530, %mul3A_531 : vector<16xf32>
    %mul3A_533 = arith.mulf %sub3A_529, %sub3A_529 : vector<16xf32>
    %add3A_534 = arith.addf %add3A_532, %mul3A_533 : vector<16xf32>
    %neg3A_535 = arith.constant 0.000000e+00 : f32
    %neg3A_536 = vector.broadcast %neg3A_535 : f32 to vector<16xf32>
    %neg3A_537 = arith.subf %neg3A_536, %add3A_534 : vector<16xf32>
    %div3A_538 = arith.constant 2.500000e-03 : f32
    %div3A_539 = vector.broadcast %div3A_538 : f32 to vector<16xf32>
    %div3A_540 = arith.divf %neg3A_537, %div3A_539 : vector<16xf32>
    %exp3A_541 = math.exp %div3A_540 : vector<16xf32>
    %add3A_542 = arith.constant 9.99999997E-7 : f32
    %add3A_543 = vector.broadcast %add3A_542 : f32 to vector<16xf32>
    %add3A_544 = arith.addf %exp3A_541, %add3A_543 : vector<16xf32>
    %swap3A_545 = arith.constant 64 : index
    %swap3A_546 = tpu.vector_load %arg18[%swap3A_545] {strides = array<i32>} : memref<128xf32, #tpu.memory_space<vmem>>, vector<16xf32>,
    tpu.vector_store %arg18[%swap3A_545], %add3A_544 {strides = array<i32>} : memref<128xf32, #tpu.memory_space<vmem>>, vector<16xf32>,
    %add3A_547 = arith.constant 80 : i32
    %add3A_548 = vector.broadcast %add3A_547 : i32 to vector<16xi32>
    %add3A_549 = arith.addi %iota3A, %add3A_548 : vector<16xi32>
    %mul3A_550 = arith.constant 3 : i32
    %mul3A_551 = vector.broadcast %mul3A_550 : i32 to vector<16xi32>
    %mul3A_552 = arith.muli %add3A_549, %mul3A_551 : vector<16xi32>
    %gather3A_553 = tpu.vector_load_idx %arg9[%mul3A_552] : memref<384xf32, #tpu.memory_space<vmem>>[vector<16xi32>], vector<16xf32>,
    %add3A_554 = arith.constant 1 : i32
    %add3A_555 = vector.broadcast %add3A_554 : i32 to vector<16xi32>
    %add3A_556 = arith.addi %mul3A_552, %add3A_555 : vector<16xi32>
    %gather3A_557 = tpu.vector_load_idx %arg9[%add3A_556] : memref<384xf32, #tpu.memory_space<vmem>>[vector<16xi32>], vector<16xf32>,
    %add3A_558 = arith.constant 2 : i32
    %add3A_559 = vector.broadcast %add3A_558 : i32 to vector<16xi32>
    %add3A_560 = arith.addi %mul3A_552, %add3A_559 : vector<16xi32>
    %gather3A_561 = tpu.vector_load_idx %arg9[%add3A_560] : memref<384xf32, #tpu.memory_space<vmem>>[vector<16xi32>], vector<16xf32>,
    %get3A_562 = arith.constant 80 : index
    %get3A_563 = tpu.vector_load %arg15[%get3A_562] {strides = array<i32>} : memref<128xf32, #tpu.memory_space<vmem>>, vector<16xf32>,
    %sub3A_564 = arith.subf %gather3A_553, %get3A_563 : vector<16xf32>
    %get3A_565 = arith.constant 80 : index
    %get3A_566 = tpu.vector_load %arg16[%get3A_565] {strides = array<i32>} : memref<128xf32, #tpu.memory_space<vmem>>, vector<16xf32>,
    %sub3A_567 = arith.subf %gather3A_557, %get3A_566 : vector<16xf32>
    %get3A_568 = arith.constant 80 : index
    %get3A_569 = tpu.vector_load %arg17[%get3A_568] {strides = array<i32>} : memref<128xf32, #tpu.memory_space<vmem>>, vector<16xf32>,
    %sub3A_570 = arith.subf %gather3A_561, %get3A_569 : vector<16xf32>
    %mul3A_571 = arith.mulf %sub3A_564, %sub3A_564 : vector<16xf32>
    %mul3A_572 = arith.mulf %sub3A_567, %sub3A_567 : vector<16xf32>
    %add3A_573 = arith.addf %mul3A_571, %mul3A_572 : vector<16xf32>
    %mul3A_574 = arith.mulf %sub3A_570, %sub3A_570 : vector<16xf32>
    %add3A_575 = arith.addf %add3A_573, %mul3A_574 : vector<16xf32>
    %neg3A_576 = arith.constant 0.000000e+00 : f32
    %neg3A_577 = vector.broadcast %neg3A_576 : f32 to vector<16xf32>
    %neg3A_578 = arith.subf %neg3A_577, %add3A_575 : vector<16xf32>
    %div3A_579 = arith.constant 2.500000e-03 : f32
    %div3A_580 = vector.broadcast %div3A_579 : f32 to vector<16xf32>
    %div3A_581 = arith.divf %neg3A_578, %div3A_580 : vector<16xf32>
    %exp3A_582 = math.exp %div3A_581 : vector<16xf32>
    %add3A_583 = arith.constant 9.99999997E-7 : f32
    %add3A_584 = vector.broadcast %add3A_583 : f32 to vector<16xf32>
    %add3A_585 = arith.addf %exp3A_582, %add3A_584 : vector<16xf32>
    %swap3A_586 = arith.constant 80 : index
    %swap3A_587 = tpu.vector_load %arg18[%swap3A_586] {strides = array<i32>} : memref<128xf32, #tpu.memory_space<vmem>>, vector<16xf32>,
    tpu.vector_store %arg18[%swap3A_586], %add3A_585 {strides = array<i32>} : memref<128xf32, #tpu.memory_space<vmem>>, vector<16xf32>,
    %add3A_588 = arith.constant 96 : i32
    %add3A_589 = vector.broadcast %add3A_588 : i32 to vector<16xi32>
    %add3A_590 = arith.addi %iota3A, %add3A_589 : vector<16xi32>
    %mul3A_591 = arith.constant 3 : i32
    %mul3A_592 = vector.broadcast %mul3A_591 : i32 to vector<16xi32>
    %mul3A_593 = arith.muli %add3A_590, %mul3A_592 : vector<16xi32>
    %gather3A_594 = tpu.vector_load_idx %arg9[%mul3A_593] : memref<384xf32, #tpu.memory_space<vmem>>[vector<16xi32>], vector<16xf32>,
    %add3A_595 = arith.constant 1 : i32
    %add3A_596 = vector.broadcast %add3A_595 : i32 to vector<16xi32>
    %add3A_597 = arith.addi %mul3A_593, %add3A_596 : vector<16xi32>
    %gather3A_598 = tpu.vector_load_idx %arg9[%add3A_597] : memref<384xf32, #tpu.memory_space<vmem>>[vector<16xi32>], vector<16xf32>,
    %add3A_599 = arith.constant 2 : i32
    %add3A_600 = vector.broadcast %add3A_599 : i32 to vector<16xi32>
    %add3A_601 = arith.addi %mul3A_593, %add3A_600 : vector<16xi32>
    %gather3A_602 = tpu.vector_load_idx %arg9[%add3A_601] : memref<384xf32, #tpu.memory_space<vmem>>[vector<16xi32>], vector<16xf32>,
    %get3A_603 = arith.constant 96 : index
    %get3A_604 = tpu.vector_load %arg15[%get3A_603] {strides = array<i32>} : memref<128xf32, #tpu.memory_space<vmem>>, vector<16xf32>,
    %sub3A_605 = arith.subf %gather3A_594, %get3A_604 : vector<16xf32>
    %get3A_606 = arith.constant 96 : index
    %get3A_607 = tpu.vector_load %arg16[%get3A_606] {strides = array<i32>} : memref<128xf32, #tpu.memory_space<vmem>>, vector<16xf32>,
    %sub3A_608 = arith.subf %gather3A_598, %get3A_607 : vector<16xf32>
    %get3A_609 = arith.constant 96 : index
    %get3A_610 = tpu.vector_load %arg17[%get3A_609] {strides = array<i32>} : memref<128xf32, #tpu.memory_space<vmem>>, vector<16xf32>,
    %sub3A_611 = arith.subf %gather3A_602, %get3A_610 : vector<16xf32>
    %mul3A_612 = arith.mulf %sub3A_605, %sub3A_605 : vector<16xf32>
    %mul3A_613 = arith.mulf %sub3A_608, %sub3A_608 : vector<16xf32>
    %add3A_614 = arith.addf %mul3A_612, %mul3A_613 : vector<16xf32>
    %mul3A_615 = arith.mulf %sub3A_611, %sub3A_611 : vector<16xf32>
    %add3A_616 = arith.addf %add3A_614, %mul3A_615 : vector<16xf32>
    %neg3A_617 = arith.constant 0.000000e+00 : f32
    %neg3A_618 = vector.broadcast %neg3A_617 : f32 to vector<16xf32>
    %neg3A_619 = arith.subf %neg3A_618, %add3A_616 : vector<16xf32>
    %div3A_620 = arith.constant 2.500000e-03 : f32
    %div3A_621 = vector.broadcast %div3A_620 : f32 to vector<16xf32>
    %div3A_622 = arith.divf %neg3A_619, %div3A_621 : vector<16xf32>
    %exp3A_623 = math.exp %div3A_622 : vector<16xf32>
    %add3A_624 = arith.constant 9.99999997E-7 : f32
    %add3A_625 = vector.broadcast %add3A_624 : f32 to vector<16xf32>
    %add3A_626 = arith.addf %exp3A_623, %add3A_625 : vector<16xf32>
    %swap3A_627 = arith.constant 96 : index
    %swap3A_628 = tpu.vector_load %arg18[%swap3A_627] {strides = array<i32>} : memref<128xf32, #tpu.memory_space<vmem>>, vector<16xf32>,
    tpu.vector_store %arg18[%swap3A_627], %add3A_626 {strides = array<i32>} : memref<128xf32, #tpu.memory_space<vmem>>, vector<16xf32>,
    %add3A_629 = arith.constant 112 : i32
    %add3A_630 = vector.broadcast %add3A_629 : i32 to vector<16xi32>
    %add3A_631 = arith.addi %iota3A, %add3A_630 : vector<16xi32>
    %mul3A_632 = arith.constant 3 : i32
    %mul3A_633 = vector.broadcast %mul3A_632 : i32 to vector<16xi32>
    %mul3A_634 = arith.muli %add3A_631, %mul3A_633 : vector<16xi32>
    %gather3A_635 = tpu.vector_load_idx %arg9[%mul3A_634] : memref<384xf32, #tpu.memory_space<vmem>>[vector<16xi32>], vector<16xf32>,
    %add3A_636 = arith.constant 1 : i32
    %add3A_637 = vector.broadcast %add3A_636 : i32 to vector<16xi32>
    %add3A_638 = arith.addi %mul3A_634, %add3A_637 : vector<16xi32>
    %gather3A_639 = tpu.vector_load_idx %arg9[%add3A_638] : memref<384xf32, #tpu.memory_space<vmem>>[vector<16xi32>], vector<16xf32>,
    %add3A_640 = arith.constant 2 : i32
    %add3A_641 = vector.broadcast %add3A_640 : i32 to vector<16xi32>
    %add3A_642 = arith.addi %mul3A_634, %add3A_641 : vector<16xi32>
    %gather3A_643 = tpu.vector_load_idx %arg9[%add3A_642] : memref<384xf32, #tpu.memory_space<vmem>>[vector<16xi32>], vector<16xf32>,
    %get3A_644 = arith.constant 112 : index
    %get3A_645 = tpu.vector_load %arg15[%get3A_644] {strides = array<i32>} : memref<128xf32, #tpu.memory_space<vmem>>, vector<16xf32>,
    %sub3A_646 = arith.subf %gather3A_635, %get3A_645 : vector<16xf32>
    %get3A_647 = arith.constant 112 : index
    %get3A_648 = tpu.vector_load %arg16[%get3A_647] {strides = array<i32>} : memref<128xf32, #tpu.memory_space<vmem>>, vector<16xf32>,
    %sub3A_649 = arith.subf %gather3A_639, %get3A_648 : vector<16xf32>
    %get3A_650 = arith.constant 112 : index
    %get3A_651 = tpu.vector_load %arg17[%get3A_650] {strides = array<i32>} : memref<128xf32, #tpu.memory_space<vmem>>, vector<16xf32>,
    %sub3A_652 = arith.subf %gather3A_643, %get3A_651 : vector<16xf32>
    %mul3A_653 = arith.mulf %sub3A_646, %sub3A_646 : vector<16xf32>
    %mul3A_654 = arith.mulf %sub3A_649, %sub3A_649 : vector<16xf32>
    %add3A_655 = arith.addf %mul3A_653, %mul3A_654 : vector<16xf32>
    %mul3A_656 = arith.mulf %sub3A_652, %sub3A_652 : vector<16xf32>
    %add3A_657 = arith.addf %add3A_655, %mul3A_656 : vector<16xf32>
    %neg3A_658 = arith.constant 0.000000e+00 : f32
    %neg3A_659 = vector.broadcast %neg3A_658 : f32 to vector<16xf32>
    %neg3A_660 = arith.subf %neg3A_659, %add3A_657 : vector<16xf32>
    %div3A_661 = arith.constant 2.500000e-03 : f32
    %div3A_662 = vector.broadcast %div3A_661 : f32 to vector<16xf32>
    %div3A_663 = arith.divf %neg3A_660, %div3A_662 : vector<16xf32>
    %exp3A_664 = math.exp %div3A_663 : vector<16xf32>
    %add3A_665 = arith.constant 9.99999997E-7 : f32
    %add3A_666 = vector.broadcast %add3A_665 : f32 to vector<16xf32>
    %add3A_667 = arith.addf %exp3A_664, %add3A_666 : vector<16xf32>
    %swap3A_668 = arith.constant 112 : index
    %swap3A_669 = tpu.vector_load %arg18[%swap3A_668] {strides = array<i32>} : memref<128xf32, #tpu.memory_space<vmem>>, vector<16xf32>,
    tpu.vector_store %arg18[%swap3A_668], %add3A_667 {strides = array<i32>} : memref<128xf32, #tpu.memory_space<vmem>>, vector<16xf32>,
    %scan3A = arith.constant 0 : i32
    %scan3A_670 = arith.constant 0 : i32
    %scan3A_671 = arith.constant 128 : i32
    %scan3A_672 = arith.addi %scan3A_670, %scan3A_671 : i32
    %scan3A_673 = arith.constant 1 : i32
    scf.for %scan3A_675 = %scan3A_670 to %scan3A_672 step %scan3A_673  : i32 {
      %mul3A_676 = arith.constant 0 : i32
      %mul3A_677 = vector.broadcast %mul3A_676 : i32 to vector<16xi32>
      %mul3A_678 = arith.muli %iota3A, %mul3A_677 : vector<16xi32>
      %add3A_679 = vector.broadcast %scan3A_675 : i32 to vector<16xi32>
      %add3A_680 = arith.addi %mul3A_678, %add3A_679 : vector<16xi32>
      %gather3A_681 = tpu.vector_load_idx %arg12[%add3A_680] : memref<128xi32, #tpu.memory_space<vmem>>[vector<16xi32>], vector<16xi32>,
      %slice3A = vector.extract_strided_slice %gather3A_681 {offsets = [0], sizes = [1], strides = [1]} : vector<16xi32> to vector<1xi32>
      %squeeze3A = vector.extract %slice3A[0] : i32 from vector<1xi32>
      %gather3A_682 = tpu.vector_load_idx %arg13[%add3A_680] : memref<128xi32, #tpu.memory_space<vmem>>[vector<16xi32>], vector<16xi32>,
      %slice3A_683 = vector.extract_strided_slice %gather3A_682 {offsets = [0], sizes = [1], strides = [1]} : vector<16xi32> to vector<1xi32>
      %squeeze3A_684 = vector.extract %slice3A_683[0] : i32 from vector<1xi32>
      %sub3A_685 = arith.subi %squeeze3A_684, %squeeze3A : i32
      %gather3A_686 = tpu.vector_load_idx %arg14[%add3A_680] : memref<128xf32, #tpu.memory_space<vmem>>[vector<16xi32>], vector<16xf32>,
      %slice3A_687 = vector.extract_strided_slice %gather3A_686 {offsets = [0], sizes = [1], strides = [1]} : vector<16xf32> to vector<1xf32>
      %squeeze3A_688 = vector.extract %slice3A_687[0] : f32 from vector<1xf32>
      %mul3A_689 = arith.constant 3 : i32
      %mul3A_690 = vector.broadcast %mul3A_689 : i32 to vector<16xi32>
      %mul3A_691 = arith.muli %add3A_680, %mul3A_690 : vector<16xi32>
      %gather3A_692 = tpu.vector_load_idx %arg9[%mul3A_691] : memref<384xf32, #tpu.memory_space<vmem>>[vector<16xi32>], vector<16xf32>,
      %slice3A_693 = vector.extract_strided_slice %gather3A_692 {offsets = [0], sizes = [1], strides = [1]} : vector<16xf32> to vector<1xf32>
      %squeeze3A_694 = vector.extract %slice3A_693[0] : f32 from vector<1xf32>
      %mul3A_695 = arith.constant 3 : i32
      %mul3A_696 = vector.broadcast %mul3A_695 : i32 to vector<16xi32>
      %mul3A_697 = arith.muli %add3A_680, %mul3A_696 : vector<16xi32>
      %add3A_698 = arith.constant 1 : i32
      %add3A_699 = vector.broadcast %add3A_698 : i32 to vector<16xi32>
      %add3A_700 = arith.addi %mul3A_697, %add3A_699 : vector<16xi32>
      %gather3A_701 = tpu.vector_load_idx %arg9[%add3A_700] : memref<384xf32, #tpu.memory_space<vmem>>[vector<16xi32>], vector<16xf32>,
      %slice3A_702 = vector.extract_strided_slice %gather3A_701 {offsets = [0], sizes = [1], strides = [1]} : vector<16xf32> to vector<1xf32>
      %squeeze3A_703 = vector.extract %slice3A_702[0] : f32 from vector<1xf32>
      %mul3A_704 = arith.constant 3 : i32
      %mul3A_705 = vector.broadcast %mul3A_704 : i32 to vector<16xi32>
      %mul3A_706 = arith.muli %add3A_680, %mul3A_705 : vector<16xi32>
      %add3A_707 = arith.constant 2 : i32
      %add3A_708 = vector.broadcast %add3A_707 : i32 to vector<16xi32>
      %add3A_709 = arith.addi %mul3A_706, %add3A_708 : vector<16xi32>
      %gather3A_710 = tpu.vector_load_idx %arg9[%add3A_709] : memref<384xf32, #tpu.memory_space<vmem>>[vector<16xi32>], vector<16xf32>,
      %slice3A_711 = vector.extract_strided_slice %gather3A_710 {offsets = [0], sizes = [1], strides = [1]} : vector<16xf32> to vector<1xf32>
      %squeeze3A_712 = vector.extract %slice3A_711[0] : f32 from vector<1xf32>
      %broadcast_in_dim3A = arith.constant 0.000000e+00 : f32
      %broadcast_in_dim3A_713 = vector.broadcast %broadcast_in_dim3A : f32 to vector<16xf32>
      %while3A = arith.constant 0 : i32
      %while3A_714:3 = scf.while (%while3A_737 = %while3A, %while3A_738 = %broadcast_in_dim3A_713, %while3A_739 = %broadcast_in_dim3A_713) : (i32, vector<16xf32>, vector<16xf32>) -> (i32, vector<16xf32>, vector<16xf32>) {
        %lt3A = arith.cmpi slt, %while3A_737, %sub3A_685 : i32
        scf.condition(%lt3A) %while3A_737, %while3A_738, %while3A_739 : i32, vector<16xf32>, vector<16xf32>
      } do {
      ^bb0(%while3A_737: i32, %while3A_738: vector<16xf32>, %while3A_739: vector<16xf32>):
        %add3A_740 = arith.addi %squeeze3A, %while3A_737 : i32
        %jit3A = arith.constant 8 : i32
        %div3A_741 = arith.divsi %add3A_740, %jit3A : i32
        %sign3A = arith.constant 0 : i32
        %sign3A_742 = arith.cmpi sgt, %add3A_740, %sign3A : i32
        %sign3A_743 = arith.extui %sign3A_742 : i1 to i32
        %sign3A_744 = arith.constant 0 : i32
        %sign3A_745 = arith.cmpi slt, %add3A_740, %sign3A_744 : i32
        %sign3A_746 = arith.extui %sign3A_745 : i1 to i32
        %sign3A_747 = arith.subi %sign3A_743, %sign3A_746 : i32
        %sign3A_748 = arith.constant 0 : i32
        %sign3A_749 = arith.cmpi sgt, %jit3A, %sign3A_748 : i32
        %sign3A_750 = arith.extui %sign3A_749 : i1 to i32
        %sign3A_751 = arith.constant 0 : i32
        %sign3A_752 = arith.cmpi slt, %jit3A, %sign3A_751 : i32
        %sign3A_753 = arith.extui %sign3A_752 : i1 to i32
        %sign3A_754 = arith.subi %sign3A_750, %sign3A_753 : i32
        %ne3A = arith.cmpi ne, %sign3A_747, %sign3A_754 : i32
        %rem3A = arith.remsi %add3A_740, %jit3A : i32
        %ne3A_755 = arith.constant 0 : i32
        %ne3A_756 = arith.cmpi ne, %rem3A, %ne3A_755 : i32
        %and3A = arith.andi %ne3A, %ne3A_756 : i1
        %sub3A_757 = arith.constant 1 : i32
        %sub3A_758 = arith.subi %div3A_741, %sub3A_757 : i32
        %select_n3A = arith.select %and3A, %sub3A_758, %div3A_741 : i32
        %mul3A_759 = arith.constant 8 : i32
        %mul3A_760 = arith.muli %select_n3A, %mul3A_759 : i32
        %sub3A_761 = arith.subi %add3A_740, %mul3A_760 : i32
        "tpu.region"() ({
          %run_scoped3A = tpu.sem_alloc : memref<!tpu.dma_semaphore, #tpu.memory_space<semaphore_mem>>
          %dma_start3A_846 = tpu.memref_slice %arg5[%mul3A_760] : memref<1600032xi32, #tpu.memory_space<hbm>> -> memref<24xi32, #tpu.memory_space<hbm>>
          %dma_start3A_847 = tpu.memref_slice %arg5[%mul3A_760] : memref<1600032xi32, #tpu.memory_space<hbm>> -> memref<24xi32, #tpu.memory_space<hbm>>
          tpu.enqueue_dma source(%dma_start3A_847 : memref<24xi32, #tpu.memory_space<hbm>>) target(%arg19 : memref<24xi32, #tpu.memory_space<vmem>>) target_semaphore(%run_scoped3A : memref<!tpu.dma_semaphore, #tpu.memory_space<semaphore_mem>>)
          %dma_wait3A_848 = tpu.memref_slice %arg5[%mul3A_760] : memref<1600032xi32, #tpu.memory_space<hbm>> -> memref<24xi32, #tpu.memory_space<hbm>>
          %dma_wait3A_849 = tpu.memref_slice %arg5[%mul3A_760] : memref<1600032xi32, #tpu.memory_space<hbm>> -> memref<24xi32, #tpu.memory_space<hbm>>
          tpu.wait_dma2 semaphore(%run_scoped3A : memref<!tpu.dma_semaphore, #tpu.memory_space<semaphore_mem>>) src(%dma_wait3A_849 : memref<24xi32, #tpu.memory_space<hbm>>) dst(%arg19 : memref<24xi32, #tpu.memory_space<vmem>>)
          tpu.yield
        }) : () -> ()
        %add3A_762 = vector.broadcast %sub3A_761 : i32 to vector<16xi32>
        %add3A_763 = arith.addi %iota3A, %add3A_762 : vector<16xi32>
        %gather3A_764 = tpu.vector_load_idx %arg19[%add3A_763] : memref<24xi32, #tpu.memory_space<vmem>>[vector<16xi32>], vector<16xi32>,
        %mul3A_765 = arith.constant 3 : i32
        %mul3A_766 = vector.broadcast %mul3A_765 : i32 to vector<16xi32>
        %mul3A_767 = arith.muli %gather3A_764, %mul3A_766 : vector<16xi32>
        %dma_start3A_768 = arith.constant 0 : i32
        %dma_start3A_769 = tpu.memref_slice %arg4[%dma_start3A_768] : memref<100000xf32, #tpu.memory_space<hbm>> -> memref<100000xf32, #tpu.memory_space<hbm>>
        tpu.enqueue_indirect_dma source(%dma_start3A_769 : memref<100000xf32, #tpu.memory_space<hbm>>) target(%arg20 : memref<16xf32, #tpu.memory_space<vmem>>) offsets(%gather3A_764 : vector<16xi32>) semaphore(%arg25 : memref<!tpu.dma_semaphore, #tpu.memory_space<semaphore_mem>>)
        %dma_start3A_770 = arith.constant 0 : i32
        %dma_start3A_771 = tpu.memref_slice %arg3[%dma_start3A_770] : memref<300000xf32, #tpu.memory_space<hbm>> -> memref<300000xf32, #tpu.memory_space<hbm>>
        tpu.enqueue_indirect_dma source(%dma_start3A_771 : memref<300000xf32, #tpu.memory_space<hbm>>) target(%arg21 : memref<16xf32, #tpu.memory_space<vmem>>) offsets(%mul3A_767 : vector<16xi32>) semaphore(%arg26 : memref<!tpu.dma_semaphore, #tpu.memory_space<semaphore_mem>>)
        %add3A_772 = arith.constant 1 : i32
        %add3A_773 = vector.broadcast %add3A_772 : i32 to vector<16xi32>
        %add3A_774 = arith.addi %mul3A_767, %add3A_773 : vector<16xi32>
        %dma_start3A_775 = arith.constant 0 : i32
        %dma_start3A_776 = tpu.memref_slice %arg3[%dma_start3A_775] : memref<300000xf32, #tpu.memory_space<hbm>> -> memref<300000xf32, #tpu.memory_space<hbm>>
        tpu.enqueue_indirect_dma source(%dma_start3A_776 : memref<300000xf32, #tpu.memory_space<hbm>>) target(%arg22 : memref<16xf32, #tpu.memory_space<vmem>>) offsets(%add3A_774 : vector<16xi32>) semaphore(%arg27 : memref<!tpu.dma_semaphore, #tpu.memory_space<semaphore_mem>>)
        %add3A_777 = arith.constant 2 : i32
        %add3A_778 = vector.broadcast %add3A_777 : i32 to vector<16xi32>
        %add3A_779 = arith.addi %mul3A_767, %add3A_778 : vector<16xi32>
        %dma_start3A_780 = arith.constant 0 : i32
        %dma_start3A_781 = tpu.memref_slice %arg3[%dma_start3A_780] : memref<300000xf32, #tpu.memory_space<hbm>> -> memref<300000xf32, #tpu.memory_space<hbm>>
        tpu.enqueue_indirect_dma source(%dma_start3A_781 : memref<300000xf32, #tpu.memory_space<hbm>>) target(%arg23 : memref<16xf32, #tpu.memory_space<vmem>>) offsets(%add3A_779 : vector<16xi32>) semaphore(%arg28 : memref<!tpu.dma_semaphore, #tpu.memory_space<semaphore_mem>>)
        %dma_wait3A_782 = arith.constant 0 : i32
        %dma_wait3A_783 = tpu.memref_slice %arg4[%dma_wait3A_782] : memref<100000xf32, #tpu.memory_space<hbm>> -> memref<100000xf32, #tpu.memory_space<hbm>>
        tpu.wait_indirect_dma semaphore(%arg25 : memref<!tpu.dma_semaphore, #tpu.memory_space<semaphore_mem>>) src(%dma_wait3A_783 : memref<100000xf32, #tpu.memory_space<hbm>>) dst(%arg20 : memref<16xf32, #tpu.memory_space<vmem>>)
        %dma_wait3A_784 = arith.constant 0 : i32
        %dma_wait3A_785 = tpu.memref_slice %arg3[%dma_wait3A_784] : memref<300000xf32, #tpu.memory_space<hbm>> -> memref<300000xf32, #tpu.memory_space<hbm>>
        tpu.wait_indirect_dma semaphore(%arg26 : memref<!tpu.dma_semaphore, #tpu.memory_space<semaphore_mem>>) src(%dma_wait3A_785 : memref<300000xf32, #tpu.memory_space<hbm>>) dst(%arg21 : memref<16xf32, #tpu.memory_space<vmem>>)
        %dma_wait3A_786 = arith.constant 0 : i32
        %dma_wait3A_787 = tpu.memref_slice %arg3[%dma_wait3A_786] : memref<300000xf32, #tpu.memory_space<hbm>> -> memref<300000xf32, #tpu.memory_space<hbm>>
        tpu.wait_indirect_dma semaphore(%arg27 : memref<!tpu.dma_semaphore, #tpu.memory_space<semaphore_mem>>) src(%dma_wait3A_787 : memref<300000xf32, #tpu.memory_space<hbm>>) dst(%arg22 : memref<16xf32, #tpu.memory_space<vmem>>)
        %dma_wait3A_788 = arith.constant 0 : i32
        %dma_wait3A_789 = tpu.memref_slice %arg3[%dma_wait3A_788] : memref<300000xf32, #tpu.memory_space<hbm>> -> memref<300000xf32, #tpu.memory_space<hbm>>
        tpu.wait_indirect_dma semaphore(%arg28 : memref<!tpu.dma_semaphore, #tpu.memory_space<semaphore_mem>>) src(%dma_wait3A_789 : memref<300000xf32, #tpu.memory_space<hbm>>) dst(%arg23 : memref<16xf32, #tpu.memory_space<vmem>>)
        %get3A_790 = arith.constant 0 : index
        %get3A_791 = tpu.vector_load %arg20[%get3A_790] {strides = array<i32>} : memref<16xf32, #tpu.memory_space<vmem>>, vector<16xf32>,
        %get3A_792 = arith.constant 0 : index
        %get3A_793 = tpu.vector_load %arg21[%get3A_792] {strides = array<i32>} : memref<16xf32, #tpu.memory_space<vmem>>, vector<16xf32>,
        %get3A_794 = arith.constant 0 : index
        %get3A_795 = tpu.vector_load %arg22[%get3A_794] {strides = array<i32>} : memref<16xf32, #tpu.memory_space<vmem>>, vector<16xf32>,
        %get3A_796 = arith.constant 0 : index
        %get3A_797 = tpu.vector_load %arg23[%get3A_796] {strides = array<i32>} : memref<16xf32, #tpu.memory_space<vmem>>, vector<16xf32>,
        %sub3A_798 = vector.broadcast %squeeze3A_694 : f32 to vector<16xf32>
        %sub3A_799 = arith.subf %sub3A_798, %get3A_793 : vector<16xf32>
        %sub3A_800 = vector.broadcast %squeeze3A_703 : f32 to vector<16xf32>
        %sub3A_801 = arith.subf %sub3A_800, %get3A_795 : vector<16xf32>
        %sub3A_802 = vector.broadcast %squeeze3A_712 : f32 to vector<16xf32>
        %sub3A_803 = arith.subf %sub3A_802, %get3A_797 : vector<16xf32>
        %mul3A_804 = arith.mulf %sub3A_799, %sub3A_799 : vector<16xf32>
        %mul3A_805 = arith.mulf %sub3A_801, %sub3A_801 : vector<16xf32>
        %add3A_806 = arith.addf %mul3A_804, %mul3A_805 : vector<16xf32>
        %mul3A_807 = arith.mulf %sub3A_803, %sub3A_803 : vector<16xf32>
        %add3A_808 = arith.addf %add3A_806, %mul3A_807 : vector<16xf32>
        %neg3A_809 = arith.constant 0.000000e+00 : f32
        %neg3A_810 = vector.broadcast %neg3A_809 : f32 to vector<16xf32>
        %neg3A_811 = arith.subf %neg3A_810, %add3A_808 : vector<16xf32>
        %div3A_812 = arith.constant 2.500000e-03 : f32
        %div3A_813 = vector.broadcast %div3A_812 : f32 to vector<16xf32>
        %div3A_814 = arith.divf %neg3A_811, %div3A_813 : vector<16xf32>
        %exp3A_815 = math.exp %div3A_814 : vector<16xf32>
        %sub3A_816 = vector.broadcast %squeeze3A_688 : f32 to vector<16xf32>
        %sub3A_817 = arith.subf %get3A_791, %sub3A_816 : vector<16xf32>
        %neg3A_818 = arith.constant 0.000000e+00 : f32
        %neg3A_819 = vector.broadcast %neg3A_818 : f32 to vector<16xf32>
        %neg3A_820 = arith.subf %neg3A_819, %sub3A_817 : vector<16xf32>
        %mul3A_821 = arith.mulf %neg3A_820, %sub3A_817 : vector<16xf32>
        %div3A_822 = arith.constant 0.00999999977 : f32
        %div3A_823 = vector.broadcast %div3A_822 : f32 to vector<16xf32>
        %div3A_824 = arith.divf %mul3A_821, %div3A_823 : vector<16xf32>
        %exp3A_825 = math.exp %div3A_824 : vector<16xf32>
        %mul3A_826 = arith.mulf %exp3A_815, %exp3A_825 : vector<16xf32>
        %add3A_827 = vector.broadcast %while3A_737 : i32 to vector<16xi32>
        %add3A_828 = arith.addi %iota3A, %add3A_827 : vector<16xi32>
        %lt3A = vector.broadcast %sub3A_685 : i32 to vector<16xi32>
        %lt3A_829 = arith.cmpi slt, %add3A_828, %lt3A : vector<16xi32>
        %jit3A_830 = arith.constant 0.000000e+00 : f32
        %broadcast_in_dim3A_831 = vector.broadcast %jit3A_830 : f32 to vector<16xf32>
        %select_n3A_832 = arith.select %lt3A_829, %mul3A_826, %broadcast_in_dim3A_831 : vector<16xi1>, vector<16xf32>
        %convert_element_type3A = arith.extui %lt3A_829 : vector<16xi1> to vector<16xi32>
        %convert_element_type3A_833 = arith.sitofp %convert_element_type3A : vector<16xi32> to vector<16xf32>
        %mul3A_834 = arith.constant 9.99999997E-7 : f32
        %mul3A_835 = vector.broadcast %mul3A_834 : f32 to vector<16xf32>
        %mul3A_836 = arith.mulf %convert_element_type3A_833, %mul3A_835 : vector<16xf32>
        %add3A_837 = arith.addf %select_n3A_832, %mul3A_836 : vector<16xf32>
        %jit3A_838 = arith.constant 0.000000e+00 : f32
        %broadcast_in_dim3A_839 = vector.broadcast %jit3A_838 : f32 to vector<16xf32>
        %select_n3A_840 = arith.select %lt3A_829, %get3A_791, %broadcast_in_dim3A_839 : vector<16xi1>, vector<16xf32>
        %add3A_841 = arith.constant 16 : i32
        %add3A_842 = arith.addi %while3A_737, %add3A_841 : i32
        %add3A_843 = arith.addf %while3A_738, %add3A_837 : vector<16xf32>
        %mul3A_844 = arith.mulf %add3A_837, %select_n3A_840 : vector<16xf32>
        %add3A_845 = arith.addf %while3A_739, %mul3A_844 : vector<16xf32>
        scf.yield %add3A_842, %add3A_843, %add3A_845 : i32, vector<16xf32>, vector<16xf32>
      }
      %gather3A_715 = tpu.vector_load_idx %arg18[%add3A_680] : memref<128xf32, #tpu.memory_space<vmem>>[vector<16xi32>], vector<16xf32>,
      %slice3A_716 = vector.extract_strided_slice %gather3A_715 {offsets = [0], sizes = [1], strides = [1]} : vector<16xf32> to vector<1xf32>
      %squeeze3A_717 = vector.extract %slice3A_716[0] : f32 from vector<1xf32>
      %reduce_sum3A = arith.constant true
      %reduce_sum3A_718 = vector.broadcast %reduce_sum3A : i1 to vector<16xi1>
      %reduce_sum3A_719 = tpu.scan <sum>, %while3A_714#1 masked %reduce_sum3A_718 : vector<16xf32>, vector<16xi1> -> vector<16xf32>
      %reduce_sum3A_720 = vector.extract %reduce_sum3A_719[15] : f32 from vector<16xf32>
      %add3A_721 = arith.addf %squeeze3A_717, %reduce_sum3A_720 : f32
      %mul3A_722 = arith.mulf %squeeze3A_717, %squeeze3A_688 : f32
      %reduce_sum3A_723 = arith.constant true
      %reduce_sum3A_724 = vector.broadcast %reduce_sum3A_723 : i1 to vector<16xi1>
      %reduce_sum3A_725 = tpu.scan <sum>, %while3A_714#2 masked %reduce_sum3A_724 : vector<16xf32>, vector<16xi1> -> vector<16xf32>
      %reduce_sum3A_726 = vector.extract %reduce_sum3A_725[15] : f32 from vector<16xf32>
      %add3A_727 = arith.addf %mul3A_722, %reduce_sum3A_726 : f32
      %broadcast_in_dim3A_728 = arith.constant 0.000000e+00 : f32
      %broadcast_in_dim3A_729 = vector.broadcast %broadcast_in_dim3A_728 : f32 to vector<16xf32>
      %add3A_730 = vector.broadcast %add3A_727 : f32 to vector<16xf32>
      %add3A_731 = arith.addf %broadcast_in_dim3A_729, %add3A_730 : vector<16xf32>
      %add3A_732 = vector.broadcast %add3A_721 : f32 to vector<16xf32>
      %add3A_733 = arith.addf %broadcast_in_dim3A_729, %add3A_732 : vector<16xf32>
      %div3A_734 = arith.divf %add3A_731, %add3A_733 : vector<16xf32>
      %eq3A = arith.constant 0 : i32
      %eq3A_735 = vector.broadcast %eq3A : i32 to vector<16xi32>
      %eq3A_736 = arith.cmpi eq, %iota3A, %eq3A_735 : vector<16xi32>
      tpu.vector_store_idx %arg24[%add3A_680], %div3A_734 masked %eq3A_736 : memref<128xf32, #tpu.memory_space<vmem>>[vector<16xi32>], vector<16xf32>, vector<16xi1>
    }
    %scan3A_674 = arith.constant 128 : i32
    "tpu.region"() ({
      %run_scoped3A = tpu.sem_alloc : memref<!tpu.dma_semaphore, #tpu.memory_space<semaphore_mem>>
      %dma_start3A_675 = tpu.memref_slice %arg8[%mul3A_2] : memref<4096xf32, #tpu.memory_space<hbm>> -> memref<128xf32, #tpu.memory_space<hbm>>
      %dma_start3A_676 = tpu.memref_slice %arg8[%mul3A_2] : memref<4096xf32, #tpu.memory_space<hbm>> -> memref<128xf32, #tpu.memory_space<hbm>>
      tpu.enqueue_dma source(%arg24 : memref<128xf32, #tpu.memory_space<vmem>>) target(%dma_start3A_676 : memref<128xf32, #tpu.memory_space<hbm>>) target_semaphore(%run_scoped3A : memref<!tpu.dma_semaphore, #tpu.memory_space<semaphore_mem>>)
      %dma_wait3A_677 = tpu.memref_slice %arg8[%mul3A_2] : memref<4096xf32, #tpu.memory_space<hbm>> -> memref<128xf32, #tpu.memory_space<hbm>>
      %dma_wait3A_678 = tpu.memref_slice %arg8[%mul3A_2] : memref<4096xf32, #tpu.memory_space<hbm>> -> memref<128xf32, #tpu.memory_space<hbm>>
      tpu.wait_dma2 semaphore(%run_scoped3A : memref<!tpu.dma_semaphore, #tpu.memory_space<semaphore_mem>>) src(%arg24 : memref<128xf32, #tpu.memory_space<vmem>>) dst(%dma_wait3A_678 : memref<128xf32, #tpu.memory_space<hbm>>)
      tpu.yield
    }) : () -> ()
    return
  }
}

#map = affine_map<(d0, d1) -> (0)>
module attributes {stable_mosaic.version = 14 : i64} {
  func.func @_idw_body(%arg0: i32, %arg1: i32, %arg2: memref<12288xf32, #tpu.memory_space<hbm>>, %arg3: memref<300000xf32, #tpu.memory_space<hbm>>, %arg4: memref<100000xf32, #tpu.memory_space<hbm>>, %arg5: memref<1600032xi32, #tpu.memory_space<hbm>>, %arg6: memref<100001xi32, #tpu.memory_space<hbm>>, %arg7: memref<4096xi32, #tpu.memory_space<hbm>>, %arg8: memref<4096xf32, #tpu.memory_space<hbm>>, %arg9: memref<384xf32, #tpu.memory_space<vmem>>, %arg10: memref<128xi32, #tpu.memory_space<vmem>>, %arg11: memref<128xi32, #tpu.memory_space<vmem>>, %arg12: memref<128xi32, #tpu.memory_space<vmem>>, %arg13: memref<128xi32, #tpu.memory_space<vmem>>, %arg14: memref<128xf32, #tpu.memory_space<vmem>>, %arg15: memref<128xf32, #tpu.memory_space<vmem>>, %arg16: memref<128xf32, #tpu.memory_space<vmem>>, %arg17: memref<128xf32, #tpu.memory_space<vmem>>, %arg18: memref<128xf32, #tpu.memory_space<vmem>>, %arg19: memref<24xi32, #tpu.memory_space<vmem>>, %arg20: memref<16xf32, #tpu.memory_space<vmem>>, %arg21: memref<16xf32, #tpu.memory_space<vmem>>, %arg22: memref<16xf32, #tpu.memory_space<vmem>>, %arg23: memref<16xf32, #tpu.memory_space<vmem>>, %arg24: memref<128xf32, #tpu.memory_space<vmem>>, %arg25: memref<!tpu.dma_semaphore, #tpu.memory_space<semaphore_mem>>, %arg26: memref<!tpu.dma_semaphore, #tpu.memory_space<semaphore_mem>>, %arg27: memref<!tpu.dma_semaphore, #tpu.memory_space<semaphore_mem>>, %arg28: memref<!tpu.dma_semaphore, #tpu.memory_space<semaphore_mem>>) attributes {dimension_semantics = [#tpu.dimension_semantics<core_parallel>, #tpu.dimension_semantics<subcore_parallel>], iteration_bounds = array<i64: 2, 16>, scalar_prefetch = 0 : i64, scratch_operands = 20 : i64, tpu.core_type = #tpu.core_type<sc_vector_subcore>, window_params = [{transform_indices = #map}, {transform_indices = #map}, {transform_indices = #map}, {transform_indices = #map}, {transform_indices = #map}, {transform_indices = #map}, {transform_indices = #map}]} {
    %mul3A = arith.constant 2 : i32
    %mul3A_0 = arith.muli %arg1, %mul3A : i32
    %add3A = arith.addi %mul3A_0, %arg0 : i32
    %mul3A_1 = arith.constant 128 : i32
    %mul3A_2 = arith.muli %add3A, %mul3A_1 : i32
    %iota3A = tpu.iota {dimensions = array<i32: 0>} : vector<16xi32>
    %mul3A_3 = arith.constant 3 : i32
    %mul3A_4 = arith.muli %mul3A_2, %mul3A_3 : i32
    "tpu.region"() ({
      %run_scoped3A = tpu.sem_alloc : memref<!tpu.dma_semaphore, #tpu.memory_space<semaphore_mem>>
      %dma_start3A_675 = tpu.memref_slice %arg2[%mul3A_4] : memref<12288xf32, #tpu.memory_space<hbm>> -> memref<384xf32, #tpu.memory_space<hbm>>
      %dma_start3A_676 = tpu.memref_slice %arg2[%mul3A_4] : memref<12288xf32, #tpu.memory_space<hbm>> -> memref<384xf32, #tpu.memory_space<hbm>>
      tpu.enqueue_dma source(%dma_start3A_676 : memref<384xf32, #tpu.memory_space<hbm>>) target(%arg9 : memref<384xf32, #tpu.memory_space<vmem>>) target_semaphore(%run_scoped3A : memref<!tpu.dma_semaphore, #tpu.memory_space<semaphore_mem>>)
      %dma_wait3A_677 = tpu.memref_slice %arg2[%mul3A_4] : memref<12288xf32, #tpu.memory_space<hbm>> -> memref<384xf32, #tpu.memory_space<hbm>>
      %dma_wait3A_678 = tpu.memref_slice %arg2[%mul3A_4] : memref<12288xf32, #tpu.memory_space<hbm>> -> memref<384xf32, #tpu.memory_space<hbm>>
      tpu.wait_dma2 semaphore(%run_scoped3A : memref<!tpu.dma_semaphore, #tpu.memory_space<semaphore_mem>>) src(%dma_wait3A_678 : memref<384xf32, #tpu.memory_space<hbm>>) dst(%arg9 : memref<384xf32, #tpu.memory_space<vmem>>)
      tpu.yield
    }) : () -> ()
    %add3A_5 = arith.constant 0 : i32
    %add3A_6 = arith.addi %mul3A_2, %add3A_5 : i32
    "tpu.region"() ({
      %run_scoped3A = tpu.sem_alloc : memref<!tpu.dma_semaphore, #tpu.memory_space<semaphore_mem>>
      %dma_start3A_675 = tpu.memref_slice %arg7[%add3A_6] : memref<4096xi32, #tpu.memory_space<hbm>> -> memref<128xi32, #tpu.memory_space<hbm>>
      %dma_start3A_676 = tpu.memref_slice %arg7[%add3A_6] : memref<4096xi32, #tpu.memory_space<hbm>> -> memref<128xi32, #tpu.memory_space<hbm>>
      tpu.enqueue_dma source(%dma_start3A_676 : memref<128xi32, #tpu.memory_space<hbm>>) target(%arg10 : memref<128xi32, #tpu.memory_space<vmem>>) target_semaphore(%run_scoped3A : memref<!tpu.dma_semaphore, #tpu.memory_space<semaphore_mem>>)
      %dma_wait3A_677 = tpu.memref_slice %arg7[%add3A_6] : memref<4096xi32, #tpu.memory_space<hbm>> -> memref<128xi32, #tpu.memory_space<hbm>>
      %dma_wait3A_678 = tpu.memref_slice %arg7[%add3A_6] : memref<4096xi32, #tpu.memory_space<hbm>> -> memref<128xi32, #tpu.memory_space<hbm>>
      tpu.wait_dma2 semaphore(%run_scoped3A : memref<!tpu.dma_semaphore, #tpu.memory_space<semaphore_mem>>) src(%dma_wait3A_678 : memref<128xi32, #tpu.memory_space<hbm>>) dst(%arg10 : memref<128xi32, #tpu.memory_space<vmem>>)
      tpu.yield
    }) : () -> ()
    %get3A = arith.constant 0 : index
    %get3A_7 = tpu.vector_load %arg10[%get3A] {strides = array<i32>} : memref<128xi32, #tpu.memory_space<vmem>>, vector<16xi32>,
    %add3A_8 = arith.constant 1 : i32
    %add3A_9 = vector.broadcast %add3A_8 : i32 to vector<16xi32>
    %add3A_10 = arith.addi %get3A_7, %add3A_9 : vector<16xi32>
    %swap3A = arith.constant 0 : index
    %swap3A_11 = tpu.vector_load %arg11[%swap3A] {strides = array<i32>} : memref<128xi32, #tpu.memory_space<vmem>>, vector<16xi32>,
    tpu.vector_store %arg11[%swap3A], %add3A_10 {strides = array<i32>} : memref<128xi32, #tpu.memory_space<vmem>>, vector<16xi32>,
    %get3A_12 = arith.constant 16 : index
    %get3A_13 = tpu.vector_load %arg10[%get3A_12] {strides = array<i32>} : memref<128xi32, #tpu.memory_space<vmem>>, vector<16xi32>,
    %add3A_14 = arith.constant 1 : i32
    %add3A_15 = vector.broadcast %add3A_14 : i32 to vector<16xi32>
    %add3A_16 = arith.addi %get3A_13, %add3A_15 : vector<16xi32>
    %swap3A_17 = arith.constant 16 : index
    %swap3A_18 = tpu.vector_load %arg11[%swap3A_17] {strides = array<i32>} : memref<128xi32, #tpu.memory_space<vmem>>, vector<16xi32>,
    tpu.vector_store %arg11[%swap3A_17], %add3A_16 {strides = array<i32>} : memref<128xi32, #tpu.memory_space<vmem>>, vector<16xi32>,
    %get3A_19 = arith.constant 32 : index
    %get3A_20 = tpu.vector_load %arg10[%get3A_19] {strides = array<i32>} : memref<128xi32, #tpu.memory_space<vmem>>, vector<16xi32>,
    %add3A_21 = arith.constant 1 : i32
    %add3A_22 = vector.broadcast %add3A_21 : i32 to vector<16xi32>
    %add3A_23 = arith.addi %get3A_20, %add3A_22 : vector<16xi32>
    %swap3A_24 = arith.constant 32 : index
    %swap3A_25 = tpu.vector_load %arg11[%swap3A_24] {strides = array<i32>} : memref<128xi32, #tpu.memory_space<vmem>>, vector<16xi32>,
    tpu.vector_store %arg11[%swap3A_24], %add3A_23 {strides = array<i32>} : memref<128xi32, #tpu.memory_space<vmem>>, vector<16xi32>,
    %get3A_26 = arith.constant 48 : index
    %get3A_27 = tpu.vector_load %arg10[%get3A_26] {strides = array<i32>} : memref<128xi32, #tpu.memory_space<vmem>>, vector<16xi32>,
    %add3A_28 = arith.constant 1 : i32
    %add3A_29 = vector.broadcast %add3A_28 : i32 to vector<16xi32>
    %add3A_30 = arith.addi %get3A_27, %add3A_29 : vector<16xi32>
    %swap3A_31 = arith.constant 48 : index
    %swap3A_32 = tpu.vector_load %arg11[%swap3A_31] {strides = array<i32>} : memref<128xi32, #tpu.memory_space<vmem>>, vector<16xi32>,
    tpu.vector_store %arg11[%swap3A_31], %add3A_30 {strides = array<i32>} : memref<128xi32, #tpu.memory_space<vmem>>, vector<16xi32>,
    %get3A_33 = arith.constant 64 : index
    %get3A_34 = tpu.vector_load %arg10[%get3A_33] {strides = array<i32>} : memref<128xi32, #tpu.memory_space<vmem>>, vector<16xi32>,
    %add3A_35 = arith.constant 1 : i32
    %add3A_36 = vector.broadcast %add3A_35 : i32 to vector<16xi32>
    %add3A_37 = arith.addi %get3A_34, %add3A_36 : vector<16xi32>
    %swap3A_38 = arith.constant 64 : index
    %swap3A_39 = tpu.vector_load %arg11[%swap3A_38] {strides = array<i32>} : memref<128xi32, #tpu.memory_space<vmem>>, vector<16xi32>,
    tpu.vector_store %arg11[%swap3A_38], %add3A_37 {strides = array<i32>} : memref<128xi32, #tpu.memory_space<vmem>>, vector<16xi32>,
    %get3A_40 = arith.constant 80 : index
    %get3A_41 = tpu.vector_load %arg10[%get3A_40] {strides = array<i32>} : memref<128xi32, #tpu.memory_space<vmem>>, vector<16xi32>,
    %add3A_42 = arith.constant 1 : i32
    %add3A_43 = vector.broadcast %add3A_42 : i32 to vector<16xi32>
    %add3A_44 = arith.addi %get3A_41, %add3A_43 : vector<16xi32>
    %swap3A_45 = arith.constant 80 : index
    %swap3A_46 = tpu.vector_load %arg11[%swap3A_45] {strides = array<i32>} : memref<128xi32, #tpu.memory_space<vmem>>, vector<16xi32>,
    tpu.vector_store %arg11[%swap3A_45], %add3A_44 {strides = array<i32>} : memref<128xi32, #tpu.memory_space<vmem>>, vector<16xi32>,
    %get3A_47 = arith.constant 96 : index
    %get3A_48 = tpu.vector_load %arg10[%get3A_47] {strides = array<i32>} : memref<128xi32, #tpu.memory_space<vmem>>, vector<16xi32>,
    %add3A_49 = arith.constant 1 : i32
    %add3A_50 = vector.broadcast %add3A_49 : i32 to vector<16xi32>
    %add3A_51 = arith.addi %get3A_48, %add3A_50 : vector<16xi32>
    %swap3A_52 = arith.constant 96 : index
    %swap3A_53 = tpu.vector_load %arg11[%swap3A_52] {strides = array<i32>} : memref<128xi32, #tpu.memory_space<vmem>>, vector<16xi32>,
    tpu.vector_store %arg11[%swap3A_52], %add3A_51 {strides = array<i32>} : memref<128xi32, #tpu.memory_space<vmem>>, vector<16xi32>,
    %get3A_54 = arith.constant 112 : index
    %get3A_55 = tpu.vector_load %arg10[%get3A_54] {strides = array<i32>} : memref<128xi32, #tpu.memory_space<vmem>>, vector<16xi32>,
    %add3A_56 = arith.constant 1 : i32
    %add3A_57 = vector.broadcast %add3A_56 : i32 to vector<16xi32>
    %add3A_58 = arith.addi %get3A_55, %add3A_57 : vector<16xi32>
    %swap3A_59 = arith.constant 112 : index
    %swap3A_60 = tpu.vector_load %arg11[%swap3A_59] {strides = array<i32>} : memref<128xi32, #tpu.memory_space<vmem>>, vector<16xi32>,
    tpu.vector_store %arg11[%swap3A_59], %add3A_58 {strides = array<i32>} : memref<128xi32, #tpu.memory_space<vmem>>, vector<16xi32>,
    %dma_start3A = arith.constant 0 : i32
    %dma_start3A_61 = tpu.memref_slice %arg12[%dma_start3A] : memref<128xi32, #tpu.memory_space<vmem>> -> memref<128xi32, #tpu.memory_space<vmem>>
    %dma_start3A_62 = arith.constant 0 : i32
    %dma_start3A_63 = tpu.memref_slice %arg6[%dma_start3A_62] : memref<100001xi32, #tpu.memory_space<hbm>> -> memref<100001xi32, #tpu.memory_space<hbm>>
    tpu.enqueue_indirect_dma source(%dma_start3A_63 : memref<100001xi32, #tpu.memory_space<hbm>>) target(%dma_start3A_61 : memref<128xi32, #tpu.memory_space<vmem>>) offsets(%arg10 : memref<128xi32, #tpu.memory_space<vmem>>) semaphore(%arg25 : memref<!tpu.dma_semaphore, #tpu.memory_space<semaphore_mem>>)
    %dma_start3A_64 = arith.constant 0 : i32
    %dma_start3A_65 = tpu.memref_slice %arg13[%dma_start3A_64] : memref<128xi32, #tpu.memory_space<vmem>> -> memref<128xi32, #tpu.memory_space<vmem>>
    %dma_start3A_66 = arith.constant 0 : i32
    %dma_start3A_67 = tpu.memref_slice %arg6[%dma_start3A_66] : memref<100001xi32, #tpu.memory_space<hbm>> -> memref<100001xi32, #tpu.memory_space<hbm>>
    tpu.enqueue_indirect_dma source(%dma_start3A_67 : memref<100001xi32, #tpu.memory_space<hbm>>) target(%dma_start3A_65 : memref<128xi32, #tpu.memory_space<vmem>>) offsets(%arg11 : memref<128xi32, #tpu.memory_space<vmem>>) semaphore(%arg26 : memref<!tpu.dma_semaphore, #tpu.memory_space<semaphore_mem>>)
    %dma_start3A_68 = arith.constant 0 : i32
    %dma_start3A_69 = tpu.memref_slice %arg14[%dma_start3A_68] : memref<128xf32, #tpu.memory_space<vmem>> -> memref<128xf32, #tpu.memory_space<vmem>>
    %dma_start3A_70 = arith.constant 0 : i32
    %dma_start3A_71 = tpu.memref_slice %arg4[%dma_start3A_70] : memref<100000xf32, #tpu.memory_space<hbm>> -> memref<100000xf32, #tpu.memory_space<hbm>>
    tpu.enqueue_indirect_dma source(%dma_start3A_71 : memref<100000xf32, #tpu.memory_space<hbm>>) target(%dma_start3A_69 : memref<128xf32, #tpu.memory_space<vmem>>) offsets(%arg10 : memref<128xi32, #tpu.memory_space<vmem>>) semaphore(%arg27 : memref<!tpu.dma_semaphore, #tpu.memory_space<semaphore_mem>>)
    %dma_wait3A = arith.constant 0 : i32
    %dma_wait3A_72 = tpu.memref_slice %arg12[%dma_wait3A] : memref<128xi32, #tpu.memory_space<vmem>> -> memref<128xi32, #tpu.memory_space<vmem>>
    %dma_wait3A_73 = arith.constant 0 : i32
    %dma_wait3A_74 = tpu.memref_slice %arg6[%dma_wait3A_73] : memref<100001xi32, #tpu.memory_space<hbm>> -> memref<100001xi32, #tpu.memory_space<hbm>>
    tpu.wait_indirect_dma semaphore(%arg25 : memref<!tpu.dma_semaphore, #tpu.memory_space<semaphore_mem>>) src(%dma_wait3A_74 : memref<100001xi32, #tpu.memory_space<hbm>>) dst(%dma_wait3A_72 : memref<128xi32, #tpu.memory_space<vmem>>)
    %dma_wait3A_75 = arith.constant 0 : i32
    %dma_wait3A_76 = tpu.memref_slice %arg13[%dma_wait3A_75] : memref<128xi32, #tpu.memory_space<vmem>> -> memref<128xi32, #tpu.memory_space<vmem>>
    %dma_wait3A_77 = arith.constant 0 : i32
    %dma_wait3A_78 = tpu.memref_slice %arg6[%dma_wait3A_77] : memref<100001xi32, #tpu.memory_space<hbm>> -> memref<100001xi32, #tpu.memory_space<hbm>>
    tpu.wait_indirect_dma semaphore(%arg26 : memref<!tpu.dma_semaphore, #tpu.memory_space<semaphore_mem>>) src(%dma_wait3A_78 : memref<100001xi32, #tpu.memory_space<hbm>>) dst(%dma_wait3A_76 : memref<128xi32, #tpu.memory_space<vmem>>)
    %dma_wait3A_79 = arith.constant 0 : i32
    %dma_wait3A_80 = tpu.memref_slice %arg14[%dma_wait3A_79] : memref<128xf32, #tpu.memory_space<vmem>> -> memref<128xf32, #tpu.memory_space<vmem>>
    %dma_wait3A_81 = arith.constant 0 : i32
    %dma_wait3A_82 = tpu.memref_slice %arg4[%dma_wait3A_81] : memref<100000xf32, #tpu.memory_space<hbm>> -> memref<100000xf32, #tpu.memory_space<hbm>>
    tpu.wait_indirect_dma semaphore(%arg27 : memref<!tpu.dma_semaphore, #tpu.memory_space<semaphore_mem>>) src(%dma_wait3A_82 : memref<100000xf32, #tpu.memory_space<hbm>>) dst(%dma_wait3A_80 : memref<128xf32, #tpu.memory_space<vmem>>)
    %get3A_83 = arith.constant 0 : index
    %get3A_84 = tpu.vector_load %arg10[%get3A_83] {strides = array<i32>} : memref<128xi32, #tpu.memory_space<vmem>>, vector<16xi32>,
    %mul3A_85 = arith.constant 3 : i32
    %mul3A_86 = vector.broadcast %mul3A_85 : i32 to vector<16xi32>
    %mul3A_87 = arith.muli %get3A_84, %mul3A_86 : vector<16xi32>
    %add3A_88 = arith.constant 0 : i32
    %add3A_89 = vector.broadcast %add3A_88 : i32 to vector<16xi32>
    %add3A_90 = arith.addi %mul3A_87, %add3A_89 : vector<16xi32>
    %swap3A_91 = arith.constant 0 : index
    %swap3A_92 = tpu.vector_load %arg11[%swap3A_91] {strides = array<i32>} : memref<128xi32, #tpu.memory_space<vmem>>, vector<16xi32>,
    tpu.vector_store %arg11[%swap3A_91], %add3A_90 {strides = array<i32>} : memref<128xi32, #tpu.memory_space<vmem>>, vector<16xi32>,
    %get3A_93 = arith.constant 16 : index
    %get3A_94 = tpu.vector_load %arg10[%get3A_93] {strides = array<i32>} : memref<128xi32, #tpu.memory_space<vmem>>, vector<16xi32>,
    %mul3A_95 = arith.constant 3 : i32
    %mul3A_96 = vector.broadcast %mul3A_95 : i32 to vector<16xi32>
    %mul3A_97 = arith.muli %get3A_94, %mul3A_96 : vector<16xi32>
    %add3A_98 = arith.constant 0 : i32
    %add3A_99 = vector.broadcast %add3A_98 : i32 to vector<16xi32>
    %add3A_100 = arith.addi %mul3A_97, %add3A_99 : vector<16xi32>
    %swap3A_101 = arith.constant 16 : index
    %swap3A_102 = tpu.vector_load %arg11[%swap3A_101] {strides = array<i32>} : memref<128xi32, #tpu.memory_space<vmem>>, vector<16xi32>,
    tpu.vector_store %arg11[%swap3A_101], %add3A_100 {strides = array<i32>} : memref<128xi32, #tpu.memory_space<vmem>>, vector<16xi32>,
    %get3A_103 = arith.constant 32 : index
    %get3A_104 = tpu.vector_load %arg10[%get3A_103] {strides = array<i32>} : memref<128xi32, #tpu.memory_space<vmem>>, vector<16xi32>,
    %mul3A_105 = arith.constant 3 : i32
    %mul3A_106 = vector.broadcast %mul3A_105 : i32 to vector<16xi32>
    %mul3A_107 = arith.muli %get3A_104, %mul3A_106 : vector<16xi32>
    %add3A_108 = arith.constant 0 : i32
    %add3A_109 = vector.broadcast %add3A_108 : i32 to vector<16xi32>
    %add3A_110 = arith.addi %mul3A_107, %add3A_109 : vector<16xi32>
    %swap3A_111 = arith.constant 32 : index
    %swap3A_112 = tpu.vector_load %arg11[%swap3A_111] {strides = array<i32>} : memref<128xi32, #tpu.memory_space<vmem>>, vector<16xi32>,
    tpu.vector_store %arg11[%swap3A_111], %add3A_110 {strides = array<i32>} : memref<128xi32, #tpu.memory_space<vmem>>, vector<16xi32>,
    %get3A_113 = arith.constant 48 : index
    %get3A_114 = tpu.vector_load %arg10[%get3A_113] {strides = array<i32>} : memref<128xi32, #tpu.memory_space<vmem>>, vector<16xi32>,
    %mul3A_115 = arith.constant 3 : i32
    %mul3A_116 = vector.broadcast %mul3A_115 : i32 to vector<16xi32>
    %mul3A_117 = arith.muli %get3A_114, %mul3A_116 : vector<16xi32>
    %add3A_118 = arith.constant 0 : i32
    %add3A_119 = vector.broadcast %add3A_118 : i32 to vector<16xi32>
    %add3A_120 = arith.addi %mul3A_117, %add3A_119 : vector<16xi32>
    %swap3A_121 = arith.constant 48 : index
    %swap3A_122 = tpu.vector_load %arg11[%swap3A_121] {strides = array<i32>} : memref<128xi32, #tpu.memory_space<vmem>>, vector<16xi32>,
    tpu.vector_store %arg11[%swap3A_121], %add3A_120 {strides = array<i32>} : memref<128xi32, #tpu.memory_space<vmem>>, vector<16xi32>,
    %get3A_123 = arith.constant 64 : index
    %get3A_124 = tpu.vector_load %arg10[%get3A_123] {strides = array<i32>} : memref<128xi32, #tpu.memory_space<vmem>>, vector<16xi32>,
    %mul3A_125 = arith.constant 3 : i32
    %mul3A_126 = vector.broadcast %mul3A_125 : i32 to vector<16xi32>
    %mul3A_127 = arith.muli %get3A_124, %mul3A_126 : vector<16xi32>
    %add3A_128 = arith.constant 0 : i32
    %add3A_129 = vector.broadcast %add3A_128 : i32 to vector<16xi32>
    %add3A_130 = arith.addi %mul3A_127, %add3A_129 : vector<16xi32>
    %swap3A_131 = arith.constant 64 : index
    %swap3A_132 = tpu.vector_load %arg11[%swap3A_131] {strides = array<i32>} : memref<128xi32, #tpu.memory_space<vmem>>, vector<16xi32>,
    tpu.vector_store %arg11[%swap3A_131], %add3A_130 {strides = array<i32>} : memref<128xi32, #tpu.memory_space<vmem>>, vector<16xi32>,
    %get3A_133 = arith.constant 80 : index
    %get3A_134 = tpu.vector_load %arg10[%get3A_133] {strides = array<i32>} : memref<128xi32, #tpu.memory_space<vmem>>, vector<16xi32>,
    %mul3A_135 = arith.constant 3 : i32
    %mul3A_136 = vector.broadcast %mul3A_135 : i32 to vector<16xi32>
    %mul3A_137 = arith.muli %get3A_134, %mul3A_136 : vector<16xi32>
    %add3A_138 = arith.constant 0 : i32
    %add3A_139 = vector.broadcast %add3A_138 : i32 to vector<16xi32>
    %add3A_140 = arith.addi %mul3A_137, %add3A_139 : vector<16xi32>
    %swap3A_141 = arith.constant 80 : index
    %swap3A_142 = tpu.vector_load %arg11[%swap3A_141] {strides = array<i32>} : memref<128xi32, #tpu.memory_space<vmem>>, vector<16xi32>,
    tpu.vector_store %arg11[%swap3A_141], %add3A_140 {strides = array<i32>} : memref<128xi32, #tpu.memory_space<vmem>>, vector<16xi32>,
    %get3A_143 = arith.constant 96 : index
    %get3A_144 = tpu.vector_load %arg10[%get3A_143] {strides = array<i32>} : memref<128xi32, #tpu.memory_space<vmem>>, vector<16xi32>,
    %mul3A_145 = arith.constant 3 : i32
    %mul3A_146 = vector.broadcast %mul3A_145 : i32 to vector<16xi32>
    %mul3A_147 = arith.muli %get3A_144, %mul3A_146 : vector<16xi32>
    %add3A_148 = arith.constant 0 : i32
    %add3A_149 = vector.broadcast %add3A_148 : i32 to vector<16xi32>
    %add3A_150 = arith.addi %mul3A_147, %add3A_149 : vector<16xi32>
    %swap3A_151 = arith.constant 96 : index
    %swap3A_152 = tpu.vector_load %arg11[%swap3A_151] {strides = array<i32>} : memref<128xi32, #tpu.memory_space<vmem>>, vector<16xi32>,
    tpu.vector_store %arg11[%swap3A_151], %add3A_150 {strides = array<i32>} : memref<128xi32, #tpu.memory_space<vmem>>, vector<16xi32>,
    %get3A_153 = arith.constant 112 : index
    %get3A_154 = tpu.vector_load %arg10[%get3A_153] {strides = array<i32>} : memref<128xi32, #tpu.memory_space<vmem>>, vector<16xi32>,
    %mul3A_155 = arith.constant 3 : i32
    %mul3A_156 = vector.broadcast %mul3A_155 : i32 to vector<16xi32>
    %mul3A_157 = arith.muli %get3A_154, %mul3A_156 : vector<16xi32>
    %add3A_158 = arith.constant 0 : i32
    %add3A_159 = vector.broadcast %add3A_158 : i32 to vector<16xi32>
    %add3A_160 = arith.addi %mul3A_157, %add3A_159 : vector<16xi32>
    %swap3A_161 = arith.constant 112 : index
    %swap3A_162 = tpu.vector_load %arg11[%swap3A_161] {strides = array<i32>} : memref<128xi32, #tpu.memory_space<vmem>>, vector<16xi32>,
    tpu.vector_store %arg11[%swap3A_161], %add3A_160 {strides = array<i32>} : memref<128xi32, #tpu.memory_space<vmem>>, vector<16xi32>,
    %dma_start3A_163 = arith.constant 0 : i32
    %dma_start3A_164 = tpu.memref_slice %arg15[%dma_start3A_163] : memref<128xf32, #tpu.memory_space<vmem>> -> memref<128xf32, #tpu.memory_space<vmem>>
    %dma_start3A_165 = arith.constant 0 : i32
    %dma_start3A_166 = tpu.memref_slice %arg3[%dma_start3A_165] : memref<300000xf32, #tpu.memory_space<hbm>> -> memref<300000xf32, #tpu.memory_space<hbm>>
    tpu.enqueue_indirect_dma source(%dma_start3A_166 : memref<300000xf32, #tpu.memory_space<hbm>>) target(%dma_start3A_164 : memref<128xf32, #tpu.memory_space<vmem>>) offsets(%arg11 : memref<128xi32, #tpu.memory_space<vmem>>) semaphore(%arg25 : memref<!tpu.dma_semaphore, #tpu.memory_space<semaphore_mem>>)
    %dma_wait3A_167 = arith.constant 0 : i32
    %dma_wait3A_168 = tpu.memref_slice %arg15[%dma_wait3A_167] : memref<128xf32, #tpu.memory_space<vmem>> -> memref<128xf32, #tpu.memory_space<vmem>>
    %dma_wait3A_169 = arith.constant 0 : i32
    %dma_wait3A_170 = tpu.memref_slice %arg3[%dma_wait3A_169] : memref<300000xf32, #tpu.memory_space<hbm>> -> memref<300000xf32, #tpu.memory_space<hbm>>
    tpu.wait_indirect_dma semaphore(%arg25 : memref<!tpu.dma_semaphore, #tpu.memory_space<semaphore_mem>>) src(%dma_wait3A_170 : memref<300000xf32, #tpu.memory_space<hbm>>) dst(%dma_wait3A_168 : memref<128xf32, #tpu.memory_space<vmem>>)
    %get3A_171 = arith.constant 0 : index
    %get3A_172 = tpu.vector_load %arg10[%get3A_171] {strides = array<i32>} : memref<128xi32, #tpu.memory_space<vmem>>, vector<16xi32>,
    %mul3A_173 = arith.constant 3 : i32
    %mul3A_174 = vector.broadcast %mul3A_173 : i32 to vector<16xi32>
    %mul3A_175 = arith.muli %get3A_172, %mul3A_174 : vector<16xi32>
    %add3A_176 = arith.constant 1 : i32
    %add3A_177 = vector.broadcast %add3A_176 : i32 to vector<16xi32>
    %add3A_178 = arith.addi %mul3A_175, %add3A_177 : vector<16xi32>
    %swap3A_179 = arith.constant 0 : index
    %swap3A_180 = tpu.vector_load %arg11[%swap3A_179] {strides = array<i32>} : memref<128xi32, #tpu.memory_space<vmem>>, vector<16xi32>,
    tpu.vector_store %arg11[%swap3A_179], %add3A_178 {strides = array<i32>} : memref<128xi32, #tpu.memory_space<vmem>>, vector<16xi32>,
    %get3A_181 = arith.constant 16 : index
    %get3A_182 = tpu.vector_load %arg10[%get3A_181] {strides = array<i32>} : memref<128xi32, #tpu.memory_space<vmem>>, vector<16xi32>,
    %mul3A_183 = arith.constant 3 : i32
    %mul3A_184 = vector.broadcast %mul3A_183 : i32 to vector<16xi32>
    %mul3A_185 = arith.muli %get3A_182, %mul3A_184 : vector<16xi32>
    %add3A_186 = arith.constant 1 : i32
    %add3A_187 = vector.broadcast %add3A_186 : i32 to vector<16xi32>
    %add3A_188 = arith.addi %mul3A_185, %add3A_187 : vector<16xi32>
    %swap3A_189 = arith.constant 16 : index
    %swap3A_190 = tpu.vector_load %arg11[%swap3A_189] {strides = array<i32>} : memref<128xi32, #tpu.memory_space<vmem>>, vector<16xi32>,
    tpu.vector_store %arg11[%swap3A_189], %add3A_188 {strides = array<i32>} : memref<128xi32, #tpu.memory_space<vmem>>, vector<16xi32>,
    %get3A_191 = arith.constant 32 : index
    %get3A_192 = tpu.vector_load %arg10[%get3A_191] {strides = array<i32>} : memref<128xi32, #tpu.memory_space<vmem>>, vector<16xi32>,
    %mul3A_193 = arith.constant 3 : i32
    %mul3A_194 = vector.broadcast %mul3A_193 : i32 to vector<16xi32>
    %mul3A_195 = arith.muli %get3A_192, %mul3A_194 : vector<16xi32>
    %add3A_196 = arith.constant 1 : i32
    %add3A_197 = vector.broadcast %add3A_196 : i32 to vector<16xi32>
    %add3A_198 = arith.addi %mul3A_195, %add3A_197 : vector<16xi32>
    %swap3A_199 = arith.constant 32 : index
    %swap3A_200 = tpu.vector_load %arg11[%swap3A_199] {strides = array<i32>} : memref<128xi32, #tpu.memory_space<vmem>>, vector<16xi32>,
    tpu.vector_store %arg11[%swap3A_199], %add3A_198 {strides = array<i32>} : memref<128xi32, #tpu.memory_space<vmem>>, vector<16xi32>,
    %get3A_201 = arith.constant 48 : index
    %get3A_202 = tpu.vector_load %arg10[%get3A_201] {strides = array<i32>} : memref<128xi32, #tpu.memory_space<vmem>>, vector<16xi32>,
    %mul3A_203 = arith.constant 3 : i32
    %mul3A_204 = vector.broadcast %mul3A_203 : i32 to vector<16xi32>
    %mul3A_205 = arith.muli %get3A_202, %mul3A_204 : vector<16xi32>
    %add3A_206 = arith.constant 1 : i32
    %add3A_207 = vector.broadcast %add3A_206 : i32 to vector<16xi32>
    %add3A_208 = arith.addi %mul3A_205, %add3A_207 : vector<16xi32>
    %swap3A_209 = arith.constant 48 : index
    %swap3A_210 = tpu.vector_load %arg11[%swap3A_209] {strides = array<i32>} : memref<128xi32, #tpu.memory_space<vmem>>, vector<16xi32>,
    tpu.vector_store %arg11[%swap3A_209], %add3A_208 {strides = array<i32>} : memref<128xi32, #tpu.memory_space<vmem>>, vector<16xi32>,
    %get3A_211 = arith.constant 64 : index
    %get3A_212 = tpu.vector_load %arg10[%get3A_211] {strides = array<i32>} : memref<128xi32, #tpu.memory_space<vmem>>, vector<16xi32>,
    %mul3A_213 = arith.constant 3 : i32
    %mul3A_214 = vector.broadcast %mul3A_213 : i32 to vector<16xi32>
    %mul3A_215 = arith.muli %get3A_212, %mul3A_214 : vector<16xi32>
    %add3A_216 = arith.constant 1 : i32
    %add3A_217 = vector.broadcast %add3A_216 : i32 to vector<16xi32>
    %add3A_218 = arith.addi %mul3A_215, %add3A_217 : vector<16xi32>
    %swap3A_219 = arith.constant 64 : index
    %swap3A_220 = tpu.vector_load %arg11[%swap3A_219] {strides = array<i32>} : memref<128xi32, #tpu.memory_space<vmem>>, vector<16xi32>,
    tpu.vector_store %arg11[%swap3A_219], %add3A_218 {strides = array<i32>} : memref<128xi32, #tpu.memory_space<vmem>>, vector<16xi32>,
    %get3A_221 = arith.constant 80 : index
    %get3A_222 = tpu.vector_load %arg10[%get3A_221] {strides = array<i32>} : memref<128xi32, #tpu.memory_space<vmem>>, vector<16xi32>,
    %mul3A_223 = arith.constant 3 : i32
    %mul3A_224 = vector.broadcast %mul3A_223 : i32 to vector<16xi32>
    %mul3A_225 = arith.muli %get3A_222, %mul3A_224 : vector<16xi32>
    %add3A_226 = arith.constant 1 : i32
    %add3A_227 = vector.broadcast %add3A_226 : i32 to vector<16xi32>
    %add3A_228 = arith.addi %mul3A_225, %add3A_227 : vector<16xi32>
    %swap3A_229 = arith.constant 80 : index
    %swap3A_230 = tpu.vector_load %arg11[%swap3A_229] {strides = array<i32>} : memref<128xi32, #tpu.memory_space<vmem>>, vector<16xi32>,
    tpu.vector_store %arg11[%swap3A_229], %add3A_228 {strides = array<i32>} : memref<128xi32, #tpu.memory_space<vmem>>, vector<16xi32>,
    %get3A_231 = arith.constant 96 : index
    %get3A_232 = tpu.vector_load %arg10[%get3A_231] {strides = array<i32>} : memref<128xi32, #tpu.memory_space<vmem>>, vector<16xi32>,
    %mul3A_233 = arith.constant 3 : i32
    %mul3A_234 = vector.broadcast %mul3A_233 : i32 to vector<16xi32>
    %mul3A_235 = arith.muli %get3A_232, %mul3A_234 : vector<16xi32>
    %add3A_236 = arith.constant 1 : i32
    %add3A_237 = vector.broadcast %add3A_236 : i32 to vector<16xi32>
    %add3A_238 = arith.addi %mul3A_235, %add3A_237 : vector<16xi32>
    %swap3A_239 = arith.constant 96 : index
    %swap3A_240 = tpu.vector_load %arg11[%swap3A_239] {strides = array<i32>} : memref<128xi32, #tpu.memory_space<vmem>>, vector<16xi32>,
    tpu.vector_store %arg11[%swap3A_239], %add3A_238 {strides = array<i32>} : memref<128xi32, #tpu.memory_space<vmem>>, vector<16xi32>,
    %get3A_241 = arith.constant 112 : index
    %get3A_242 = tpu.vector_load %arg10[%get3A_241] {strides = array<i32>} : memref<128xi32, #tpu.memory_space<vmem>>, vector<16xi32>,
    %mul3A_243 = arith.constant 3 : i32
    %mul3A_244 = vector.broadcast %mul3A_243 : i32 to vector<16xi32>
    %mul3A_245 = arith.muli %get3A_242, %mul3A_244 : vector<16xi32>
    %add3A_246 = arith.constant 1 : i32
    %add3A_247 = vector.broadcast %add3A_246 : i32 to vector<16xi32>
    %add3A_248 = arith.addi %mul3A_245, %add3A_247 : vector<16xi32>
    %swap3A_249 = arith.constant 112 : index
    %swap3A_250 = tpu.vector_load %arg11[%swap3A_249] {strides = array<i32>} : memref<128xi32, #tpu.memory_space<vmem>>, vector<16xi32>,
    tpu.vector_store %arg11[%swap3A_249], %add3A_248 {strides = array<i32>} : memref<128xi32, #tpu.memory_space<vmem>>, vector<16xi32>,
    %dma_start3A_251 = arith.constant 0 : i32
    %dma_start3A_252 = tpu.memref_slice %arg16[%dma_start3A_251] : memref<128xf32, #tpu.memory_space<vmem>> -> memref<128xf32, #tpu.memory_space<vmem>>
    %dma_start3A_253 = arith.constant 0 : i32
    %dma_start3A_254 = tpu.memref_slice %arg3[%dma_start3A_253] : memref<300000xf32, #tpu.memory_space<hbm>> -> memref<300000xf32, #tpu.memory_space<hbm>>
    tpu.enqueue_indirect_dma source(%dma_start3A_254 : memref<300000xf32, #tpu.memory_space<hbm>>) target(%dma_start3A_252 : memref<128xf32, #tpu.memory_space<vmem>>) offsets(%arg11 : memref<128xi32, #tpu.memory_space<vmem>>) semaphore(%arg25 : memref<!tpu.dma_semaphore, #tpu.memory_space<semaphore_mem>>)
    %dma_wait3A_255 = arith.constant 0 : i32
    %dma_wait3A_256 = tpu.memref_slice %arg16[%dma_wait3A_255] : memref<128xf32, #tpu.memory_space<vmem>> -> memref<128xf32, #tpu.memory_space<vmem>>
    %dma_wait3A_257 = arith.constant 0 : i32
    %dma_wait3A_258 = tpu.memref_slice %arg3[%dma_wait3A_257] : memref<300000xf32, #tpu.memory_space<hbm>> -> memref<300000xf32, #tpu.memory_space<hbm>>
    tpu.wait_indirect_dma semaphore(%arg25 : memref<!tpu.dma_semaphore, #tpu.memory_space<semaphore_mem>>) src(%dma_wait3A_258 : memref<300000xf32, #tpu.memory_space<hbm>>) dst(%dma_wait3A_256 : memref<128xf32, #tpu.memory_space<vmem>>)
    %get3A_259 = arith.constant 0 : index
    %get3A_260 = tpu.vector_load %arg10[%get3A_259] {strides = array<i32>} : memref<128xi32, #tpu.memory_space<vmem>>, vector<16xi32>,
    %mul3A_261 = arith.constant 3 : i32
    %mul3A_262 = vector.broadcast %mul3A_261 : i32 to vector<16xi32>
    %mul3A_263 = arith.muli %get3A_260, %mul3A_262 : vector<16xi32>
    %add3A_264 = arith.constant 2 : i32
    %add3A_265 = vector.broadcast %add3A_264 : i32 to vector<16xi32>
    %add3A_266 = arith.addi %mul3A_263, %add3A_265 : vector<16xi32>
    %swap3A_267 = arith.constant 0 : index
    %swap3A_268 = tpu.vector_load %arg11[%swap3A_267] {strides = array<i32>} : memref<128xi32, #tpu.memory_space<vmem>>, vector<16xi32>,
    tpu.vector_store %arg11[%swap3A_267], %add3A_266 {strides = array<i32>} : memref<128xi32, #tpu.memory_space<vmem>>, vector<16xi32>,
    %get3A_269 = arith.constant 16 : index
    %get3A_270 = tpu.vector_load %arg10[%get3A_269] {strides = array<i32>} : memref<128xi32, #tpu.memory_space<vmem>>, vector<16xi32>,
    %mul3A_271 = arith.constant 3 : i32
    %mul3A_272 = vector.broadcast %mul3A_271 : i32 to vector<16xi32>
    %mul3A_273 = arith.muli %get3A_270, %mul3A_272 : vector<16xi32>
    %add3A_274 = arith.constant 2 : i32
    %add3A_275 = vector.broadcast %add3A_274 : i32 to vector<16xi32>
    %add3A_276 = arith.addi %mul3A_273, %add3A_275 : vector<16xi32>
    %swap3A_277 = arith.constant 16 : index
    %swap3A_278 = tpu.vector_load %arg11[%swap3A_277] {strides = array<i32>} : memref<128xi32, #tpu.memory_space<vmem>>, vector<16xi32>,
    tpu.vector_store %arg11[%swap3A_277], %add3A_276 {strides = array<i32>} : memref<128xi32, #tpu.memory_space<vmem>>, vector<16xi32>,
    %get3A_279 = arith.constant 32 : index
    %get3A_280 = tpu.vector_load %arg10[%get3A_279] {strides = array<i32>} : memref<128xi32, #tpu.memory_space<vmem>>, vector<16xi32>,
    %mul3A_281 = arith.constant 3 : i32
    %mul3A_282 = vector.broadcast %mul3A_281 : i32 to vector<16xi32>
    %mul3A_283 = arith.muli %get3A_280, %mul3A_282 : vector<16xi32>
    %add3A_284 = arith.constant 2 : i32
    %add3A_285 = vector.broadcast %add3A_284 : i32 to vector<16xi32>
    %add3A_286 = arith.addi %mul3A_283, %add3A_285 : vector<16xi32>
    %swap3A_287 = arith.constant 32 : index
    %swap3A_288 = tpu.vector_load %arg11[%swap3A_287] {strides = array<i32>} : memref<128xi32, #tpu.memory_space<vmem>>, vector<16xi32>,
    tpu.vector_store %arg11[%swap3A_287], %add3A_286 {strides = array<i32>} : memref<128xi32, #tpu.memory_space<vmem>>, vector<16xi32>,
    %get3A_289 = arith.constant 48 : index
    %get3A_290 = tpu.vector_load %arg10[%get3A_289] {strides = array<i32>} : memref<128xi32, #tpu.memory_space<vmem>>, vector<16xi32>,
    %mul3A_291 = arith.constant 3 : i32
    %mul3A_292 = vector.broadcast %mul3A_291 : i32 to vector<16xi32>
    %mul3A_293 = arith.muli %get3A_290, %mul3A_292 : vector<16xi32>
    %add3A_294 = arith.constant 2 : i32
    %add3A_295 = vector.broadcast %add3A_294 : i32 to vector<16xi32>
    %add3A_296 = arith.addi %mul3A_293, %add3A_295 : vector<16xi32>
    %swap3A_297 = arith.constant 48 : index
    %swap3A_298 = tpu.vector_load %arg11[%swap3A_297] {strides = array<i32>} : memref<128xi32, #tpu.memory_space<vmem>>, vector<16xi32>,
    tpu.vector_store %arg11[%swap3A_297], %add3A_296 {strides = array<i32>} : memref<128xi32, #tpu.memory_space<vmem>>, vector<16xi32>,
    %get3A_299 = arith.constant 64 : index
    %get3A_300 = tpu.vector_load %arg10[%get3A_299] {strides = array<i32>} : memref<128xi32, #tpu.memory_space<vmem>>, vector<16xi32>,
    %mul3A_301 = arith.constant 3 : i32
    %mul3A_302 = vector.broadcast %mul3A_301 : i32 to vector<16xi32>
    %mul3A_303 = arith.muli %get3A_300, %mul3A_302 : vector<16xi32>
    %add3A_304 = arith.constant 2 : i32
    %add3A_305 = vector.broadcast %add3A_304 : i32 to vector<16xi32>
    %add3A_306 = arith.addi %mul3A_303, %add3A_305 : vector<16xi32>
    %swap3A_307 = arith.constant 64 : index
    %swap3A_308 = tpu.vector_load %arg11[%swap3A_307] {strides = array<i32>} : memref<128xi32, #tpu.memory_space<vmem>>, vector<16xi32>,
    tpu.vector_store %arg11[%swap3A_307], %add3A_306 {strides = array<i32>} : memref<128xi32, #tpu.memory_space<vmem>>, vector<16xi32>,
    %get3A_309 = arith.constant 80 : index
    %get3A_310 = tpu.vector_load %arg10[%get3A_309] {strides = array<i32>} : memref<128xi32, #tpu.memory_space<vmem>>, vector<16xi32>,
    %mul3A_311 = arith.constant 3 : i32
    %mul3A_312 = vector.broadcast %mul3A_311 : i32 to vector<16xi32>
    %mul3A_313 = arith.muli %get3A_310, %mul3A_312 : vector<16xi32>
    %add3A_314 = arith.constant 2 : i32
    %add3A_315 = vector.broadcast %add3A_314 : i32 to vector<16xi32>
    %add3A_316 = arith.addi %mul3A_313, %add3A_315 : vector<16xi32>
    %swap3A_317 = arith.constant 80 : index
    %swap3A_318 = tpu.vector_load %arg11[%swap3A_317] {strides = array<i32>} : memref<128xi32, #tpu.memory_space<vmem>>, vector<16xi32>,
    tpu.vector_store %arg11[%swap3A_317], %add3A_316 {strides = array<i32>} : memref<128xi32, #tpu.memory_space<vmem>>, vector<16xi32>,
    %get3A_319 = arith.constant 96 : index
    %get3A_320 = tpu.vector_load %arg10[%get3A_319] {strides = array<i32>} : memref<128xi32, #tpu.memory_space<vmem>>, vector<16xi32>,
    %mul3A_321 = arith.constant 3 : i32
    %mul3A_322 = vector.broadcast %mul3A_321 : i32 to vector<16xi32>
    %mul3A_323 = arith.muli %get3A_320, %mul3A_322 : vector<16xi32>
    %add3A_324 = arith.constant 2 : i32
    %add3A_325 = vector.broadcast %add3A_324 : i32 to vector<16xi32>
    %add3A_326 = arith.addi %mul3A_323, %add3A_325 : vector<16xi32>
    %swap3A_327 = arith.constant 96 : index
    %swap3A_328 = tpu.vector_load %arg11[%swap3A_327] {strides = array<i32>} : memref<128xi32, #tpu.memory_space<vmem>>, vector<16xi32>,
    tpu.vector_store %arg11[%swap3A_327], %add3A_326 {strides = array<i32>} : memref<128xi32, #tpu.memory_space<vmem>>, vector<16xi32>,
    %get3A_329 = arith.constant 112 : index
    %get3A_330 = tpu.vector_load %arg10[%get3A_329] {strides = array<i32>} : memref<128xi32, #tpu.memory_space<vmem>>, vector<16xi32>,
    %mul3A_331 = arith.constant 3 : i32
    %mul3A_332 = vector.broadcast %mul3A_331 : i32 to vector<16xi32>
    %mul3A_333 = arith.muli %get3A_330, %mul3A_332 : vector<16xi32>
    %add3A_334 = arith.constant 2 : i32
    %add3A_335 = vector.broadcast %add3A_334 : i32 to vector<16xi32>
    %add3A_336 = arith.addi %mul3A_333, %add3A_335 : vector<16xi32>
    %swap3A_337 = arith.constant 112 : index
    %swap3A_338 = tpu.vector_load %arg11[%swap3A_337] {strides = array<i32>} : memref<128xi32, #tpu.memory_space<vmem>>, vector<16xi32>,
    tpu.vector_store %arg11[%swap3A_337], %add3A_336 {strides = array<i32>} : memref<128xi32, #tpu.memory_space<vmem>>, vector<16xi32>,
    %dma_start3A_339 = arith.constant 0 : i32
    %dma_start3A_340 = tpu.memref_slice %arg17[%dma_start3A_339] : memref<128xf32, #tpu.memory_space<vmem>> -> memref<128xf32, #tpu.memory_space<vmem>>
    %dma_start3A_341 = arith.constant 0 : i32
    %dma_start3A_342 = tpu.memref_slice %arg3[%dma_start3A_341] : memref<300000xf32, #tpu.memory_space<hbm>> -> memref<300000xf32, #tpu.memory_space<hbm>>
    tpu.enqueue_indirect_dma source(%dma_start3A_342 : memref<300000xf32, #tpu.memory_space<hbm>>) target(%dma_start3A_340 : memref<128xf32, #tpu.memory_space<vmem>>) offsets(%arg11 : memref<128xi32, #tpu.memory_space<vmem>>) semaphore(%arg25 : memref<!tpu.dma_semaphore, #tpu.memory_space<semaphore_mem>>)
    %dma_wait3A_343 = arith.constant 0 : i32
    %dma_wait3A_344 = tpu.memref_slice %arg17[%dma_wait3A_343] : memref<128xf32, #tpu.memory_space<vmem>> -> memref<128xf32, #tpu.memory_space<vmem>>
    %dma_wait3A_345 = arith.constant 0 : i32
    %dma_wait3A_346 = tpu.memref_slice %arg3[%dma_wait3A_345] : memref<300000xf32, #tpu.memory_space<hbm>> -> memref<300000xf32, #tpu.memory_space<hbm>>
    tpu.wait_indirect_dma semaphore(%arg25 : memref<!tpu.dma_semaphore, #tpu.memory_space<semaphore_mem>>) src(%dma_wait3A_346 : memref<300000xf32, #tpu.memory_space<hbm>>) dst(%dma_wait3A_344 : memref<128xf32, #tpu.memory_space<vmem>>)
    %add3A_347 = arith.constant 0 : i32
    %add3A_348 = vector.broadcast %add3A_347 : i32 to vector<16xi32>
    %add3A_349 = arith.addi %iota3A, %add3A_348 : vector<16xi32>
    %mul3A_350 = arith.constant 3 : i32
    %mul3A_351 = vector.broadcast %mul3A_350 : i32 to vector<16xi32>
    %mul3A_352 = arith.muli %add3A_349, %mul3A_351 : vector<16xi32>
    %gather3A = tpu.vector_load_idx %arg9[%mul3A_352] : memref<384xf32, #tpu.memory_space<vmem>>[vector<16xi32>], vector<16xf32>,
    %add3A_353 = arith.constant 1 : i32
    %add3A_354 = vector.broadcast %add3A_353 : i32 to vector<16xi32>
    %add3A_355 = arith.addi %mul3A_352, %add3A_354 : vector<16xi32>
    %gather3A_356 = tpu.vector_load_idx %arg9[%add3A_355] : memref<384xf32, #tpu.memory_space<vmem>>[vector<16xi32>], vector<16xf32>,
    %add3A_357 = arith.constant 2 : i32
    %add3A_358 = vector.broadcast %add3A_357 : i32 to vector<16xi32>
    %add3A_359 = arith.addi %mul3A_352, %add3A_358 : vector<16xi32>
    %gather3A_360 = tpu.vector_load_idx %arg9[%add3A_359] : memref<384xf32, #tpu.memory_space<vmem>>[vector<16xi32>], vector<16xf32>,
    %get3A_361 = arith.constant 0 : index
    %get3A_362 = tpu.vector_load %arg15[%get3A_361] {strides = array<i32>} : memref<128xf32, #tpu.memory_space<vmem>>, vector<16xf32>,
    %sub3A = arith.subf %gather3A, %get3A_362 : vector<16xf32>
    %get3A_363 = arith.constant 0 : index
    %get3A_364 = tpu.vector_load %arg16[%get3A_363] {strides = array<i32>} : memref<128xf32, #tpu.memory_space<vmem>>, vector<16xf32>,
    %sub3A_365 = arith.subf %gather3A_356, %get3A_364 : vector<16xf32>
    %get3A_366 = arith.constant 0 : index
    %get3A_367 = tpu.vector_load %arg17[%get3A_366] {strides = array<i32>} : memref<128xf32, #tpu.memory_space<vmem>>, vector<16xf32>,
    %sub3A_368 = arith.subf %gather3A_360, %get3A_367 : vector<16xf32>
    %mul3A_369 = arith.mulf %sub3A, %sub3A : vector<16xf32>
    %mul3A_370 = arith.mulf %sub3A_365, %sub3A_365 : vector<16xf32>
    %add3A_371 = arith.addf %mul3A_369, %mul3A_370 : vector<16xf32>
    %mul3A_372 = arith.mulf %sub3A_368, %sub3A_368 : vector<16xf32>
    %add3A_373 = arith.addf %add3A_371, %mul3A_372 : vector<16xf32>
    %neg3A = arith.constant 0.000000e+00 : f32
    %neg3A_374 = vector.broadcast %neg3A : f32 to vector<16xf32>
    %neg3A_375 = arith.subf %neg3A_374, %add3A_373 : vector<16xf32>
    %div3A = arith.constant 2.500000e-03 : f32
    %div3A_376 = vector.broadcast %div3A : f32 to vector<16xf32>
    %div3A_377 = arith.divf %neg3A_375, %div3A_376 : vector<16xf32>
    %exp3A = math.exp %div3A_377 : vector<16xf32>
    %add3A_378 = arith.constant 9.99999997E-7 : f32
    %add3A_379 = vector.broadcast %add3A_378 : f32 to vector<16xf32>
    %add3A_380 = arith.addf %exp3A, %add3A_379 : vector<16xf32>
    %swap3A_381 = arith.constant 0 : index
    %swap3A_382 = tpu.vector_load %arg18[%swap3A_381] {strides = array<i32>} : memref<128xf32, #tpu.memory_space<vmem>>, vector<16xf32>,
    tpu.vector_store %arg18[%swap3A_381], %add3A_380 {strides = array<i32>} : memref<128xf32, #tpu.memory_space<vmem>>, vector<16xf32>,
    %add3A_383 = arith.constant 16 : i32
    %add3A_384 = vector.broadcast %add3A_383 : i32 to vector<16xi32>
    %add3A_385 = arith.addi %iota3A, %add3A_384 : vector<16xi32>
    %mul3A_386 = arith.constant 3 : i32
    %mul3A_387 = vector.broadcast %mul3A_386 : i32 to vector<16xi32>
    %mul3A_388 = arith.muli %add3A_385, %mul3A_387 : vector<16xi32>
    %gather3A_389 = tpu.vector_load_idx %arg9[%mul3A_388] : memref<384xf32, #tpu.memory_space<vmem>>[vector<16xi32>], vector<16xf32>,
    %add3A_390 = arith.constant 1 : i32
    %add3A_391 = vector.broadcast %add3A_390 : i32 to vector<16xi32>
    %add3A_392 = arith.addi %mul3A_388, %add3A_391 : vector<16xi32>
    %gather3A_393 = tpu.vector_load_idx %arg9[%add3A_392] : memref<384xf32, #tpu.memory_space<vmem>>[vector<16xi32>], vector<16xf32>,
    %add3A_394 = arith.constant 2 : i32
    %add3A_395 = vector.broadcast %add3A_394 : i32 to vector<16xi32>
    %add3A_396 = arith.addi %mul3A_388, %add3A_395 : vector<16xi32>
    %gather3A_397 = tpu.vector_load_idx %arg9[%add3A_396] : memref<384xf32, #tpu.memory_space<vmem>>[vector<16xi32>], vector<16xf32>,
    %get3A_398 = arith.constant 16 : index
    %get3A_399 = tpu.vector_load %arg15[%get3A_398] {strides = array<i32>} : memref<128xf32, #tpu.memory_space<vmem>>, vector<16xf32>,
    %sub3A_400 = arith.subf %gather3A_389, %get3A_399 : vector<16xf32>
    %get3A_401 = arith.constant 16 : index
    %get3A_402 = tpu.vector_load %arg16[%get3A_401] {strides = array<i32>} : memref<128xf32, #tpu.memory_space<vmem>>, vector<16xf32>,
    %sub3A_403 = arith.subf %gather3A_393, %get3A_402 : vector<16xf32>
    %get3A_404 = arith.constant 16 : index
    %get3A_405 = tpu.vector_load %arg17[%get3A_404] {strides = array<i32>} : memref<128xf32, #tpu.memory_space<vmem>>, vector<16xf32>,
    %sub3A_406 = arith.subf %gather3A_397, %get3A_405 : vector<16xf32>
    %mul3A_407 = arith.mulf %sub3A_400, %sub3A_400 : vector<16xf32>
    %mul3A_408 = arith.mulf %sub3A_403, %sub3A_403 : vector<16xf32>
    %add3A_409 = arith.addf %mul3A_407, %mul3A_408 : vector<16xf32>
    %mul3A_410 = arith.mulf %sub3A_406, %sub3A_406 : vector<16xf32>
    %add3A_411 = arith.addf %add3A_409, %mul3A_410 : vector<16xf32>
    %neg3A_412 = arith.constant 0.000000e+00 : f32
    %neg3A_413 = vector.broadcast %neg3A_412 : f32 to vector<16xf32>
    %neg3A_414 = arith.subf %neg3A_413, %add3A_411 : vector<16xf32>
    %div3A_415 = arith.constant 2.500000e-03 : f32
    %div3A_416 = vector.broadcast %div3A_415 : f32 to vector<16xf32>
    %div3A_417 = arith.divf %neg3A_414, %div3A_416 : vector<16xf32>
    %exp3A_418 = math.exp %div3A_417 : vector<16xf32>
    %add3A_419 = arith.constant 9.99999997E-7 : f32
    %add3A_420 = vector.broadcast %add3A_419 : f32 to vector<16xf32>
    %add3A_421 = arith.addf %exp3A_418, %add3A_420 : vector<16xf32>
    %swap3A_422 = arith.constant 16 : index
    %swap3A_423 = tpu.vector_load %arg18[%swap3A_422] {strides = array<i32>} : memref<128xf32, #tpu.memory_space<vmem>>, vector<16xf32>,
    tpu.vector_store %arg18[%swap3A_422], %add3A_421 {strides = array<i32>} : memref<128xf32, #tpu.memory_space<vmem>>, vector<16xf32>,
    %add3A_424 = arith.constant 32 : i32
    %add3A_425 = vector.broadcast %add3A_424 : i32 to vector<16xi32>
    %add3A_426 = arith.addi %iota3A, %add3A_425 : vector<16xi32>
    %mul3A_427 = arith.constant 3 : i32
    %mul3A_428 = vector.broadcast %mul3A_427 : i32 to vector<16xi32>
    %mul3A_429 = arith.muli %add3A_426, %mul3A_428 : vector<16xi32>
    %gather3A_430 = tpu.vector_load_idx %arg9[%mul3A_429] : memref<384xf32, #tpu.memory_space<vmem>>[vector<16xi32>], vector<16xf32>,
    %add3A_431 = arith.constant 1 : i32
    %add3A_432 = vector.broadcast %add3A_431 : i32 to vector<16xi32>
    %add3A_433 = arith.addi %mul3A_429, %add3A_432 : vector<16xi32>
    %gather3A_434 = tpu.vector_load_idx %arg9[%add3A_433] : memref<384xf32, #tpu.memory_space<vmem>>[vector<16xi32>], vector<16xf32>,
    %add3A_435 = arith.constant 2 : i32
    %add3A_436 = vector.broadcast %add3A_435 : i32 to vector<16xi32>
    %add3A_437 = arith.addi %mul3A_429, %add3A_436 : vector<16xi32>
    %gather3A_438 = tpu.vector_load_idx %arg9[%add3A_437] : memref<384xf32, #tpu.memory_space<vmem>>[vector<16xi32>], vector<16xf32>,
    %get3A_439 = arith.constant 32 : index
    %get3A_440 = tpu.vector_load %arg15[%get3A_439] {strides = array<i32>} : memref<128xf32, #tpu.memory_space<vmem>>, vector<16xf32>,
    %sub3A_441 = arith.subf %gather3A_430, %get3A_440 : vector<16xf32>
    %get3A_442 = arith.constant 32 : index
    %get3A_443 = tpu.vector_load %arg16[%get3A_442] {strides = array<i32>} : memref<128xf32, #tpu.memory_space<vmem>>, vector<16xf32>,
    %sub3A_444 = arith.subf %gather3A_434, %get3A_443 : vector<16xf32>
    %get3A_445 = arith.constant 32 : index
    %get3A_446 = tpu.vector_load %arg17[%get3A_445] {strides = array<i32>} : memref<128xf32, #tpu.memory_space<vmem>>, vector<16xf32>,
    %sub3A_447 = arith.subf %gather3A_438, %get3A_446 : vector<16xf32>
    %mul3A_448 = arith.mulf %sub3A_441, %sub3A_441 : vector<16xf32>
    %mul3A_449 = arith.mulf %sub3A_444, %sub3A_444 : vector<16xf32>
    %add3A_450 = arith.addf %mul3A_448, %mul3A_449 : vector<16xf32>
    %mul3A_451 = arith.mulf %sub3A_447, %sub3A_447 : vector<16xf32>
    %add3A_452 = arith.addf %add3A_450, %mul3A_451 : vector<16xf32>
    %neg3A_453 = arith.constant 0.000000e+00 : f32
    %neg3A_454 = vector.broadcast %neg3A_453 : f32 to vector<16xf32>
    %neg3A_455 = arith.subf %neg3A_454, %add3A_452 : vector<16xf32>
    %div3A_456 = arith.constant 2.500000e-03 : f32
    %div3A_457 = vector.broadcast %div3A_456 : f32 to vector<16xf32>
    %div3A_458 = arith.divf %neg3A_455, %div3A_457 : vector<16xf32>
    %exp3A_459 = math.exp %div3A_458 : vector<16xf32>
    %add3A_460 = arith.constant 9.99999997E-7 : f32
    %add3A_461 = vector.broadcast %add3A_460 : f32 to vector<16xf32>
    %add3A_462 = arith.addf %exp3A_459, %add3A_461 : vector<16xf32>
    %swap3A_463 = arith.constant 32 : index
    %swap3A_464 = tpu.vector_load %arg18[%swap3A_463] {strides = array<i32>} : memref<128xf32, #tpu.memory_space<vmem>>, vector<16xf32>,
    tpu.vector_store %arg18[%swap3A_463], %add3A_462 {strides = array<i32>} : memref<128xf32, #tpu.memory_space<vmem>>, vector<16xf32>,
    %add3A_465 = arith.constant 48 : i32
    %add3A_466 = vector.broadcast %add3A_465 : i32 to vector<16xi32>
    %add3A_467 = arith.addi %iota3A, %add3A_466 : vector<16xi32>
    %mul3A_468 = arith.constant 3 : i32
    %mul3A_469 = vector.broadcast %mul3A_468 : i32 to vector<16xi32>
    %mul3A_470 = arith.muli %add3A_467, %mul3A_469 : vector<16xi32>
    %gather3A_471 = tpu.vector_load_idx %arg9[%mul3A_470] : memref<384xf32, #tpu.memory_space<vmem>>[vector<16xi32>], vector<16xf32>,
    %add3A_472 = arith.constant 1 : i32
    %add3A_473 = vector.broadcast %add3A_472 : i32 to vector<16xi32>
    %add3A_474 = arith.addi %mul3A_470, %add3A_473 : vector<16xi32>
    %gather3A_475 = tpu.vector_load_idx %arg9[%add3A_474] : memref<384xf32, #tpu.memory_space<vmem>>[vector<16xi32>], vector<16xf32>,
    %add3A_476 = arith.constant 2 : i32
    %add3A_477 = vector.broadcast %add3A_476 : i32 to vector<16xi32>
    %add3A_478 = arith.addi %mul3A_470, %add3A_477 : vector<16xi32>
    %gather3A_479 = tpu.vector_load_idx %arg9[%add3A_478] : memref<384xf32, #tpu.memory_space<vmem>>[vector<16xi32>], vector<16xf32>,
    %get3A_480 = arith.constant 48 : index
    %get3A_481 = tpu.vector_load %arg15[%get3A_480] {strides = array<i32>} : memref<128xf32, #tpu.memory_space<vmem>>, vector<16xf32>,
    %sub3A_482 = arith.subf %gather3A_471, %get3A_481 : vector<16xf32>
    %get3A_483 = arith.constant 48 : index
    %get3A_484 = tpu.vector_load %arg16[%get3A_483] {strides = array<i32>} : memref<128xf32, #tpu.memory_space<vmem>>, vector<16xf32>,
    %sub3A_485 = arith.subf %gather3A_475, %get3A_484 : vector<16xf32>
    %get3A_486 = arith.constant 48 : index
    %get3A_487 = tpu.vector_load %arg17[%get3A_486] {strides = array<i32>} : memref<128xf32, #tpu.memory_space<vmem>>, vector<16xf32>,
    %sub3A_488 = arith.subf %gather3A_479, %get3A_487 : vector<16xf32>
    %mul3A_489 = arith.mulf %sub3A_482, %sub3A_482 : vector<16xf32>
    %mul3A_490 = arith.mulf %sub3A_485, %sub3A_485 : vector<16xf32>
    %add3A_491 = arith.addf %mul3A_489, %mul3A_490 : vector<16xf32>
    %mul3A_492 = arith.mulf %sub3A_488, %sub3A_488 : vector<16xf32>
    %add3A_493 = arith.addf %add3A_491, %mul3A_492 : vector<16xf32>
    %neg3A_494 = arith.constant 0.000000e+00 : f32
    %neg3A_495 = vector.broadcast %neg3A_494 : f32 to vector<16xf32>
    %neg3A_496 = arith.subf %neg3A_495, %add3A_493 : vector<16xf32>
    %div3A_497 = arith.constant 2.500000e-03 : f32
    %div3A_498 = vector.broadcast %div3A_497 : f32 to vector<16xf32>
    %div3A_499 = arith.divf %neg3A_496, %div3A_498 : vector<16xf32>
    %exp3A_500 = math.exp %div3A_499 : vector<16xf32>
    %add3A_501 = arith.constant 9.99999997E-7 : f32
    %add3A_502 = vector.broadcast %add3A_501 : f32 to vector<16xf32>
    %add3A_503 = arith.addf %exp3A_500, %add3A_502 : vector<16xf32>
    %swap3A_504 = arith.constant 48 : index
    %swap3A_505 = tpu.vector_load %arg18[%swap3A_504] {strides = array<i32>} : memref<128xf32, #tpu.memory_space<vmem>>, vector<16xf32>,
    tpu.vector_store %arg18[%swap3A_504], %add3A_503 {strides = array<i32>} : memref<128xf32, #tpu.memory_space<vmem>>, vector<16xf32>,
    %add3A_506 = arith.constant 64 : i32
    %add3A_507 = vector.broadcast %add3A_506 : i32 to vector<16xi32>
    %add3A_508 = arith.addi %iota3A, %add3A_507 : vector<16xi32>
    %mul3A_509 = arith.constant 3 : i32
    %mul3A_510 = vector.broadcast %mul3A_509 : i32 to vector<16xi32>
    %mul3A_511 = arith.muli %add3A_508, %mul3A_510 : vector<16xi32>
    %gather3A_512 = tpu.vector_load_idx %arg9[%mul3A_511] : memref<384xf32, #tpu.memory_space<vmem>>[vector<16xi32>], vector<16xf32>,
    %add3A_513 = arith.constant 1 : i32
    %add3A_514 = vector.broadcast %add3A_513 : i32 to vector<16xi32>
    %add3A_515 = arith.addi %mul3A_511, %add3A_514 : vector<16xi32>
    %gather3A_516 = tpu.vector_load_idx %arg9[%add3A_515] : memref<384xf32, #tpu.memory_space<vmem>>[vector<16xi32>], vector<16xf32>,
    %add3A_517 = arith.constant 2 : i32
    %add3A_518 = vector.broadcast %add3A_517 : i32 to vector<16xi32>
    %add3A_519 = arith.addi %mul3A_511, %add3A_518 : vector<16xi32>
    %gather3A_520 = tpu.vector_load_idx %arg9[%add3A_519] : memref<384xf32, #tpu.memory_space<vmem>>[vector<16xi32>], vector<16xf32>,
    %get3A_521 = arith.constant 64 : index
    %get3A_522 = tpu.vector_load %arg15[%get3A_521] {strides = array<i32>} : memref<128xf32, #tpu.memory_space<vmem>>, vector<16xf32>,
    %sub3A_523 = arith.subf %gather3A_512, %get3A_522 : vector<16xf32>
    %get3A_524 = arith.constant 64 : index
    %get3A_525 = tpu.vector_load %arg16[%get3A_524] {strides = array<i32>} : memref<128xf32, #tpu.memory_space<vmem>>, vector<16xf32>,
    %sub3A_526 = arith.subf %gather3A_516, %get3A_525 : vector<16xf32>
    %get3A_527 = arith.constant 64 : index
    %get3A_528 = tpu.vector_load %arg17[%get3A_527] {strides = array<i32>} : memref<128xf32, #tpu.memory_space<vmem>>, vector<16xf32>,
    %sub3A_529 = arith.subf %gather3A_520, %get3A_528 : vector<16xf32>
    %mul3A_530 = arith.mulf %sub3A_523, %sub3A_523 : vector<16xf32>
    %mul3A_531 = arith.mulf %sub3A_526, %sub3A_526 : vector<16xf32>
    %add3A_532 = arith.addf %mul3A_530, %mul3A_531 : vector<16xf32>
    %mul3A_533 = arith.mulf %sub3A_529, %sub3A_529 : vector<16xf32>
    %add3A_534 = arith.addf %add3A_532, %mul3A_533 : vector<16xf32>
    %neg3A_535 = arith.constant 0.000000e+00 : f32
    %neg3A_536 = vector.broadcast %neg3A_535 : f32 to vector<16xf32>
    %neg3A_537 = arith.subf %neg3A_536, %add3A_534 : vector<16xf32>
    %div3A_538 = arith.constant 2.500000e-03 : f32
    %div3A_539 = vector.broadcast %div3A_538 : f32 to vector<16xf32>
    %div3A_540 = arith.divf %neg3A_537, %div3A_539 : vector<16xf32>
    %exp3A_541 = math.exp %div3A_540 : vector<16xf32>
    %add3A_542 = arith.constant 9.99999997E-7 : f32
    %add3A_543 = vector.broadcast %add3A_542 : f32 to vector<16xf32>
    %add3A_544 = arith.addf %exp3A_541, %add3A_543 : vector<16xf32>
    %swap3A_545 = arith.constant 64 : index
    %swap3A_546 = tpu.vector_load %arg18[%swap3A_545] {strides = array<i32>} : memref<128xf32, #tpu.memory_space<vmem>>, vector<16xf32>,
    tpu.vector_store %arg18[%swap3A_545], %add3A_544 {strides = array<i32>} : memref<128xf32, #tpu.memory_space<vmem>>, vector<16xf32>,
    %add3A_547 = arith.constant 80 : i32
    %add3A_548 = vector.broadcast %add3A_547 : i32 to vector<16xi32>
    %add3A_549 = arith.addi %iota3A, %add3A_548 : vector<16xi32>
    %mul3A_550 = arith.constant 3 : i32
    %mul3A_551 = vector.broadcast %mul3A_550 : i32 to vector<16xi32>
    %mul3A_552 = arith.muli %add3A_549, %mul3A_551 : vector<16xi32>
    %gather3A_553 = tpu.vector_load_idx %arg9[%mul3A_552] : memref<384xf32, #tpu.memory_space<vmem>>[vector<16xi32>], vector<16xf32>,
    %add3A_554 = arith.constant 1 : i32
    %add3A_555 = vector.broadcast %add3A_554 : i32 to vector<16xi32>
    %add3A_556 = arith.addi %mul3A_552, %add3A_555 : vector<16xi32>
    %gather3A_557 = tpu.vector_load_idx %arg9[%add3A_556] : memref<384xf32, #tpu.memory_space<vmem>>[vector<16xi32>], vector<16xf32>,
    %add3A_558 = arith.constant 2 : i32
    %add3A_559 = vector.broadcast %add3A_558 : i32 to vector<16xi32>
    %add3A_560 = arith.addi %mul3A_552, %add3A_559 : vector<16xi32>
    %gather3A_561 = tpu.vector_load_idx %arg9[%add3A_560] : memref<384xf32, #tpu.memory_space<vmem>>[vector<16xi32>], vector<16xf32>,
    %get3A_562 = arith.constant 80 : index
    %get3A_563 = tpu.vector_load %arg15[%get3A_562] {strides = array<i32>} : memref<128xf32, #tpu.memory_space<vmem>>, vector<16xf32>,
    %sub3A_564 = arith.subf %gather3A_553, %get3A_563 : vector<16xf32>
    %get3A_565 = arith.constant 80 : index
    %get3A_566 = tpu.vector_load %arg16[%get3A_565] {strides = array<i32>} : memref<128xf32, #tpu.memory_space<vmem>>, vector<16xf32>,
    %sub3A_567 = arith.subf %gather3A_557, %get3A_566 : vector<16xf32>
    %get3A_568 = arith.constant 80 : index
    %get3A_569 = tpu.vector_load %arg17[%get3A_568] {strides = array<i32>} : memref<128xf32, #tpu.memory_space<vmem>>, vector<16xf32>,
    %sub3A_570 = arith.subf %gather3A_561, %get3A_569 : vector<16xf32>
    %mul3A_571 = arith.mulf %sub3A_564, %sub3A_564 : vector<16xf32>
    %mul3A_572 = arith.mulf %sub3A_567, %sub3A_567 : vector<16xf32>
    %add3A_573 = arith.addf %mul3A_571, %mul3A_572 : vector<16xf32>
    %mul3A_574 = arith.mulf %sub3A_570, %sub3A_570 : vector<16xf32>
    %add3A_575 = arith.addf %add3A_573, %mul3A_574 : vector<16xf32>
    %neg3A_576 = arith.constant 0.000000e+00 : f32
    %neg3A_577 = vector.broadcast %neg3A_576 : f32 to vector<16xf32>
    %neg3A_578 = arith.subf %neg3A_577, %add3A_575 : vector<16xf32>
    %div3A_579 = arith.constant 2.500000e-03 : f32
    %div3A_580 = vector.broadcast %div3A_579 : f32 to vector<16xf32>
    %div3A_581 = arith.divf %neg3A_578, %div3A_580 : vector<16xf32>
    %exp3A_582 = math.exp %div3A_581 : vector<16xf32>
    %add3A_583 = arith.constant 9.99999997E-7 : f32
    %add3A_584 = vector.broadcast %add3A_583 : f32 to vector<16xf32>
    %add3A_585 = arith.addf %exp3A_582, %add3A_584 : vector<16xf32>
    %swap3A_586 = arith.constant 80 : index
    %swap3A_587 = tpu.vector_load %arg18[%swap3A_586] {strides = array<i32>} : memref<128xf32, #tpu.memory_space<vmem>>, vector<16xf32>,
    tpu.vector_store %arg18[%swap3A_586], %add3A_585 {strides = array<i32>} : memref<128xf32, #tpu.memory_space<vmem>>, vector<16xf32>,
    %add3A_588 = arith.constant 96 : i32
    %add3A_589 = vector.broadcast %add3A_588 : i32 to vector<16xi32>
    %add3A_590 = arith.addi %iota3A, %add3A_589 : vector<16xi32>
    %mul3A_591 = arith.constant 3 : i32
    %mul3A_592 = vector.broadcast %mul3A_591 : i32 to vector<16xi32>
    %mul3A_593 = arith.muli %add3A_590, %mul3A_592 : vector<16xi32>
    %gather3A_594 = tpu.vector_load_idx %arg9[%mul3A_593] : memref<384xf32, #tpu.memory_space<vmem>>[vector<16xi32>], vector<16xf32>,
    %add3A_595 = arith.constant 1 : i32
    %add3A_596 = vector.broadcast %add3A_595 : i32 to vector<16xi32>
    %add3A_597 = arith.addi %mul3A_593, %add3A_596 : vector<16xi32>
    %gather3A_598 = tpu.vector_load_idx %arg9[%add3A_597] : memref<384xf32, #tpu.memory_space<vmem>>[vector<16xi32>], vector<16xf32>,
    %add3A_599 = arith.constant 2 : i32
    %add3A_600 = vector.broadcast %add3A_599 : i32 to vector<16xi32>
    %add3A_601 = arith.addi %mul3A_593, %add3A_600 : vector<16xi32>
    %gather3A_602 = tpu.vector_load_idx %arg9[%add3A_601] : memref<384xf32, #tpu.memory_space<vmem>>[vector<16xi32>], vector<16xf32>,
    %get3A_603 = arith.constant 96 : index
    %get3A_604 = tpu.vector_load %arg15[%get3A_603] {strides = array<i32>} : memref<128xf32, #tpu.memory_space<vmem>>, vector<16xf32>,
    %sub3A_605 = arith.subf %gather3A_594, %get3A_604 : vector<16xf32>
    %get3A_606 = arith.constant 96 : index
    %get3A_607 = tpu.vector_load %arg16[%get3A_606] {strides = array<i32>} : memref<128xf32, #tpu.memory_space<vmem>>, vector<16xf32>,
    %sub3A_608 = arith.subf %gather3A_598, %get3A_607 : vector<16xf32>
    %get3A_609 = arith.constant 96 : index
    %get3A_610 = tpu.vector_load %arg17[%get3A_609] {strides = array<i32>} : memref<128xf32, #tpu.memory_space<vmem>>, vector<16xf32>,
    %sub3A_611 = arith.subf %gather3A_602, %get3A_610 : vector<16xf32>
    %mul3A_612 = arith.mulf %sub3A_605, %sub3A_605 : vector<16xf32>
    %mul3A_613 = arith.mulf %sub3A_608, %sub3A_608 : vector<16xf32>
    %add3A_614 = arith.addf %mul3A_612, %mul3A_613 : vector<16xf32>
    %mul3A_615 = arith.mulf %sub3A_611, %sub3A_611 : vector<16xf32>
    %add3A_616 = arith.addf %add3A_614, %mul3A_615 : vector<16xf32>
    %neg3A_617 = arith.constant 0.000000e+00 : f32
    %neg3A_618 = vector.broadcast %neg3A_617 : f32 to vector<16xf32>
    %neg3A_619 = arith.subf %neg3A_618, %add3A_616 : vector<16xf32>
    %div3A_620 = arith.constant 2.500000e-03 : f32
    %div3A_621 = vector.broadcast %div3A_620 : f32 to vector<16xf32>
    %div3A_622 = arith.divf %neg3A_619, %div3A_621 : vector<16xf32>
    %exp3A_623 = math.exp %div3A_622 : vector<16xf32>
    %add3A_624 = arith.constant 9.99999997E-7 : f32
    %add3A_625 = vector.broadcast %add3A_624 : f32 to vector<16xf32>
    %add3A_626 = arith.addf %exp3A_623, %add3A_625 : vector<16xf32>
    %swap3A_627 = arith.constant 96 : index
    %swap3A_628 = tpu.vector_load %arg18[%swap3A_627] {strides = array<i32>} : memref<128xf32, #tpu.memory_space<vmem>>, vector<16xf32>,
    tpu.vector_store %arg18[%swap3A_627], %add3A_626 {strides = array<i32>} : memref<128xf32, #tpu.memory_space<vmem>>, vector<16xf32>,
    %add3A_629 = arith.constant 112 : i32
    %add3A_630 = vector.broadcast %add3A_629 : i32 to vector<16xi32>
    %add3A_631 = arith.addi %iota3A, %add3A_630 : vector<16xi32>
    %mul3A_632 = arith.constant 3 : i32
    %mul3A_633 = vector.broadcast %mul3A_632 : i32 to vector<16xi32>
    %mul3A_634 = arith.muli %add3A_631, %mul3A_633 : vector<16xi32>
    %gather3A_635 = tpu.vector_load_idx %arg9[%mul3A_634] : memref<384xf32, #tpu.memory_space<vmem>>[vector<16xi32>], vector<16xf32>,
    %add3A_636 = arith.constant 1 : i32
    %add3A_637 = vector.broadcast %add3A_636 : i32 to vector<16xi32>
    %add3A_638 = arith.addi %mul3A_634, %add3A_637 : vector<16xi32>
    %gather3A_639 = tpu.vector_load_idx %arg9[%add3A_638] : memref<384xf32, #tpu.memory_space<vmem>>[vector<16xi32>], vector<16xf32>,
    %add3A_640 = arith.constant 2 : i32
    %add3A_641 = vector.broadcast %add3A_640 : i32 to vector<16xi32>
    %add3A_642 = arith.addi %mul3A_634, %add3A_641 : vector<16xi32>
    %gather3A_643 = tpu.vector_load_idx %arg9[%add3A_642] : memref<384xf32, #tpu.memory_space<vmem>>[vector<16xi32>], vector<16xf32>,
    %get3A_644 = arith.constant 112 : index
    %get3A_645 = tpu.vector_load %arg15[%get3A_644] {strides = array<i32>} : memref<128xf32, #tpu.memory_space<vmem>>, vector<16xf32>,
    %sub3A_646 = arith.subf %gather3A_635, %get3A_645 : vector<16xf32>
    %get3A_647 = arith.constant 112 : index
    %get3A_648 = tpu.vector_load %arg16[%get3A_647] {strides = array<i32>} : memref<128xf32, #tpu.memory_space<vmem>>, vector<16xf32>,
    %sub3A_649 = arith.subf %gather3A_639, %get3A_648 : vector<16xf32>
    %get3A_650 = arith.constant 112 : index
    %get3A_651 = tpu.vector_load %arg17[%get3A_650] {strides = array<i32>} : memref<128xf32, #tpu.memory_space<vmem>>, vector<16xf32>,
    %sub3A_652 = arith.subf %gather3A_643, %get3A_651 : vector<16xf32>
    %mul3A_653 = arith.mulf %sub3A_646, %sub3A_646 : vector<16xf32>
    %mul3A_654 = arith.mulf %sub3A_649, %sub3A_649 : vector<16xf32>
    %add3A_655 = arith.addf %mul3A_653, %mul3A_654 : vector<16xf32>
    %mul3A_656 = arith.mulf %sub3A_652, %sub3A_652 : vector<16xf32>
    %add3A_657 = arith.addf %add3A_655, %mul3A_656 : vector<16xf32>
    %neg3A_658 = arith.constant 0.000000e+00 : f32
    %neg3A_659 = vector.broadcast %neg3A_658 : f32 to vector<16xf32>
    %neg3A_660 = arith.subf %neg3A_659, %add3A_657 : vector<16xf32>
    %div3A_661 = arith.constant 2.500000e-03 : f32
    %div3A_662 = vector.broadcast %div3A_661 : f32 to vector<16xf32>
    %div3A_663 = arith.divf %neg3A_660, %div3A_662 : vector<16xf32>
    %exp3A_664 = math.exp %div3A_663 : vector<16xf32>
    %add3A_665 = arith.constant 9.99999997E-7 : f32
    %add3A_666 = vector.broadcast %add3A_665 : f32 to vector<16xf32>
    %add3A_667 = arith.addf %exp3A_664, %add3A_666 : vector<16xf32>
    %swap3A_668 = arith.constant 112 : index
    %swap3A_669 = tpu.vector_load %arg18[%swap3A_668] {strides = array<i32>} : memref<128xf32, #tpu.memory_space<vmem>>, vector<16xf32>,
    tpu.vector_store %arg18[%swap3A_668], %add3A_667 {strides = array<i32>} : memref<128xf32, #tpu.memory_space<vmem>>, vector<16xf32>,
    %scan3A = arith.constant 0 : i32
    %scan3A_670 = arith.constant 0 : i32
    %scan3A_671 = arith.constant 128 : i32
    %scan3A_672 = arith.addi %scan3A_670, %scan3A_671 : i32
    %scan3A_673 = arith.constant 1 : i32
    scf.for %scan3A_675 = %scan3A_670 to %scan3A_672 step %scan3A_673  : i32 {
      %mul3A_676 = arith.constant 0 : i32
      %mul3A_677 = vector.broadcast %mul3A_676 : i32 to vector<16xi32>
      %mul3A_678 = arith.muli %iota3A, %mul3A_677 : vector<16xi32>
      %add3A_679 = vector.broadcast %scan3A_675 : i32 to vector<16xi32>
      %add3A_680 = arith.addi %mul3A_678, %add3A_679 : vector<16xi32>
      %gather3A_681 = tpu.vector_load_idx %arg12[%add3A_680] : memref<128xi32, #tpu.memory_space<vmem>>[vector<16xi32>], vector<16xi32>,
      %slice3A = vector.extract_strided_slice %gather3A_681 {offsets = [0], sizes = [1], strides = [1]} : vector<16xi32> to vector<1xi32>
      %squeeze3A = vector.extract %slice3A[0] : i32 from vector<1xi32>
      %gather3A_682 = tpu.vector_load_idx %arg13[%add3A_680] : memref<128xi32, #tpu.memory_space<vmem>>[vector<16xi32>], vector<16xi32>,
      %slice3A_683 = vector.extract_strided_slice %gather3A_682 {offsets = [0], sizes = [1], strides = [1]} : vector<16xi32> to vector<1xi32>
      %squeeze3A_684 = vector.extract %slice3A_683[0] : i32 from vector<1xi32>
      %sub3A_685 = arith.subi %squeeze3A_684, %squeeze3A : i32
      %gather3A_686 = tpu.vector_load_idx %arg14[%add3A_680] : memref<128xf32, #tpu.memory_space<vmem>>[vector<16xi32>], vector<16xf32>,
      %slice3A_687 = vector.extract_strided_slice %gather3A_686 {offsets = [0], sizes = [1], strides = [1]} : vector<16xf32> to vector<1xf32>
      %squeeze3A_688 = vector.extract %slice3A_687[0] : f32 from vector<1xf32>
      %mul3A_689 = arith.constant 3 : i32
      %mul3A_690 = vector.broadcast %mul3A_689 : i32 to vector<16xi32>
      %mul3A_691 = arith.muli %add3A_680, %mul3A_690 : vector<16xi32>
      %gather3A_692 = tpu.vector_load_idx %arg9[%mul3A_691] : memref<384xf32, #tpu.memory_space<vmem>>[vector<16xi32>], vector<16xf32>,
      %slice3A_693 = vector.extract_strided_slice %gather3A_692 {offsets = [0], sizes = [1], strides = [1]} : vector<16xf32> to vector<1xf32>
      %squeeze3A_694 = vector.extract %slice3A_693[0] : f32 from vector<1xf32>
      %mul3A_695 = arith.constant 3 : i32
      %mul3A_696 = vector.broadcast %mul3A_695 : i32 to vector<16xi32>
      %mul3A_697 = arith.muli %add3A_680, %mul3A_696 : vector<16xi32>
      %add3A_698 = arith.constant 1 : i32
      %add3A_699 = vector.broadcast %add3A_698 : i32 to vector<16xi32>
      %add3A_700 = arith.addi %mul3A_697, %add3A_699 : vector<16xi32>
      %gather3A_701 = tpu.vector_load_idx %arg9[%add3A_700] : memref<384xf32, #tpu.memory_space<vmem>>[vector<16xi32>], vector<16xf32>,
      %slice3A_702 = vector.extract_strided_slice %gather3A_701 {offsets = [0], sizes = [1], strides = [1]} : vector<16xf32> to vector<1xf32>
      %squeeze3A_703 = vector.extract %slice3A_702[0] : f32 from vector<1xf32>
      %mul3A_704 = arith.constant 3 : i32
      %mul3A_705 = vector.broadcast %mul3A_704 : i32 to vector<16xi32>
      %mul3A_706 = arith.muli %add3A_680, %mul3A_705 : vector<16xi32>
      %add3A_707 = arith.constant 2 : i32
      %add3A_708 = vector.broadcast %add3A_707 : i32 to vector<16xi32>
      %add3A_709 = arith.addi %mul3A_706, %add3A_708 : vector<16xi32>
      %gather3A_710 = tpu.vector_load_idx %arg9[%add3A_709] : memref<384xf32, #tpu.memory_space<vmem>>[vector<16xi32>], vector<16xf32>,
      %slice3A_711 = vector.extract_strided_slice %gather3A_710 {offsets = [0], sizes = [1], strides = [1]} : vector<16xf32> to vector<1xf32>
      %squeeze3A_712 = vector.extract %slice3A_711[0] : f32 from vector<1xf32>
      %broadcast_in_dim3A = arith.constant 0.000000e+00 : f32
      %broadcast_in_dim3A_713 = vector.broadcast %broadcast_in_dim3A : f32 to vector<16xf32>
      %while3A = arith.constant 0 : i32
      %while3A_714:3 = scf.while (%while3A_737 = %while3A, %while3A_738 = %broadcast_in_dim3A_713, %while3A_739 = %broadcast_in_dim3A_713) : (i32, vector<16xf32>, vector<16xf32>) -> (i32, vector<16xf32>, vector<16xf32>) {
        %lt3A = arith.cmpi slt, %while3A_737, %sub3A_685 : i32
        scf.condition(%lt3A) %while3A_737, %while3A_738, %while3A_739 : i32, vector<16xf32>, vector<16xf32>
      } do {
      ^bb0(%while3A_737: i32, %while3A_738: vector<16xf32>, %while3A_739: vector<16xf32>):
        %add3A_740 = arith.addi %squeeze3A, %while3A_737 : i32
        %jit3A = arith.constant 8 : i32
        %div3A_741 = arith.divsi %add3A_740, %jit3A : i32
        %sign3A = arith.constant 0 : i32
        %sign3A_742 = arith.cmpi sgt, %add3A_740, %sign3A : i32
        %sign3A_743 = arith.extui %sign3A_742 : i1 to i32
        %sign3A_744 = arith.constant 0 : i32
        %sign3A_745 = arith.cmpi slt, %add3A_740, %sign3A_744 : i32
        %sign3A_746 = arith.extui %sign3A_745 : i1 to i32
        %sign3A_747 = arith.subi %sign3A_743, %sign3A_746 : i32
        %sign3A_748 = arith.constant 0 : i32
        %sign3A_749 = arith.cmpi sgt, %jit3A, %sign3A_748 : i32
        %sign3A_750 = arith.extui %sign3A_749 : i1 to i32
        %sign3A_751 = arith.constant 0 : i32
        %sign3A_752 = arith.cmpi slt, %jit3A, %sign3A_751 : i32
        %sign3A_753 = arith.extui %sign3A_752 : i1 to i32
        %sign3A_754 = arith.subi %sign3A_750, %sign3A_753 : i32
        %ne3A = arith.cmpi ne, %sign3A_747, %sign3A_754 : i32
        %rem3A = arith.remsi %add3A_740, %jit3A : i32
        %ne3A_755 = arith.constant 0 : i32
        %ne3A_756 = arith.cmpi ne, %rem3A, %ne3A_755 : i32
        %and3A = arith.andi %ne3A, %ne3A_756 : i1
        %sub3A_757 = arith.constant 1 : i32
        %sub3A_758 = arith.subi %div3A_741, %sub3A_757 : i32
        %select_n3A = arith.select %and3A, %sub3A_758, %div3A_741 : i32
        %mul3A_759 = arith.constant 8 : i32
        %mul3A_760 = arith.muli %select_n3A, %mul3A_759 : i32
        %sub3A_761 = arith.subi %add3A_740, %mul3A_760 : i32
        "tpu.region"() ({
          %run_scoped3A = tpu.sem_alloc : memref<!tpu.dma_semaphore, #tpu.memory_space<semaphore_mem>>
          %dma_start3A_846 = tpu.memref_slice %arg5[%mul3A_760] : memref<1600032xi32, #tpu.memory_space<hbm>> -> memref<24xi32, #tpu.memory_space<hbm>>
          %dma_start3A_847 = tpu.memref_slice %arg5[%mul3A_760] : memref<1600032xi32, #tpu.memory_space<hbm>> -> memref<24xi32, #tpu.memory_space<hbm>>
          tpu.enqueue_dma source(%dma_start3A_847 : memref<24xi32, #tpu.memory_space<hbm>>) target(%arg19 : memref<24xi32, #tpu.memory_space<vmem>>) target_semaphore(%run_scoped3A : memref<!tpu.dma_semaphore, #tpu.memory_space<semaphore_mem>>)
          %dma_wait3A_848 = tpu.memref_slice %arg5[%mul3A_760] : memref<1600032xi32, #tpu.memory_space<hbm>> -> memref<24xi32, #tpu.memory_space<hbm>>
          %dma_wait3A_849 = tpu.memref_slice %arg5[%mul3A_760] : memref<1600032xi32, #tpu.memory_space<hbm>> -> memref<24xi32, #tpu.memory_space<hbm>>
          tpu.wait_dma2 semaphore(%run_scoped3A : memref<!tpu.dma_semaphore, #tpu.memory_space<semaphore_mem>>) src(%dma_wait3A_849 : memref<24xi32, #tpu.memory_space<hbm>>) dst(%arg19 : memref<24xi32, #tpu.memory_space<vmem>>)
          tpu.yield
        }) : () -> ()
        %add3A_762 = vector.broadcast %sub3A_761 : i32 to vector<16xi32>
        %add3A_763 = arith.addi %iota3A, %add3A_762 : vector<16xi32>
        %gather3A_764 = tpu.vector_load_idx %arg19[%add3A_763] : memref<24xi32, #tpu.memory_space<vmem>>[vector<16xi32>], vector<16xi32>,
        %mul3A_765 = arith.constant 3 : i32
        %mul3A_766 = vector.broadcast %mul3A_765 : i32 to vector<16xi32>
        %mul3A_767 = arith.muli %gather3A_764, %mul3A_766 : vector<16xi32>
        %dma_start3A_768 = arith.constant 0 : i32
        %dma_start3A_769 = tpu.memref_slice %arg4[%dma_start3A_768] : memref<100000xf32, #tpu.memory_space<hbm>> -> memref<100000xf32, #tpu.memory_space<hbm>>
        tpu.enqueue_indirect_dma source(%dma_start3A_769 : memref<100000xf32, #tpu.memory_space<hbm>>) target(%arg20 : memref<16xf32, #tpu.memory_space<vmem>>) offsets(%gather3A_764 : vector<16xi32>) semaphore(%arg25 : memref<!tpu.dma_semaphore, #tpu.memory_space<semaphore_mem>>)
        %dma_start3A_770 = arith.constant 0 : i32
        %dma_start3A_771 = tpu.memref_slice %arg3[%dma_start3A_770] : memref<300000xf32, #tpu.memory_space<hbm>> -> memref<300000xf32, #tpu.memory_space<hbm>>
        tpu.enqueue_indirect_dma source(%dma_start3A_771 : memref<300000xf32, #tpu.memory_space<hbm>>) target(%arg21 : memref<16xf32, #tpu.memory_space<vmem>>) offsets(%mul3A_767 : vector<16xi32>) semaphore(%arg26 : memref<!tpu.dma_semaphore, #tpu.memory_space<semaphore_mem>>)
        %add3A_772 = arith.constant 1 : i32
        %add3A_773 = vector.broadcast %add3A_772 : i32 to vector<16xi32>
        %add3A_774 = arith.addi %mul3A_767, %add3A_773 : vector<16xi32>
        %dma_start3A_775 = arith.constant 0 : i32
        %dma_start3A_776 = tpu.memref_slice %arg3[%dma_start3A_775] : memref<300000xf32, #tpu.memory_space<hbm>> -> memref<300000xf32, #tpu.memory_space<hbm>>
        tpu.enqueue_indirect_dma source(%dma_start3A_776 : memref<300000xf32, #tpu.memory_space<hbm>>) target(%arg22 : memref<16xf32, #tpu.memory_space<vmem>>) offsets(%add3A_774 : vector<16xi32>) semaphore(%arg27 : memref<!tpu.dma_semaphore, #tpu.memory_space<semaphore_mem>>)
        %add3A_777 = arith.constant 2 : i32
        %add3A_778 = vector.broadcast %add3A_777 : i32 to vector<16xi32>
        %add3A_779 = arith.addi %mul3A_767, %add3A_778 : vector<16xi32>
        %dma_start3A_780 = arith.constant 0 : i32
        %dma_start3A_781 = tpu.memref_slice %arg3[%dma_start3A_780] : memref<300000xf32, #tpu.memory_space<hbm>> -> memref<300000xf32, #tpu.memory_space<hbm>>
        tpu.enqueue_indirect_dma source(%dma_start3A_781 : memref<300000xf32, #tpu.memory_space<hbm>>) target(%arg23 : memref<16xf32, #tpu.memory_space<vmem>>) offsets(%add3A_779 : vector<16xi32>) semaphore(%arg28 : memref<!tpu.dma_semaphore, #tpu.memory_space<semaphore_mem>>)
        %dma_wait3A_782 = arith.constant 0 : i32
        %dma_wait3A_783 = tpu.memref_slice %arg4[%dma_wait3A_782] : memref<100000xf32, #tpu.memory_space<hbm>> -> memref<100000xf32, #tpu.memory_space<hbm>>
        tpu.wait_indirect_dma semaphore(%arg25 : memref<!tpu.dma_semaphore, #tpu.memory_space<semaphore_mem>>) src(%dma_wait3A_783 : memref<100000xf32, #tpu.memory_space<hbm>>) dst(%arg20 : memref<16xf32, #tpu.memory_space<vmem>>)
        %dma_wait3A_784 = arith.constant 0 : i32
        %dma_wait3A_785 = tpu.memref_slice %arg3[%dma_wait3A_784] : memref<300000xf32, #tpu.memory_space<hbm>> -> memref<300000xf32, #tpu.memory_space<hbm>>
        tpu.wait_indirect_dma semaphore(%arg26 : memref<!tpu.dma_semaphore, #tpu.memory_space<semaphore_mem>>) src(%dma_wait3A_785 : memref<300000xf32, #tpu.memory_space<hbm>>) dst(%arg21 : memref<16xf32, #tpu.memory_space<vmem>>)
        %dma_wait3A_786 = arith.constant 0 : i32
        %dma_wait3A_787 = tpu.memref_slice %arg3[%dma_wait3A_786] : memref<300000xf32, #tpu.memory_space<hbm>> -> memref<300000xf32, #tpu.memory_space<hbm>>
        tpu.wait_indirect_dma semaphore(%arg27 : memref<!tpu.dma_semaphore, #tpu.memory_space<semaphore_mem>>) src(%dma_wait3A_787 : memref<300000xf32, #tpu.memory_space<hbm>>) dst(%arg22 : memref<16xf32, #tpu.memory_space<vmem>>)
        %dma_wait3A_788 = arith.constant 0 : i32
        %dma_wait3A_789 = tpu.memref_slice %arg3[%dma_wait3A_788] : memref<300000xf32, #tpu.memory_space<hbm>> -> memref<300000xf32, #tpu.memory_space<hbm>>
        tpu.wait_indirect_dma semaphore(%arg28 : memref<!tpu.dma_semaphore, #tpu.memory_space<semaphore_mem>>) src(%dma_wait3A_789 : memref<300000xf32, #tpu.memory_space<hbm>>) dst(%arg23 : memref<16xf32, #tpu.memory_space<vmem>>)
        %get3A_790 = arith.constant 0 : index
        %get3A_791 = tpu.vector_load %arg20[%get3A_790] {strides = array<i32>} : memref<16xf32, #tpu.memory_space<vmem>>, vector<16xf32>,
        %get3A_792 = arith.constant 0 : index
        %get3A_793 = tpu.vector_load %arg21[%get3A_792] {strides = array<i32>} : memref<16xf32, #tpu.memory_space<vmem>>, vector<16xf32>,
        %get3A_794 = arith.constant 0 : index
        %get3A_795 = tpu.vector_load %arg22[%get3A_794] {strides = array<i32>} : memref<16xf32, #tpu.memory_space<vmem>>, vector<16xf32>,
        %get3A_796 = arith.constant 0 : index
        %get3A_797 = tpu.vector_load %arg23[%get3A_796] {strides = array<i32>} : memref<16xf32, #tpu.memory_space<vmem>>, vector<16xf32>,
        %sub3A_798 = vector.broadcast %squeeze3A_694 : f32 to vector<16xf32>
        %sub3A_799 = arith.subf %sub3A_798, %get3A_793 : vector<16xf32>
        %sub3A_800 = vector.broadcast %squeeze3A_703 : f32 to vector<16xf32>
        %sub3A_801 = arith.subf %sub3A_800, %get3A_795 : vector<16xf32>
        %sub3A_802 = vector.broadcast %squeeze3A_712 : f32 to vector<16xf32>
        %sub3A_803 = arith.subf %sub3A_802, %get3A_797 : vector<16xf32>
        %mul3A_804 = arith.mulf %sub3A_799, %sub3A_799 : vector<16xf32>
        %mul3A_805 = arith.mulf %sub3A_801, %sub3A_801 : vector<16xf32>
        %add3A_806 = arith.addf %mul3A_804, %mul3A_805 : vector<16xf32>
        %mul3A_807 = arith.mulf %sub3A_803, %sub3A_803 : vector<16xf32>
        %add3A_808 = arith.addf %add3A_806, %mul3A_807 : vector<16xf32>
        %neg3A_809 = arith.constant 0.000000e+00 : f32
        %neg3A_810 = vector.broadcast %neg3A_809 : f32 to vector<16xf32>
        %neg3A_811 = arith.subf %neg3A_810, %add3A_808 : vector<16xf32>
        %div3A_812 = arith.constant 2.500000e-03 : f32
        %div3A_813 = vector.broadcast %div3A_812 : f32 to vector<16xf32>
        %div3A_814 = arith.divf %neg3A_811, %div3A_813 : vector<16xf32>
        %exp3A_815 = math.exp %div3A_814 : vector<16xf32>
        %sub3A_816 = vector.broadcast %squeeze3A_688 : f32 to vector<16xf32>
        %sub3A_817 = arith.subf %get3A_791, %sub3A_816 : vector<16xf32>
        %neg3A_818 = arith.constant 0.000000e+00 : f32
        %neg3A_819 = vector.broadcast %neg3A_818 : f32 to vector<16xf32>
        %neg3A_820 = arith.subf %neg3A_819, %sub3A_817 : vector<16xf32>
        %mul3A_821 = arith.mulf %neg3A_820, %sub3A_817 : vector<16xf32>
        %div3A_822 = arith.constant 0.00999999977 : f32
        %div3A_823 = vector.broadcast %div3A_822 : f32 to vector<16xf32>
        %div3A_824 = arith.divf %mul3A_821, %div3A_823 : vector<16xf32>
        %exp3A_825 = math.exp %div3A_824 : vector<16xf32>
        %mul3A_826 = arith.mulf %exp3A_815, %exp3A_825 : vector<16xf32>
        %add3A_827 = vector.broadcast %while3A_737 : i32 to vector<16xi32>
        %add3A_828 = arith.addi %iota3A, %add3A_827 : vector<16xi32>
        %lt3A = vector.broadcast %sub3A_685 : i32 to vector<16xi32>
        %lt3A_829 = arith.cmpi slt, %add3A_828, %lt3A : vector<16xi32>
        %jit3A_830 = arith.constant 0.000000e+00 : f32
        %broadcast_in_dim3A_831 = vector.broadcast %jit3A_830 : f32 to vector<16xf32>
        %select_n3A_832 = arith.select %lt3A_829, %mul3A_826, %broadcast_in_dim3A_831 : vector<16xi1>, vector<16xf32>
        %convert_element_type3A = arith.extui %lt3A_829 : vector<16xi1> to vector<16xi32>
        %convert_element_type3A_833 = arith.sitofp %convert_element_type3A : vector<16xi32> to vector<16xf32>
        %mul3A_834 = arith.constant 9.99999997E-7 : f32
        %mul3A_835 = vector.broadcast %mul3A_834 : f32 to vector<16xf32>
        %mul3A_836 = arith.mulf %convert_element_type3A_833, %mul3A_835 : vector<16xf32>
        %add3A_837 = arith.addf %select_n3A_832, %mul3A_836 : vector<16xf32>
        %jit3A_838 = arith.constant 0.000000e+00 : f32
        %broadcast_in_dim3A_839 = vector.broadcast %jit3A_838 : f32 to vector<16xf32>
        %select_n3A_840 = arith.select %lt3A_829, %get3A_791, %broadcast_in_dim3A_839 : vector<16xi1>, vector<16xf32>
        %add3A_841 = arith.constant 16 : i32
        %add3A_842 = arith.addi %while3A_737, %add3A_841 : i32
        %add3A_843 = arith.addf %while3A_738, %add3A_837 : vector<16xf32>
        %mul3A_844 = arith.mulf %add3A_837, %select_n3A_840 : vector<16xf32>
        %add3A_845 = arith.addf %while3A_739, %mul3A_844 : vector<16xf32>
        scf.yield %add3A_842, %add3A_843, %add3A_845 : i32, vector<16xf32>, vector<16xf32>
      }
      %gather3A_715 = tpu.vector_load_idx %arg18[%add3A_680] : memref<128xf32, #tpu.memory_space<vmem>>[vector<16xi32>], vector<16xf32>,
      %slice3A_716 = vector.extract_strided_slice %gather3A_715 {offsets = [0], sizes = [1], strides = [1]} : vector<16xf32> to vector<1xf32>
      %squeeze3A_717 = vector.extract %slice3A_716[0] : f32 from vector<1xf32>
      %reduce_sum3A = arith.constant true
      %reduce_sum3A_718 = vector.broadcast %reduce_sum3A : i1 to vector<16xi1>
      %reduce_sum3A_719 = tpu.scan <sum>, %while3A_714#1 masked %reduce_sum3A_718 : vector<16xf32>, vector<16xi1> -> vector<16xf32>
      %reduce_sum3A_720 = vector.extract %reduce_sum3A_719[15] : f32 from vector<16xf32>
      %add3A_721 = arith.addf %squeeze3A_717, %reduce_sum3A_720 : f32
      %mul3A_722 = arith.mulf %squeeze3A_717, %squeeze3A_688 : f32
      %reduce_sum3A_723 = arith.constant true
      %reduce_sum3A_724 = vector.broadcast %reduce_sum3A_723 : i1 to vector<16xi1>
      %reduce_sum3A_725 = tpu.scan <sum>, %while3A_714#2 masked %reduce_sum3A_724 : vector<16xf32>, vector<16xi1> -> vector<16xf32>
      %reduce_sum3A_726 = vector.extract %reduce_sum3A_725[15] : f32 from vector<16xf32>
      %add3A_727 = arith.addf %mul3A_722, %reduce_sum3A_726 : f32
      %broadcast_in_dim3A_728 = arith.constant 0.000000e+00 : f32
      %broadcast_in_dim3A_729 = vector.broadcast %broadcast_in_dim3A_728 : f32 to vector<16xf32>
      %add3A_730 = vector.broadcast %add3A_727 : f32 to vector<16xf32>
      %add3A_731 = arith.addf %broadcast_in_dim3A_729, %add3A_730 : vector<16xf32>
      %add3A_732 = vector.broadcast %add3A_721 : f32 to vector<16xf32>
      %add3A_733 = arith.addf %broadcast_in_dim3A_729, %add3A_732 : vector<16xf32>
      %div3A_734 = arith.divf %add3A_731, %add3A_733 : vector<16xf32>
      %eq3A = arith.constant 0 : i32
      %eq3A_735 = vector.broadcast %eq3A : i32 to vector<16xi32>
      %eq3A_736 = arith.cmpi eq, %iota3A, %eq3A_735 : vector<16xi32>
      tpu.vector_store_idx %arg24[%add3A_680], %div3A_734 masked %eq3A_736 : memref<128xf32, #tpu.memory_space<vmem>>[vector<16xi32>], vector<16xf32>, vector<16xi1>
    }
    %scan3A_674 = arith.constant 128 : i32
    "tpu.region"() ({
      %run_scoped3A = tpu.sem_alloc : memref<!tpu.dma_semaphore, #tpu.memory_space<semaphore_mem>>
      %dma_start3A_675 = tpu.memref_slice %arg8[%mul3A_2] : memref<4096xf32, #tpu.memory_space<hbm>> -> memref<128xf32, #tpu.memory_space<hbm>>
      %dma_start3A_676 = tpu.memref_slice %arg8[%mul3A_2] : memref<4096xf32, #tpu.memory_space<hbm>> -> memref<128xf32, #tpu.memory_space<hbm>>
      tpu.enqueue_dma source(%arg24 : memref<128xf32, #tpu.memory_space<vmem>>) target(%dma_start3A_676 : memref<128xf32, #tpu.memory_space<hbm>>) target_semaphore(%run_scoped3A : memref<!tpu.dma_semaphore, #tpu.memory_space<semaphore_mem>>)
      %dma_wait3A_677 = tpu.memref_slice %arg8[%mul3A_2] : memref<4096xf32, #tpu.memory_space<hbm>> -> memref<128xf32, #tpu.memory_space<hbm>>
      %dma_wait3A_678 = tpu.memref_slice %arg8[%mul3A_2] : memref<4096xf32, #tpu.memory_space<hbm>> -> memref<128xf32, #tpu.memory_space<hbm>>
      tpu.wait_dma2 semaphore(%run_scoped3A : memref<!tpu.dma_semaphore, #tpu.memory_space<semaphore_mem>>) src(%arg24 : memref<128xf32, #tpu.memory_space<vmem>>) dst(%dma_wait3A_678 : memref<128xf32, #tpu.memory_space<hbm>>)
      tpu.yield
    }) : () -> ()
    return
  }
}

module attributes {stable_mosaic.version = 14 : i64} {
  func.func @_nn_body(%arg0: i32, %arg1: i32, %arg2: memref<2048x8xf32, #tpu.memory_space<vmem>>, %arg3: memref<2048x8xf32, #tpu.memory_space<vmem>>, %arg4: memref<8x4096xf32, #tpu.memory_space<vmem>>, %arg5: memref<1x4096xf32, #tpu.memory_space<vmem>>, %arg6: memref<2048x1xi32, #tpu.memory_space<vmem>>, %arg7: memref<2048x128xf32, #tpu.memory_space<vmem>>, %arg8: memref<2048x128xi32, #tpu.memory_space<vmem>>) attributes {dimension_semantics = [#tpu.dimension_semantics<arbitrary>, #tpu.dimension_semantics<arbitrary>], iteration_bounds = array<i64: 2, 25>, scalar_prefetch = 0 : i64, scratch_operands = 2 : i64, tpu.core_type = #tpu.core_type<tc>, window_params = [{transform_indices = @transform_0, window_bounds = array<i64: 2048, 8>}, {transform_indices = @transform_1, window_bounds = array<i64: 2048, 8>}, {transform_indices = @transform_2, window_bounds = array<i64: 8, 4096>}, {transform_indices = @transform_3, window_bounds = array<i64: 1, 4096>}, {transform_indices = @transform_4, window_bounds = array<i64: 2048, 1>}]} {
    %get3A = arith.constant 0 : index
    %get3A_0 = arith.constant 0 : index
    %get3A_1 = vector.load %arg2[%get3A, %get3A_0] : memref<2048x8xf32, #tpu.memory_space<vmem>>, vector<2048x8xf32>
    %mul3A = arith.mulf %get3A_1, %get3A_1 : vector<2048x8xf32>
    %reduce_sum3A = arith.constant dense<0.000000e+00> : vector<2048xf32>
    %reduce_sum3A_2 = vector.multi_reduction <add>, %mul3A, %reduce_sum3A [1] : vector<2048x8xf32> to vector<2048xf32>
    %broadcast_in_dim3A = vector.shape_cast %reduce_sum3A_2 : vector<2048xf32> to vector<2048x1xf32>
    %get3A_3 = arith.constant 0 : index
    %get3A_4 = arith.constant 0 : index
    %get3A_5 = vector.load %arg5[%get3A_3, %get3A_4] : memref<1x4096xf32, #tpu.memory_space<vmem>>, vector<1x4096xf32>
    %eq3A = arith.constant 0 : i32
    %eq3A_6 = arith.cmpi eq, %arg1, %eq3A : i32
    %convert_element_type3A = arith.extui %eq3A_6 : i1 to i32
    %cond3A = arith.constant 0 : i32
    %cond3A_7 = arith.cmpi ne, %convert_element_type3A, %cond3A : i32
    scf.if %cond3A_7 {
      %broadcast_in_dim3A_502 = arith.constant 0x7F800000 : f32
      %broadcast_in_dim3A_503 = vector.broadcast %broadcast_in_dim3A_502 : f32 to vector<2048x128xf32>
      %swap3A_504 = arith.constant 0 : index
      %swap3A_505 = arith.constant 0 : index
      %swap3A_506 = vector.load %arg7[%swap3A_504, %swap3A_505] : memref<2048x128xf32, #tpu.memory_space<vmem>>, vector<2048x128xf32>
      tpu.vector_store %arg7[%swap3A_504, %swap3A_505], %broadcast_in_dim3A_503 {strides = array<i32>} : memref<2048x128xf32, #tpu.memory_space<vmem>>, vector<2048x128xf32>,
      %broadcast_in_dim3A_507 = arith.constant 0 : i32
      %broadcast_in_dim3A_508 = vector.broadcast %broadcast_in_dim3A_507 : i32 to vector<2048x128xi32>
      %swap3A_509 = arith.constant 0 : index
      %swap3A_510 = arith.constant 0 : index
      %swap3A_511 = vector.load %arg8[%swap3A_509, %swap3A_510] : memref<2048x128xi32, #tpu.memory_space<vmem>>, vector<2048x128xi32>
      tpu.vector_store %arg8[%swap3A_509, %swap3A_510], %broadcast_in_dim3A_508 {strides = array<i32>} : memref<2048x128xi32, #tpu.memory_space<vmem>>, vector<2048x128xi32>,
    } else {
    }
    %get3A_8 = arith.constant 0 : index
    %get3A_9 = arith.constant 0 : index
    %get3A_10 = vector.load %arg3[%get3A_8, %get3A_9] : memref<2048x8xf32, #tpu.memory_space<vmem>>, vector<2048x8xf32>
    %get3A_11 = arith.constant 0 : index
    %get3A_12 = arith.constant 0 : index
    %get3A_13 = vector.load %arg4[%get3A_11, %get3A_12] : memref<8x4096xf32, #tpu.memory_space<vmem>>, vector<8x1024xf32>
    %dot_general3A = arith.constant dense<0.000000e+00> : vector<2048x1024xf32>
    %dot_general3A_14 = tpu.matmul %get3A_10, %get3A_13, %dot_general3A {dimension_numbers = #tpu.dot_dimension_numbers<[1], [0], [0], [1], [0, 0, 1, 1], [], []>, transpose_lhs_hint = false} : vector<2048x8xf32>, vector<8x1024xf32>, vector<2048x1024xf32> -> vector<2048x1024xf32>
    %slice3A = vector.extract_strided_slice %get3A_5 {offsets = [0, 0], sizes = [1, 128], strides = [1, 1]} : vector<1x4096xf32> to vector<1x128xf32>
    %add3A = vector.broadcast %broadcast_in_dim3A : vector<2048x1xf32> to vector<2048x128xf32>
    %add3A_15 = vector.broadcast %slice3A : vector<1x128xf32> to vector<2048x128xf32>
    %add3A_16 = arith.addf %add3A, %add3A_15 : vector<2048x128xf32>
    %slice3A_17 = vector.extract_strided_slice %dot_general3A_14 {offsets = [0, 0], sizes = [2048, 128], strides = [1, 1]} : vector<2048x1024xf32> to vector<2048x128xf32>
    %add3A_18 = arith.addf %add3A_16, %slice3A_17 : vector<2048x128xf32>
    %mul3A_19 = arith.constant 32 : i32
    %mul3A_20 = arith.muli %arg1, %mul3A_19 : i32
    %add3A_21 = arith.constant 0 : i32
    %add3A_22 = arith.addi %mul3A_20, %add3A_21 : i32
    %slice3A_23 = vector.extract_strided_slice %get3A_5 {offsets = [0, 128], sizes = [1, 128], strides = [1, 1]} : vector<1x4096xf32> to vector<1x128xf32>
    %add3A_24 = vector.broadcast %broadcast_in_dim3A : vector<2048x1xf32> to vector<2048x128xf32>
    %add3A_25 = vector.broadcast %slice3A_23 : vector<1x128xf32> to vector<2048x128xf32>
    %add3A_26 = arith.addf %add3A_24, %add3A_25 : vector<2048x128xf32>
    %slice3A_27 = vector.extract_strided_slice %dot_general3A_14 {offsets = [0, 128], sizes = [2048, 128], strides = [1, 1]} : vector<2048x1024xf32> to vector<2048x128xf32>
    %add3A_28 = arith.addf %add3A_26, %slice3A_27 : vector<2048x128xf32>
    %mul3A_29 = arith.constant 32 : i32
    %mul3A_30 = arith.muli %arg1, %mul3A_29 : i32
    %add3A_31 = arith.constant 1 : i32
    %add3A_32 = arith.addi %mul3A_30, %add3A_31 : i32
    %slice3A_33 = vector.extract_strided_slice %get3A_5 {offsets = [0, 256], sizes = [1, 128], strides = [1, 1]} : vector<1x4096xf32> to vector<1x128xf32>
    %add3A_34 = vector.broadcast %broadcast_in_dim3A : vector<2048x1xf32> to vector<2048x128xf32>
    %add3A_35 = vector.broadcast %slice3A_33 : vector<1x128xf32> to vector<2048x128xf32>
    %add3A_36 = arith.addf %add3A_34, %add3A_35 : vector<2048x128xf32>
    %slice3A_37 = vector.extract_strided_slice %dot_general3A_14 {offsets = [0, 256], sizes = [2048, 128], strides = [1, 1]} : vector<2048x1024xf32> to vector<2048x128xf32>
    %add3A_38 = arith.addf %add3A_36, %slice3A_37 : vector<2048x128xf32>
    %mul3A_39 = arith.constant 32 : i32
    %mul3A_40 = arith.muli %arg1, %mul3A_39 : i32
    %add3A_41 = arith.constant 2 : i32
    %add3A_42 = arith.addi %mul3A_40, %add3A_41 : i32
    %slice3A_43 = vector.extract_strided_slice %get3A_5 {offsets = [0, 384], sizes = [1, 128], strides = [1, 1]} : vector<1x4096xf32> to vector<1x128xf32>
    %add3A_44 = vector.broadcast %broadcast_in_dim3A : vector<2048x1xf32> to vector<2048x128xf32>
    %add3A_45 = vector.broadcast %slice3A_43 : vector<1x128xf32> to vector<2048x128xf32>
    %add3A_46 = arith.addf %add3A_44, %add3A_45 : vector<2048x128xf32>
    %slice3A_47 = vector.extract_strided_slice %dot_general3A_14 {offsets = [0, 384], sizes = [2048, 128], strides = [1, 1]} : vector<2048x1024xf32> to vector<2048x128xf32>
    %add3A_48 = arith.addf %add3A_46, %slice3A_47 : vector<2048x128xf32>
    %mul3A_49 = arith.constant 32 : i32
    %mul3A_50 = arith.muli %arg1, %mul3A_49 : i32
    %add3A_51 = arith.constant 3 : i32
    %add3A_52 = arith.addi %mul3A_50, %add3A_51 : i32
    %slice3A_53 = vector.extract_strided_slice %get3A_5 {offsets = [0, 512], sizes = [1, 128], strides = [1, 1]} : vector<1x4096xf32> to vector<1x128xf32>
    %add3A_54 = vector.broadcast %broadcast_in_dim3A : vector<2048x1xf32> to vector<2048x128xf32>
    %add3A_55 = vector.broadcast %slice3A_53 : vector<1x128xf32> to vector<2048x128xf32>
    %add3A_56 = arith.addf %add3A_54, %add3A_55 : vector<2048x128xf32>
    %slice3A_57 = vector.extract_strided_slice %dot_general3A_14 {offsets = [0, 512], sizes = [2048, 128], strides = [1, 1]} : vector<2048x1024xf32> to vector<2048x128xf32>
    %add3A_58 = arith.addf %add3A_56, %slice3A_57 : vector<2048x128xf32>
    %mul3A_59 = arith.constant 32 : i32
    %mul3A_60 = arith.muli %arg1, %mul3A_59 : i32
    %add3A_61 = arith.constant 4 : i32
    %add3A_62 = arith.addi %mul3A_60, %add3A_61 : i32
    %slice3A_63 = vector.extract_strided_slice %get3A_5 {offsets = [0, 640], sizes = [1, 128], strides = [1, 1]} : vector<1x4096xf32> to vector<1x128xf32>
    %add3A_64 = vector.broadcast %broadcast_in_dim3A : vector<2048x1xf32> to vector<2048x128xf32>
    %add3A_65 = vector.broadcast %slice3A_63 : vector<1x128xf32> to vector<2048x128xf32>
    %add3A_66 = arith.addf %add3A_64, %add3A_65 : vector<2048x128xf32>
    %slice3A_67 = vector.extract_strided_slice %dot_general3A_14 {offsets = [0, 640], sizes = [2048, 128], strides = [1, 1]} : vector<2048x1024xf32> to vector<2048x128xf32>
    %add3A_68 = arith.addf %add3A_66, %slice3A_67 : vector<2048x128xf32>
    %mul3A_69 = arith.constant 32 : i32
    %mul3A_70 = arith.muli %arg1, %mul3A_69 : i32
    %add3A_71 = arith.constant 5 : i32
    %add3A_72 = arith.addi %mul3A_70, %add3A_71 : i32
    %slice3A_73 = vector.extract_strided_slice %get3A_5 {offsets = [0, 768], sizes = [1, 128], strides = [1, 1]} : vector<1x4096xf32> to vector<1x128xf32>
    %add3A_74 = vector.broadcast %broadcast_in_dim3A : vector<2048x1xf32> to vector<2048x128xf32>
    %add3A_75 = vector.broadcast %slice3A_73 : vector<1x128xf32> to vector<2048x128xf32>
    %add3A_76 = arith.addf %add3A_74, %add3A_75 : vector<2048x128xf32>
    %slice3A_77 = vector.extract_strided_slice %dot_general3A_14 {offsets = [0, 768], sizes = [2048, 128], strides = [1, 1]} : vector<2048x1024xf32> to vector<2048x128xf32>
    %add3A_78 = arith.addf %add3A_76, %slice3A_77 : vector<2048x128xf32>
    %mul3A_79 = arith.constant 32 : i32
    %mul3A_80 = arith.muli %arg1, %mul3A_79 : i32
    %add3A_81 = arith.constant 6 : i32
    %add3A_82 = arith.addi %mul3A_80, %add3A_81 : i32
    %slice3A_83 = vector.extract_strided_slice %get3A_5 {offsets = [0, 896], sizes = [1, 128], strides = [1, 1]} : vector<1x4096xf32> to vector<1x128xf32>
    %add3A_84 = vector.broadcast %broadcast_in_dim3A : vector<2048x1xf32> to vector<2048x128xf32>
    %add3A_85 = vector.broadcast %slice3A_83 : vector<1x128xf32> to vector<2048x128xf32>
    %add3A_86 = arith.addf %add3A_84, %add3A_85 : vector<2048x128xf32>
    %slice3A_87 = vector.extract_strided_slice %dot_general3A_14 {offsets = [0, 896], sizes = [2048, 128], strides = [1, 1]} : vector<2048x1024xf32> to vector<2048x128xf32>
    %add3A_88 = arith.addf %add3A_86, %slice3A_87 : vector<2048x128xf32>
    %mul3A_89 = arith.constant 32 : i32
    %mul3A_90 = arith.muli %arg1, %mul3A_89 : i32
    %add3A_91 = arith.constant 7 : i32
    %add3A_92 = arith.addi %mul3A_90, %add3A_91 : i32
    %lt3A = arith.cmpf olt, %add3A_28, %add3A_18 : vector<2048x128xf32>
    %select_n3A = arith.select %lt3A, %add3A_28, %add3A_18 : vector<2048x128xi1>, vector<2048x128xf32>
    %broadcast_in_dim3A_93 = vector.broadcast %add3A_32 : i32 to vector<2048x128xi32>
    %broadcast_in_dim3A_94 = vector.broadcast %add3A_22 : i32 to vector<2048x128xi32>
    %select_n3A_95 = arith.select %lt3A, %broadcast_in_dim3A_93, %broadcast_in_dim3A_94 : vector<2048x128xi1>, vector<2048x128xi32>
    %lt3A_96 = arith.cmpf olt, %add3A_48, %add3A_38 : vector<2048x128xf32>
    %select_n3A_97 = arith.select %lt3A_96, %add3A_48, %add3A_38 : vector<2048x128xi1>, vector<2048x128xf32>
    %broadcast_in_dim3A_98 = vector.broadcast %add3A_52 : i32 to vector<2048x128xi32>
    %broadcast_in_dim3A_99 = vector.broadcast %add3A_42 : i32 to vector<2048x128xi32>
    %select_n3A_100 = arith.select %lt3A_96, %broadcast_in_dim3A_98, %broadcast_in_dim3A_99 : vector<2048x128xi1>, vector<2048x128xi32>
    %lt3A_101 = arith.cmpf olt, %add3A_68, %add3A_58 : vector<2048x128xf32>
    %select_n3A_102 = arith.select %lt3A_101, %add3A_68, %add3A_58 : vector<2048x128xi1>, vector<2048x128xf32>
    %broadcast_in_dim3A_103 = vector.broadcast %add3A_72 : i32 to vector<2048x128xi32>
    %broadcast_in_dim3A_104 = vector.broadcast %add3A_62 : i32 to vector<2048x128xi32>
    %select_n3A_105 = arith.select %lt3A_101, %broadcast_in_dim3A_103, %broadcast_in_dim3A_104 : vector<2048x128xi1>, vector<2048x128xi32>
    %lt3A_106 = arith.cmpf olt, %add3A_88, %add3A_78 : vector<2048x128xf32>
    %select_n3A_107 = arith.select %lt3A_106, %add3A_88, %add3A_78 : vector<2048x128xi1>, vector<2048x128xf32>
    %broadcast_in_dim3A_108 = vector.broadcast %add3A_92 : i32 to vector<2048x128xi32>
    %broadcast_in_dim3A_109 = vector.broadcast %add3A_82 : i32 to vector<2048x128xi32>
    %select_n3A_110 = arith.select %lt3A_106, %broadcast_in_dim3A_108, %broadcast_in_dim3A_109 : vector<2048x128xi1>, vector<2048x128xi32>
    %lt3A_111 = arith.cmpf olt, %select_n3A_97, %select_n3A : vector<2048x128xf32>
    %select_n3A_112 = arith.select %lt3A_111, %select_n3A_97, %select_n3A : vector<2048x128xi1>, vector<2048x128xf32>
    %select_n3A_113 = arith.select %lt3A_111, %select_n3A_100, %select_n3A_95 : vector<2048x128xi1>, vector<2048x128xi32>
    %lt3A_114 = arith.cmpf olt, %select_n3A_107, %select_n3A_102 : vector<2048x128xf32>
    %select_n3A_115 = arith.select %lt3A_114, %select_n3A_107, %select_n3A_102 : vector<2048x128xi1>, vector<2048x128xf32>
    %select_n3A_116 = arith.select %lt3A_114, %select_n3A_110, %select_n3A_105 : vector<2048x128xi1>, vector<2048x128xi32>
    %lt3A_117 = arith.cmpf olt, %select_n3A_115, %select_n3A_112 : vector<2048x128xf32>
    %select_n3A_118 = arith.select %lt3A_117, %select_n3A_115, %select_n3A_112 : vector<2048x128xi1>, vector<2048x128xf32>
    %select_n3A_119 = arith.select %lt3A_117, %select_n3A_116, %select_n3A_113 : vector<2048x128xi1>, vector<2048x128xi32>
    %get3A_120 = arith.constant 0 : index
    %get3A_121 = arith.constant 0 : index
    %get3A_122 = vector.load %arg3[%get3A_120, %get3A_121] : memref<2048x8xf32, #tpu.memory_space<vmem>>, vector<2048x8xf32>
    %get3A_123 = arith.constant 0 : index
    %get3A_124 = arith.constant 1024 : index
    %get3A_125 = vector.load %arg4[%get3A_123, %get3A_124] : memref<8x4096xf32, #tpu.memory_space<vmem>>, vector<8x1024xf32>
    %dot_general3A_126 = arith.constant dense<0.000000e+00> : vector<2048x1024xf32>
    %dot_general3A_127 = tpu.matmul %get3A_122, %get3A_125, %dot_general3A_126 {dimension_numbers = #tpu.dot_dimension_numbers<[1], [0], [0], [1], [0, 0, 1, 1], [], []>, transpose_lhs_hint = false} : vector<2048x8xf32>, vector<8x1024xf32>, vector<2048x1024xf32> -> vector<2048x1024xf32>
    %slice3A_128 = vector.extract_strided_slice %get3A_5 {offsets = [0, 1024], sizes = [1, 128], strides = [1, 1]} : vector<1x4096xf32> to vector<1x128xf32>
    %add3A_129 = vector.broadcast %broadcast_in_dim3A : vector<2048x1xf32> to vector<2048x128xf32>
    %add3A_130 = vector.broadcast %slice3A_128 : vector<1x128xf32> to vector<2048x128xf32>
    %add3A_131 = arith.addf %add3A_129, %add3A_130 : vector<2048x128xf32>
    %slice3A_132 = vector.extract_strided_slice %dot_general3A_127 {offsets = [0, 0], sizes = [2048, 128], strides = [1, 1]} : vector<2048x1024xf32> to vector<2048x128xf32>
    %add3A_133 = arith.addf %add3A_131, %slice3A_132 : vector<2048x128xf32>
    %mul3A_134 = arith.constant 32 : i32
    %mul3A_135 = arith.muli %arg1, %mul3A_134 : i32
    %add3A_136 = arith.constant 8 : i32
    %add3A_137 = arith.addi %mul3A_135, %add3A_136 : i32
    %slice3A_138 = vector.extract_strided_slice %get3A_5 {offsets = [0, 1152], sizes = [1, 128], strides = [1, 1]} : vector<1x4096xf32> to vector<1x128xf32>
    %add3A_139 = vector.broadcast %broadcast_in_dim3A : vector<2048x1xf32> to vector<2048x128xf32>
    %add3A_140 = vector.broadcast %slice3A_138 : vector<1x128xf32> to vector<2048x128xf32>
    %add3A_141 = arith.addf %add3A_139, %add3A_140 : vector<2048x128xf32>
    %slice3A_142 = vector.extract_strided_slice %dot_general3A_127 {offsets = [0, 128], sizes = [2048, 128], strides = [1, 1]} : vector<2048x1024xf32> to vector<2048x128xf32>
    %add3A_143 = arith.addf %add3A_141, %slice3A_142 : vector<2048x128xf32>
    %mul3A_144 = arith.constant 32 : i32
    %mul3A_145 = arith.muli %arg1, %mul3A_144 : i32
    %add3A_146 = arith.constant 9 : i32
    %add3A_147 = arith.addi %mul3A_145, %add3A_146 : i32
    %slice3A_148 = vector.extract_strided_slice %get3A_5 {offsets = [0, 1280], sizes = [1, 128], strides = [1, 1]} : vector<1x4096xf32> to vector<1x128xf32>
    %add3A_149 = vector.broadcast %broadcast_in_dim3A : vector<2048x1xf32> to vector<2048x128xf32>
    %add3A_150 = vector.broadcast %slice3A_148 : vector<1x128xf32> to vector<2048x128xf32>
    %add3A_151 = arith.addf %add3A_149, %add3A_150 : vector<2048x128xf32>
    %slice3A_152 = vector.extract_strided_slice %dot_general3A_127 {offsets = [0, 256], sizes = [2048, 128], strides = [1, 1]} : vector<2048x1024xf32> to vector<2048x128xf32>
    %add3A_153 = arith.addf %add3A_151, %slice3A_152 : vector<2048x128xf32>
    %mul3A_154 = arith.constant 32 : i32
    %mul3A_155 = arith.muli %arg1, %mul3A_154 : i32
    %add3A_156 = arith.constant 10 : i32
    %add3A_157 = arith.addi %mul3A_155, %add3A_156 : i32
    %slice3A_158 = vector.extract_strided_slice %get3A_5 {offsets = [0, 1408], sizes = [1, 128], strides = [1, 1]} : vector<1x4096xf32> to vector<1x128xf32>
    %add3A_159 = vector.broadcast %broadcast_in_dim3A : vector<2048x1xf32> to vector<2048x128xf32>
    %add3A_160 = vector.broadcast %slice3A_158 : vector<1x128xf32> to vector<2048x128xf32>
    %add3A_161 = arith.addf %add3A_159, %add3A_160 : vector<2048x128xf32>
    %slice3A_162 = vector.extract_strided_slice %dot_general3A_127 {offsets = [0, 384], sizes = [2048, 128], strides = [1, 1]} : vector<2048x1024xf32> to vector<2048x128xf32>
    %add3A_163 = arith.addf %add3A_161, %slice3A_162 : vector<2048x128xf32>
    %mul3A_164 = arith.constant 32 : i32
    %mul3A_165 = arith.muli %arg1, %mul3A_164 : i32
    %add3A_166 = arith.constant 11 : i32
    %add3A_167 = arith.addi %mul3A_165, %add3A_166 : i32
    %slice3A_168 = vector.extract_strided_slice %get3A_5 {offsets = [0, 1536], sizes = [1, 128], strides = [1, 1]} : vector<1x4096xf32> to vector<1x128xf32>
    %add3A_169 = vector.broadcast %broadcast_in_dim3A : vector<2048x1xf32> to vector<2048x128xf32>
    %add3A_170 = vector.broadcast %slice3A_168 : vector<1x128xf32> to vector<2048x128xf32>
    %add3A_171 = arith.addf %add3A_169, %add3A_170 : vector<2048x128xf32>
    %slice3A_172 = vector.extract_strided_slice %dot_general3A_127 {offsets = [0, 512], sizes = [2048, 128], strides = [1, 1]} : vector<2048x1024xf32> to vector<2048x128xf32>
    %add3A_173 = arith.addf %add3A_171, %slice3A_172 : vector<2048x128xf32>
    %mul3A_174 = arith.constant 32 : i32
    %mul3A_175 = arith.muli %arg1, %mul3A_174 : i32
    %add3A_176 = arith.constant 12 : i32
    %add3A_177 = arith.addi %mul3A_175, %add3A_176 : i32
    %slice3A_178 = vector.extract_strided_slice %get3A_5 {offsets = [0, 1664], sizes = [1, 128], strides = [1, 1]} : vector<1x4096xf32> to vector<1x128xf32>
    %add3A_179 = vector.broadcast %broadcast_in_dim3A : vector<2048x1xf32> to vector<2048x128xf32>
    %add3A_180 = vector.broadcast %slice3A_178 : vector<1x128xf32> to vector<2048x128xf32>
    %add3A_181 = arith.addf %add3A_179, %add3A_180 : vector<2048x128xf32>
    %slice3A_182 = vector.extract_strided_slice %dot_general3A_127 {offsets = [0, 640], sizes = [2048, 128], strides = [1, 1]} : vector<2048x1024xf32> to vector<2048x128xf32>
    %add3A_183 = arith.addf %add3A_181, %slice3A_182 : vector<2048x128xf32>
    %mul3A_184 = arith.constant 32 : i32
    %mul3A_185 = arith.muli %arg1, %mul3A_184 : i32
    %add3A_186 = arith.constant 13 : i32
    %add3A_187 = arith.addi %mul3A_185, %add3A_186 : i32
    %slice3A_188 = vector.extract_strided_slice %get3A_5 {offsets = [0, 1792], sizes = [1, 128], strides = [1, 1]} : vector<1x4096xf32> to vector<1x128xf32>
    %add3A_189 = vector.broadcast %broadcast_in_dim3A : vector<2048x1xf32> to vector<2048x128xf32>
    %add3A_190 = vector.broadcast %slice3A_188 : vector<1x128xf32> to vector<2048x128xf32>
    %add3A_191 = arith.addf %add3A_189, %add3A_190 : vector<2048x128xf32>
    %slice3A_192 = vector.extract_strided_slice %dot_general3A_127 {offsets = [0, 768], sizes = [2048, 128], strides = [1, 1]} : vector<2048x1024xf32> to vector<2048x128xf32>
    %add3A_193 = arith.addf %add3A_191, %slice3A_192 : vector<2048x128xf32>
    %mul3A_194 = arith.constant 32 : i32
    %mul3A_195 = arith.muli %arg1, %mul3A_194 : i32
    %add3A_196 = arith.constant 14 : i32
    %add3A_197 = arith.addi %mul3A_195, %add3A_196 : i32
    %slice3A_198 = vector.extract_strided_slice %get3A_5 {offsets = [0, 1920], sizes = [1, 128], strides = [1, 1]} : vector<1x4096xf32> to vector<1x128xf32>
    %add3A_199 = vector.broadcast %broadcast_in_dim3A : vector<2048x1xf32> to vector<2048x128xf32>
    %add3A_200 = vector.broadcast %slice3A_198 : vector<1x128xf32> to vector<2048x128xf32>
    %add3A_201 = arith.addf %add3A_199, %add3A_200 : vector<2048x128xf32>
    %slice3A_202 = vector.extract_strided_slice %dot_general3A_127 {offsets = [0, 896], sizes = [2048, 128], strides = [1, 1]} : vector<2048x1024xf32> to vector<2048x128xf32>
    %add3A_203 = arith.addf %add3A_201, %slice3A_202 : vector<2048x128xf32>
    %mul3A_204 = arith.constant 32 : i32
    %mul3A_205 = arith.muli %arg1, %mul3A_204 : i32
    %add3A_206 = arith.constant 15 : i32
    %add3A_207 = arith.addi %mul3A_205, %add3A_206 : i32
    %lt3A_208 = arith.cmpf olt, %add3A_143, %add3A_133 : vector<2048x128xf32>
    %select_n3A_209 = arith.select %lt3A_208, %add3A_143, %add3A_133 : vector<2048x128xi1>, vector<2048x128xf32>
    %broadcast_in_dim3A_210 = vector.broadcast %add3A_147 : i32 to vector<2048x128xi32>
    %broadcast_in_dim3A_211 = vector.broadcast %add3A_137 : i32 to vector<2048x128xi32>
    %select_n3A_212 = arith.select %lt3A_208, %broadcast_in_dim3A_210, %broadcast_in_dim3A_211 : vector<2048x128xi1>, vector<2048x128xi32>
    %lt3A_213 = arith.cmpf olt, %add3A_163, %add3A_153 : vector<2048x128xf32>
    %select_n3A_214 = arith.select %lt3A_213, %add3A_163, %add3A_153 : vector<2048x128xi1>, vector<2048x128xf32>
    %broadcast_in_dim3A_215 = vector.broadcast %add3A_167 : i32 to vector<2048x128xi32>
    %broadcast_in_dim3A_216 = vector.broadcast %add3A_157 : i32 to vector<2048x128xi32>
    %select_n3A_217 = arith.select %lt3A_213, %broadcast_in_dim3A_215, %broadcast_in_dim3A_216 : vector<2048x128xi1>, vector<2048x128xi32>
    %lt3A_218 = arith.cmpf olt, %add3A_183, %add3A_173 : vector<2048x128xf32>
    %select_n3A_219 = arith.select %lt3A_218, %add3A_183, %add3A_173 : vector<2048x128xi1>, vector<2048x128xf32>
    %broadcast_in_dim3A_220 = vector.broadcast %add3A_187 : i32 to vector<2048x128xi32>
    %broadcast_in_dim3A_221 = vector.broadcast %add3A_177 : i32 to vector<2048x128xi32>
    %select_n3A_222 = arith.select %lt3A_218, %broadcast_in_dim3A_220, %broadcast_in_dim3A_221 : vector<2048x128xi1>, vector<2048x128xi32>
    %lt3A_223 = arith.cmpf olt, %add3A_203, %add3A_193 : vector<2048x128xf32>
    %select_n3A_224 = arith.select %lt3A_223, %add3A_203, %add3A_193 : vector<2048x128xi1>, vector<2048x128xf32>
    %broadcast_in_dim3A_225 = vector.broadcast %add3A_207 : i32 to vector<2048x128xi32>
    %broadcast_in_dim3A_226 = vector.broadcast %add3A_197 : i32 to vector<2048x128xi32>
    %select_n3A_227 = arith.select %lt3A_223, %broadcast_in_dim3A_225, %broadcast_in_dim3A_226 : vector<2048x128xi1>, vector<2048x128xi32>
    %lt3A_228 = arith.cmpf olt, %select_n3A_214, %select_n3A_209 : vector<2048x128xf32>
    %select_n3A_229 = arith.select %lt3A_228, %select_n3A_214, %select_n3A_209 : vector<2048x128xi1>, vector<2048x128xf32>
    %select_n3A_230 = arith.select %lt3A_228, %select_n3A_217, %select_n3A_212 : vector<2048x128xi1>, vector<2048x128xi32>
    %lt3A_231 = arith.cmpf olt, %select_n3A_224, %select_n3A_219 : vector<2048x128xf32>
    %select_n3A_232 = arith.select %lt3A_231, %select_n3A_224, %select_n3A_219 : vector<2048x128xi1>, vector<2048x128xf32>
    %select_n3A_233 = arith.select %lt3A_231, %select_n3A_227, %select_n3A_222 : vector<2048x128xi1>, vector<2048x128xi32>
    %lt3A_234 = arith.cmpf olt, %select_n3A_232, %select_n3A_229 : vector<2048x128xf32>
    %select_n3A_235 = arith.select %lt3A_234, %select_n3A_232, %select_n3A_229 : vector<2048x128xi1>, vector<2048x128xf32>
    %select_n3A_236 = arith.select %lt3A_234, %select_n3A_233, %select_n3A_230 : vector<2048x128xi1>, vector<2048x128xi32>
    %lt3A_237 = arith.cmpf olt, %select_n3A_235, %select_n3A_118 : vector<2048x128xf32>
    %select_n3A_238 = arith.select %lt3A_237, %select_n3A_235, %select_n3A_118 : vector<2048x128xi1>, vector<2048x128xf32>
    %select_n3A_239 = arith.select %lt3A_237, %select_n3A_236, %select_n3A_119 : vector<2048x128xi1>, vector<2048x128xi32>
    %get3A_240 = arith.constant 0 : index
    %get3A_241 = arith.constant 0 : index
    %get3A_242 = vector.load %arg3[%get3A_240, %get3A_241] : memref<2048x8xf32, #tpu.memory_space<vmem>>, vector<2048x8xf32>
    %get3A_243 = arith.constant 0 : index
    %get3A_244 = arith.constant 2048 : index
    %get3A_245 = vector.load %arg4[%get3A_243, %get3A_244] : memref<8x4096xf32, #tpu.memory_space<vmem>>, vector<8x1024xf32>
    %dot_general3A_246 = arith.constant dense<0.000000e+00> : vector<2048x1024xf32>
    %dot_general3A_247 = tpu.matmul %get3A_242, %get3A_245, %dot_general3A_246 {dimension_numbers = #tpu.dot_dimension_numbers<[1], [0], [0], [1], [0, 0, 1, 1], [], []>, transpose_lhs_hint = false} : vector<2048x8xf32>, vector<8x1024xf32>, vector<2048x1024xf32> -> vector<2048x1024xf32>
    %slice3A_248 = vector.extract_strided_slice %get3A_5 {offsets = [0, 2048], sizes = [1, 128], strides = [1, 1]} : vector<1x4096xf32> to vector<1x128xf32>
    %add3A_249 = vector.broadcast %broadcast_in_dim3A : vector<2048x1xf32> to vector<2048x128xf32>
    %add3A_250 = vector.broadcast %slice3A_248 : vector<1x128xf32> to vector<2048x128xf32>
    %add3A_251 = arith.addf %add3A_249, %add3A_250 : vector<2048x128xf32>
    %slice3A_252 = vector.extract_strided_slice %dot_general3A_247 {offsets = [0, 0], sizes = [2048, 128], strides = [1, 1]} : vector<2048x1024xf32> to vector<2048x128xf32>
    %add3A_253 = arith.addf %add3A_251, %slice3A_252 : vector<2048x128xf32>
    %mul3A_254 = arith.constant 32 : i32
    %mul3A_255 = arith.muli %arg1, %mul3A_254 : i32
    %add3A_256 = arith.constant 16 : i32
    %add3A_257 = arith.addi %mul3A_255, %add3A_256 : i32
    %slice3A_258 = vector.extract_strided_slice %get3A_5 {offsets = [0, 2176], sizes = [1, 128], strides = [1, 1]} : vector<1x4096xf32> to vector<1x128xf32>
    %add3A_259 = vector.broadcast %broadcast_in_dim3A : vector<2048x1xf32> to vector<2048x128xf32>
    %add3A_260 = vector.broadcast %slice3A_258 : vector<1x128xf32> to vector<2048x128xf32>
    %add3A_261 = arith.addf %add3A_259, %add3A_260 : vector<2048x128xf32>
    %slice3A_262 = vector.extract_strided_slice %dot_general3A_247 {offsets = [0, 128], sizes = [2048, 128], strides = [1, 1]} : vector<2048x1024xf32> to vector<2048x128xf32>
    %add3A_263 = arith.addf %add3A_261, %slice3A_262 : vector<2048x128xf32>
    %mul3A_264 = arith.constant 32 : i32
    %mul3A_265 = arith.muli %arg1, %mul3A_264 : i32
    %add3A_266 = arith.constant 17 : i32
    %add3A_267 = arith.addi %mul3A_265, %add3A_266 : i32
    %slice3A_268 = vector.extract_strided_slice %get3A_5 {offsets = [0, 2304], sizes = [1, 128], strides = [1, 1]} : vector<1x4096xf32> to vector<1x128xf32>
    %add3A_269 = vector.broadcast %broadcast_in_dim3A : vector<2048x1xf32> to vector<2048x128xf32>
    %add3A_270 = vector.broadcast %slice3A_268 : vector<1x128xf32> to vector<2048x128xf32>
    %add3A_271 = arith.addf %add3A_269, %add3A_270 : vector<2048x128xf32>
    %slice3A_272 = vector.extract_strided_slice %dot_general3A_247 {offsets = [0, 256], sizes = [2048, 128], strides = [1, 1]} : vector<2048x1024xf32> to vector<2048x128xf32>
    %add3A_273 = arith.addf %add3A_271, %slice3A_272 : vector<2048x128xf32>
    %mul3A_274 = arith.constant 32 : i32
    %mul3A_275 = arith.muli %arg1, %mul3A_274 : i32
    %add3A_276 = arith.constant 18 : i32
    %add3A_277 = arith.addi %mul3A_275, %add3A_276 : i32
    %slice3A_278 = vector.extract_strided_slice %get3A_5 {offsets = [0, 2432], sizes = [1, 128], strides = [1, 1]} : vector<1x4096xf32> to vector<1x128xf32>
    %add3A_279 = vector.broadcast %broadcast_in_dim3A : vector<2048x1xf32> to vector<2048x128xf32>
    %add3A_280 = vector.broadcast %slice3A_278 : vector<1x128xf32> to vector<2048x128xf32>
    %add3A_281 = arith.addf %add3A_279, %add3A_280 : vector<2048x128xf32>
    %slice3A_282 = vector.extract_strided_slice %dot_general3A_247 {offsets = [0, 384], sizes = [2048, 128], strides = [1, 1]} : vector<2048x1024xf32> to vector<2048x128xf32>
    %add3A_283 = arith.addf %add3A_281, %slice3A_282 : vector<2048x128xf32>
    %mul3A_284 = arith.constant 32 : i32
    %mul3A_285 = arith.muli %arg1, %mul3A_284 : i32
    %add3A_286 = arith.constant 19 : i32
    %add3A_287 = arith.addi %mul3A_285, %add3A_286 : i32
    %slice3A_288 = vector.extract_strided_slice %get3A_5 {offsets = [0, 2560], sizes = [1, 128], strides = [1, 1]} : vector<1x4096xf32> to vector<1x128xf32>
    %add3A_289 = vector.broadcast %broadcast_in_dim3A : vector<2048x1xf32> to vector<2048x128xf32>
    %add3A_290 = vector.broadcast %slice3A_288 : vector<1x128xf32> to vector<2048x128xf32>
    %add3A_291 = arith.addf %add3A_289, %add3A_290 : vector<2048x128xf32>
    %slice3A_292 = vector.extract_strided_slice %dot_general3A_247 {offsets = [0, 512], sizes = [2048, 128], strides = [1, 1]} : vector<2048x1024xf32> to vector<2048x128xf32>
    %add3A_293 = arith.addf %add3A_291, %slice3A_292 : vector<2048x128xf32>
    %mul3A_294 = arith.constant 32 : i32
    %mul3A_295 = arith.muli %arg1, %mul3A_294 : i32
    %add3A_296 = arith.constant 20 : i32
    %add3A_297 = arith.addi %mul3A_295, %add3A_296 : i32
    %slice3A_298 = vector.extract_strided_slice %get3A_5 {offsets = [0, 2688], sizes = [1, 128], strides = [1, 1]} : vector<1x4096xf32> to vector<1x128xf32>
    %add3A_299 = vector.broadcast %broadcast_in_dim3A : vector<2048x1xf32> to vector<2048x128xf32>
    %add3A_300 = vector.broadcast %slice3A_298 : vector<1x128xf32> to vector<2048x128xf32>
    %add3A_301 = arith.addf %add3A_299, %add3A_300 : vector<2048x128xf32>
    %slice3A_302 = vector.extract_strided_slice %dot_general3A_247 {offsets = [0, 640], sizes = [2048, 128], strides = [1, 1]} : vector<2048x1024xf32> to vector<2048x128xf32>
    %add3A_303 = arith.addf %add3A_301, %slice3A_302 : vector<2048x128xf32>
    %mul3A_304 = arith.constant 32 : i32
    %mul3A_305 = arith.muli %arg1, %mul3A_304 : i32
    %add3A_306 = arith.constant 21 : i32
    %add3A_307 = arith.addi %mul3A_305, %add3A_306 : i32
    %slice3A_308 = vector.extract_strided_slice %get3A_5 {offsets = [0, 2816], sizes = [1, 128], strides = [1, 1]} : vector<1x4096xf32> to vector<1x128xf32>
    %add3A_309 = vector.broadcast %broadcast_in_dim3A : vector<2048x1xf32> to vector<2048x128xf32>
    %add3A_310 = vector.broadcast %slice3A_308 : vector<1x128xf32> to vector<2048x128xf32>
    %add3A_311 = arith.addf %add3A_309, %add3A_310 : vector<2048x128xf32>
    %slice3A_312 = vector.extract_strided_slice %dot_general3A_247 {offsets = [0, 768], sizes = [2048, 128], strides = [1, 1]} : vector<2048x1024xf32> to vector<2048x128xf32>
    %add3A_313 = arith.addf %add3A_311, %slice3A_312 : vector<2048x128xf32>
    %mul3A_314 = arith.constant 32 : i32
    %mul3A_315 = arith.muli %arg1, %mul3A_314 : i32
    %add3A_316 = arith.constant 22 : i32
    %add3A_317 = arith.addi %mul3A_315, %add3A_316 : i32
    %slice3A_318 = vector.extract_strided_slice %get3A_5 {offsets = [0, 2944], sizes = [1, 128], strides = [1, 1]} : vector<1x4096xf32> to vector<1x128xf32>
    %add3A_319 = vector.broadcast %broadcast_in_dim3A : vector<2048x1xf32> to vector<2048x128xf32>
    %add3A_320 = vector.broadcast %slice3A_318 : vector<1x128xf32> to vector<2048x128xf32>
    %add3A_321 = arith.addf %add3A_319, %add3A_320 : vector<2048x128xf32>
    %slice3A_322 = vector.extract_strided_slice %dot_general3A_247 {offsets = [0, 896], sizes = [2048, 128], strides = [1, 1]} : vector<2048x1024xf32> to vector<2048x128xf32>
    %add3A_323 = arith.addf %add3A_321, %slice3A_322 : vector<2048x128xf32>
    %mul3A_324 = arith.constant 32 : i32
    %mul3A_325 = arith.muli %arg1, %mul3A_324 : i32
    %add3A_326 = arith.constant 23 : i32
    %add3A_327 = arith.addi %mul3A_325, %add3A_326 : i32
    %lt3A_328 = arith.cmpf olt, %add3A_263, %add3A_253 : vector<2048x128xf32>
    %select_n3A_329 = arith.select %lt3A_328, %add3A_263, %add3A_253 : vector<2048x128xi1>, vector<2048x128xf32>
    %broadcast_in_dim3A_330 = vector.broadcast %add3A_267 : i32 to vector<2048x128xi32>
    %broadcast_in_dim3A_331 = vector.broadcast %add3A_257 : i32 to vector<2048x128xi32>
    %select_n3A_332 = arith.select %lt3A_328, %broadcast_in_dim3A_330, %broadcast_in_dim3A_331 : vector<2048x128xi1>, vector<2048x128xi32>
    %lt3A_333 = arith.cmpf olt, %add3A_283, %add3A_273 : vector<2048x128xf32>
    %select_n3A_334 = arith.select %lt3A_333, %add3A_283, %add3A_273 : vector<2048x128xi1>, vector<2048x128xf32>
    %broadcast_in_dim3A_335 = vector.broadcast %add3A_287 : i32 to vector<2048x128xi32>
    %broadcast_in_dim3A_336 = vector.broadcast %add3A_277 : i32 to vector<2048x128xi32>
    %select_n3A_337 = arith.select %lt3A_333, %broadcast_in_dim3A_335, %broadcast_in_dim3A_336 : vector<2048x128xi1>, vector<2048x128xi32>
    %lt3A_338 = arith.cmpf olt, %add3A_303, %add3A_293 : vector<2048x128xf32>
    %select_n3A_339 = arith.select %lt3A_338, %add3A_303, %add3A_293 : vector<2048x128xi1>, vector<2048x128xf32>
    %broadcast_in_dim3A_340 = vector.broadcast %add3A_307 : i32 to vector<2048x128xi32>
    %broadcast_in_dim3A_341 = vector.broadcast %add3A_297 : i32 to vector<2048x128xi32>
    %select_n3A_342 = arith.select %lt3A_338, %broadcast_in_dim3A_340, %broadcast_in_dim3A_341 : vector<2048x128xi1>, vector<2048x128xi32>
    %lt3A_343 = arith.cmpf olt, %add3A_323, %add3A_313 : vector<2048x128xf32>
    %select_n3A_344 = arith.select %lt3A_343, %add3A_323, %add3A_313 : vector<2048x128xi1>, vector<2048x128xf32>
    %broadcast_in_dim3A_345 = vector.broadcast %add3A_327 : i32 to vector<2048x128xi32>
    %broadcast_in_dim3A_346 = vector.broadcast %add3A_317 : i32 to vector<2048x128xi32>
    %select_n3A_347 = arith.select %lt3A_343, %broadcast_in_dim3A_345, %broadcast_in_dim3A_346 : vector<2048x128xi1>, vector<2048x128xi32>
    %lt3A_348 = arith.cmpf olt, %select_n3A_334, %select_n3A_329 : vector<2048x128xf32>
    %select_n3A_349 = arith.select %lt3A_348, %select_n3A_334, %select_n3A_329 : vector<2048x128xi1>, vector<2048x128xf32>
    %select_n3A_350 = arith.select %lt3A_348, %select_n3A_337, %select_n3A_332 : vector<2048x128xi1>, vector<2048x128xi32>
    %lt3A_351 = arith.cmpf olt, %select_n3A_344, %select_n3A_339 : vector<2048x128xf32>
    %select_n3A_352 = arith.select %lt3A_351, %select_n3A_344, %select_n3A_339 : vector<2048x128xi1>, vector<2048x128xf32>
    %select_n3A_353 = arith.select %lt3A_351, %select_n3A_347, %select_n3A_342 : vector<2048x128xi1>, vector<2048x128xi32>
    %lt3A_354 = arith.cmpf olt, %select_n3A_352, %select_n3A_349 : vector<2048x128xf32>
    %select_n3A_355 = arith.select %lt3A_354, %select_n3A_352, %select_n3A_349 : vector<2048x128xi1>, vector<2048x128xf32>
    %select_n3A_356 = arith.select %lt3A_354, %select_n3A_353, %select_n3A_350 : vector<2048x128xi1>, vector<2048x128xi32>
    %lt3A_357 = arith.cmpf olt, %select_n3A_355, %select_n3A_238 : vector<2048x128xf32>
    %select_n3A_358 = arith.select %lt3A_357, %select_n3A_355, %select_n3A_238 : vector<2048x128xi1>, vector<2048x128xf32>
    %select_n3A_359 = arith.select %lt3A_357, %select_n3A_356, %select_n3A_239 : vector<2048x128xi1>, vector<2048x128xi32>
    %get3A_360 = arith.constant 0 : index
    %get3A_361 = arith.constant 0 : index
    %get3A_362 = vector.load %arg3[%get3A_360, %get3A_361] : memref<2048x8xf32, #tpu.memory_space<vmem>>, vector<2048x8xf32>
    %get3A_363 = arith.constant 0 : index
    %get3A_364 = arith.constant 3072 : index
    %get3A_365 = vector.load %arg4[%get3A_363, %get3A_364] : memref<8x4096xf32, #tpu.memory_space<vmem>>, vector<8x1024xf32>
    %dot_general3A_366 = arith.constant dense<0.000000e+00> : vector<2048x1024xf32>
    %dot_general3A_367 = tpu.matmul %get3A_362, %get3A_365, %dot_general3A_366 {dimension_numbers = #tpu.dot_dimension_numbers<[1], [0], [0], [1], [0, 0, 1, 1], [], []>, transpose_lhs_hint = false} : vector<2048x8xf32>, vector<8x1024xf32>, vector<2048x1024xf32> -> vector<2048x1024xf32>
    %slice3A_368 = vector.extract_strided_slice %get3A_5 {offsets = [0, 3072], sizes = [1, 128], strides = [1, 1]} : vector<1x4096xf32> to vector<1x128xf32>
    %add3A_369 = vector.broadcast %broadcast_in_dim3A : vector<2048x1xf32> to vector<2048x128xf32>
    %add3A_370 = vector.broadcast %slice3A_368 : vector<1x128xf32> to vector<2048x128xf32>
    %add3A_371 = arith.addf %add3A_369, %add3A_370 : vector<2048x128xf32>
    %slice3A_372 = vector.extract_strided_slice %dot_general3A_367 {offsets = [0, 0], sizes = [2048, 128], strides = [1, 1]} : vector<2048x1024xf32> to vector<2048x128xf32>
    %add3A_373 = arith.addf %add3A_371, %slice3A_372 : vector<2048x128xf32>
    %mul3A_374 = arith.constant 32 : i32
    %mul3A_375 = arith.muli %arg1, %mul3A_374 : i32
    %add3A_376 = arith.constant 24 : i32
    %add3A_377 = arith.addi %mul3A_375, %add3A_376 : i32
    %slice3A_378 = vector.extract_strided_slice %get3A_5 {offsets = [0, 3200], sizes = [1, 128], strides = [1, 1]} : vector<1x4096xf32> to vector<1x128xf32>
    %add3A_379 = vector.broadcast %broadcast_in_dim3A : vector<2048x1xf32> to vector<2048x128xf32>
    %add3A_380 = vector.broadcast %slice3A_378 : vector<1x128xf32> to vector<2048x128xf32>
    %add3A_381 = arith.addf %add3A_379, %add3A_380 : vector<2048x128xf32>
    %slice3A_382 = vector.extract_strided_slice %dot_general3A_367 {offsets = [0, 128], sizes = [2048, 128], strides = [1, 1]} : vector<2048x1024xf32> to vector<2048x128xf32>
    %add3A_383 = arith.addf %add3A_381, %slice3A_382 : vector<2048x128xf32>
    %mul3A_384 = arith.constant 32 : i32
    %mul3A_385 = arith.muli %arg1, %mul3A_384 : i32
    %add3A_386 = arith.constant 25 : i32
    %add3A_387 = arith.addi %mul3A_385, %add3A_386 : i32
    %slice3A_388 = vector.extract_strided_slice %get3A_5 {offsets = [0, 3328], sizes = [1, 128], strides = [1, 1]} : vector<1x4096xf32> to vector<1x128xf32>
    %add3A_389 = vector.broadcast %broadcast_in_dim3A : vector<2048x1xf32> to vector<2048x128xf32>
    %add3A_390 = vector.broadcast %slice3A_388 : vector<1x128xf32> to vector<2048x128xf32>
    %add3A_391 = arith.addf %add3A_389, %add3A_390 : vector<2048x128xf32>
    %slice3A_392 = vector.extract_strided_slice %dot_general3A_367 {offsets = [0, 256], sizes = [2048, 128], strides = [1, 1]} : vector<2048x1024xf32> to vector<2048x128xf32>
    %add3A_393 = arith.addf %add3A_391, %slice3A_392 : vector<2048x128xf32>
    %mul3A_394 = arith.constant 32 : i32
    %mul3A_395 = arith.muli %arg1, %mul3A_394 : i32
    %add3A_396 = arith.constant 26 : i32
    %add3A_397 = arith.addi %mul3A_395, %add3A_396 : i32
    %slice3A_398 = vector.extract_strided_slice %get3A_5 {offsets = [0, 3456], sizes = [1, 128], strides = [1, 1]} : vector<1x4096xf32> to vector<1x128xf32>
    %add3A_399 = vector.broadcast %broadcast_in_dim3A : vector<2048x1xf32> to vector<2048x128xf32>
    %add3A_400 = vector.broadcast %slice3A_398 : vector<1x128xf32> to vector<2048x128xf32>
    %add3A_401 = arith.addf %add3A_399, %add3A_400 : vector<2048x128xf32>
    %slice3A_402 = vector.extract_strided_slice %dot_general3A_367 {offsets = [0, 384], sizes = [2048, 128], strides = [1, 1]} : vector<2048x1024xf32> to vector<2048x128xf32>
    %add3A_403 = arith.addf %add3A_401, %slice3A_402 : vector<2048x128xf32>
    %mul3A_404 = arith.constant 32 : i32
    %mul3A_405 = arith.muli %arg1, %mul3A_404 : i32
    %add3A_406 = arith.constant 27 : i32
    %add3A_407 = arith.addi %mul3A_405, %add3A_406 : i32
    %slice3A_408 = vector.extract_strided_slice %get3A_5 {offsets = [0, 3584], sizes = [1, 128], strides = [1, 1]} : vector<1x4096xf32> to vector<1x128xf32>
    %add3A_409 = vector.broadcast %broadcast_in_dim3A : vector<2048x1xf32> to vector<2048x128xf32>
    %add3A_410 = vector.broadcast %slice3A_408 : vector<1x128xf32> to vector<2048x128xf32>
    %add3A_411 = arith.addf %add3A_409, %add3A_410 : vector<2048x128xf32>
    %slice3A_412 = vector.extract_strided_slice %dot_general3A_367 {offsets = [0, 512], sizes = [2048, 128], strides = [1, 1]} : vector<2048x1024xf32> to vector<2048x128xf32>
    %add3A_413 = arith.addf %add3A_411, %slice3A_412 : vector<2048x128xf32>
    %mul3A_414 = arith.constant 32 : i32
    %mul3A_415 = arith.muli %arg1, %mul3A_414 : i32
    %add3A_416 = arith.constant 28 : i32
    %add3A_417 = arith.addi %mul3A_415, %add3A_416 : i32
    %slice3A_418 = vector.extract_strided_slice %get3A_5 {offsets = [0, 3712], sizes = [1, 128], strides = [1, 1]} : vector<1x4096xf32> to vector<1x128xf32>
    %add3A_419 = vector.broadcast %broadcast_in_dim3A : vector<2048x1xf32> to vector<2048x128xf32>
    %add3A_420 = vector.broadcast %slice3A_418 : vector<1x128xf32> to vector<2048x128xf32>
    %add3A_421 = arith.addf %add3A_419, %add3A_420 : vector<2048x128xf32>
    %slice3A_422 = vector.extract_strided_slice %dot_general3A_367 {offsets = [0, 640], sizes = [2048, 128], strides = [1, 1]} : vector<2048x1024xf32> to vector<2048x128xf32>
    %add3A_423 = arith.addf %add3A_421, %slice3A_422 : vector<2048x128xf32>
    %mul3A_424 = arith.constant 32 : i32
    %mul3A_425 = arith.muli %arg1, %mul3A_424 : i32
    %add3A_426 = arith.constant 29 : i32
    %add3A_427 = arith.addi %mul3A_425, %add3A_426 : i32
    %slice3A_428 = vector.extract_strided_slice %get3A_5 {offsets = [0, 3840], sizes = [1, 128], strides = [1, 1]} : vector<1x4096xf32> to vector<1x128xf32>
    %add3A_429 = vector.broadcast %broadcast_in_dim3A : vector<2048x1xf32> to vector<2048x128xf32>
    %add3A_430 = vector.broadcast %slice3A_428 : vector<1x128xf32> to vector<2048x128xf32>
    %add3A_431 = arith.addf %add3A_429, %add3A_430 : vector<2048x128xf32>
    %slice3A_432 = vector.extract_strided_slice %dot_general3A_367 {offsets = [0, 768], sizes = [2048, 128], strides = [1, 1]} : vector<2048x1024xf32> to vector<2048x128xf32>
    %add3A_433 = arith.addf %add3A_431, %slice3A_432 : vector<2048x128xf32>
    %mul3A_434 = arith.constant 32 : i32
    %mul3A_435 = arith.muli %arg1, %mul3A_434 : i32
    %add3A_436 = arith.constant 30 : i32
    %add3A_437 = arith.addi %mul3A_435, %add3A_436 : i32
    %slice3A_438 = vector.extract_strided_slice %get3A_5 {offsets = [0, 3968], sizes = [1, 128], strides = [1, 1]} : vector<1x4096xf32> to vector<1x128xf32>
    %add3A_439 = vector.broadcast %broadcast_in_dim3A : vector<2048x1xf32> to vector<2048x128xf32>
    %add3A_440 = vector.broadcast %slice3A_438 : vector<1x128xf32> to vector<2048x128xf32>
    %add3A_441 = arith.addf %add3A_439, %add3A_440 : vector<2048x128xf32>
    %slice3A_442 = vector.extract_strided_slice %dot_general3A_367 {offsets = [0, 896], sizes = [2048, 128], strides = [1, 1]} : vector<2048x1024xf32> to vector<2048x128xf32>
    %add3A_443 = arith.addf %add3A_441, %slice3A_442 : vector<2048x128xf32>
    %mul3A_444 = arith.constant 32 : i32
    %mul3A_445 = arith.muli %arg1, %mul3A_444 : i32
    %add3A_446 = arith.constant 31 : i32
    %add3A_447 = arith.addi %mul3A_445, %add3A_446 : i32
    %lt3A_448 = arith.cmpf olt, %add3A_383, %add3A_373 : vector<2048x128xf32>
    %select_n3A_449 = arith.select %lt3A_448, %add3A_383, %add3A_373 : vector<2048x128xi1>, vector<2048x128xf32>
    %broadcast_in_dim3A_450 = vector.broadcast %add3A_387 : i32 to vector<2048x128xi32>
    %broadcast_in_dim3A_451 = vector.broadcast %add3A_377 : i32 to vector<2048x128xi32>
    %select_n3A_452 = arith.select %lt3A_448, %broadcast_in_dim3A_450, %broadcast_in_dim3A_451 : vector<2048x128xi1>, vector<2048x128xi32>
    %lt3A_453 = arith.cmpf olt, %add3A_403, %add3A_393 : vector<2048x128xf32>
    %select_n3A_454 = arith.select %lt3A_453, %add3A_403, %add3A_393 : vector<2048x128xi1>, vector<2048x128xf32>
    %broadcast_in_dim3A_455 = vector.broadcast %add3A_407 : i32 to vector<2048x128xi32>
    %broadcast_in_dim3A_456 = vector.broadcast %add3A_397 : i32 to vector<2048x128xi32>
    %select_n3A_457 = arith.select %lt3A_453, %broadcast_in_dim3A_455, %broadcast_in_dim3A_456 : vector<2048x128xi1>, vector<2048x128xi32>
    %lt3A_458 = arith.cmpf olt, %add3A_423, %add3A_413 : vector<2048x128xf32>
    %select_n3A_459 = arith.select %lt3A_458, %add3A_423, %add3A_413 : vector<2048x128xi1>, vector<2048x128xf32>
    %broadcast_in_dim3A_460 = vector.broadcast %add3A_427 : i32 to vector<2048x128xi32>
    %broadcast_in_dim3A_461 = vector.broadcast %add3A_417 : i32 to vector<2048x128xi32>
    %select_n3A_462 = arith.select %lt3A_458, %broadcast_in_dim3A_460, %broadcast_in_dim3A_461 : vector<2048x128xi1>, vector<2048x128xi32>
    %lt3A_463 = arith.cmpf olt, %add3A_443, %add3A_433 : vector<2048x128xf32>
    %select_n3A_464 = arith.select %lt3A_463, %add3A_443, %add3A_433 : vector<2048x128xi1>, vector<2048x128xf32>
    %broadcast_in_dim3A_465 = vector.broadcast %add3A_447 : i32 to vector<2048x128xi32>
    %broadcast_in_dim3A_466 = vector.broadcast %add3A_437 : i32 to vector<2048x128xi32>
    %select_n3A_467 = arith.select %lt3A_463, %broadcast_in_dim3A_465, %broadcast_in_dim3A_466 : vector<2048x128xi1>, vector<2048x128xi32>
    %lt3A_468 = arith.cmpf olt, %select_n3A_454, %select_n3A_449 : vector<2048x128xf32>
    %select_n3A_469 = arith.select %lt3A_468, %select_n3A_454, %select_n3A_449 : vector<2048x128xi1>, vector<2048x128xf32>
    %select_n3A_470 = arith.select %lt3A_468, %select_n3A_457, %select_n3A_452 : vector<2048x128xi1>, vector<2048x128xi32>
    %lt3A_471 = arith.cmpf olt, %select_n3A_464, %select_n3A_459 : vector<2048x128xf32>
    %select_n3A_472 = arith.select %lt3A_471, %select_n3A_464, %select_n3A_459 : vector<2048x128xi1>, vector<2048x128xf32>
    %select_n3A_473 = arith.select %lt3A_471, %select_n3A_467, %select_n3A_462 : vector<2048x128xi1>, vector<2048x128xi32>
    %lt3A_474 = arith.cmpf olt, %select_n3A_472, %select_n3A_469 : vector<2048x128xf32>
    %select_n3A_475 = arith.select %lt3A_474, %select_n3A_472, %select_n3A_469 : vector<2048x128xi1>, vector<2048x128xf32>
    %select_n3A_476 = arith.select %lt3A_474, %select_n3A_473, %select_n3A_470 : vector<2048x128xi1>, vector<2048x128xi32>
    %lt3A_477 = arith.cmpf olt, %select_n3A_475, %select_n3A_358 : vector<2048x128xf32>
    %select_n3A_478 = arith.select %lt3A_477, %select_n3A_475, %select_n3A_358 : vector<2048x128xi1>, vector<2048x128xf32>
    %select_n3A_479 = arith.select %lt3A_477, %select_n3A_476, %select_n3A_359 : vector<2048x128xi1>, vector<2048x128xi32>
    %get3A_480 = arith.constant 0 : index
    %get3A_481 = arith.constant 0 : index
    %get3A_482 = vector.load %arg7[%get3A_480, %get3A_481] : memref<2048x128xf32, #tpu.memory_space<vmem>>, vector<2048x128xf32>
    %lt3A_483 = arith.cmpf olt, %select_n3A_478, %get3A_482 : vector<2048x128xf32>
    %get3A_484 = arith.constant 0 : index
    %get3A_485 = arith.constant 0 : index
    %get3A_486 = vector.load %arg7[%get3A_484, %get3A_485] : memref<2048x128xf32, #tpu.memory_space<vmem>>, vector<2048x128xf32>
    %select_n3A_487 = arith.select %lt3A_483, %select_n3A_478, %get3A_486 : vector<2048x128xi1>, vector<2048x128xf32>
    %swap3A = arith.constant 0 : index
    %swap3A_488 = arith.constant 0 : index
    %swap3A_489 = vector.load %arg7[%swap3A, %swap3A_488] : memref<2048x128xf32, #tpu.memory_space<vmem>>, vector<2048x128xf32>
    tpu.vector_store %arg7[%swap3A, %swap3A_488], %select_n3A_487 {strides = array<i32>} : memref<2048x128xf32, #tpu.memory_space<vmem>>, vector<2048x128xf32>,
    %get3A_490 = arith.constant 0 : index
    %get3A_491 = arith.constant 0 : index
    %get3A_492 = vector.load %arg8[%get3A_490, %get3A_491] : memref<2048x128xi32, #tpu.memory_space<vmem>>, vector<2048x128xi32>
    %select_n3A_493 = arith.select %lt3A_483, %select_n3A_479, %get3A_492 : vector<2048x128xi1>, vector<2048x128xi32>
    %swap3A_494 = arith.constant 0 : index
    %swap3A_495 = arith.constant 0 : index
    %swap3A_496 = vector.load %arg8[%swap3A_494, %swap3A_495] : memref<2048x128xi32, #tpu.memory_space<vmem>>, vector<2048x128xi32>
    tpu.vector_store %arg8[%swap3A_494, %swap3A_495], %select_n3A_493 {strides = array<i32>} : memref<2048x128xi32, #tpu.memory_space<vmem>>, vector<2048x128xi32>,
    %eq3A_497 = arith.constant 24 : i32
    %eq3A_498 = arith.cmpi eq, %arg1, %eq3A_497 : i32
    %convert_element_type3A_499 = arith.extui %eq3A_498 : i1 to i32
    %cond3A_500 = arith.constant 0 : i32
    %cond3A_501 = arith.cmpi ne, %convert_element_type3A_499, %cond3A_500 : i32
    scf.if %cond3A_501 {
      %get3A_502 = arith.constant 0 : index
      %get3A_503 = arith.constant 0 : index
      %get3A_504 = vector.load %arg7[%get3A_502, %get3A_503] : memref<2048x128xf32, #tpu.memory_space<vmem>>, vector<2048x128xf32>
      %get3A_505 = arith.constant 0 : index
      %get3A_506 = arith.constant 0 : index
      %get3A_507 = vector.load %arg8[%get3A_505, %get3A_506] : memref<2048x128xi32, #tpu.memory_space<vmem>>, vector<2048x128xi32>
      %reduce_min3A = arith.constant dense<0x7F800000> : vector<2048xf32>
      %reduce_min3A_508 = vector.multi_reduction <minimumf>, %get3A_504, %reduce_min3A [1] : vector<2048x128xf32> to vector<2048xf32>
      %broadcast_in_dim3A_509 = vector.shape_cast %reduce_min3A_508 : vector<2048xf32> to vector<2048x1xf32>
      %iota3A = tpu.iota {dimensions = array<i32: 1>} : vector<2048x128xi32>
      %mul3A_510 = arith.constant 128 : i32
      %mul3A_511 = vector.broadcast %mul3A_510 : i32 to vector<2048x128xi32>
      %mul3A_512 = arith.muli %get3A_507, %mul3A_511 : vector<2048x128xi32>
      %add3A_513 = arith.addi %mul3A_512, %iota3A : vector<2048x128xi32>
      %eq3A_514 = vector.broadcast %broadcast_in_dim3A_509 : vector<2048x1xf32> to vector<2048x128xf32>
      %eq3A_515 = arith.cmpf oeq, %get3A_504, %eq3A_514 : vector<2048x128xf32>
      %jit3A = arith.constant 1073741824 : i32
      %broadcast_in_dim3A_516 = vector.broadcast %jit3A : i32 to vector<2048x128xi32>
      %select_n3A_517 = arith.select %eq3A_515, %add3A_513, %broadcast_in_dim3A_516 : vector<2048x128xi1>, vector<2048x128xi32>
      %reduce_min3A_518 = arith.constant dense<2147483647> : vector<2048xi32>
      %reduce_min3A_519 = vector.multi_reduction <minsi>, %select_n3A_517, %reduce_min3A_518 [1] : vector<2048x128xi32> to vector<2048xi32>
      %broadcast_in_dim3A_520 = vector.shape_cast %reduce_min3A_519 : vector<2048xi32> to vector<2048x1xi32>
      %swap3A_521 = arith.constant 0 : index
      %swap3A_522 = arith.constant 0 : index
      %swap3A_523 = vector.load %arg6[%swap3A_521, %swap3A_522] : memref<2048x1xi32, #tpu.memory_space<vmem>>, vector<2048x1xi32>
      tpu.vector_store %arg6[%swap3A_521, %swap3A_522], %broadcast_in_dim3A_520 {strides = array<i32>} : memref<2048x1xi32, #tpu.memory_space<vmem>>, vector<2048x1xi32>,
    } else {
    }
    return
  }
  func.func @transform_0(%arg0: i32, %arg1: i32) -> (i32, i32) {
    %c0_i32 = arith.constant 0 : i32
    %c0_i32_0 = arith.constant 0 : i32
    return %arg0, %c0_i32 : i32, i32
  }
  func.func @transform_1(%arg0: i32, %arg1: i32) -> (i32, i32) {
    %c0_i32 = arith.constant 0 : i32
    %c0_i32_0 = arith.constant 0 : i32
    return %arg0, %c0_i32 : i32, i32
  }
  func.func @transform_2(%arg0: i32, %arg1: i32) -> (i32, i32) {
    %c0_i32 = arith.constant 0 : i32
    %c0_i32_0 = arith.constant 0 : i32
    return %c0_i32, %arg1 : i32, i32
  }
  func.func @transform_3(%arg0: i32, %arg1: i32) -> (i32, i32) {
    %c0_i32 = arith.constant 0 : i32
    %c0_i32_0 = arith.constant 0 : i32
    return %c0_i32, %arg1 : i32, i32
  }
  func.func @transform_4(%arg0: i32, %arg1: i32) -> (i32, i32) {
    %c0_i32 = arith.constant 0 : i32
    %c0_i32_0 = arith.constant 0 : i32
    return %arg0, %c0_i32 : i32, i32
  }
}

</mosaic_0001>

<sc_bundles>
// kernel: kernel.6.cloned.1.call-start
scs
__scs_entry_jumppad:
0x0: {  	(pc) =	sbr.rel $0x88, $3  }
0x1: {  	(tag) =	ssettag $0x0;
	lr =	simm.s32 $0x1  }
0x2: {  	[smem:$0x3F9C] =	sst lr;
	_ =	strace $0xD0000000  }
0x3: {  	_ = 	snop  }
0x4: {  	_ = 	snop  }
0x5: {  	_ = 	snop  }
0x6: {  	_ = 	snop  }
0x7: {  	_ = 	snop  }
__scs_overlays_trampoline_lowered:
0x8: {  	[smem:$0x3FAB] =	sst s0  }
0x9: {  	[smem:$0x3FAC] =	sst s1  }
0xa: {  	[smem:$0x3FAD] =	sst s2  }
0xb: {  	[smem:$0x3FAE] =	sst s3  }
0xc: {  	[smem:$0x3FAF] =	sst s4  }
0xd: {  	[smem:$0x3FB0] =	sst s5  }
0xe: {  	[smem:$0x3FB1] =	sst s6  }
0xf: {  	[smem:$0x3FB2] =	sst s7  }
0x10: {  	[smem:$0x3FB3] =	sst s8  }
0x11: {  	[smem:$0x3FB4] =	sst s9;
	s0 =	simm.s32 @!p0 $0x0  }
0x12: {  	s1 =	sld [smem:$0x3F9A];
	s0 =	simm.s32 @p0 $0x1  }
0x13: {  	[smem:$0x3FB5] =	sst s0;
	s0 =	simm.s32 @!p1 $0x0  }
0x14: {  	s2 =	sld [smem:$0x3F99];
	s0 =	simm.s32 @p1 $0x1  }
0x15: {  	[smem:$0x3FB6] =	sst s0;
	s0 =	simm.s32 @!p2 $0x0  }
0x16: {  	s3 =	sld [smem:$0x3FDB];
	s0 =	simm.s32 @p2 $0x1  }
0x17: {  	s4 =	simm.s32 $0x1BF5;
	[smem:$0x3FB8] =	sst s0  }
0x18: {  	s0 =	sld [smem:$0x3F9B];
	_ =	swait.ge [sflag:s4], $0x0  }
0x19: {  	s7 =	sld [smem:$0x3F9C]  }
0x1a: {  	s8 =	sadd.s32 $0xFFFFE003, lr  }
0x1b: {  	s9 =	sadd.s32 $0xFFFFFEF7, lr;
	s5 =	simm.s32 $0xFFFFFFFF;
	p2 =	slt.u32 s8, $0xFFFFF086  }
0x1c: {  	p1 =	slt.u32 s9, $0xF7A;
	s5 =	simm.s32 @!p2 $0x0  }
0x1d: {  	s5 =	simm.s32 @p1 $0x1;
	p0 =	seq.s32 s7, s2  }
0x1e: {  	s7 =	smul.u32 @!p0 $0xF7A, s2;
	p2 =	seq.s32 @!p0 s5, $0x0  }
0x1f: {  	s9 =	smul.u32 $0xF7A, s1;
	s8 =	simm.s32 @!p0 $0x1BF5;
	p2 =	por !p2, p0  }
0x20: {  	[sflag:s8] =	ssyncset.s32 @!p0 $0xFFFFF086;
	s6 =	sadd.s32 @!p0 s3, s7;
	s7 =	simm.s32 @!p0 $0x108  }
0x21: {  	s3 =	sadd.s32 s3, s9;
	s6 =	sadd.s32 @!p0 $0x88, s6;
	s7 =	simm.s32 @p2 $0x1082  }
0x22: {  	[simem:s7], [sflag:s8] =	dma.local @!p0 [hbm:s6], $0xF7A  }
0x23: {  	s9 =	sor.u32 $0xD0000000, s2;
	s6 =	simm.s32 $0x108;
	_ =	swait.ge @!p0 [sflag:s8], $0x0  }
0x24: {  	s3 =	sadd.s32 $0x88, s3;
	s6 =	simm.s32 @!p1 $0x1082;
	[sflag:s4] =	ssyncset.s32 $0xFFFFF086  }
0x25: {  	[simem:s6], [sflag:s4] =	dma.local [hbm:s3], $0xF7A  }
0x26: {  	[smem:$0x3F9C] =	sst s1;
	(tag) =	ssettag s2;
	_ =	strace s9  }
0x27: {  	s1 =	sld [smem:$0x3FAC]  }
0x28: {  	s2 =	sld [smem:$0x3FAD]  }
0x29: {  	s4 =	sld [smem:$0x3FAF]  }
0x2a: {  	p0 =	seq.s32 s5, $0x0;
	s5 =	sld [smem:$0x3FB0]  }
0x2b: {  	s6 =	sld [smem:$0x3FB1]  }
0x2c: {  	s7 =	sld [smem:$0x3FB2]  }
0x2d: {  	s3 =	simm.s32 $0x108;
	s8 =	sld [smem:$0x3FB3]  }
0x2e: {  	s3 =	simm.s32 @!p0 $0x1082;
	s9 =	sld [smem:$0x3FB4]  }
0x2f: {  	lr =	sadd.s32 s0, s3;
	s0 =	sld [smem:$0x3FAB]  }
0x30: {  	s3 =	sld [smem:$0x3FAE]  }
0x31: {  	[smem:$0x3FB7] =	sst s10  }
0x32: {  	s10 =	sld [smem:$0x3FB5];
	_ =	sdelay $0x3  }
0x33: {  	p0 =	seq.s32 s10, $0x1;
	s10 =	sld [smem:$0x3FB7];
	_ =	sdelay $0x3  }
0x34: {  	[smem:$0x3FB7] =	sst s10  }
0x35: {  	s10 =	sld [smem:$0x3FB6];
	_ =	sdelay $0x3  }
0x36: {  	p1 =	seq.s32 s10, $0x1;
	s10 =	sld [smem:$0x3FB7];
	_ =	sdelay $0x3  }
0x37: {  	[smem:$0x3FB7] =	sst s10  }
0x38: {  	s10 =	sld [smem:$0x3FB8]  }
0x39: {  	_ = 	snop;
	(pc) =	sbr.ind lr, $3  }
0x3a: {  	_ = 	snop  }
0x3b: {  	_ = 	snop  }
0x3c: {  	p2 =	seq.s32 s10, $0x1;
	s10 =	sld [smem:$0x3FB7]  }
0x3d: {  	_ =	shalt  }
0x3e: {  	_ =	shalt  }
0x3f: {  	_ =	shalt  }
0x40: {  	_ =	shalt  }
0x41: {  	_ =	shalt  }
0x42: {  	_ =	shalt  }
0x43: {  	_ =	shalt  }
0x44: {  	_ =	shalt  }
0x45: {  	_ =	shalt  }
0x46: {  	_ =	shalt  }
0x47: {  	_ =	shalt  }
0x48: {  	_ =	shalt  }
0x49: {  	_ =	shalt  }
0x4a: {  	_ =	shalt  }
0x4b: {  	_ =	shalt  }
0x4c: {  	_ =	shalt  }
0x4d: {  	_ =	shalt  }
0x4e: {  	_ =	shalt  }
0x4f: {  	_ =	shalt  }
0x50: {  	_ =	shalt  }
0x51: {  	_ =	shalt  }
0x52: {  	_ =	shalt  }
0x53: {  	_ =	shalt  }
0x54: {  	_ =	shalt  }
0x55: {  	_ =	shalt  }
0x56: {  	_ =	shalt  }
0x57: {  	_ =	shalt  }
0x58: {  	_ =	shalt  }
0x59: {  	_ =	shalt  }
0x5a: {  	_ =	shalt  }
0x5b: {  	_ =	shalt  }
0x5c: {  	_ =	shalt  }
0x5d: {  	_ =	shalt  }
0x5e: {  	_ =	shalt  }
0x5f: {  	_ =	shalt  }
0x60: {  	_ =	shalt  }
0x61: {  	_ =	shalt  }
0x62: {  	_ =	shalt  }
0x63: {  	_ =	shalt  }
0x64: {  	_ =	shalt  }
0x65: {  	_ =	shalt  }
0x66: {  	_ =	shalt  }
0x67: {  	_ =	shalt  }
0x68: {  	_ =	shalt  }
0x69: {  	_ =	shalt  }
0x6a: {  	_ =	shalt  }
0x6b: {  	_ =	shalt  }
0x6c: {  	_ =	shalt  }
0x6d: {  	_ =	shalt  }
0x6e: {  	_ =	shalt  }
0x6f: {  	_ =	shalt  }
0x70: {  	_ =	shalt  }
0x71: {  	_ =	shalt  }
0x72: {  	_ =	shalt  }
0x73: {  	_ =	shalt  }
0x74: {  	_ =	shalt  }
0x75: {  	_ =	shalt  }
0x76: {  	_ =	shalt  }
0x77: {  	_ =	shalt  }
0x78: {  	_ =	shalt  }
0x79: {  	_ =	shalt  }
0x7a: {  	_ =	shalt  }
0x7b: {  	_ =	shalt  }
0x7c: {  	_ =	shalt  }
0x7d: {  	_ =	shalt  }
0x7e: {  	_ =	shalt  }
0x7f: {  	_ =	shalt  }
0x80: {  	_ =	shalt  }
0x81: {  	_ =	shalt  }
0x82: {  	_ =	shalt  }
0x83: {  	_ =	shalt  }
0x84: {  	_ =	shalt  }
0x85: {  	_ =	shalt  }
0x86: {  	_ =	shalt  }
0x87: {  	_ =	shalt  }
.Lfunc_end0:
.L_simem_size_0:
called_computation_lowered:
.L_overlay_start_0:
0x88: {  	s2 =	sld [smem:$0x3FD9]  }
0x89: {  	s3 =	sld [smem:$0x3FFE];
	_ =	sdelay $0x1  }
0x8a: {  	s1 =	srdreg.scid  }
0x8b: {  	s0 =	sand.u32 $0x1, s1  }
0x8c: {  	s17 =	sshll.u32 s0, $0xA;
	s2 =	sadd.s32 s3, s2  }
0x8d: {  	s2 =	sadd.s32 s2, s17  }
0x8e: {  	[smem:$0x3FC3] =	sst s2  }
0x8f: {  	_ = 	snop  }
0x90: {  	s18 =	sld [smem:$0x3FC7]  }
0x91: {  	s4 =	sld [smem:$0x3FC5];
	(tm) =	ssettm $0x1  }
0x92: {  	s19 =	sld [smem:$0x3FFB];
	_ =	sdelay $0x3  }
0x93: {  	_ =	strace s19  }
0x94: {  	s2 =	sld [smem:$0x3FFC];
	_ =	sdelay $0x3  }
0x95: {  	_ =	strace s2  }
0x96: {  	s2 =	sld [smem:$0x3FFD];
	_ =	sdelay $0x3  }
0x97: {  	_ =	strace s2  }
0x98: {  	_ =	strace $0x8FFFFFFF  }
0x99: {  	s20 =	sld [smem:$0x3FDB];
	_ =	sdelay $0x1  }
0x9a: {  	s5 =	simm.s32 $_scs_section_size  }
0x9b: {  	s6 =	simm.s32 $_size__tile_overlayer_lowered;
	s7 =	simm.s32 $_tile_overlayer_lowered  }
0x9c: {  	s8 =	simm.s32 $0x1BFF;
	s21 =	sshll.u32 s7, $0x1;
	s5 =	sadd.s32 s5, s20  }
0x9d: {  	s22 =	simm.s32 $0x0;
	s6 =	sshll.u32 s6, $0x1;
	s7 =	sadd.s32 s21, s5  }
0x9e: {  	[timem:s22], [sflag:s8] =	dma.local [hbm:s7], s6  }
0x9f: {  	_ =	swait.ge [sflag:s8], s6  }
0xa0: {  	s6 =	ssub.s32 $0x0, s6;
	[sflag:s8] =	ssyncset.done $0x0  }
0xa1: {  	[sflag:s8] =	ssyncadd.s32 s6;
	_ =	sdelay $0x1  }
0xa2: {  	s23 =	simm.s32 $0x1B8B  }
0xa3: {  	_ =	swait.ge [sflag:s23], $0x1  }
0xa4: {  	[sflag:s23] =	ssyncset.done $0x0  }
0xa5: {  	[sflag:s23] =	ssyncadd.s32 $0xFFFFFFFF  }
0xa6: {  	s6 =	sld [smem:$0x0]  }
0xa7: {  	s7 =	sand.u32 $0xFFFFFFFE, s1  }
0xa8: {  	p0 =	sne.s32 s1, s7  }
0xa9: {  	s7 =	sshll.u32 @p0 s7, $0xE  }
0xaa: {  	s7 =	sadd.s32 @p0 $0x11B8D, s7;
	s8 =	sshll.u32 @p0 s6, $0x11  }
0xab: {  	s7 =	sor.u32 @p0 s8, s7  }
0xac: {  	[sflag:s7] =	ssyncadd.remote.s32 @p0 $0x1;
	_ =	sdelay $0x1  }
0xad: {  	s7 =	simm.s32 @p0 $0x1B8D  }
0xae: {  	_ =	swait.eq @p0 [sflag:s7], $0x1  }
0xaf: {  	[sflag:s7] =	ssyncadd.s32 @p0 $0xFFFFFFFF  }
0xb0: {  	s8 =	sshll.u32 @!p0 s1, $0xE  }
0xb1: {  	s8 =	sor.u32 @!p0 $0x4000, s8;
	s7 =	simm.s32 @!p0 $0x1B8D  }
0xb2: {  	s6 =	sshll.u32 @!p0 s6, $0x11;
	s8 =	sadd.s32 @!p0 $0x11B8D, s8;
	_ =	swait.eq @!p0 [sflag:s7], $0x1  }
0xb3: {  	s6 =	sor.u32 @!p0 s6, s8;
	[sflag:s7] =	ssyncadd.s32 @!p0 $0xFFFFFFFF  }
0xb4: {  	s25 =	simm.s32 $0x1B8E;
	s24 =	sld [smem:$0x3FFE];
	[sflag:s6] =	ssyncadd.remote.s32 @!p0 $0x1  }
0xb5: {  	s26 =	simm.s32 $execute0_lowered;
	[smem:$0x3FD2] =	sst s25  }
0xb6: {  	s7 =	sshll.u32 s26, $0x1;
	_ =	strace $0x80000049;
	[dreg:$0x1] =	wrdreg $0xFFFFFFFF  }
0xb7: {  	s28 =	simm.s32 $_size_execute0_lowered;
	s5 =	sadd.s32 s5, s7;
	[dreg:$0x0] =	wrdreg $0x0  }
0xb8: {  	s7 =	sshll.u32 s28, $0x1;
	[dreg:$0x2] =	wrdreg s5  }
0xb9: {  	[dreg:$0x3] =	wrdreg s7  }
0xba: {  	[dreg:$0x4] =	wrdreg $0xC0  }
0xbb: {  	_ =	task [dreg:s22], $0x5FFFF  }
0xbc: {  	[dreg:$0x1] =	wrdreg $0xFFFFFFFF  }
0xbd: {  	[dreg:$0x0] =	wrdreg $0x60  }
0xbe: {  	[dreg:$0x2] =	wrdreg s24  }
0xbf: {  	[dreg:$0x3] =	wrdreg s18  }
0xc0: {  	[dreg:$0x4] =	wrdreg s4  }
0xc1: {  	[dreg:$0x5] =	wrdreg $0x9  }
0xc2: {  	_ =	task.clear_ibuf [dreg:s22], $0x6FFFF;
	_ =	strace $0x90000049  }
0xc3: {  	s29 =	simm.s32 $0x9;
	_ =	strace $0x8000004B  }
0xc4: {  	_ =	swait.ge [sflag:s29], $0x1  }
0xc5: {  	[sflag:s29] =	ssyncadd.s32 $0xFFFFFFFF  }
0xc6: {  	_ =	strace $0x9000004B  }
0xc7: {  	_ =	sfence  }
0xc8: {  	s30 =	sld [smem:$0x0];
	_ =	sdelay $0x2  }
0xc9: {  	s31 =	sshll.u32 s1, $0xD;
	s1 =	sshrl.u32 s1, $0x2  }
0xca: {  	s4 =	sand.u32 $0x4000, s31;
	s1 =	sadd.s32 s1, s30  }
0xcb: {  	s0 =	sor.u32 s4, s0;
	s1 =	sshll.u32 s1, $0x11  }
0xcc: {  	s0 =	sor.u32 s1, s0  }
0xcd: {  	s0 =	sadd.s32 $0x8F2B, s0  }
0xce: {  	[sflag:s0] =	ssyncadd.remote.s32 $0x1  }
0xcf: {  	_ =	sfence.sel $0xFFFF  }
0xd0: {  	[dreg:$0x0] =	wrdreg $0xFFFFFFFF;
	(pc) =	sbr.abs _section_cstart, $3  }
0xd1: {  	[dreg:$0x1] =	wrdreg $0xFFFFFFFF  }
0xd2: {  	_ =	task.clear_ibuf [dreg:s22], $0x2FFFF;
	_ =	strace $0x9FFFFFFF  }
0xd3: {  	(tm) =	ssettm $0x7FFFFFFF  }
tec
execute0_lowered:
.L_overlay_start_1:
0x0: {  	(tag) =	ssettag $0x1  }
0x1: {  	s0 =	rddreg [dreg:$0x0];
	s1 =	srdreg.scid  }
0x2: {  	s3 =	stileid.u32;
	s2 =	rddreg [dreg:$0x1];
	s4 =	simm.s32 $0x0  }
0x3: {  	s11 =	simm.s32 $0x5;
	s14 =	simm.s32 $0x280;
	[smem:$0x7FF] =	sst s4  }
0x4: {  	v1 =	vimm.f32 $2.499999940e-03;
	s16 =	simm.s32 $0x300;
	s17 =	simm.s32 $0x380;
	_ =	strace $0x8000004A  }
0x5: {  	v0 =	vlaneseq.u32;
	v2 =	vimm.f32 $9.999999770e-03;
	s18 =	simm.s32 $0x1;
	s1 =	sand.u32 $0x1, s1;
	s3 =	sshll.u32 s3, $0x1;
	(erf) = vrcp.f32 v1  }
0x6: {  	s19 =	simm.s32 $0x2;
	s20 =	simm.s32 $0x3;
	s3 =	sor.u32 s1, s3;
	v1 =	vmul.u32 $0x3, v0;
	(erf) = vrcp.f32 v2  }
0x7: {  	s28 =	simm.s32 $0x780;
	vm0 =	vmmov $0xffff;
	s1 =	ssub.s32 $0x2, s1;
	s5 =	smul.u32 $0x30, s3  }
0x8: {  	s29 =	simm.s32 $0x800;
	v27 =	vimm.s32 $0x0;
	s6 =	sadd.s32 $0xA00, s0;
	s23 =	sshrl.u32 s1, $0x1;
	v2 =	vadd.s32 $0x1, v1;
	v3 =	vadd.s32 $0x2, v1  }
0x9: {  	s3 =	sshll.u32 s3, $0x4;
	s1 =	ssub.s32 s1, s23;
	s7 =	sadd.s32 s5, s0;
	v4 =	vadd.s32 $0x30, v1;
	v5 =	vadd.s32 $0x31, v1;
	v6 =	vadd.s32 $0x32, v1  }
0xa: {  	s5 =	sadd.s32 $0x187A00, s0;
	s0 =	sadd.s32 s3, s0;
	s26 =	smax.u32 s1, $0x1;
	v7 =	vadd.s32 $0x60, v1;
	v8 =	vadd.s32 $0x61, v1;
	v9 =	vadd.s32 $0x62, v1  }
.Ltmp0:
0xb: {  	v10 =	vadd.s32 $0x90, v1;
	v11 =	vadd.s32 $0x91, v1;
	v12 =	vadd.s32 $0x92, v1;
	s24 =	sadd.s32 $0x31A00, s7;
	[dreg:$0x7] =	wrdreg s26;
	(pc) =	sbr.rel .LBB2_1-.Ltmp0, $4  }
0xc: {  	s30 =	simm.s32 $0x4;
	v13 =	vor.u32 $0xC0, v1;
	v14 =	vadd.s32 $0xC1, v1;
	v15 =	vadd.s32 $0xC2, v1;
	s25 =	sadd.s32 $0x32000, s0;
	[dreg:$0x4] =	wrdreg s24  }
0xd: {  	s31 =	simm.s32 $0x580;
	v16 =	vadd.s32 $0xF0, v1;
	v17 =	vadd.s32 $0xF1, v1;
	v18 =	vadd.s32 $0xF2, v1;
	s0 =	sadd.s32 $0x32200, s0;
	[dreg:$0x5] =	wrdreg s25  }
0xe: {  	v19 =	vadd.s32 $0x120, v1;
	v20 =	vadd.s32 $0x121, v1;
	v22 =	vadd.s32 $0x122, v1;
	s1 =	simm.s32 $0x880;
	s26 =	simm.s32 $0x700;
	[dreg:$0x6] =	wrdreg s0;
	v21 =	vpop (erf)  }
0xf: {  	v23 =	vadd.s32 $0x150, v1;
	v24 =	vadd.s32 $0x151, v1;
	v26 =	vadd.s32 $0x152, v1;
	s24 =	simm.s32 $0x600;
	s25 =	simm.s32 $0x680;
	s0 =	simm.s32 $0x0;
	v25 =	vpop (erf)  }
.LBB2_14:
0x10: {  	s3 =	rddreg [dreg:$0x6]  }
0x11: {  	[hbm4b:s3+s4] =	stream.linear.scatter [tilespmem:s1], [sflag:$0x5], $0x80, $0x38;
	[tilespmem:$0x900] =	vst v63  }
0x12: {  	_ =	swait.ge [sflag:s11], $0x80  }
0x13: {  	s0 =	sadd.s32 $0x1, s0;
	s23 =	rddreg [dreg:$0x7]  }
0x14: {  	p0 =	sne.s32 s0, s23  }
.Ltmp1:
0x15: {  	_ = 	snop;
	(pc) =	sbr.rel @!p0 .LBB2_15-.Ltmp1, $3  }
0x16: {  	_ =	sdelay $0x1  }
0x17: {  	[sflag:s11] =	ssyncset.done $0x0  }
0x18: {  	[sflag:s11] =	ssyncadd.s32 $0xFFFFFF80  }
.LBB2_1:
0x19: {  	s3 =	rddreg [dreg:$0x4]  }
0x1a: {  	[tilespmem:s4], [sflag:$0x5] =	stream.linear.gather [hbm4b:s3+s4], $0x180, $0x38;
	[tilespmem:$0x900] =	vst v63  }
0x1b: {  	_ =	swait.ge [sflag:s11], $0x180  }
0x1c: {  	[sflag:s11] =	ssyncset.done $0x0  }
0x1d: {  	s7 =	simm.s32 $0x180;
	s13 =	rddreg [dreg:$0x5];
	[sflag:s11] =	ssyncadd.s32 $0xFFFFFE80  }
0x1e: {  	[tilespmem:s7], [sflag:$0x5] =	stream.linear.gather [hbm4b:s13+s4], $0x80, $0x38;
	[tilespmem:$0x900] =	vst v63  }
0x1f: {  	_ =	swait.ge [sflag:s11], $0x80  }
0x20: {  	[sflag:s11] =	ssyncset.done $0x0  }
0x21: {  	[sflag:s11] =	ssyncadd.s32 $0xFFFFFF80  }
0x22: {  	v28 =	vld [tilespmem:$0x180]  }
0x23: {  	v29 =	vld [tilespmem:$0x190]  }
0x24: {  	v30 =	vld [tilespmem:$0x1A0]  }
0x25: {  	v31 =	vld [tilespmem:$0x1B0]  }
0x26: {  	v32 =	vld [tilespmem:$0x1C0]  }
0x27: {  	v33 =	vld [tilespmem:$0x1D0];
	v28 =	vadd.s32 $0x1, v28  }
0x28: {  	[tilespmem:$0x200] =	vst v28;
	v28 =	vadd.s32 $0x1, v29;
	v29 =	vld [tilespmem:$0x1E0]  }
0x29: {  	v59 =	vld [tilespmem:$0x1F0];
	[tilespmem:$0x210] =	vst v28;
	v28 =	vadd.s32 $0x1, v30  }
0x2a: {  	[tilespmem:$0x220] =	vst v28;
	v28 =	vadd.s32 $0x1, v31  }
0x2b: {  	[tilespmem:$0x230] =	vst v28;
	v28 =	vadd.s32 $0x1, v32  }
0x2c: {  	[tilespmem:$0x240] =	vst v28;
	v28 =	vadd.s32 $0x1, v33  }
0x2d: {  	[tilespmem:$0x250] =	vst v28;
	v28 =	vadd.s32 $0x1, v29  }
0x2e: {  	[tilespmem:$0x260] =	vst v28;
	v28 =	vadd.s32 $0x1, v59  }
0x2f: {  	s8 =	simm.s32 $0x80;
	s15 =	rddreg [dreg:$0x2];
	[tilespmem:$0x270] =	vst v28  }
0x30: {  	[tilespmem:s14], [sflag:$0x1] =	stream.indirect.gather [hbm4b:s15+s8], $0x1, s7, s8, $0xb8;
	[tilespmem:$0x900] =	vst v63  }
0x31: {  	s9 =	simm.s32 $0x200  }
0x32: {  	[tilespmem:s16], [sflag:$0x2] =	stream.indirect.gather [hbm4b:s15+s8], $0x1, s9, s8, $0xb8;
	[tilespmem:$0x900] =	vst v63  }
0x33: {  	_ = 	snop  }
0x34: {  	[tilespmem:s17], [sflag:$0x3] =	stream.indirect.gather [hbm4b:s2+s8], $0x1, s7, s8, $0xb8;
	[tilespmem:$0x900] =	vst v63  }
0x35: {  	_ =	swait.ge [sflag:s18], $0x80  }
0x36: {  	[sflag:s18] =	ssyncset.done $0x0  }
0x37: {  	[sflag:s18] =	ssyncadd.s32 $0xFFFFFF80  }
0x38: {  	_ =	swait.ge [sflag:s19], $0x80  }
0x39: {  	[sflag:s19] =	ssyncset.done $0x0  }
0x3a: {  	[sflag:s19] =	ssyncadd.s32 $0xFFFFFF80  }
0x3b: {  	_ =	swait.ge [sflag:s20], $0x80  }
0x3c: {  	[sflag:s20] =	ssyncset.done $0x0  }
0x3d: {  	[sflag:s20] =	ssyncadd.s32 $0xFFFFFF80  }
0x3e: {  	v28 =	vld [tilespmem:$0x180]  }
0x3f: {  	v29 =	vld [tilespmem:$0x190]  }
0x40: {  	v60 =	vld [tilespmem:$0x1A0]  }
0x41: {  	v61 =	vld [tilespmem:$0x1B0]  }
0x42: {  	v62 =	vld [tilespmem:$0x1C0]  }
0x43: {  	v63 =	vld [tilespmem:$0x1D0];
	v28 =	vmul.u32 $0x3, v28  }
0x44: {  	v34 =	vld [tilespmem:$0x1E0];
	v29 =	vmul.u32 $0x3, v29  }
0x45: {  	v36 =	vld [tilespmem:$0x1F0];
	[tilespmem:$0x200] =	vst v28;
	v28 =	vmul.u32 $0x3, v60  }
0x46: {  	[tilespmem:$0x210] =	vst v29;
	v29 =	vmul.u32 $0x3, v61  }
0x47: {  	[tilespmem:$0x220] =	vst v28;
	v28 =	vmul.u32 $0x3, v62  }
0x48: {  	[tilespmem:$0x230] =	vst v29;
	v29 =	vmul.u32 $0x3, v63  }
0x49: {  	[tilespmem:$0x240] =	vst v28;
	v28 =	vmul.u32 $0x3, v34  }
0x4a: {  	[tilespmem:$0x250] =	vst v29;
	v29 =	vmul.u32 $0x3, v36  }
0x4b: {  	[tilespmem:$0x260] =	vst v28  }
0x4c: {  	s21 =	simm.s32 $0x400;
	[tilespmem:$0x270] =	vst v29  }
0x4d: {  	[tilespmem:s21], [sflag:$0x1] =	stream.indirect.gather [hbm4b:s5+s8], $0x1, s9, s8, $0xb8;
	[tilespmem:$0x900] =	vst v63  }
0x4e: {  	_ =	swait.ge [sflag:s18], $0x80  }
0x4f: {  	[sflag:s18] =	ssyncset.done $0x0  }
0x50: {  	[sflag:s18] =	ssyncadd.s32 $0xFFFFFF80  }
0x51: {  	v28 =	vld [tilespmem:$0x180]  }
0x52: {  	v29 =	vld [tilespmem:$0x190]  }
0x53: {  	v37 =	vld [tilespmem:$0x1A0]  }
0x54: {  	v38 =	vld [tilespmem:$0x1B0]  }
0x55: {  	v39 =	vld [tilespmem:$0x1C0]  }
0x56: {  	v40 =	vld [tilespmem:$0x1D0];
	v28 =	vmul.u32 $0x3, v28  }
0x57: {  	v41 =	vld [tilespmem:$0x1E0];
	v29 =	vmul.u32 $0x3, v29  }
0x58: {  	v35 =	vld [tilespmem:$0x1F0];
	v30 =	vmul.u32 $0x3, v37;
	v28 =	vadd.s32 $0x1, v28  }
0x59: {  	[tilespmem:$0x200] =	vst v28;
	v28 =	vadd.s32 $0x1, v29;
	v29 =	vmul.u32 $0x3, v38  }
0x5a: {  	v42 =	vmul.u32 $0x3, v39;
	[tilespmem:$0x210] =	vst v28;
	v28 =	vadd.s32 $0x1, v30  }
0x5b: {  	[tilespmem:$0x220] =	vst v28;
	v28 =	vadd.s32 $0x1, v29;
	v29 =	vmul.u32 $0x3, v40  }
0x5c: {  	v43 =	vmul.u32 $0x3, v41;
	[tilespmem:$0x230] =	vst v28;
	v28 =	vadd.s32 $0x1, v42  }
0x5d: {  	[tilespmem:$0x240] =	vst v28;
	v28 =	vadd.s32 $0x1, v29;
	v29 =	vmul.u32 $0x3, v35  }
0x5e: {  	[tilespmem:$0x250] =	vst v28;
	v28 =	vadd.s32 $0x1, v43  }
0x5f: {  	[tilespmem:$0x260] =	vst v28;
	v28 =	vadd.s32 $0x1, v29  }
0x60: {  	s22 =	simm.s32 $0x480;
	[tilespmem:$0x270] =	vst v28  }
0x61: {  	[tilespmem:s22], [sflag:$0x1] =	stream.indirect.gather [hbm4b:s5+s8], $0x1, s9, s8, $0xb8;
	[tilespmem:$0x900] =	vst v63  }
0x62: {  	_ =	swait.ge [sflag:s18], $0x80  }
0x63: {  	[sflag:s18] =	ssyncset.done $0x0  }
0x64: {  	[sflag:s18] =	ssyncadd.s32 $0xFFFFFF80  }
0x65: {  	v28 =	vld [tilespmem:$0x180]  }
0x66: {  	v29 =	vld [tilespmem:$0x190]  }
0x67: {  	v44 =	vld [tilespmem:$0x1A0]  }
0x68: {  	v45 =	vld [tilespmem:$0x1B0]  }
0x69: {  	v46 =	vld [tilespmem:$0x1C0]  }
0x6a: {  	v47 =	vld [tilespmem:$0x1D0];
	v28 =	vmul.u32 $0x3, v28  }
0x6b: {  	v48 =	vld [tilespmem:$0x1E0];
	v29 =	vmul.u32 $0x3, v29  }
0x6c: {  	v49 =	vld [tilespmem:$0x1F0];
	v30 =	vmul.u32 $0x3, v44;
	v28 =	vadd.s32 $0x2, v28  }
0x6d: {  	[tilespmem:$0x200] =	vst v28;
	v28 =	vadd.s32 $0x2, v29;
	v29 =	vmul.u32 $0x3, v45  }
0x6e: {  	v50 =	vmul.u32 $0x3, v46;
	[tilespmem:$0x210] =	vst v28;
	v28 =	vadd.s32 $0x2, v30  }
0x6f: {  	[tilespmem:$0x220] =	vst v28;
	v28 =	vadd.s32 $0x2, v29;
	v29 =	vmul.u32 $0x3, v47  }
0x70: {  	v51 =	vmul.u32 $0x3, v48;
	[tilespmem:$0x230] =	vst v28;
	v28 =	vadd.s32 $0x2, v50  }
0x71: {  	[tilespmem:$0x240] =	vst v28;
	v28 =	vadd.s32 $0x2, v29;
	v29 =	vmul.u32 $0x3, v49  }
0x72: {  	[tilespmem:$0x250] =	vst v28;
	v28 =	vadd.s32 $0x2, v51  }
0x73: {  	[tilespmem:$0x260] =	vst v28;
	v28 =	vadd.s32 $0x2, v29  }
0x74: {  	s23 =	simm.s32 $0x500;
	[tilespmem:$0x270] =	vst v28  }
0x75: {  	[tilespmem:s23], [sflag:$0x1] =	stream.indirect.gather [hbm4b:s5+s8], $0x1, s9, s8, $0xb8;
	[tilespmem:$0x900] =	vst v63  }
0x76: {  	_ =	swait.ge [sflag:s18], $0x80  }
0x77: {  	[sflag:s18] =	ssyncset.done $0x0  }
0x78: {  	[sflag:s18] =	ssyncadd.s32 $0xFFFFFF80  }
0x79: {  	v28 =	vld.idx.msk [tilespmem:v1+s4+$0x0], $0xffff  }
0x7a: {  	v29 =	vld.idx.msk [tilespmem:v2+s4+$0x0], $0xffff  }
0x7b: {  	v52 =	vld [tilespmem:$0x400]  }
0x7c: {  	v53 =	vld [tilespmem:$0x480]  }
0x7d: {  	v54 =	vld.idx.msk [tilespmem:v3+s4+$0x0], $0xffff  }
0x7e: {  	v55 =	vld [tilespmem:$0x500];
	_ =	sdelay $0x2  }
0x7f: {  	v28 =	vsub.f32 v28, v52;
	v29 =	vsub.f32 v29, v53;
	_ =	sdelay $0x1  }
0x80: {  	v56 =	vsub.f32 v54, v55;
	v28 =	vmul.f32 v28, v28;
	v29 =	vmul.f32 v29, v29;
	_ =	sdelay $0x1  }
0x81: {  	v28 =	vadd.f32 v29, v28;
	v29 =	vmul.f32 v56, v56;
	_ =	sdelay $0x1  }
0x82: {  	v28 =	vadd.f32 v29, v28;
	_ =	sdelay $0x1  }
0x83: {  	v28 =	vsub.f32 $0.0e+00, v28;
	_ =	sdelay $0x1  }
0x84: {  	v28 =	vmul.f32 v28, v21;
	_ =	sdelay $0x1  }
0x85: {  	v28 =	vmul.f32 $1.442695020e+00, v28;
	_ =	sdelay $0x1  }
0x86: {  	(erf) = vpow2.f32 v28;
	_ =	sdelay $0x8  }
0x87: {  	v28 =	vpop (erf)  }
0x88: {  	v28 =	vadd.f32 $9.999999970e-07, v28  }
0x89: {  	v57 =	vld [tilespmem:$0x410]  }
0x8a: {  	v58 =	vld [tilespmem:$0x490];
	[tilespmem:$0x580] =	vst v28  }
0x8b: {  	v28 =	vld.idx.msk [tilespmem:v4+s4+$0x0], $0xffff  }
0x8c: {  	v29 =	vld.idx.msk [tilespmem:v5+s4+$0x0], $0xffff  }
0x8d: {  	v60 =	vld [tilespmem:$0x510]  }
0x8e: {  	v59 =	vld.idx.msk [tilespmem:v6+s4+$0x0], $0xffff;
	_ =	sdelay $0x2  }
0x8f: {  	v28 =	vsub.f32 v28, v57;
	v29 =	vsub.f32 v29, v58;
	_ =	sdelay $0x1  }
0x90: {  	v61 =	vsub.f32 v59, v60;
	v28 =	vmul.f32 v28, v28;
	v29 =	vmul.f32 v29, v29;
	_ =	sdelay $0x1  }
0x91: {  	v28 =	vadd.f32 v29, v28;
	v29 =	vmul.f32 v61, v61;
	_ =	sdelay $0x1  }
0x92: {  	v28 =	vadd.f32 v29, v28;
	_ =	sdelay $0x1  }
0x93: {  	v28 =	vsub.f32 $0.0e+00, v28;
	_ =	sdelay $0x1  }
0x94: {  	v28 =	vmul.f32 v28, v21;
	_ =	sdelay $0x1  }
0x95: {  	v28 =	vmul.f32 $1.442695020e+00, v28;
	_ =	sdelay $0x1  }
0x96: {  	(erf) = vpow2.f32 v28;
	_ =	sdelay $0x8  }
0x97: {  	v28 =	vpop (erf)  }
0x98: {  	v28 =	vadd.f32 $9.999999970e-07, v28  }
0x99: {  	v62 =	vld [tilespmem:$0x420]  }
0x9a: {  	v63 =	vld [tilespmem:$0x4A0];
	[tilespmem:$0x590] =	vst v28  }
0x9b: {  	v28 =	vld.idx.msk [tilespmem:v7+s4+$0x0], $0xffff  }
0x9c: {  	v29 =	vld.idx.msk [tilespmem:v8+s4+$0x0], $0xffff  }
0x9d: {  	v37 =	vld [tilespmem:$0x520]  }
0x9e: {  	v36 =	vld.idx.msk [tilespmem:v9+s4+$0x0], $0xffff;
	_ =	sdelay $0x2  }
0x9f: {  	v28 =	vsub.f32 v28, v62;
	v29 =	vsub.f32 v29, v63;
	_ =	sdelay $0x1  }
0xa0: {  	v38 =	vsub.f32 v36, v37;
	v28 =	vmul.f32 v28, v28;
	v29 =	vmul.f32 v29, v29;
	_ =	sdelay $0x1  }
0xa1: {  	v28 =	vadd.f32 v29, v28;
	v29 =	vmul.f32 v38, v38;
	_ =	sdelay $0x1  }
0xa2: {  	v28 =	vadd.f32 v29, v28;
	_ =	sdelay $0x1  }
0xa3: {  	v28 =	vsub.f32 $0.0e+00, v28;
	_ =	sdelay $0x1  }
0xa4: {  	v28 =	vmul.f32 v28, v21;
	_ =	sdelay $0x1  }
0xa5: {  	v28 =	vmul.f32 $1.442695020e+00, v28;
	_ =	sdelay $0x1  }
0xa6: {  	(erf) = vpow2.f32 v28;
	_ =	sdelay $0x8  }
0xa7: {  	v28 =	vpop (erf)  }
0xa8: {  	v28 =	vadd.f32 $9.999999970e-07, v28  }
0xa9: {  	v39 =	vld [tilespmem:$0x430]  }
0xaa: {  	v40 =	vld [tilespmem:$0x4B0];
	[tilespmem:$0x5A0] =	vst v28  }
0xab: {  	v28 =	vld.idx.msk [tilespmem:v10+s4+$0x0], $0xffff  }
0xac: {  	v29 =	vld.idx.msk [tilespmem:v11+s4+$0x0], $0xffff  }
0xad: {  	v42 =	vld [tilespmem:$0x530]  }
0xae: {  	v41 =	vld.idx.msk [tilespmem:v12+s4+$0x0], $0xffff;
	_ =	sdelay $0x2  }
0xaf: {  	v28 =	vsub.f32 v28, v39;
	v29 =	vsub.f32 v29, v40;
	_ =	sdelay $0x1  }
0xb0: {  	v43 =	vsub.f32 v41, v42;
	v28 =	vmul.f32 v28, v28;
	v29 =	vmul.f32 v29, v29;
	_ =	sdelay $0x1  }
0xb1: {  	v28 =	vadd.f32 v29, v28;
	v29 =	vmul.f32 v43, v43;
	_ =	sdelay $0x1  }
0xb2: {  	v28 =	vadd.f32 v29, v28;
	_ =	sdelay $0x1  }
0xb3: {  	v28 =	vsub.f32 $0.0e+00, v28;
	_ =	sdelay $0x1  }
0xb4: {  	v28 =	vmul.f32 v28, v21;
	_ =	sdelay $0x1  }
0xb5: {  	v28 =	vmul.f32 $1.442695020e+00, v28;
	_ =	sdelay $0x1  }
0xb6: {  	(erf) = vpow2.f32 v28;
	_ =	sdelay $0x8  }
0xb7: {  	v28 =	vpop (erf)  }
0xb8: {  	v28 =	vadd.f32 $9.999999970e-07, v28  }
0xb9: {  	v44 =	vld [tilespmem:$0x440]  }
0xba: {  	v45 =	vld [tilespmem:$0x4C0];
	[tilespmem:$0x5B0] =	vst v28  }
0xbb: {  	v28 =	vld.idx.msk [tilespmem:v13+s4+$0x0], $0xffff  }
0xbc: {  	v29 =	vld.idx.msk [tilespmem:v14+s4+$0x0], $0xffff  }
0xbd: {  	v47 =	vld [tilespmem:$0x540]  }
0xbe: {  	v46 =	vld.idx.msk [tilespmem:v15+s4+$0x0], $0xffff;
	_ =	sdelay $0x2  }
0xbf: {  	v28 =	vsub.f32 v28, v44;
	v29 =	vsub.f32 v29, v45;
	_ =	sdelay $0x1  }
0xc0: {  	v48 =	vsub.f32 v46, v47;
	v28 =	vmul.f32 v28, v28;
	v29 =	vmul.f32 v29, v29;
	_ =	sdelay $0x1  }
0xc1: {  	v28 =	vadd.f32 v29, v28;
	v29 =	vmul.f32 v48, v48;
	_ =	sdelay $0x1  }
0xc2: {  	v28 =	vadd.f32 v29, v28;
	_ =	sdelay $0x1  }
0xc3: {  	v28 =	vsub.f32 $0.0e+00, v28;
	_ =	sdelay $0x1  }
0xc4: {  	v28 =	vmul.f32 v28, v21;
	_ =	sdelay $0x1  }
0xc5: {  	v28 =	vmul.f32 $1.442695020e+00, v28;
	_ =	sdelay $0x1  }
0xc6: {  	(erf) = vpow2.f32 v28;
	_ =	sdelay $0x8  }
0xc7: {  	v28 =	vpop (erf)  }
0xc8: {  	v28 =	vadd.f32 $9.999999970e-07, v28  }
0xc9: {  	v49 =	vld [tilespmem:$0x450]  }
0xca: {  	v50 =	vld [tilespmem:$0x4D0];
	[tilespmem:$0x5C0] =	vst v28  }
0xcb: {  	v28 =	vld.idx.msk [tilespmem:v16+s4+$0x0], $0xffff  }
0xcc: {  	v29 =	vld.idx.msk [tilespmem:v17+s4+$0x0], $0xffff  }
0xcd: {  	v52 =	vld [tilespmem:$0x550]  }
0xce: {  	v51 =	vld.idx.msk [tilespmem:v18+s4+$0x0], $0xffff;
	_ =	sdelay $0x2  }
0xcf: {  	v28 =	vsub.f32 v28, v49;
	v29 =	vsub.f32 v29, v50;
	_ =	sdelay $0x1  }
0xd0: {  	v53 =	vsub.f32 v51, v52;
	v28 =	vmul.f32 v28, v28;
	v29 =	vmul.f32 v29, v29;
	_ =	sdelay $0x1  }
0xd1: {  	v28 =	vadd.f32 v29, v28;
	v29 =	vmul.f32 v53, v53;
	_ =	sdelay $0x1  }
0xd2: {  	v28 =	vadd.f32 v29, v28;
	_ =	sdelay $0x1  }
0xd3: {  	v28 =	vsub.f32 $0.0e+00, v28;
	_ =	sdelay $0x1  }
0xd4: {  	v28 =	vmul.f32 v28, v21;
	_ =	sdelay $0x1  }
0xd5: {  	v28 =	vmul.f32 $1.442695020e+00, v28;
	_ =	sdelay $0x1  }
0xd6: {  	(erf) = vpow2.f32 v28;
	_ =	sdelay $0x8  }
0xd7: {  	v28 =	vpop (erf)  }
0xd8: {  	v28 =	vadd.f32 $9.999999970e-07, v28  }
0xd9: {  	v54 =	vld [tilespmem:$0x460]  }
0xda: {  	v55 =	vld [tilespmem:$0x4E0];
	[tilespmem:$0x5D0] =	vst v28  }
0xdb: {  	v28 =	vld.idx.msk [tilespmem:v19+s4+$0x0], $0xffff  }
0xdc: {  	v29 =	vld.idx.msk [tilespmem:v20+s4+$0x0], $0xffff  }
0xdd: {  	v57 =	vld [tilespmem:$0x560]  }
0xde: {  	v56 =	vld.idx.msk [tilespmem:v22+s4+$0x0], $0xffff;
	_ =	sdelay $0x2  }
0xdf: {  	v28 =	vsub.f32 v28, v54;
	v29 =	vsub.f32 v29, v55;
	_ =	sdelay $0x1  }
0xe0: {  	v58 =	vsub.f32 v56, v57;
	v28 =	vmul.f32 v28, v28;
	v29 =	vmul.f32 v29, v29;
	_ =	sdelay $0x1  }
0xe1: {  	v28 =	vadd.f32 v29, v28;
	v29 =	vmul.f32 v58, v58;
	_ =	sdelay $0x1  }
0xe2: {  	v28 =	vadd.f32 v29, v28;
	_ =	sdelay $0x1  }
0xe3: {  	v28 =	vsub.f32 $0.0e+00, v28;
	_ =	sdelay $0x1  }
0xe4: {  	v28 =	vmul.f32 v28, v21;
	_ =	sdelay $0x1  }
0xe5: {  	v28 =	vmul.f32 $1.442695020e+00, v28;
	_ =	sdelay $0x1  }
0xe6: {  	(erf) = vpow2.f32 v28;
	_ =	sdelay $0x8  }
0xe7: {  	v28 =	vpop (erf)  }
0xe8: {  	v28 =	vadd.f32 $9.999999970e-07, v28  }
0xe9: {  	v59 =	vld [tilespmem:$0x470]  }
0xea: {  	v60 =	vld [tilespmem:$0x4F0];
	[tilespmem:$0x5E0] =	vst v28  }
0xeb: {  	v28 =	vld.idx.msk [tilespmem:v23+s4+$0x0], $0xffff  }
0xec: {  	v29 =	vld.idx.msk [tilespmem:v24+s4+$0x0], $0xffff  }
0xed: {  	v62 =	vld [tilespmem:$0x570]  }
0xee: {  	v61 =	vld.idx.msk [tilespmem:v26+s4+$0x0], $0xffff;
	_ =	sdelay $0x2  }
0xef: {  	v28 =	vsub.f32 v28, v59;
	v29 =	vsub.f32 v29, v60;
	_ =	sdelay $0x1  }
0xf0: {  	v63 =	vsub.f32 v61, v62;
	v28 =	vmul.f32 v28, v28;
	v29 =	vmul.f32 v29, v29;
	_ =	sdelay $0x1  }
0xf1: {  	v28 =	vadd.f32 v29, v28;
	v29 =	vmul.f32 v63, v63;
	_ =	sdelay $0x1  }
0xf2: {  	v28 =	vadd.f32 v29, v28;
	_ =	sdelay $0x1  }
0xf3: {  	v28 =	vsub.f32 $0.0e+00, v28;
	_ =	sdelay $0x1  }
0xf4: {  	v28 =	vmul.f32 v28, v21;
	_ =	sdelay $0x1  }
0xf5: {  	v28 =	vmul.f32 $1.442695020e+00, v28;
	_ =	sdelay $0x1  }
0xf6: {  	(erf) = vpow2.f32 v28;
	_ =	sdelay $0x7  }
.Ltmp2:
0xf7: {  	_ = 	snop;
	(pc) =	sbr.rel .LBB2_2-.Ltmp2, $3  }
0xf8: {  	v28 =	vpop (erf)  }
0xf9: {  	v28 =	vadd.f32 $9.999999970e-07, v28;
	_ =	sdelay $0x1  }
0xfa: {  	s21 =	simm.s32 $0x0;
	[tilespmem:$0x5F0] =	vst v28  }
.LBB2_3:
0xfb: {  	v30 =	vimm.f32 $0.0e+00;
	v29 =	vimm.f32 $0.0e+00  }
.LBB2_13:
0xfc: {  	(xrf2) =	vadd.scan.msk.f32 $0xffff, v30;
	_ =	sdelay $0x4  }
0xfd: {  	v61 =	vld.idx.msk [tilespmem:v28+s31+$0x0], $0xffff;
	_ =	sdelay $0x4  }
0xfe: {  	(v2sf) =	vpush v61, $0x0;
	v62, _, _ =	vpop (xrf2);
	(xrf2) =	vadd.scan.msk.f32 $0xffff, v29  }
0xff: {  	(v2sf) =	vpush v62, $0xF;
	_ =	sdelay $0x8  }
0x100: {  	v29, _, _ =	vpop (xrf2)  }
0x101: {  	(v2sf) =	vpush v29, $0xF;
	_ =	sdelay $0x3  }
0x102: {  	s3 =	spop (v2sf)  }
0x103: {  	s7 =	spop (v2sf)  }
0x104: {  	s7 =	sadd.f32 s3, s7;
	_ =	sdelay $0x1  }
0x105: {  	v29 =	vmov s7  }
0x106: {  	v29 =	vadd.f32 $0.0e+00, v29;
	_ =	sdelay $0x1  }
0x107: {  	v29 =	vbroadcast v29, $0x0;
	_ =	sdelay $0x1  }
0x108: {  	(erf) = vrcp.f32 v29  }
0x109: {  	s3 =	smul.f32 s3, s22  }
0x10a: {  	s23 =	spop (v2sf)  }
0x10b: {  	s3 =	sadd.f32 s3, s23;
	_ =	sdelay $0x1  }
0x10c: {  	v29 =	vmov s3  }
0x10d: {  	s21 =	sadd.s32 $0x1, s21;
	v29 =	vadd.f32 $0.0e+00, v29  }
0x10e: {  	p0 =	sne.s32 s21, $0x80  }
.Ltmp3:
0x10f: {  	v29 =	vbroadcast v29, $0x0;
	(pc) =	sbr.rel @!p0 .LBB2_14-.Ltmp3, $3  }
0x110: {  	v63 =	vpop (erf)  }
0x111: {  	v29 =	vmul.f32 v63, v29;
	_ =	sdelay $0x1  }
0x112: {  	[tilespmem:v28+s1+$0x0] =	vst.idx.msk $0x1, v29  }
.LBB2_2:
0x113: {  	v28 =	vmov s21;
	_ =	sdelay $0x4  }
0x114: {  	v30 =	vld.idx.msk [tilespmem:v28+s14+$0x0], $0xffff  }
0x115: {  	v31 =	vld.idx.msk [tilespmem:v28+s16+$0x0], $0xffff;
	_ =	sdelay $0x3  }
0x116: {  	(v2sf) =	vpush v30, $0x0  }
0x117: {  	(v2sf) =	vpush v31, $0x0;
	_ =	sdelay $0x1  }
0x118: {  	v29 =	vld.idx.msk [tilespmem:v28+s17+$0x0], $0xffff;
	_ =	sdelay $0x4  }
0x119: {  	(v2sf) =	vpush v29, $0x0;
	_ =	sdelay $0x6  }
0x11a: {  	s3 =	spop (v2sf)  }
0x11b: {  	s7 =	spop (v2sf)  }
0x11c: {  	s7 =	ssub.s32 s7, s3  }
0x11d: {  	p0 =	slt.s32 s7, $0x1  }
.Ltmp4:
0x11e: {  	_ = 	snop;
	(pc) =	sbr.rel @p0 .LBB2_3-.Ltmp4, $2  }
0x11f: {  	_ =	sdelay $0x2  }
0x120: {  	s22 =	spop (v2sf)  }
0x121: {  	v30 =	vmul.u32 $0x3, v28;
	_ =	sdelay $0x1  }
0x122: {  	v31 =	vadd.s32 $0x1, v30  }
0x123: {  	v32 =	vadd.s32 $0x2, v30;
	_ =	sdelay $0x2  }
0x124: {  	v30 =	vld.idx.msk [tilespmem:v30+s4+$0x0], $0xffff  }
0x125: {  	v33 =	vld.idx.msk [tilespmem:v31+s4+$0x0], $0xffff  }
0x126: {  	p3 =	sgt.s32 s7, $0x10;
	v34 =	vld.idx.msk [tilespmem:v32+s4+$0x0], $0xffff  }
.Ltmp5:
0x127: {  	s8 =	sand.u32 $0x7, s3;
	(pc) =	sbr.rel @!p3 .LBB2_5-.Ltmp5, $4  }
0x128: {  	s10 =	sadd.s32 $0x0, s3;
	s9 =	simm.s32 $0x0;
	s23 =	simm.s32 $0x10  }
0x129: {  	p2 =	sne.s32 s8, $0x0;
	s15 =	sshra.s32 s10, $0x1F;
	p0 =	slt.s32 s10, $0x1  }
0x12a: {  	p1 =	por $0x0, $0x0;
	s8 =	sshrl.u32 s15, $0x1D;
	p0 =	por !p2, !p0;
	v31 =	vbroadcast v30, $0x0;
	v30 =	vmov s7;
	v32 =	vbroadcast v33, $0x0  }
0x12b: {  	s12 =	sadd.s32 s8, s10;
	p4 =	por !p0, !p0;
	p0 =	por $0x0, $0x0;
	v33 =	vbroadcast v34, $0x0;
	v34 =	vbroadcast v29, $0x0;
	v29 =	vimm.f32 $0.0e+00  }
0x12c: {  	s8 =	simm.s32 $0x1  }
0x12d: {  	s12 =	sshra.s32 s12, $0x3;
	s8 =	simm.s32 @!p4 $0x0  }
0x12e: {  	s8 =	ssub.s32 s12, s8  }
0x12f: {  	s12 =	sshll.u32 s8, $0x3  }
0x130: {  	s8 =	sand.u32 $0x1FFFFFFF, s8;
	s10 =	ssub.s32 s10, s12  }
0x131: {  	s8 =	sadd.s32 s6, s8;
	v35 =	vadd.s32 s10, v0  }
0x132: {  	[tilespmem:s24], [sflag:$0x5] =	stream.linear.gather [hbm4b:s8+s4], $0x18, $0x38;
	[tilespmem:$0x900] =	vst v63  }
0x133: {  	_ =	swait.ge [sflag:s11], $0x18  }
0x134: {  	[sflag:s11] =	ssyncset.done $0x0  }
0x135: {  	[sflag:s11] =	ssyncadd.s32 $0xFFFFFFE8  }
0x136: {  	v35 =	vld.idx.msk [tilespmem:v35+s24+$0x0], $0xffff;
	_ =	sdelay $0x4  }
0x137: {  	v36 =	vmul.u32 $0x3, v35;
	_ =	sdelay $0x2  }
0x138: {  	v37 =	vadd.s32 $0x1, v36  }
0x139: {  	[tilespmem:s25], [sflag:$0x1] =	stream.indirect_vreg.gather [hbm4b:s2+s4], $0x1, v35, vm0, $0xb8;
	[tilespmem:$0x900] =	vst v63  }
0x13a: {  	v63 =	vadd.s32 $0x2, v36  }
0x13b: {  	[tilespmem:s26], [sflag:$0x2] =	stream.indirect_vreg.gather [hbm4b:s5+s4], $0x1, v36, vm0, $0xb8;
	[tilespmem:$0x900] =	vst v63  }
0x13c: {  	_ = 	snop  }
0x13d: {  	[tilespmem:s28], [sflag:$0x3] =	stream.indirect_vreg.gather [hbm4b:s5+s4], $0x1, v37, vm0, $0xb8;
	[tilespmem:$0x900] =	vst v63  }
0x13e: {  	_ = 	snop  }
0x13f: {  	[tilespmem:s29], [sflag:$0x4] =	stream.indirect_vreg.gather [hbm4b:s5+s4], $0x1, v63, vm0, $0xb8;
	[tilespmem:$0x900] =	vst v63  }
0x140: {  	_ =	swait.ge [sflag:s18], $0x10  }
0x141: {  	[sflag:s18] =	ssyncset.done $0x0  }
0x142: {  	[sflag:s18] =	ssyncadd.s32 $0xFFFFFFF0  }
0x143: {  	_ =	swait.ge [sflag:s19], $0x10  }
0x144: {  	[sflag:s19] =	ssyncset.done $0x0  }
0x145: {  	p3 =	sgt.s32 s7, $0x20;
	[sflag:s19] =	ssyncadd.s32 $0xFFFFFFF0  }
.Ltmp6:
0x146: {  	s10 =	sadd.s32 $0x10, s3;
	_ =	swait.ge [sflag:s20], $0x10;
	(pc) =	sbr.rel @!p3 .LBB2_7-.Ltmp6, $4  }
0x147: {  	s8 =	simm.s32 $0x20;
	s15 =	sshra.s32 s10, $0x1F;
	[sflag:s20] =	ssyncset.done $0x0  }
0x148: {  	p0 =	slt.s32 s10, $0x1;
	s12 =	sshrl.u32 s15, $0x1D;
	[sflag:s20] =	ssyncadd.s32 $0xFFFFFFF0  }
0x149: {  	p0 =	por !p2, !p0;
	s12 =	sadd.s32 s12, s10;
	_ =	swait.ge [sflag:s30], $0x10  }
0x14a: {  	p4 =	por !p0, !p0;
	p0 =	por $0x1, $0x1;
	[sflag:s30] =	ssyncset.done $0x0  }
0x14b: {  	s15 =	simm.s32 $0x1  }
0x14c: {  	s12 =	sshra.s32 s12, $0x3;
	s15 =	simm.s32 @!p4 $0x0  }
0x14d: {  	[sflag:s30] =	ssyncadd.s32 $0xFFFFFFF0;
	s12 =	ssub.s32 s12, s15  }
0x14e: {  	v35 =	vld [tilespmem:$0x800];
	s15 =	sshll.u32 s12, $0x3  }
0x14f: {  	v37 =	vld [tilespmem:$0x700];
	s12 =	sand.u32 $0x1FFFFFFF, s12;
	s10 =	ssub.s32 s10, s15  }
0x150: {  	v39 =	vld [tilespmem:$0x780];
	s12 =	sadd.s32 s6, s12;
	v38 =	vadd.s32 s10, v0  }
0x151: {  	v36 =	vld [tilespmem:$0x680];
	[tilespmem:s24], [sflag:$0x5] =	stream.linear.gather [hbm4b:s12+s4], $0x18, $0x38  }
0x152: {  	_ =	swait.ge [sflag:s11], $0x18  }
0x153: {  	[sflag:s11] =	ssyncset.done $0x0  }
0x154: {  	[sflag:s11] =	ssyncadd.s32 $0xFFFFFFE8  }
0x155: {  	v37 =	vsub.f32 v31, v37;
	v39 =	vsub.f32 v32, v39;
	v38 =	vld.idx.msk [tilespmem:v38+s24+$0x0], $0xffff  }
0x156: {  	v35 =	vsub.f32 v33, v35  }
0x157: {  	v40 =	vsub.f32 v36, v34;
	v37 =	vmul.f32 v37, v37;
	v39 =	vmul.f32 v39, v39;
	_ =	sdelay $0x1  }
0x158: {  	v41 =	vsub.f32 $0.0e+00, v40;
	v35 =	vmul.f32 v35, v35;
	v37 =	vadd.f32 v39, v37  }
0x159: {  	v55 =	vmul.u32 $0x3, v38  }
0x15a: {  	v40 =	vmul.f32 v41, v40;
	v35 =	vadd.f32 v35, v37;
	_ =	sdelay $0x1  }
0x15b: {  	v56 =	vmul.f32 v40, v25;
	v35 =	vsub.f32 $0.0e+00, v35;
	v57 =	vadd.s32 $0x1, v55  }
0x15c: {  	[tilespmem:s25], [sflag:$0x1] =	stream.indirect_vreg.gather [hbm4b:s2+s4], $0x1, v38, vm0, $0xb8;
	[tilespmem:$0x900] =	vst v63  }
0x15d: {  	v37 =	vmul.f32 $1.442695020e+00, v56;
	v35 =	vmul.f32 v35, v21;
	v58 =	vadd.s32 $0x2, v55  }
0x15e: {  	[tilespmem:s26], [sflag:$0x2] =	stream.indirect_vreg.gather [hbm4b:s5+s4], $0x1, v55, vm0, $0xb8;
	[tilespmem:$0x900] =	vst v63  }
0x15f: {  	(erf) = vpow2.f32 v37;
	v35 =	vmul.f32 $1.442695020e+00, v35  }
0x160: {  	[tilespmem:s28], [sflag:$0x3] =	stream.indirect_vreg.gather [hbm4b:s5+s4], $0x1, v57, vm0, $0xb8;
	[tilespmem:$0x900] =	vst v63  }
0x161: {  	(erf) = vpow2.f32 v35  }
0x162: {  	[tilespmem:s29], [sflag:$0x4] =	stream.indirect_vreg.gather [hbm4b:s5+s4], $0x1, v58, vm0, $0xb8;
	[tilespmem:$0x900] =	vst v63  }
0x163: {  	_ =	swait.ge [sflag:s18], $0x10  }
0x164: {  	[sflag:s18] =	ssyncset.done $0x0  }
0x165: {  	[sflag:s18] =	ssyncadd.s32 $0xFFFFFFF0  }
0x166: {  	_ =	swait.ge [sflag:s19], $0x10  }
0x167: {  	[sflag:s19] =	ssyncset.done $0x0  }
0x168: {  	v59 =	vpop (erf);
	[sflag:s19] =	ssyncadd.s32 $0xFFFFFFF0  }
0x169: {  	v60 =	vor.u32 s9, v0;
	p3 =	sgt.s32 s7, $0x30;
	_ =	swait.ge [sflag:s20], $0x10  }
.Ltmp7:
0x16a: {  	vm1 =	vlt.s32 v60, v30;
	s10 =	sadd.s32 $0x20, s3;
	v61 =	vpop (erf);
	(pc) =	sbr.rel @!p3 .LBB2_9-.Ltmp7, $4  }
0x16b: {  	s9 =	simm.s32 $0x30;
	v62 =	vsel vm1, $0x3F800000, v27;
	s15 =	sshra.s32 s10, $0x1F;
	[sflag:s20] =	ssyncset.done $0x0;
	v35 =	vmul.f32 v61, v59  }
0x16c: {  	v63 =	vmul.f32 $9.999999970e-07, v62;
	p1 =	slt.s32 s10, $0x1;
	s12 =	sshrl.u32 s15, $0x1D;
	[sflag:s20] =	ssyncadd.s32 $0xFFFFFFF0  }
0x16d: {  	p1 =	por !p2, !p1;
	s12 =	sadd.s32 s12, s10;
	v38 =	vnsel vm1, $0x0, v36;
	_ =	swait.ge [sflag:s30], $0x10;
	v35 =	vnsel vm1, $0x0, v35  }
0x16e: {  	p4 =	por !p1, !p1;
	p1 =	por $0x1, $0x1;
	v36 =	vimm.f32 $0.0e+00;
	[sflag:s30] =	ssyncset.done $0x0;
	v37 =	vadd.f32 v35, v63;
	v35 =	vimm.f32 $0.0e+00  }
.LBB2_10:
0x16f: {  	s15 =	simm.s32 $0x1  }
0x170: {  	s12 =	sshra.s32 s12, $0x3;
	[sflag:s30] =	ssyncadd.s32 $0xFFFFFFF0;
	s15 =	simm.s32 @!p4 $0x0  }
0x171: {  	v36 =	vadd.f32 v37, v36;
	v37 =	vmul.f32 v37, v38;
	s15 =	ssub.s32 s12, s15;
	v39 =	vld [tilespmem:$0x800];
	s12 =	smov.u32 s9;
	s9 =	sadd.s32 $0x10, s9  }
0x172: {  	p3 =	slt.s32 s9, s7;
	s13 =	sshll.u32 s15, $0x3;
	s15 =	sand.u32 $0x1FFFFFFF, s15;
	v38 =	vld [tilespmem:$0x680]  }
0x173: {  	v35 =	vadd.f32 v37, v35;
	s10 =	ssub.s32 s10, s13;
	s13 =	sadd.s32 s6, s15;
	v40 =	vld [tilespmem:$0x700]  }
0x174: {  	v37 =	vadd.s32 s10, v0;
	v41 =	vld [tilespmem:$0x780]  }
0x175: {  	[tilespmem:s24], [sflag:$0x5] =	stream.linear.gather [hbm4b:s13+s4], $0x18, $0x38;
	[tilespmem:$0x900] =	vst v63  }
0x176: {  	_ =	swait.ge [sflag:s11], $0x18;
	v39 =	vsub.f32 v33, v39  }
0x177: {  	[sflag:s11] =	ssyncset.done $0x0;
	v42 =	vsub.f32 v38, v34  }
0x178: {  	[sflag:s11] =	ssyncadd.s32 $0xFFFFFFE8;
	v40 =	vsub.f32 v31, v40  }
0x179: {  	v37 =	vld.idx.msk [tilespmem:v37+s24+$0x0], $0xffff;
	v41 =	vsub.f32 v32, v41;
	v43 =	vsub.f32 $0.0e+00, v42  }
0x17a: {  	v40 =	vmul.f32 v40, v40  }
0x17b: {  	v41 =	vmul.f32 v41, v41;
	v42 =	vmul.f32 v43, v42  }
0x17c: {  	v39 =	vmul.f32 v39, v39  }
0x17d: {  	v40 =	vadd.f32 v41, v40;
	v41 =	vmul.f32 v42, v25;
	_ =	sdelay $0x1  }
0x17e: {  	v42 =	vmul.u32 $0x3, v37;
	v39 =	vadd.f32 v39, v40;
	v40 =	vmul.f32 $1.442695020e+00, v41;
	_ =	sdelay $0x1  }
0x17f: {  	[tilespmem:s25], [sflag:$0x1] =	stream.indirect_vreg.gather [hbm4b:s2+s4], $0x1, v37, vm0, $0xb8;
	v37 =	vsub.f32 $0.0e+00, v39;
	[tilespmem:$0x900] =	vst v63  }
0x180: {  	v39 =	vadd.s32 $0x1, v42  }
0x181: {  	v37 =	vmul.f32 v37, v21  }
0x182: {  	v41 =	vadd.s32 $0x2, v42  }
0x183: {  	[tilespmem:s26], [sflag:$0x2] =	stream.indirect_vreg.gather [hbm4b:s5+s4], $0x1, v42, vm0, $0xb8;
	v37 =	vmul.f32 $1.442695020e+00, v37;
	[tilespmem:$0x900] =	vst v63  }
0x184: {  	(erf) = vpow2.f32 v40  }
0x185: {  	[tilespmem:s28], [sflag:$0x3] =	stream.indirect_vreg.gather [hbm4b:s5+s4], $0x1, v39, vm0, $0xb8;
	(erf) = vpow2.f32 v37;
	[tilespmem:$0x900] =	vst v63  }
0x186: {  	_ = 	snop  }
0x187: {  	[tilespmem:s29], [sflag:$0x4] =	stream.indirect_vreg.gather [hbm4b:s5+s4], $0x1, v41, vm0, $0xb8;
	[tilespmem:$0x900] =	vst v63  }
0x188: {  	_ =	swait.ge [sflag:s18], $0x10  }
0x189: {  	[sflag:s18] =	ssyncset.done $0x0  }
0x18a: {  	[sflag:s18] =	ssyncadd.s32 $0xFFFFFFF0  }
0x18b: {  	_ =	swait.ge [sflag:s19], $0x10  }
0x18c: {  	v39 =	vor.u32 s23, v0;
	s23 =	smov.u32 s8;
	s8 =	smov.u32 s12;
	[sflag:s19] =	ssyncset.done $0x0  }
0x18d: {  	vm1 =	vlt.s32 v39, v30;
	[sflag:s19] =	ssyncadd.s32 $0xFFFFFFF0;
	v37 =	vpop (erf)  }
0x18e: {  	_ =	swait.ge [sflag:s20], $0x10  }
.Ltmp8:
0x18f: {  	v39 =	vsel vm1, $0x3F800000, v27;
	v40 =	vpop (erf);
	(pc) =	sbr.rel @p3 .LBB2_10-.Ltmp8, $4  }
0x190: {  	s10 =	sadd.s32 s8, s3;
	v39 =	vmul.f32 $9.999999970e-07, v39;
	[sflag:s20] =	ssyncset.done $0x0;
	v37 =	vmul.f32 v40, v37  }
0x191: {  	s12 =	sshra.s32 s10, $0x1F;
	p4 =	slt.s32 s10, $0x1;
	[sflag:s20] =	ssyncadd.s32 $0xFFFFFFF0  }
0x192: {  	s12 =	sshrl.u32 s12, $0x1D;
	p4 =	por !p2, !p4;
	_ =	swait.ge [sflag:s30], $0x10;
	v37 =	vnsel vm1, $0x0, v37  }
0x193: {  	v38 =	vnsel vm1, $0x0, v38;
	s12 =	sadd.s32 s12, s10;
	p4 =	por !p4, !p4;
	[sflag:s30] =	ssyncset.done $0x0;
	v37 =	vadd.f32 v37, v39  }
0x194: {  	s9 =	smov.u32 s8  }
.LBB2_12:
0x195: {  	s3 =	simm.s32 $0x1  }
0x196: {  	s7 =	sshra.s32 s12, $0x3;
	s3 =	simm.s32 @!p4 $0x0  }
0x197: {  	[sflag:s30] =	ssyncadd.s32 @p0 $0xFFFFFFF0;
	s3 =	ssub.s32 s7, s3  }
0x198: {  	v39 =	vld @p0 [tilespmem:$0x800];
	s7 =	sshll.u32 s3, $0x3  }
0x199: {  	v40 =	vld @p0 [tilespmem:$0x680];
	s3 =	sand.u32 $0x1FFFFFFF, s3;
	s7 =	ssub.s32 s10, s7  }
0x19a: {  	v41 =	vld @p0 [tilespmem:$0x700];
	s3 =	sadd.s32 s6, s3;
	v42 =	vadd.s32 s7, v0  }
0x19b: {  	v43 =	vld @p0 [tilespmem:$0x780];
	[tilespmem:s24], [sflag:$0x5] =	stream.linear.gather [hbm4b:s3+s4], $0x18, $0x38;
	[tilespmem:$0x900] =	vst v63  }
0x19c: {  	_ =	swait.ge [sflag:s11], $0x18  }
0x19d: {  	[sflag:s11] =	ssyncset.done $0x0  }
0x19e: {  	[sflag:s11] =	ssyncadd.s32 $0xFFFFFFE8  }
0x19f: {  	v42 =	vld.idx.msk [tilespmem:v42+s24+$0x0], $0xffff  }
0x1a0: {  	v41 =	vsub.f32 @p0 v31, v41;
	v43 =	vsub.f32 @p0 v32, v43  }
0x1a1: {  	v44 =	vsub.f32 @p0 v40, v34  }
0x1a2: {  	v39 =	vsub.f32 @p0 v33, v39;
	v41 =	vmul.f32 @p0 v41, v41;
	v43 =	vmul.f32 @p0 v43, v43  }
0x1a3: {  	v45 =	vsub.f32 @p0 $0.0e+00, v44  }
0x1a4: {  	v39 =	vmul.f32 @p0 v39, v39;
	v41 =	vadd.f32 @p0 v43, v41;
	v49 =	vmul.u32 $0x3, v42  }
0x1a5: {  	v44 =	vmul.f32 @p0 v45, v44  }
0x1a6: {  	v39 =	vadd.f32 @p0 v39, v41  }
0x1a7: {  	v41 =	vmul.f32 @p0 v44, v25;
	v50 =	vadd.s32 $0x1, v49  }
0x1a8: {  	v39 =	vsub.f32 @p0 $0.0e+00, v39;
	[tilespmem:s25], [sflag:$0x1] =	stream.indirect_vreg.gather [hbm4b:s2+s4], $0x1, v42, vm0, $0xb8;
	[tilespmem:$0x900] =	vst v63  }
0x1a9: {  	v41 =	vmul.f32 @p0 $1.442695020e+00, v41;
	v51 =	vadd.s32 $0x2, v49  }
0x1aa: {  	v39 =	vmul.f32 @p0 v39, v21;
	[tilespmem:s26], [sflag:$0x2] =	stream.indirect_vreg.gather [hbm4b:s5+s4], $0x1, v49, vm0, $0xb8;
	[tilespmem:$0x900] =	vst v63  }
0x1ab: {  	(erf) = vpow2.f32 @p0 v41  }
0x1ac: {  	v39 =	vmul.f32 @p0 $1.442695020e+00, v39;
	[tilespmem:s28], [sflag:$0x3] =	stream.indirect_vreg.gather [hbm4b:s5+s4], $0x1, v50, vm0, $0xb8;
	[tilespmem:$0x900] =	vst v63  }
0x1ad: {  	_ = 	snop  }
0x1ae: {  	(erf) = vpow2.f32 @p0 v39;
	[tilespmem:s29], [sflag:$0x4] =	stream.indirect_vreg.gather [hbm4b:s5+s4], $0x1, v51, vm0, $0xb8;
	[tilespmem:$0x900] =	vst v63  }
0x1af: {  	_ =	swait.ge [sflag:s18], $0x10  }
0x1b0: {  	[sflag:s18] =	ssyncset.done $0x0  }
0x1b1: {  	[sflag:s18] =	ssyncadd.s32 $0xFFFFFFF0  }
0x1b2: {  	_ =	swait.ge [sflag:s19], $0x10  }
0x1b3: {  	[sflag:s19] =	ssyncset.done $0x0  }
0x1b4: {  	v39 =	vpop @p0 (erf);
	[sflag:s19] =	ssyncadd.s32 $0xFFFFFFF0  }
0x1b5: {  	_ =	swait.ge [sflag:s20], $0x10  }
0x1b6: {  	[sflag:s20] =	ssyncset.done $0x0  }
0x1b7: {  	v41 =	vpop @p0 (erf);
	[sflag:s20] =	ssyncadd.s32 $0xFFFFFFF0  }
0x1b8: {  	_ =	swait.ge [sflag:s30], $0x10  }
0x1b9: {  	[sflag:s30] =	ssyncset.done $0x0  }
0x1ba: {  	[sflag:s30] =	ssyncadd.s32 $0xFFFFFFF0  }
0x1bb: {  	v52 =	vld [tilespmem:$0x700]  }
0x1bc: {  	v53 =	vld [tilespmem:$0x780];
	_ =	sdelay $0x1  }
0x1bd: {  	v54 =	vld [tilespmem:$0x800]  }
0x1be: {  	v55 =	vld [tilespmem:$0x680];
	_ =	sdelay $0x1  }
0x1bf: {  	v31 =	vsub.f32 v31, v52;
	v56 =	vsub.f32 v32, v53;
	_ =	sdelay $0x1  }
0x1c0: {  	v57 =	vsub.f32 v33, v54;
	v31 =	vmul.f32 v31, v31;
	v32 =	vmul.f32 v56, v56  }
0x1c1: {  	v58 =	vsub.f32 v55, v34  }
0x1c2: {  	v33 =	vmul.f32 v57, v57;
	v31 =	vadd.f32 v32, v31  }
0x1c3: {  	v59 =	vsub.f32 $0.0e+00, v58  }
0x1c4: {  	v31 =	vadd.f32 v33, v31  }
0x1c5: {  	v32 =	vmul.f32 v59, v58  }
0x1c6: {  	v31 =	vsub.f32 $0.0e+00, v31  }
0x1c7: {  	v32 =	vmul.f32 v32, v25  }
0x1c8: {  	v31 =	vmul.f32 v31, v21  }
0x1c9: {  	v32 =	vmul.f32 $1.442695020e+00, v32  }
0x1ca: {  	v31 =	vmul.f32 $1.442695020e+00, v31  }
0x1cb: {  	(erf) = vpow2.f32 v32  }
0x1cc: {  	(erf) = vpow2.f32 v31;
	_ =	sdelay $0x3  }
0x1cd: {  	v31 =	vor.u32 @p0 s23, v0  }
0x1ce: {  	vm1 =	vlt.s32 @p0 v31, v30  }
0x1cf: {  	v34 =	vmul.f32 @p1 v37, v38;
	v32 =	vmul.f32 @p0 v41, v39;
	v31 =	vsel @p0 vm1, $0x3F800000, v27  }
0x1d0: {  	v31 =	vmul.f32 @p0 $9.999999970e-07, v31  }
0x1d1: {  	v60 =	vor.u32 s9, v0;
	v34 =	vadd.f32 @p1 v34, v35;
	v32 =	vnsel @p0 vm1, $0x0, v32;
	v61 =	vpop (erf)  }
0x1d2: {  	v31 =	vadd.f32 @p0 v32, v31;
	v32 =	vnsel @p0 vm1, $0x0, v40;
	vm1 =	vlt.s32 v60, v30;
	v30 =	vpop (erf)  }
0x1d3: {  	v33 =	vadd.f32 @p1 v37, v36;
	v62 =	vsel vm1, $0x3F800000, v27;
	v30 =	vmul.f32 v30, v61  }
0x1d4: {  	v32 =	vpsel p0, v32, v0;
	v31 =	vpsel p0, v31, v0;
	v35 =	vmul.f32 $9.999999970e-07, v62  }
0x1d5: {  	v33 =	vpsel p1, v33, v29;
	v32 =	vmul.f32 @p0 v31, v32;
	v30 =	vnsel vm1, $0x0, v30  }
.Ltmp9:
0x1d6: {  	v34 =	vpsel p1, v34, v29;
	v31 =	vadd.f32 @p0 v31, v33;
	v30 =	vadd.f32 v30, v35;
	(pc) =	sbr.rel .LBB2_13-.Ltmp9, $4  }
0x1d7: {  	v63 =	vnsel vm1, $0x0, v55;
	v32 =	vadd.f32 @p0 v32, v34  }
0x1d8: {  	v31 =	vpsel p0, v31, v29;
	v33 =	vmul.f32 v30, v63  }
0x1d9: {  	v29 =	vpsel p0, v32, v29;
	v30 =	vadd.f32 v30, v31  }
0x1da: {  	v29 =	vadd.f32 v33, v29  }
.LBB2_5:
.Ltmp10:
0x1db: {  	(pc) =	sbr.rel .LBB2_12-.Ltmp10, $2  }
0x1dc: {  	_ =	sdelay $0x2  }
0x1dd: {  	v36 =	vimm.f32 $0.0e+00;
	v35 =	vimm.f32 $0.0e+00  }
.LBB2_7:
.Ltmp11:
0x1de: {  	(pc) =	sbr.rel .LBB2_12-.Ltmp11, $2  }
0x1df: {  	_ =	sdelay $0x2  }
0x1e0: {  	v36 =	vimm.f32 $0.0e+00;
	v35 =	vimm.f32 $0.0e+00;
	s23 =	simm.s32 $0x0;
	s9 =	simm.s32 $0x10  }
.LBB2_9:
.Ltmp12:
0x1e1: {  	(pc) =	sbr.rel .LBB2_12-.Ltmp12, $2  }
0x1e2: {  	_ =	sdelay $0x2  }
0x1e3: {  	v36 =	vimm.f32 $0.0e+00;
	v35 =	vimm.f32 $0.0e+00;
	s9 =	simm.s32 $0x20  }
.LBB2_15:
0x1e4: {  	_ =	sfence.sel $0x180000  }
0x1e5: {  	[bflag:$0x0] =	sbarrier.arrive $0xFFFF  }
0x1e6: {  	_ =	strace $0x9000004A  }
0x1e7: {  	s0 =	stileid.u32;
	[bflag:$0x2] =	sbarrier.arrive $0xFFFF  }
0x1e8: {  	p0 =	sne.s32 s0, $0x0;
	s0 =	rddreg [dreg:$0x3]  }
0x1e9: {  	s0 =	sadd.s32 @!p0 $0x100000, s0  }
0x1ea: {  	[sflag:s0] =	ssyncadd.tile.s32 @!p0 $0x1;
	_ =	shalt  }
.Lfunc_end2:
_tile_overlayer_lowered:
.L_overlay_start_2:
0x1eb: {  	(tag) =	ssettag $0x2  }
0x1ec: {  	s0 =	rddreg [dreg:$0x0];
	s2 =	stileid.u32  }
0x1ed: {  	s1 =	rddreg [dreg:$0x1];
	p0 =	sne.s32 s2, $0x0  }
0x1ee: {  	s3 =	rddreg [dreg:$0x2];
	[bflag:$0x3] =	sbarrier.arrive $0xFFFF;
	s2 =	simm.s32 @!p0 $0x1C05  }
0x1ef: {  	[timem:s3], [sflag:s2] =	dma.local @!p0 [hbm:s0], s1  }
0x1f0: {  	s0 =	simm.s32 @!p0 $0x5  }
0x1f1: {  	_ =	swait.ge @!p0 [sflag:s0], s1  }
0x1f2: {  	s1 =	ssub.s32 @!p0 $0x0, s1;
	[sflag:s0] =	ssyncset.done @!p0 $0x0  }
0x1f3: {  	[sflag:s0] =	ssyncadd.s32 @!p0 s1  }
0x1f4: {  	[bflag:$0x3] =	sbarrier.arrive $0xFFFF  }
0x1f5: {  	_ =	shalt  }

// kernel: kernel.9.cloned.1.call-start
scs
__scs_entry_jumppad:
0x0: {  	(pc) =	sbr.rel $0x88, $3  }
0x1: {  	(tag) =	ssettag $0x0;
	lr =	simm.s32 $0x1  }
0x2: {  	[smem:$0x3F9C] =	sst lr;
	_ =	strace $0xD0000000  }
0x3: {  	_ = 	snop  }
0x4: {  	_ = 	snop  }
0x5: {  	_ = 	snop  }
0x6: {  	_ = 	snop  }
0x7: {  	_ = 	snop  }
__scs_overlays_trampoline_lowered:
0x8: {  	[smem:$0x3FAB] =	sst s0  }
0x9: {  	[smem:$0x3FAC] =	sst s1  }
0xa: {  	[smem:$0x3FAD] =	sst s2  }
0xb: {  	[smem:$0x3FAE] =	sst s3  }
0xc: {  	[smem:$0x3FAF] =	sst s4  }
0xd: {  	[smem:$0x3FB0] =	sst s5  }
0xe: {  	[smem:$0x3FB1] =	sst s6  }
0xf: {  	[smem:$0x3FB2] =	sst s7  }
0x10: {  	[smem:$0x3FB3] =	sst s8  }
0x11: {  	[smem:$0x3FB4] =	sst s9;
	s0 =	simm.s32 @!p0 $0x0  }
0x12: {  	s1 =	sld [smem:$0x3F9A];
	s0 =	simm.s32 @p0 $0x1  }
0x13: {  	[smem:$0x3FB5] =	sst s0;
	s0 =	simm.s32 @!p1 $0x0  }
0x14: {  	s2 =	sld [smem:$0x3F99];
	s0 =	simm.s32 @p1 $0x1  }
0x15: {  	[smem:$0x3FB6] =	sst s0;
	s0 =	simm.s32 @!p2 $0x0  }
0x16: {  	s3 =	sld [smem:$0x3FDB];
	s0 =	simm.s32 @p2 $0x1  }
0x17: {  	s4 =	simm.s32 $0x1BF5;
	[smem:$0x3FB8] =	sst s0  }
0x18: {  	s0 =	sld [smem:$0x3F9B];
	_ =	swait.ge [sflag:s4], $0x0  }
0x19: {  	s7 =	sld [smem:$0x3F9C]  }
0x1a: {  	s8 =	sadd.s32 $0xFFFFE003, lr  }
0x1b: {  	s9 =	sadd.s32 $0xFFFFFEF7, lr;
	s5 =	simm.s32 $0xFFFFFFFF;
	p2 =	slt.u32 s8, $0xFFFFF086  }
0x1c: {  	p1 =	slt.u32 s9, $0xF7A;
	s5 =	simm.s32 @!p2 $0x0  }
0x1d: {  	s5 =	simm.s32 @p1 $0x1;
	p0 =	seq.s32 s7, s2  }
0x1e: {  	s7 =	smul.u32 @!p0 $0xF7A, s2;
	p2 =	seq.s32 @!p0 s5, $0x0  }
0x1f: {  	s9 =	smul.u32 $0xF7A, s1;
	s8 =	simm.s32 @!p0 $0x1BF5;
	p2 =	por !p2, p0  }
0x20: {  	[sflag:s8] =	ssyncset.s32 @!p0 $0xFFFFF086;
	s6 =	sadd.s32 @!p0 s3, s7;
	s7 =	simm.s32 @!p0 $0x108  }
0x21: {  	s3 =	sadd.s32 s3, s9;
	s6 =	sadd.s32 @!p0 $0x88, s6;
	s7 =	simm.s32 @p2 $0x1082  }
0x22: {  	[simem:s7], [sflag:s8] =	dma.local @!p0 [hbm:s6], $0xF7A  }
0x23: {  	s9 =	sor.u32 $0xD0000000, s2;
	s6 =	simm.s32 $0x108;
	_ =	swait.ge @!p0 [sflag:s8], $0x0  }
0x24: {  	s3 =	sadd.s32 $0x88, s3;
	s6 =	simm.s32 @!p1 $0x1082;
	[sflag:s4] =	ssyncset.s32 $0xFFFFF086  }
0x25: {  	[simem:s6], [sflag:s4] =	dma.local [hbm:s3], $0xF7A  }
0x26: {  	[smem:$0x3F9C] =	sst s1;
	(tag) =	ssettag s2;
	_ =	strace s9  }
0x27: {  	s1 =	sld [smem:$0x3FAC]  }
0x28: {  	s2 =	sld [smem:$0x3FAD]  }
0x29: {  	s4 =	sld [smem:$0x3FAF]  }
0x2a: {  	p0 =	seq.s32 s5, $0x0;
	s5 =	sld [smem:$0x3FB0]  }
0x2b: {  	s6 =	sld [smem:$0x3FB1]  }
0x2c: {  	s7 =	sld [smem:$0x3FB2]  }
0x2d: {  	s3 =	simm.s32 $0x108;
	s8 =	sld [smem:$0x3FB3]  }
0x2e: {  	s3 =	simm.s32 @!p0 $0x1082;
	s9 =	sld [smem:$0x3FB4]  }
0x2f: {  	lr =	sadd.s32 s0, s3;
	s0 =	sld [smem:$0x3FAB]  }
0x30: {  	s3 =	sld [smem:$0x3FAE]  }
0x31: {  	[smem:$0x3FB7] =	sst s10  }
0x32: {  	s10 =	sld [smem:$0x3FB5];
	_ =	sdelay $0x3  }
0x33: {  	p0 =	seq.s32 s10, $0x1;
	s10 =	sld [smem:$0x3FB7];
	_ =	sdelay $0x3  }
0x34: {  	[smem:$0x3FB7] =	sst s10  }
0x35: {  	s10 =	sld [smem:$0x3FB6];
	_ =	sdelay $0x3  }
0x36: {  	p1 =	seq.s32 s10, $0x1;
	s10 =	sld [smem:$0x3FB7];
	_ =	sdelay $0x3  }
0x37: {  	[smem:$0x3FB7] =	sst s10  }
0x38: {  	s10 =	sld [smem:$0x3FB8]  }
0x39: {  	_ = 	snop;
	(pc) =	sbr.ind lr, $3  }
0x3a: {  	_ = 	snop  }
0x3b: {  	_ = 	snop  }
0x3c: {  	p2 =	seq.s32 s10, $0x1;
	s10 =	sld [smem:$0x3FB7]  }
0x3d: {  	_ =	shalt  }
0x3e: {  	_ =	shalt  }
0x3f: {  	_ =	shalt  }
0x40: {  	_ =	shalt  }
0x41: {  	_ =	shalt  }
0x42: {  	_ =	shalt  }
0x43: {  	_ =	shalt  }
0x44: {  	_ =	shalt  }
0x45: {  	_ =	shalt  }
0x46: {  	_ =	shalt  }
0x47: {  	_ =	shalt  }
0x48: {  	_ =	shalt  }
0x49: {  	_ =	shalt  }
0x4a: {  	_ =	shalt  }
0x4b: {  	_ =	shalt  }
0x4c: {  	_ =	shalt  }
0x4d: {  	_ =	shalt  }
0x4e: {  	_ =	shalt  }
0x4f: {  	_ =	shalt  }
0x50: {  	_ =	shalt  }
0x51: {  	_ =	shalt  }
0x52: {  	_ =	shalt  }
0x53: {  	_ =	shalt  }
0x54: {  	_ =	shalt  }
0x55: {  	_ =	shalt  }
0x56: {  	_ =	shalt  }
0x57: {  	_ =	shalt  }
0x58: {  	_ =	shalt  }
0x59: {  	_ =	shalt  }
0x5a: {  	_ =	shalt  }
0x5b: {  	_ =	shalt  }
0x5c: {  	_ =	shalt  }
0x5d: {  	_ =	shalt  }
0x5e: {  	_ =	shalt  }
0x5f: {  	_ =	shalt  }
0x60: {  	_ =	shalt  }
0x61: {  	_ =	shalt  }
0x62: {  	_ =	shalt  }
0x63: {  	_ =	shalt  }
0x64: {  	_ =	shalt  }
0x65: {  	_ =	shalt  }
0x66: {  	_ =	shalt  }
0x67: {  	_ =	shalt  }
0x68: {  	_ =	shalt  }
0x69: {  	_ =	shalt  }
0x6a: {  	_ =	shalt  }
0x6b: {  	_ =	shalt  }
0x6c: {  	_ =	shalt  }
0x6d: {  	_ =	shalt  }
0x6e: {  	_ =	shalt  }
0x6f: {  	_ =	shalt  }
0x70: {  	_ =	shalt  }
0x71: {  	_ =	shalt  }
0x72: {  	_ =	shalt  }
0x73: {  	_ =	shalt  }
0x74: {  	_ =	shalt  }
0x75: {  	_ =	shalt  }
0x76: {  	_ =	shalt  }
0x77: {  	_ =	shalt  }
0x78: {  	_ =	shalt  }
0x79: {  	_ =	shalt  }
0x7a: {  	_ =	shalt  }
0x7b: {  	_ =	shalt  }
0x7c: {  	_ =	shalt  }
0x7d: {  	_ =	shalt  }
0x7e: {  	_ =	shalt  }
0x7f: {  	_ =	shalt  }
0x80: {  	_ =	shalt  }
0x81: {  	_ =	shalt  }
0x82: {  	_ =	shalt  }
0x83: {  	_ =	shalt  }
0x84: {  	_ =	shalt  }
0x85: {  	_ =	shalt  }
0x86: {  	_ =	shalt  }
0x87: {  	_ =	shalt  }
.Lfunc_end0:
.L_simem_size_0:
called_computation.1_lowered:
.L_overlay_start_0:
0x88: {  	s2 =	sld [smem:$0x3FD9]  }
0x89: {  	s3 =	sld [smem:$0x3FFE];
	_ =	sdelay $0x1  }
0x8a: {  	s1 =	srdreg.scid  }
0x8b: {  	s0 =	sand.u32 $0x1, s1  }
0x8c: {  	s17 =	sshll.u32 s0, $0xA;
	s2 =	sadd.s32 s3, s2  }
0x8d: {  	s2 =	sadd.s32 s2, s17  }
0x8e: {  	[smem:$0x3FC3] =	sst s2  }
0x8f: {  	_ = 	snop  }
0x90: {  	s2 =	sld [smem:$0x3FC7]  }
0x91: {  	s18 =	sld [smem:$0x3FC5]  }
0x92: {  	s4 =	sld [smem:$0x3FD0];
	(tm) =	ssettm $0x1  }
0x93: {  	s5 =	sld [smem:$0x3FFB];
	_ =	sdelay $0x3  }
0x94: {  	_ =	strace s5  }
0x95: {  	s5 =	sld [smem:$0x3FFC];
	_ =	sdelay $0x3  }
0x96: {  	_ =	strace s5  }
0x97: {  	s5 =	sld [smem:$0x3FFD];
	_ =	sdelay $0x3  }
0x98: {  	_ =	strace s5  }
0x99: {  	_ =	strace $0x8FFFFFFF  }
0x9a: {  	s19 =	sld [smem:$0x3FDB];
	_ =	sdelay $0x1  }
0x9b: {  	s6 =	simm.s32 $_scs_section_size  }
0x9c: {  	s7 =	simm.s32 $_size__tile_overlayer_lowered;
	s8 =	simm.s32 $_tile_overlayer_lowered  }
0x9d: {  	s22 =	simm.s32 $0x1BFF;
	s21 =	sshll.u32 s8, $0x1;
	s5 =	sadd.s32 s6, s19  }
0x9e: {  	s9 =	simm.s32 $0x0;
	s20 =	sshll.u32 s7, $0x1;
	s7 =	sadd.s32 s21, s5  }
0x9f: {  	[timem:s9], [sflag:s22] =	dma.local [hbm:s7], s20  }
0xa0: {  	_ =	swait.ge [sflag:s22], s20  }
0xa1: {  	s6 =	ssub.s32 $0x0, s20;
	[sflag:s22] =	ssyncset.done $0x0  }
0xa2: {  	[sflag:s22] =	ssyncadd.s32 s6;
	_ =	sdelay $0x1  }
0xa3: {  	s23 =	simm.s32 $0x1B8B  }
0xa4: {  	_ =	swait.ge [sflag:s23], $0x1  }
0xa5: {  	[sflag:s23] =	ssyncset.done $0x0  }
0xa6: {  	s25 =	simm.s32 $0x1B8E;
	s24 =	sld [smem:$0x3FFE];
	[sflag:s23] =	ssyncadd.s32 $0xFFFFFFFF  }
0xa7: {  	s26 =	simm.s32 $execute0_lowered;
	[smem:$0x3FD2] =	sst s25  }
0xa8: {  	s7 =	sshll.u32 s26, $0x1;
	_ =	strace $0x80000046;
	[dreg:$0x1] =	wrdreg $0xFFFFFFFF  }
0xa9: {  	s28 =	simm.s32 $_size_execute0_lowered;
	s5 =	sadd.s32 s5, s7;
	[dreg:$0x0] =	wrdreg $0x0  }
0xaa: {  	s7 =	sshll.u32 s28, $0x1;
	[dreg:$0x2] =	wrdreg s5  }
0xab: {  	[dreg:$0x3] =	wrdreg s7  }
0xac: {  	[dreg:$0x4] =	wrdreg $0xC0  }
0xad: {  	_ =	task [dreg:s9], $0x5FFFF  }
0xae: {  	[dreg:$0x1] =	wrdreg $0xFFFFFFFF  }
0xaf: {  	[dreg:$0x0] =	wrdreg $0x60  }
0xb0: {  	[dreg:$0x2] =	wrdreg s24  }
0xb1: {  	[dreg:$0x3] =	wrdreg s2  }
0xb2: {  	[dreg:$0x4] =	wrdreg s18  }
0xb3: {  	[dreg:$0x5] =	wrdreg s4  }
0xb4: {  	[dreg:$0x6] =	wrdreg $0xA  }
0xb5: {  	_ =	task.clear_ibuf [dreg:s9], $0x7FFFF;
	_ =	strace $0x90000046  }
0xb6: {  	s29 =	simm.s32 $0xA;
	_ =	strace $0x80000048  }
0xb7: {  	_ =	swait.ge [sflag:s29], $0x1  }
0xb8: {  	[sflag:s29] =	ssyncadd.s32 $0xFFFFFFFF  }
0xb9: {  	_ =	strace $0x90000048  }
0xba: {  	_ =	sfence  }
0xbb: {  	s30 =	sld [smem:$0x0];
	_ =	sdelay $0x2  }
0xbc: {  	s31 =	sshll.u32 s1, $0xD;
	s1 =	sshrl.u32 s1, $0x2  }
0xbd: {  	s3 =	sand.u32 $0x4000, s31;
	s1 =	sadd.s32 s1, s30  }
0xbe: {  	s0 =	sor.u32 s3, s0;
	s1 =	sshll.u32 s1, $0x11  }
0xbf: {  	s0 =	sor.u32 s1, s0  }
0xc0: {  	s0 =	sadd.s32 $0x8F2B, s0  }
0xc1: {  	[sflag:s0] =	ssyncadd.remote.s32 $0x1  }
0xc2: {  	_ =	sfence.sel $0xFFFF  }
0xc3: {  	[dreg:$0x0] =	wrdreg $0xFFFFFFFF;
	(pc) =	sbr.abs _section_cstart, $3  }
0xc4: {  	[dreg:$0x1] =	wrdreg $0xFFFFFFFF  }
0xc5: {  	_ =	task.clear_ibuf [dreg:s9], $0x2FFFF;
	_ =	strace $0x9FFFFFFF  }
0xc6: {  	(tm) =	ssettm $0x7FFFFFFF  }
0xc7: {  	_ =	shalt  }
tec
execute0_lowered:
.L_overlay_start_1:
0x0: {  	(tag) =	ssettag $0x1  }
0x1: {  	s0 =	rddreg [dreg:$0x0]  }
0x2: {  	s1 =	rddreg [dreg:$0x1];
	s2 =	srdreg.scid  }
0x3: {  	s3 =	stileid.u32;
	s7 =	rddreg [dreg:$0x3];
	s4 =	simm.s32 $0x0  }
0x4: {  	s11 =	simm.s32 $0x5;
	s14 =	simm.s32 $0x280;
	[smem:$0x7FF] =	sst s4  }
0x5: {  	v1 =	vimm.f32 $2.499999940e-03;
	s16 =	simm.s32 $0x300;
	s17 =	simm.s32 $0x380;
	_ =	strace $0x80000047  }
0x6: {  	v0 =	vlaneseq.u32;
	v2 =	vimm.f32 $9.999999770e-03;
	s18 =	simm.s32 $0x1;
	s19 =	simm.s32 $0x2;
	s20 =	simm.s32 $0x3;
	(erf) = vrcp.f32 v1  }
0x7: {  	s24 =	simm.s32 $0x600;
	s2 =	sand.u32 $0x1, s2;
	s3 =	sshll.u32 s3, $0x1;
	v1 =	vmul.u32 $0x3, v0;
	(erf) = vrcp.f32 v2  }
0x8: {  	s25 =	simm.s32 $0x680;
	s28 =	simm.s32 $0x780;
	vm0 =	vmmov $0xffff;
	s3 =	sor.u32 s2, s3  }
0x9: {  	s29 =	simm.s32 $0x800;
	v27 =	vimm.s32 $0x0;
	s2 =	ssub.s32 $0x2, s2;
	s5 =	smul.u32 $0x30, s3;
	v2 =	vadd.s32 $0x1, v1;
	v3 =	vadd.s32 $0x2, v1  }
0xa: {  	s6 =	sadd.s32 $0xA00, s0;
	s3 =	sshll.u32 s3, $0x4;
	s9 =	sshrl.u32 s2, $0x1;
	v4 =	vadd.s32 $0x30, v1;
	v5 =	vadd.s32 $0x31, v1;
	v6 =	vadd.s32 $0x32, v1  }
0xb: {  	s2 =	ssub.s32 s2, s9;
	s8 =	sadd.s32 s5, s0;
	s5 =	sadd.s32 $0x187A00, s0;
	v7 =	vadd.s32 $0x60, v1;
	v8 =	vadd.s32 $0x61, v1;
	v9 =	vadd.s32 $0x62, v1  }
.Ltmp0:
0xc: {  	s0 =	sadd.s32 s3, s0;
	s3 =	sadd.s32 s7, s3;
	v10 =	vadd.s32 $0x90, v1;
	v11 =	vadd.s32 $0x91, v1;
	v12 =	vadd.s32 $0x92, v1;
	(pc) =	sbr.rel .LBB2_1-.Ltmp0, $4  }
0xd: {  	s30 =	simm.s32 $0x4;
	s26 =	smax.u32 s2, $0x1;
	v13 =	vor.u32 $0xC0, v1;
	v14 =	vadd.s32 $0xC1, v1;
	v15 =	vadd.s32 $0xC2, v1;
	[dreg:$0x6] =	wrdreg s3  }
0xe: {  	s31 =	simm.s32 $0x580;
	v16 =	vadd.s32 $0xF0, v1;
	v17 =	vadd.s32 $0xF1, v1;
	v18 =	vadd.s32 $0xF2, v1;
	s8 =	sadd.s32 $0x187400, s8;
	[dreg:$0x8] =	wrdreg s26  }
0xf: {  	v19 =	vadd.s32 $0x120, v1;
	v20 =	vadd.s32 $0x121, v1;
	v22 =	vadd.s32 $0x122, v1;
	s2 =	simm.s32 $0x880;
	s0 =	sadd.s32 $0x31800, s0;
	[dreg:$0x5] =	wrdreg s8;
	v21 =	vpop (erf)  }
0x10: {  	v23 =	vadd.s32 $0x150, v1;
	v24 =	vadd.s32 $0x151, v1;
	v26 =	vadd.s32 $0x152, v1;
	s26 =	simm.s32 $0x700;
	[dreg:$0x7] =	wrdreg s0;
	s0 =	simm.s32 $0x0;
	v25 =	vpop (erf)  }
.LBB2_14:
0x11: {  	s3 =	rddreg [dreg:$0x7]  }
0x12: {  	[hbm4b:s3+s4] =	stream.linear.scatter [tilespmem:s2], [sflag:$0x5], $0x80, $0x38;
	[tilespmem:$0x900] =	vst v63  }
0x13: {  	_ =	swait.ge [sflag:s11], $0x80  }
0x14: {  	s0 =	sadd.s32 $0x1, s0;
	s23 =	rddreg [dreg:$0x8]  }
0x15: {  	p0 =	sne.s32 s0, s23  }
.Ltmp1:
0x16: {  	_ = 	snop;
	(pc) =	sbr.rel @!p0 .LBB2_15-.Ltmp1, $3  }
0x17: {  	_ =	sdelay $0x1  }
0x18: {  	[sflag:s11] =	ssyncset.done $0x0  }
0x19: {  	[sflag:s11] =	ssyncadd.s32 $0xFFFFFF80  }
.LBB2_1:
0x1a: {  	s3 =	rddreg [dreg:$0x5]  }
0x1b: {  	[tilespmem:s4], [sflag:$0x5] =	stream.linear.gather [hbm4b:s3+s4], $0x180, $0x38;
	[tilespmem:$0x900] =	vst v63  }
0x1c: {  	_ =	swait.ge [sflag:s11], $0x180  }
0x1d: {  	[sflag:s11] =	ssyncset.done $0x0  }
0x1e: {  	s7 =	simm.s32 $0x180;
	s13 =	rddreg [dreg:$0x6];
	[sflag:s11] =	ssyncadd.s32 $0xFFFFFE80  }
0x1f: {  	[tilespmem:s7], [sflag:$0x5] =	stream.linear.gather [hbm4b:s13+s4], $0x80, $0x38;
	[tilespmem:$0x900] =	vst v63  }
0x20: {  	_ =	swait.ge [sflag:s11], $0x80  }
0x21: {  	[sflag:s11] =	ssyncset.done $0x0  }
0x22: {  	[sflag:s11] =	ssyncadd.s32 $0xFFFFFF80  }
0x23: {  	v28 =	vld [tilespmem:$0x180]  }
0x24: {  	v29 =	vld [tilespmem:$0x190]  }
0x25: {  	v30 =	vld [tilespmem:$0x1A0]  }
0x26: {  	v31 =	vld [tilespmem:$0x1B0]  }
0x27: {  	v32 =	vld [tilespmem:$0x1C0]  }
0x28: {  	v33 =	vld [tilespmem:$0x1D0];
	v28 =	vadd.s32 $0x1, v28  }
0x29: {  	[tilespmem:$0x200] =	vst v28;
	v28 =	vadd.s32 $0x1, v29;
	v29 =	vld [tilespmem:$0x1E0]  }
0x2a: {  	v59 =	vld [tilespmem:$0x1F0];
	[tilespmem:$0x210] =	vst v28;
	v28 =	vadd.s32 $0x1, v30  }
0x2b: {  	[tilespmem:$0x220] =	vst v28;
	v28 =	vadd.s32 $0x1, v31  }
0x2c: {  	[tilespmem:$0x230] =	vst v28;
	v28 =	vadd.s32 $0x1, v32  }
0x2d: {  	[tilespmem:$0x240] =	vst v28;
	v28 =	vadd.s32 $0x1, v33  }
0x2e: {  	[tilespmem:$0x250] =	vst v28;
	v28 =	vadd.s32 $0x1, v29  }
0x2f: {  	[tilespmem:$0x260] =	vst v28;
	v28 =	vadd.s32 $0x1, v59  }
0x30: {  	s8 =	simm.s32 $0x80;
	s15 =	rddreg [dreg:$0x2];
	[tilespmem:$0x270] =	vst v28  }
0x31: {  	[tilespmem:s14], [sflag:$0x1] =	stream.indirect.gather [hbm4b:s15+s8], $0x1, s7, s8, $0xb8;
	[tilespmem:$0x900] =	vst v63  }
0x32: {  	s9 =	simm.s32 $0x200  }
0x33: {  	[tilespmem:s16], [sflag:$0x2] =	stream.indirect.gather [hbm4b:s15+s8], $0x1, s9, s8, $0xb8;
	[tilespmem:$0x900] =	vst v63  }
0x34: {  	_ = 	snop  }
0x35: {  	[tilespmem:s17], [sflag:$0x3] =	stream.indirect.gather [hbm4b:s1+s8], $0x1, s7, s8, $0xb8;
	[tilespmem:$0x900] =	vst v63  }
0x36: {  	_ =	swait.ge [sflag:s18], $0x80  }
0x37: {  	[sflag:s18] =	ssyncset.done $0x0  }
0x38: {  	[sflag:s18] =	ssyncadd.s32 $0xFFFFFF80  }
0x39: {  	_ =	swait.ge [sflag:s19], $0x80  }
0x3a: {  	[sflag:s19] =	ssyncset.done $0x0  }
0x3b: {  	[sflag:s19] =	ssyncadd.s32 $0xFFFFFF80  }
0x3c: {  	_ =	swait.ge [sflag:s20], $0x80  }
0x3d: {  	[sflag:s20] =	ssyncset.done $0x0  }
0x3e: {  	[sflag:s20] =	ssyncadd.s32 $0xFFFFFF80  }
0x3f: {  	v28 =	vld [tilespmem:$0x180]  }
0x40: {  	v29 =	vld [tilespmem:$0x190]  }
0x41: {  	v60 =	vld [tilespmem:$0x1A0]  }
0x42: {  	v61 =	vld [tilespmem:$0x1B0]  }
0x43: {  	v62 =	vld [tilespmem:$0x1C0]  }
0x44: {  	v63 =	vld [tilespmem:$0x1D0];
	v28 =	vmul.u32 $0x3, v28  }
0x45: {  	v34 =	vld [tilespmem:$0x1E0];
	v29 =	vmul.u32 $0x3, v29  }
0x46: {  	v36 =	vld [tilespmem:$0x1F0];
	[tilespmem:$0x200] =	vst v28;
	v28 =	vmul.u32 $0x3, v60  }
0x47: {  	[tilespmem:$0x210] =	vst v29;
	v29 =	vmul.u32 $0x3, v61  }
0x48: {  	[tilespmem:$0x220] =	vst v28;
	v28 =	vmul.u32 $0x3, v62  }
0x49: {  	[tilespmem:$0x230] =	vst v29;
	v29 =	vmul.u32 $0x3, v63  }
0x4a: {  	[tilespmem:$0x240] =	vst v28;
	v28 =	vmul.u32 $0x3, v34  }
0x4b: {  	[tilespmem:$0x250] =	vst v29;
	v29 =	vmul.u32 $0x3, v36  }
0x4c: {  	[tilespmem:$0x260] =	vst v28  }
0x4d: {  	s21 =	simm.s32 $0x400;
	[tilespmem:$0x270] =	vst v29  }
0x4e: {  	[tilespmem:s21], [sflag:$0x1] =	stream.indirect.gather [hbm4b:s5+s8], $0x1, s9, s8, $0xb8;
	[tilespmem:$0x900] =	vst v63  }
0x4f: {  	_ =	swait.ge [sflag:s18], $0x80  }
0x50: {  	[sflag:s18] =	ssyncset.done $0x0  }
0x51: {  	[sflag:s18] =	ssyncadd.s32 $0xFFFFFF80  }
0x52: {  	v28 =	vld [tilespmem:$0x180]  }
0x53: {  	v29 =	vld [tilespmem:$0x190]  }
0x54: {  	v37 =	vld [tilespmem:$0x1A0]  }
0x55: {  	v38 =	vld [tilespmem:$0x1B0]  }
0x56: {  	v39 =	vld [tilespmem:$0x1C0]  }
0x57: {  	v40 =	vld [tilespmem:$0x1D0];
	v28 =	vmul.u32 $0x3, v28  }
0x58: {  	v41 =	vld [tilespmem:$0x1E0];
	v29 =	vmul.u32 $0x3, v29  }
0x59: {  	v35 =	vld [tilespmem:$0x1F0];
	v30 =	vmul.u32 $0x3, v37;
	v28 =	vadd.s32 $0x1, v28  }
0x5a: {  	[tilespmem:$0x200] =	vst v28;
	v28 =	vadd.s32 $0x1, v29;
	v29 =	vmul.u32 $0x3, v38  }
0x5b: {  	v42 =	vmul.u32 $0x3, v39;
	[tilespmem:$0x210] =	vst v28;
	v28 =	vadd.s32 $0x1, v30  }
0x5c: {  	[tilespmem:$0x220] =	vst v28;
	v28 =	vadd.s32 $0x1, v29;
	v29 =	vmul.u32 $0x3, v40  }
0x5d: {  	v43 =	vmul.u32 $0x3, v41;
	[tilespmem:$0x230] =	vst v28;
	v28 =	vadd.s32 $0x1, v42  }
0x5e: {  	[tilespmem:$0x240] =	vst v28;
	v28 =	vadd.s32 $0x1, v29;
	v29 =	vmul.u32 $0x3, v35  }
0x5f: {  	[tilespmem:$0x250] =	vst v28;
	v28 =	vadd.s32 $0x1, v43  }
0x60: {  	[tilespmem:$0x260] =	vst v28;
	v28 =	vadd.s32 $0x1, v29  }
0x61: {  	s22 =	simm.s32 $0x480;
	[tilespmem:$0x270] =	vst v28  }
0x62: {  	[tilespmem:s22], [sflag:$0x1] =	stream.indirect.gather [hbm4b:s5+s8], $0x1, s9, s8, $0xb8;
	[tilespmem:$0x900] =	vst v63  }
0x63: {  	_ =	swait.ge [sflag:s18], $0x80  }
0x64: {  	[sflag:s18] =	ssyncset.done $0x0  }
0x65: {  	[sflag:s18] =	ssyncadd.s32 $0xFFFFFF80  }
0x66: {  	v28 =	vld [tilespmem:$0x180]  }
0x67: {  	v29 =	vld [tilespmem:$0x190]  }
0x68: {  	v44 =	vld [tilespmem:$0x1A0]  }
0x69: {  	v45 =	vld [tilespmem:$0x1B0]  }
0x6a: {  	v46 =	vld [tilespmem:$0x1C0]  }
0x6b: {  	v47 =	vld [tilespmem:$0x1D0];
	v28 =	vmul.u32 $0x3, v28  }
0x6c: {  	v48 =	vld [tilespmem:$0x1E0];
	v29 =	vmul.u32 $0x3, v29  }
0x6d: {  	v49 =	vld [tilespmem:$0x1F0];
	v30 =	vmul.u32 $0x3, v44;
	v28 =	vadd.s32 $0x2, v28  }
0x6e: {  	[tilespmem:$0x200] =	vst v28;
	v28 =	vadd.s32 $0x2, v29;
	v29 =	vmul.u32 $0x3, v45  }
0x6f: {  	v50 =	vmul.u32 $0x3, v46;
	[tilespmem:$0x210] =	vst v28;
	v28 =	vadd.s32 $0x2, v30  }
0x70: {  	[tilespmem:$0x220] =	vst v28;
	v28 =	vadd.s32 $0x2, v29;
	v29 =	vmul.u32 $0x3, v47  }
0x71: {  	v51 =	vmul.u32 $0x3, v48;
	[tilespmem:$0x230] =	vst v28;
	v28 =	vadd.s32 $0x2, v50  }
0x72: {  	[tilespmem:$0x240] =	vst v28;
	v28 =	vadd.s32 $0x2, v29;
	v29 =	vmul.u32 $0x3, v49  }
0x73: {  	[tilespmem:$0x250] =	vst v28;
	v28 =	vadd.s32 $0x2, v51  }
0x74: {  	[tilespmem:$0x260] =	vst v28;
	v28 =	vadd.s32 $0x2, v29  }
0x75: {  	s23 =	simm.s32 $0x500;
	[tilespmem:$0x270] =	vst v28  }
0x76: {  	[tilespmem:s23], [sflag:$0x1] =	stream.indirect.gather [hbm4b:s5+s8], $0x1, s9, s8, $0xb8;
	[tilespmem:$0x900] =	vst v63  }
0x77: {  	_ =	swait.ge [sflag:s18], $0x80  }
0x78: {  	[sflag:s18] =	ssyncset.done $0x0  }
0x79: {  	[sflag:s18] =	ssyncadd.s32 $0xFFFFFF80  }
0x7a: {  	v28 =	vld.idx.msk [tilespmem:v1+s4+$0x0], $0xffff  }
0x7b: {  	v29 =	vld.idx.msk [tilespmem:v2+s4+$0x0], $0xffff  }
0x7c: {  	v52 =	vld [tilespmem:$0x400]  }
0x7d: {  	v53 =	vld [tilespmem:$0x480]  }
0x7e: {  	v54 =	vld.idx.msk [tilespmem:v3+s4+$0x0], $0xffff  }
0x7f: {  	v55 =	vld [tilespmem:$0x500];
	_ =	sdelay $0x2  }
0x80: {  	v28 =	vsub.f32 v28, v52;
	v29 =	vsub.f32 v29, v53;
	_ =	sdelay $0x1  }
0x81: {  	v56 =	vsub.f32 v54, v55;
	v28 =	vmul.f32 v28, v28;
	v29 =	vmul.f32 v29, v29;
	_ =	sdelay $0x1  }
0x82: {  	v28 =	vadd.f32 v29, v28;
	v29 =	vmul.f32 v56, v56;
	_ =	sdelay $0x1  }
0x83: {  	v28 =	vadd.f32 v29, v28;
	_ =	sdelay $0x1  }
0x84: {  	v28 =	vsub.f32 $0.0e+00, v28;
	_ =	sdelay $0x1  }
0x85: {  	v28 =	vmul.f32 v28, v21;
	_ =	sdelay $0x1  }
0x86: {  	v28 =	vmul.f32 $1.442695020e+00, v28;
	_ =	sdelay $0x1  }
0x87: {  	(erf) = vpow2.f32 v28;
	_ =	sdelay $0x8  }
0x88: {  	v28 =	vpop (erf)  }
0x89: {  	v28 =	vadd.f32 $9.999999970e-07, v28  }
0x8a: {  	v57 =	vld [tilespmem:$0x410]  }
0x8b: {  	v58 =	vld [tilespmem:$0x490];
	[tilespmem:$0x580] =	vst v28  }
0x8c: {  	v28 =	vld.idx.msk [tilespmem:v4+s4+$0x0], $0xffff  }
0x8d: {  	v29 =	vld.idx.msk [tilespmem:v5+s4+$0x0], $0xffff  }
0x8e: {  	v60 =	vld [tilespmem:$0x510]  }
0x8f: {  	v59 =	vld.idx.msk [tilespmem:v6+s4+$0x0], $0xffff;
	_ =	sdelay $0x2  }
0x90: {  	v28 =	vsub.f32 v28, v57;
	v29 =	vsub.f32 v29, v58;
	_ =	sdelay $0x1  }
0x91: {  	v61 =	vsub.f32 v59, v60;
	v28 =	vmul.f32 v28, v28;
	v29 =	vmul.f32 v29, v29;
	_ =	sdelay $0x1  }
0x92: {  	v28 =	vadd.f32 v29, v28;
	v29 =	vmul.f32 v61, v61;
	_ =	sdelay $0x1  }
0x93: {  	v28 =	vadd.f32 v29, v28;
	_ =	sdelay $0x1  }
0x94: {  	v28 =	vsub.f32 $0.0e+00, v28;
	_ =	sdelay $0x1  }
0x95: {  	v28 =	vmul.f32 v28, v21;
	_ =	sdelay $0x1  }
0x96: {  	v28 =	vmul.f32 $1.442695020e+00, v28;
	_ =	sdelay $0x1  }
0x97: {  	(erf) = vpow2.f32 v28;
	_ =	sdelay $0x8  }
0x98: {  	v28 =	vpop (erf)  }
0x99: {  	v28 =	vadd.f32 $9.999999970e-07, v28  }
0x9a: {  	v62 =	vld [tilespmem:$0x420]  }
0x9b: {  	v63 =	vld [tilespmem:$0x4A0];
	[tilespmem:$0x590] =	vst v28  }
0x9c: {  	v28 =	vld.idx.msk [tilespmem:v7+s4+$0x0], $0xffff  }
0x9d: {  	v29 =	vld.idx.msk [tilespmem:v8+s4+$0x0], $0xffff  }
0x9e: {  	v37 =	vld [tilespmem:$0x520]  }
0x9f: {  	v36 =	vld.idx.msk [tilespmem:v9+s4+$0x0], $0xffff;
	_ =	sdelay $0x2  }
0xa0: {  	v28 =	vsub.f32 v28, v62;
	v29 =	vsub.f32 v29, v63;
	_ =	sdelay $0x1  }
0xa1: {  	v38 =	vsub.f32 v36, v37;
	v28 =	vmul.f32 v28, v28;
	v29 =	vmul.f32 v29, v29;
	_ =	sdelay $0x1  }
0xa2: {  	v28 =	vadd.f32 v29, v28;
	v29 =	vmul.f32 v38, v38;
	_ =	sdelay $0x1  }
0xa3: {  	v28 =	vadd.f32 v29, v28;
	_ =	sdelay $0x1  }
0xa4: {  	v28 =	vsub.f32 $0.0e+00, v28;
	_ =	sdelay $0x1  }
0xa5: {  	v28 =	vmul.f32 v28, v21;
	_ =	sdelay $0x1  }
0xa6: {  	v28 =	vmul.f32 $1.442695020e+00, v28;
	_ =	sdelay $0x1  }
0xa7: {  	(erf) = vpow2.f32 v28;
	_ =	sdelay $0x8  }
0xa8: {  	v28 =	vpop (erf)  }
0xa9: {  	v28 =	vadd.f32 $9.999999970e-07, v28  }
0xaa: {  	v39 =	vld [tilespmem:$0x430]  }
0xab: {  	v40 =	vld [tilespmem:$0x4B0];
	[tilespmem:$0x5A0] =	vst v28  }
0xac: {  	v28 =	vld.idx.msk [tilespmem:v10+s4+$0x0], $0xffff  }
0xad: {  	v29 =	vld.idx.msk [tilespmem:v11+s4+$0x0], $0xffff  }
0xae: {  	v42 =	vld [tilespmem:$0x530]  }
0xaf: {  	v41 =	vld.idx.msk [tilespmem:v12+s4+$0x0], $0xffff;
	_ =	sdelay $0x2  }
0xb0: {  	v28 =	vsub.f32 v28, v39;
	v29 =	vsub.f32 v29, v40;
	_ =	sdelay $0x1  }
0xb1: {  	v43 =	vsub.f32 v41, v42;
	v28 =	vmul.f32 v28, v28;
	v29 =	vmul.f32 v29, v29;
	_ =	sdelay $0x1  }
0xb2: {  	v28 =	vadd.f32 v29, v28;
	v29 =	vmul.f32 v43, v43;
	_ =	sdelay $0x1  }
0xb3: {  	v28 =	vadd.f32 v29, v28;
	_ =	sdelay $0x1  }
0xb4: {  	v28 =	vsub.f32 $0.0e+00, v28;
	_ =	sdelay $0x1  }
0xb5: {  	v28 =	vmul.f32 v28, v21;
	_ =	sdelay $0x1  }
0xb6: {  	v28 =	vmul.f32 $1.442695020e+00, v28;
	_ =	sdelay $0x1  }
0xb7: {  	(erf) = vpow2.f32 v28;
	_ =	sdelay $0x8  }
0xb8: {  	v28 =	vpop (erf)  }
0xb9: {  	v28 =	vadd.f32 $9.999999970e-07, v28  }
0xba: {  	v44 =	vld [tilespmem:$0x440]  }
0xbb: {  	v45 =	vld [tilespmem:$0x4C0];
	[tilespmem:$0x5B0] =	vst v28  }
0xbc: {  	v28 =	vld.idx.msk [tilespmem:v13+s4+$0x0], $0xffff  }
0xbd: {  	v29 =	vld.idx.msk [tilespmem:v14+s4+$0x0], $0xffff  }
0xbe: {  	v47 =	vld [tilespmem:$0x540]  }
0xbf: {  	v46 =	vld.idx.msk [tilespmem:v15+s4+$0x0], $0xffff;
	_ =	sdelay $0x2  }
0xc0: {  	v28 =	vsub.f32 v28, v44;
	v29 =	vsub.f32 v29, v45;
	_ =	sdelay $0x1  }
0xc1: {  	v48 =	vsub.f32 v46, v47;
	v28 =	vmul.f32 v28, v28;
	v29 =	vmul.f32 v29, v29;
	_ =	sdelay $0x1  }
0xc2: {  	v28 =	vadd.f32 v29, v28;
	v29 =	vmul.f32 v48, v48;
	_ =	sdelay $0x1  }
0xc3: {  	v28 =	vadd.f32 v29, v28;
	_ =	sdelay $0x1  }
0xc4: {  	v28 =	vsub.f32 $0.0e+00, v28;
	_ =	sdelay $0x1  }
0xc5: {  	v28 =	vmul.f32 v28, v21;
	_ =	sdelay $0x1  }
0xc6: {  	v28 =	vmul.f32 $1.442695020e+00, v28;
	_ =	sdelay $0x1  }
0xc7: {  	(erf) = vpow2.f32 v28;
	_ =	sdelay $0x8  }
0xc8: {  	v28 =	vpop (erf)  }
0xc9: {  	v28 =	vadd.f32 $9.999999970e-07, v28  }
0xca: {  	v49 =	vld [tilespmem:$0x450]  }
0xcb: {  	v50 =	vld [tilespmem:$0x4D0];
	[tilespmem:$0x5C0] =	vst v28  }
0xcc: {  	v28 =	vld.idx.msk [tilespmem:v16+s4+$0x0], $0xffff  }
0xcd: {  	v29 =	vld.idx.msk [tilespmem:v17+s4+$0x0], $0xffff  }
0xce: {  	v52 =	vld [tilespmem:$0x550]  }
0xcf: {  	v51 =	vld.idx.msk [tilespmem:v18+s4+$0x0], $0xffff;
	_ =	sdelay $0x2  }
0xd0: {  	v28 =	vsub.f32 v28, v49;
	v29 =	vsub.f32 v29, v50;
	_ =	sdelay $0x1  }
0xd1: {  	v53 =	vsub.f32 v51, v52;
	v28 =	vmul.f32 v28, v28;
	v29 =	vmul.f32 v29, v29;
	_ =	sdelay $0x1  }
0xd2: {  	v28 =	vadd.f32 v29, v28;
	v29 =	vmul.f32 v53, v53;
	_ =	sdelay $0x1  }
0xd3: {  	v28 =	vadd.f32 v29, v28;
	_ =	sdelay $0x1  }
0xd4: {  	v28 =	vsub.f32 $0.0e+00, v28;
	_ =	sdelay $0x1  }
0xd5: {  	v28 =	vmul.f32 v28, v21;
	_ =	sdelay $0x1  }
0xd6: {  	v28 =	vmul.f32 $1.442695020e+00, v28;
	_ =	sdelay $0x1  }
0xd7: {  	(erf) = vpow2.f32 v28;
	_ =	sdelay $0x8  }
0xd8: {  	v28 =	vpop (erf)  }
0xd9: {  	v28 =	vadd.f32 $9.999999970e-07, v28  }
0xda: {  	v54 =	vld [tilespmem:$0x460]  }
0xdb: {  	v55 =	vld [tilespmem:$0x4E0];
	[tilespmem:$0x5D0] =	vst v28  }
0xdc: {  	v28 =	vld.idx.msk [tilespmem:v19+s4+$0x0], $0xffff  }
0xdd: {  	v29 =	vld.idx.msk [tilespmem:v20+s4+$0x0], $0xffff  }
0xde: {  	v57 =	vld [tilespmem:$0x560]  }
0xdf: {  	v56 =	vld.idx.msk [tilespmem:v22+s4+$0x0], $0xffff;
	_ =	sdelay $0x2  }
0xe0: {  	v28 =	vsub.f32 v28, v54;
	v29 =	vsub.f32 v29, v55;
	_ =	sdelay $0x1  }
0xe1: {  	v58 =	vsub.f32 v56, v57;
	v28 =	vmul.f32 v28, v28;
	v29 =	vmul.f32 v29, v29;
	_ =	sdelay $0x1  }
0xe2: {  	v28 =	vadd.f32 v29, v28;
	v29 =	vmul.f32 v58, v58;
	_ =	sdelay $0x1  }
0xe3: {  	v28 =	vadd.f32 v29, v28;
	_ =	sdelay $0x1  }
0xe4: {  	v28 =	vsub.f32 $0.0e+00, v28;
	_ =	sdelay $0x1  }
0xe5: {  	v28 =	vmul.f32 v28, v21;
	_ =	sdelay $0x1  }
0xe6: {  	v28 =	vmul.f32 $1.442695020e+00, v28;
	_ =	sdelay $0x1  }
0xe7: {  	(erf) = vpow2.f32 v28;
	_ =	sdelay $0x8  }
0xe8: {  	v28 =	vpop (erf)  }
0xe9: {  	v28 =	vadd.f32 $9.999999970e-07, v28  }
0xea: {  	v59 =	vld [tilespmem:$0x470]  }
0xeb: {  	v60 =	vld [tilespmem:$0x4F0];
	[tilespmem:$0x5E0] =	vst v28  }
0xec: {  	v28 =	vld.idx.msk [tilespmem:v23+s4+$0x0], $0xffff  }
0xed: {  	v29 =	vld.idx.msk [tilespmem:v24+s4+$0x0], $0xffff  }
0xee: {  	v62 =	vld [tilespmem:$0x570]  }
0xef: {  	v61 =	vld.idx.msk [tilespmem:v26+s4+$0x0], $0xffff;
	_ =	sdelay $0x2  }
0xf0: {  	v28 =	vsub.f32 v28, v59;
	v29 =	vsub.f32 v29, v60;
	_ =	sdelay $0x1  }
0xf1: {  	v63 =	vsub.f32 v61, v62;
	v28 =	vmul.f32 v28, v28;
	v29 =	vmul.f32 v29, v29;
	_ =	sdelay $0x1  }
0xf2: {  	v28 =	vadd.f32 v29, v28;
	v29 =	vmul.f32 v63, v63;
	_ =	sdelay $0x1  }
0xf3: {  	v28 =	vadd.f32 v29, v28;
	_ =	sdelay $0x1  }
0xf4: {  	v28 =	vsub.f32 $0.0e+00, v28;
	_ =	sdelay $0x1  }
0xf5: {  	v28 =	vmul.f32 v28, v21;
	_ =	sdelay $0x1  }
0xf6: {  	v28 =	vmul.f32 $1.442695020e+00, v28;
	_ =	sdelay $0x1  }
0xf7: {  	(erf) = vpow2.f32 v28;
	_ =	sdelay $0x7  }
.Ltmp2:
0xf8: {  	_ = 	snop;
	(pc) =	sbr.rel .LBB2_2-.Ltmp2, $3  }
0xf9: {  	v28 =	vpop (erf)  }
0xfa: {  	v28 =	vadd.f32 $9.999999970e-07, v28;
	_ =	sdelay $0x1  }
0xfb: {  	s21 =	simm.s32 $0x0;
	[tilespmem:$0x5F0] =	vst v28  }
.LBB2_3:
0xfc: {  	v30 =	vimm.f32 $0.0e+00;
	v29 =	vimm.f32 $0.0e+00  }
.LBB2_13:
0xfd: {  	(xrf2) =	vadd.scan.msk.f32 $0xffff, v30;
	_ =	sdelay $0x4  }
0xfe: {  	v61 =	vld.idx.msk [tilespmem:v28+s31+$0x0], $0xffff;
	_ =	sdelay $0x4  }
0xff: {  	(v2sf) =	vpush v61, $0x0;
	v62, _, _ =	vpop (xrf2);
	(xrf2) =	vadd.scan.msk.f32 $0xffff, v29  }
0x100: {  	(v2sf) =	vpush v62, $0xF;
	_ =	sdelay $0x8  }
0x101: {  	v29, _, _ =	vpop (xrf2)  }
0x102: {  	(v2sf) =	vpush v29, $0xF;
	_ =	sdelay $0x3  }
0x103: {  	s3 =	spop (v2sf)  }
0x104: {  	s7 =	spop (v2sf)  }
0x105: {  	s7 =	sadd.f32 s3, s7;
	_ =	sdelay $0x1  }
0x106: {  	v29 =	vmov s7  }
0x107: {  	v29 =	vadd.f32 $0.0e+00, v29;
	_ =	sdelay $0x1  }
0x108: {  	v29 =	vbroadcast v29, $0x0;
	_ =	sdelay $0x1  }
0x109: {  	(erf) = vrcp.f32 v29  }
0x10a: {  	s3 =	smul.f32 s3, s22  }
0x10b: {  	s23 =	spop (v2sf)  }
0x10c: {  	s3 =	sadd.f32 s3, s23;
	_ =	sdelay $0x1  }
0x10d: {  	v29 =	vmov s3  }
0x10e: {  	s21 =	sadd.s32 $0x1, s21;
	v29 =	vadd.f32 $0.0e+00, v29  }
0x10f: {  	p0 =	sne.s32 s21, $0x80  }
.Ltmp3:
0x110: {  	v29 =	vbroadcast v29, $0x0;
	(pc) =	sbr.rel @!p0 .LBB2_14-.Ltmp3, $3  }
0x111: {  	v63 =	vpop (erf)  }
0x112: {  	v29 =	vmul.f32 v63, v29;
	_ =	sdelay $0x1  }
0x113: {  	[tilespmem:v28+s2+$0x0] =	vst.idx.msk $0x1, v29  }
.LBB2_2:
0x114: {  	v28 =	vmov s21;
	_ =	sdelay $0x4  }
0x115: {  	v30 =	vld.idx.msk [tilespmem:v28+s14+$0x0], $0xffff  }
0x116: {  	v31 =	vld.idx.msk [tilespmem:v28+s16+$0x0], $0xffff;
	_ =	sdelay $0x3  }
0x117: {  	(v2sf) =	vpush v30, $0x0  }
0x118: {  	(v2sf) =	vpush v31, $0x0;
	_ =	sdelay $0x1  }
0x119: {  	v29 =	vld.idx.msk [tilespmem:v28+s17+$0x0], $0xffff;
	_ =	sdelay $0x4  }
0x11a: {  	(v2sf) =	vpush v29, $0x0;
	_ =	sdelay $0x6  }
0x11b: {  	s3 =	spop (v2sf)  }
0x11c: {  	s7 =	spop (v2sf)  }
0x11d: {  	s7 =	ssub.s32 s7, s3  }
0x11e: {  	p0 =	slt.s32 s7, $0x1  }
.Ltmp4:
0x11f: {  	_ = 	snop;
	(pc) =	sbr.rel @p0 .LBB2_3-.Ltmp4, $2  }
0x120: {  	_ =	sdelay $0x2  }
0x121: {  	s22 =	spop (v2sf)  }
0x122: {  	v30 =	vmul.u32 $0x3, v28;
	_ =	sdelay $0x1  }
0x123: {  	v31 =	vadd.s32 $0x1, v30  }
0x124: {  	v32 =	vadd.s32 $0x2, v30;
	_ =	sdelay $0x2  }
0x125: {  	v30 =	vld.idx.msk [tilespmem:v30+s4+$0x0], $0xffff  }
0x126: {  	v33 =	vld.idx.msk [tilespmem:v31+s4+$0x0], $0xffff  }
0x127: {  	p3 =	sgt.s32 s7, $0x10;
	v34 =	vld.idx.msk [tilespmem:v32+s4+$0x0], $0xffff  }
.Ltmp5:
0x128: {  	s8 =	sand.u32 $0x7, s3;
	(pc) =	sbr.rel @!p3 .LBB2_5-.Ltmp5, $4  }
0x129: {  	s10 =	sadd.s32 $0x0, s3;
	s9 =	simm.s32 $0x0;
	s23 =	simm.s32 $0x10  }
0x12a: {  	p2 =	sne.s32 s8, $0x0;
	s15 =	sshra.s32 s10, $0x1F;
	p0 =	slt.s32 s10, $0x1  }
0x12b: {  	p1 =	por $0x0, $0x0;
	s8 =	sshrl.u32 s15, $0x1D;
	p0 =	por !p2, !p0;
	v31 =	vbroadcast v30, $0x0;
	v30 =	vmov s7;
	v32 =	vbroadcast v33, $0x0  }
0x12c: {  	s12 =	sadd.s32 s8, s10;
	p4 =	por !p0, !p0;
	p0 =	por $0x0, $0x0;
	v33 =	vbroadcast v34, $0x0;
	v34 =	vbroadcast v29, $0x0;
	v29 =	vimm.f32 $0.0e+00  }
0x12d: {  	s8 =	simm.s32 $0x1  }
0x12e: {  	s12 =	sshra.s32 s12, $0x3;
	s8 =	simm.s32 @!p4 $0x0  }
0x12f: {  	s8 =	ssub.s32 s12, s8  }
0x130: {  	s12 =	sshll.u32 s8, $0x3  }
0x131: {  	s8 =	sand.u32 $0x1FFFFFFF, s8;
	s10 =	ssub.s32 s10, s12  }
0x132: {  	s8 =	sadd.s32 s6, s8;
	v35 =	vadd.s32 s10, v0  }
0x133: {  	[tilespmem:s24], [sflag:$0x5] =	stream.linear.gather [hbm4b:s8+s4], $0x18, $0x38;
	[tilespmem:$0x900] =	vst v63  }
0x134: {  	_ =	swait.ge [sflag:s11], $0x18  }
0x135: {  	[sflag:s11] =	ssyncset.done $0x0  }
0x136: {  	[sflag:s11] =	ssyncadd.s32 $0xFFFFFFE8  }
0x137: {  	v35 =	vld.idx.msk [tilespmem:v35+s24+$0x0], $0xffff;
	_ =	sdelay $0x4  }
0x138: {  	v36 =	vmul.u32 $0x3, v35;
	_ =	sdelay $0x2  }
0x139: {  	v37 =	vadd.s32 $0x1, v36  }
0x13a: {  	[tilespmem:s25], [sflag:$0x1] =	stream.indirect_vreg.gather [hbm4b:s1+s4], $0x1, v35, vm0, $0xb8;
	[tilespmem:$0x900] =	vst v63  }
0x13b: {  	v63 =	vadd.s32 $0x2, v36  }
0x13c: {  	[tilespmem:s26], [sflag:$0x2] =	stream.indirect_vreg.gather [hbm4b:s5+s4], $0x1, v36, vm0, $0xb8;
	[tilespmem:$0x900] =	vst v63  }
0x13d: {  	_ = 	snop  }
0x13e: {  	[tilespmem:s28], [sflag:$0x3] =	stream.indirect_vreg.gather [hbm4b:s5+s4], $0x1, v37, vm0, $0xb8;
	[tilespmem:$0x900] =	vst v63  }
0x13f: {  	_ = 	snop  }
0x140: {  	[tilespmem:s29], [sflag:$0x4] =	stream.indirect_vreg.gather [hbm4b:s5+s4], $0x1, v63, vm0, $0xb8;
	[tilespmem:$0x900] =	vst v63  }
0x141: {  	_ =	swait.ge [sflag:s18], $0x10  }
0x142: {  	[sflag:s18] =	ssyncset.done $0x0  }
0x143: {  	[sflag:s18] =	ssyncadd.s32 $0xFFFFFFF0  }
0x144: {  	_ =	swait.ge [sflag:s19], $0x10  }
0x145: {  	[sflag:s19] =	ssyncset.done $0x0  }
0x146: {  	p3 =	sgt.s32 s7, $0x20;
	[sflag:s19] =	ssyncadd.s32 $0xFFFFFFF0  }
.Ltmp6:
0x147: {  	s10 =	sadd.s32 $0x10, s3;
	_ =	swait.ge [sflag:s20], $0x10;
	(pc) =	sbr.rel @!p3 .LBB2_7-.Ltmp6, $4  }
0x148: {  	s8 =	simm.s32 $0x20;
	s15 =	sshra.s32 s10, $0x1F;
	[sflag:s20] =	ssyncset.done $0x0  }
0x149: {  	p0 =	slt.s32 s10, $0x1;
	s12 =	sshrl.u32 s15, $0x1D;
	[sflag:s20] =	ssyncadd.s32 $0xFFFFFFF0  }
0x14a: {  	p0 =	por !p2, !p0;
	s12 =	sadd.s32 s12, s10;
	_ =	swait.ge [sflag:s30], $0x10  }
0x14b: {  	p4 =	por !p0, !p0;
	p0 =	por $0x1, $0x1;
	[sflag:s30] =	ssyncset.done $0x0  }
0x14c: {  	s15 =	simm.s32 $0x1  }
0x14d: {  	s12 =	sshra.s32 s12, $0x3;
	s15 =	simm.s32 @!p4 $0x0  }
0x14e: {  	[sflag:s30] =	ssyncadd.s32 $0xFFFFFFF0;
	s12 =	ssub.s32 s12, s15  }
0x14f: {  	v35 =	vld [tilespmem:$0x800];
	s15 =	sshll.u32 s12, $0x3  }
0x150: {  	v37 =	vld [tilespmem:$0x700];
	s12 =	sand.u32 $0x1FFFFFFF, s12;
	s10 =	ssub.s32 s10, s15  }
0x151: {  	v39 =	vld [tilespmem:$0x780];
	s12 =	sadd.s32 s6, s12;
	v38 =	vadd.s32 s10, v0  }
0x152: {  	v36 =	vld [tilespmem:$0x680];
	[tilespmem:s24], [sflag:$0x5] =	stream.linear.gather [hbm4b:s12+s4], $0x18, $0x38  }
0x153: {  	_ =	swait.ge [sflag:s11], $0x18  }
0x154: {  	[sflag:s11] =	ssyncset.done $0x0  }
0x155: {  	[sflag:s11] =	ssyncadd.s32 $0xFFFFFFE8  }
0x156: {  	v37 =	vsub.f32 v31, v37;
	v39 =	vsub.f32 v32, v39;
	v38 =	vld.idx.msk [tilespmem:v38+s24+$0x0], $0xffff  }
0x157: {  	v35 =	vsub.f32 v33, v35  }
0x158: {  	v40 =	vsub.f32 v36, v34;
	v37 =	vmul.f32 v37, v37;
	v39 =	vmul.f32 v39, v39;
	_ =	sdelay $0x1  }
0x159: {  	v41 =	vsub.f32 $0.0e+00, v40;
	v35 =	vmul.f32 v35, v35;
	v37 =	vadd.f32 v39, v37  }
0x15a: {  	v55 =	vmul.u32 $0x3, v38  }
0x15b: {  	v40 =	vmul.f32 v41, v40;
	v35 =	vadd.f32 v35, v37;
	_ =	sdelay $0x1  }
0x15c: {  	v56 =	vmul.f32 v40, v25;
	v35 =	vsub.f32 $0.0e+00, v35;
	v57 =	vadd.s32 $0x1, v55  }
0x15d: {  	[tilespmem:s25], [sflag:$0x1] =	stream.indirect_vreg.gather [hbm4b:s1+s4], $0x1, v38, vm0, $0xb8;
	[tilespmem:$0x900] =	vst v63  }
0x15e: {  	v37 =	vmul.f32 $1.442695020e+00, v56;
	v35 =	vmul.f32 v35, v21;
	v58 =	vadd.s32 $0x2, v55  }
0x15f: {  	[tilespmem:s26], [sflag:$0x2] =	stream.indirect_vreg.gather [hbm4b:s5+s4], $0x1, v55, vm0, $0xb8;
	[tilespmem:$0x900] =	vst v63  }
0x160: {  	(erf) = vpow2.f32 v37;
	v35 =	vmul.f32 $1.442695020e+00, v35  }
0x161: {  	[tilespmem:s28], [sflag:$0x3] =	stream.indirect_vreg.gather [hbm4b:s5+s4], $0x1, v57, vm0, $0xb8;
	[tilespmem:$0x900] =	vst v63  }
0x162: {  	(erf) = vpow2.f32 v35  }
0x163: {  	[tilespmem:s29], [sflag:$0x4] =	stream.indirect_vreg.gather [hbm4b:s5+s4], $0x1, v58, vm0, $0xb8;
	[tilespmem:$0x900] =	vst v63  }
0x164: {  	_ =	swait.ge [sflag:s18], $0x10  }
0x165: {  	[sflag:s18] =	ssyncset.done $0x0  }
0x166: {  	[sflag:s18] =	ssyncadd.s32 $0xFFFFFFF0  }
0x167: {  	_ =	swait.ge [sflag:s19], $0x10  }
0x168: {  	[sflag:s19] =	ssyncset.done $0x0  }
0x169: {  	v59 =	vpop (erf);
	[sflag:s19] =	ssyncadd.s32 $0xFFFFFFF0  }
0x16a: {  	v60 =	vor.u32 s9, v0;
	p3 =	sgt.s32 s7, $0x30;
	_ =	swait.ge [sflag:s20], $0x10  }
.Ltmp7:
0x16b: {  	vm1 =	vlt.s32 v60, v30;
	s10 =	sadd.s32 $0x20, s3;
	v61 =	vpop (erf);
	(pc) =	sbr.rel @!p3 .LBB2_9-.Ltmp7, $4  }
0x16c: {  	s9 =	simm.s32 $0x30;
	v62 =	vsel vm1, $0x3F800000, v27;
	s15 =	sshra.s32 s10, $0x1F;
	[sflag:s20] =	ssyncset.done $0x0;
	v35 =	vmul.f32 v61, v59  }
0x16d: {  	v63 =	vmul.f32 $9.999999970e-07, v62;
	p1 =	slt.s32 s10, $0x1;
	s12 =	sshrl.u32 s15, $0x1D;
	[sflag:s20] =	ssyncadd.s32 $0xFFFFFFF0  }
0x16e: {  	p1 =	por !p2, !p1;
	s12 =	sadd.s32 s12, s10;
	v38 =	vnsel vm1, $0x0, v36;
	_ =	swait.ge [sflag:s30], $0x10;
	v35 =	vnsel vm1, $0x0, v35  }
0x16f: {  	p4 =	por !p1, !p1;
	p1 =	por $0x1, $0x1;
	v36 =	vimm.f32 $0.0e+00;
	[sflag:s30] =	ssyncset.done $0x0;
	v37 =	vadd.f32 v35, v63;
	v35 =	vimm.f32 $0.0e+00  }
.LBB2_10:
0x170: {  	s15 =	simm.s32 $0x1  }
0x171: {  	s12 =	sshra.s32 s12, $0x3;
	[sflag:s30] =	ssyncadd.s32 $0xFFFFFFF0;
	s15 =	simm.s32 @!p4 $0x0  }
0x172: {  	v36 =	vadd.f32 v37, v36;
	v37 =	vmul.f32 v37, v38;
	s15 =	ssub.s32 s12, s15;
	v39 =	vld [tilespmem:$0x800];
	s12 =	smov.u32 s9;
	s9 =	sadd.s32 $0x10, s9  }
0x173: {  	p3 =	slt.s32 s9, s7;
	s13 =	sshll.u32 s15, $0x3;
	s15 =	sand.u32 $0x1FFFFFFF, s15;
	v38 =	vld [tilespmem:$0x680]  }
0x174: {  	v35 =	vadd.f32 v37, v35;
	s10 =	ssub.s32 s10, s13;
	s13 =	sadd.s32 s6, s15;
	v40 =	vld [tilespmem:$0x700]  }
0x175: {  	v37 =	vadd.s32 s10, v0;
	v41 =	vld [tilespmem:$0x780]  }
0x176: {  	[tilespmem:s24], [sflag:$0x5] =	stream.linear.gather [hbm4b:s13+s4], $0x18, $0x38;
	[tilespmem:$0x900] =	vst v63  }
0x177: {  	_ =	swait.ge [sflag:s11], $0x18;
	v39 =	vsub.f32 v33, v39  }
0x178: {  	[sflag:s11] =	ssyncset.done $0x0;
	v42 =	vsub.f32 v38, v34  }
0x179: {  	[sflag:s11] =	ssyncadd.s32 $0xFFFFFFE8;
	v40 =	vsub.f32 v31, v40  }
0x17a: {  	v37 =	vld.idx.msk [tilespmem:v37+s24+$0x0], $0xffff;
	v41 =	vsub.f32 v32, v41;
	v43 =	vsub.f32 $0.0e+00, v42  }
0x17b: {  	v40 =	vmul.f32 v40, v40  }
0x17c: {  	v41 =	vmul.f32 v41, v41;
	v42 =	vmul.f32 v43, v42  }
0x17d: {  	v39 =	vmul.f32 v39, v39  }
0x17e: {  	v40 =	vadd.f32 v41, v40;
	v41 =	vmul.f32 v42, v25;
	_ =	sdelay $0x1  }
0x17f: {  	v42 =	vmul.u32 $0x3, v37;
	v39 =	vadd.f32 v39, v40;
	v40 =	vmul.f32 $1.442695020e+00, v41;
	_ =	sdelay $0x1  }
0x180: {  	[tilespmem:s25], [sflag:$0x1] =	stream.indirect_vreg.gather [hbm4b:s1+s4], $0x1, v37, vm0, $0xb8;
	v37 =	vsub.f32 $0.0e+00, v39;
	[tilespmem:$0x900] =	vst v63  }
0x181: {  	v39 =	vadd.s32 $0x1, v42  }
0x182: {  	v37 =	vmul.f32 v37, v21  }
0x183: {  	v41 =	vadd.s32 $0x2, v42  }
0x184: {  	[tilespmem:s26], [sflag:$0x2] =	stream.indirect_vreg.gather [hbm4b:s5+s4], $0x1, v42, vm0, $0xb8;
	v37 =	vmul.f32 $1.442695020e+00, v37;
	[tilespmem:$0x900] =	vst v63  }
0x185: {  	(erf) = vpow2.f32 v40  }
0x186: {  	[tilespmem:s28], [sflag:$0x3] =	stream.indirect_vreg.gather [hbm4b:s5+s4], $0x1, v39, vm0, $0xb8;
	(erf) = vpow2.f32 v37;
	[tilespmem:$0x900] =	vst v63  }
0x187: {  	_ = 	snop  }
0x188: {  	[tilespmem:s29], [sflag:$0x4] =	stream.indirect_vreg.gather [hbm4b:s5+s4], $0x1, v41, vm0, $0xb8;
	[tilespmem:$0x900] =	vst v63  }
0x189: {  	_ =	swait.ge [sflag:s18], $0x10  }
0x18a: {  	[sflag:s18] =	ssyncset.done $0x0  }
0x18b: {  	[sflag:s18] =	ssyncadd.s32 $0xFFFFFFF0  }
0x18c: {  	_ =	swait.ge [sflag:s19], $0x10  }
0x18d: {  	v39 =	vor.u32 s23, v0;
	s23 =	smov.u32 s8;
	s8 =	smov.u32 s12;
	[sflag:s19] =	ssyncset.done $0x0  }
0x18e: {  	vm1 =	vlt.s32 v39, v30;
	[sflag:s19] =	ssyncadd.s32 $0xFFFFFFF0;
	v37 =	vpop (erf)  }
0x18f: {  	_ =	swait.ge [sflag:s20], $0x10  }
.Ltmp8:
0x190: {  	v39 =	vsel vm1, $0x3F800000, v27;
	v40 =	vpop (erf);
	(pc) =	sbr.rel @p3 .LBB2_10-.Ltmp8, $4  }
0x191: {  	s10 =	sadd.s32 s8, s3;
	v39 =	vmul.f32 $9.999999970e-07, v39;
	[sflag:s20] =	ssyncset.done $0x0;
	v37 =	vmul.f32 v40, v37  }
0x192: {  	s12 =	sshra.s32 s10, $0x1F;
	p4 =	slt.s32 s10, $0x1;
	[sflag:s20] =	ssyncadd.s32 $0xFFFFFFF0  }
0x193: {  	s12 =	sshrl.u32 s12, $0x1D;
	p4 =	por !p2, !p4;
	_ =	swait.ge [sflag:s30], $0x10;
	v37 =	vnsel vm1, $0x0, v37  }
0x194: {  	v38 =	vnsel vm1, $0x0, v38;
	s12 =	sadd.s32 s12, s10;
	p4 =	por !p4, !p4;
	[sflag:s30] =	ssyncset.done $0x0;
	v37 =	vadd.f32 v37, v39  }
0x195: {  	s9 =	smov.u32 s8  }
.LBB2_12:
0x196: {  	s3 =	simm.s32 $0x1  }
0x197: {  	s7 =	sshra.s32 s12, $0x3;
	s3 =	simm.s32 @!p4 $0x0  }
0x198: {  	[sflag:s30] =	ssyncadd.s32 @p0 $0xFFFFFFF0;
	s3 =	ssub.s32 s7, s3  }
0x199: {  	v39 =	vld @p0 [tilespmem:$0x800];
	s7 =	sshll.u32 s3, $0x3  }
0x19a: {  	v40 =	vld @p0 [tilespmem:$0x680];
	s3 =	sand.u32 $0x1FFFFFFF, s3;
	s7 =	ssub.s32 s10, s7  }
0x19b: {  	v41 =	vld @p0 [tilespmem:$0x700];
	s3 =	sadd.s32 s6, s3;
	v42 =	vadd.s32 s7, v0  }
0x19c: {  	v43 =	vld @p0 [tilespmem:$0x780];
	[tilespmem:s24], [sflag:$0x5] =	stream.linear.gather [hbm4b:s3+s4], $0x18, $0x38;
	[tilespmem:$0x900] =	vst v63  }
0x19d: {  	_ =	swait.ge [sflag:s11], $0x18  }
0x19e: {  	[sflag:s11] =	ssyncset.done $0x0  }
0x19f: {  	[sflag:s11] =	ssyncadd.s32 $0xFFFFFFE8  }
0x1a0: {  	v42 =	vld.idx.msk [tilespmem:v42+s24+$0x0], $0xffff  }
0x1a1: {  	v41 =	vsub.f32 @p0 v31, v41;
	v43 =	vsub.f32 @p0 v32, v43  }
0x1a2: {  	v44 =	vsub.f32 @p0 v40, v34  }
0x1a3: {  	v39 =	vsub.f32 @p0 v33, v39;
	v41 =	vmul.f32 @p0 v41, v41;
	v43 =	vmul.f32 @p0 v43, v43  }
0x1a4: {  	v45 =	vsub.f32 @p0 $0.0e+00, v44  }
0x1a5: {  	v39 =	vmul.f32 @p0 v39, v39;
	v41 =	vadd.f32 @p0 v43, v41;
	v49 =	vmul.u32 $0x3, v42  }
0x1a6: {  	v44 =	vmul.f32 @p0 v45, v44  }
0x1a7: {  	v39 =	vadd.f32 @p0 v39, v41  }
0x1a8: {  	v41 =	vmul.f32 @p0 v44, v25;
	v50 =	vadd.s32 $0x1, v49  }
0x1a9: {  	v39 =	vsub.f32 @p0 $0.0e+00, v39;
	[tilespmem:s25], [sflag:$0x1] =	stream.indirect_vreg.gather [hbm4b:s1+s4], $0x1, v42, vm0, $0xb8;
	[tilespmem:$0x900] =	vst v63  }
0x1aa: {  	v41 =	vmul.f32 @p0 $1.442695020e+00, v41;
	v51 =	vadd.s32 $0x2, v49  }
0x1ab: {  	v39 =	vmul.f32 @p0 v39, v21;
	[tilespmem:s26], [sflag:$0x2] =	stream.indirect_vreg.gather [hbm4b:s5+s4], $0x1, v49, vm0, $0xb8;
	[tilespmem:$0x900] =	vst v63  }
0x1ac: {  	(erf) = vpow2.f32 @p0 v41  }
0x1ad: {  	v39 =	vmul.f32 @p0 $1.442695020e+00, v39;
	[tilespmem:s28], [sflag:$0x3] =	stream.indirect_vreg.gather [hbm4b:s5+s4], $0x1, v50, vm0, $0xb8;
	[tilespmem:$0x900] =	vst v63  }
0x1ae: {  	_ = 	snop  }
0x1af: {  	(erf) = vpow2.f32 @p0 v39;
	[tilespmem:s29], [sflag:$0x4] =	stream.indirect_vreg.gather [hbm4b:s5+s4], $0x1, v51, vm0, $0xb8;
	[tilespmem:$0x900] =	vst v63  }
0x1b0: {  	_ =	swait.ge [sflag:s18], $0x10  }
0x1b1: {  	[sflag:s18] =	ssyncset.done $0x0  }
0x1b2: {  	[sflag:s18] =	ssyncadd.s32 $0xFFFFFFF0  }
0x1b3: {  	_ =	swait.ge [sflag:s19], $0x10  }
0x1b4: {  	[sflag:s19] =	ssyncset.done $0x0  }
0x1b5: {  	v39 =	vpop @p0 (erf);
	[sflag:s19] =	ssyncadd.s32 $0xFFFFFFF0  }
0x1b6: {  	_ =	swait.ge [sflag:s20], $0x10  }
0x1b7: {  	[sflag:s20] =	ssyncset.done $0x0  }
0x1b8: {  	v41 =	vpop @p0 (erf);
	[sflag:s20] =	ssyncadd.s32 $0xFFFFFFF0  }
0x1b9: {  	_ =	swait.ge [sflag:s30], $0x10  }
0x1ba: {  	[sflag:s30] =	ssyncset.done $0x0  }
0x1bb: {  	[sflag:s30] =	ssyncadd.s32 $0xFFFFFFF0  }
0x1bc: {  	v52 =	vld [tilespmem:$0x700]  }
0x1bd: {  	v53 =	vld [tilespmem:$0x780];
	_ =	sdelay $0x1  }
0x1be: {  	v54 =	vld [tilespmem:$0x800]  }
0x1bf: {  	v55 =	vld [tilespmem:$0x680];
	_ =	sdelay $0x1  }
0x1c0: {  	v31 =	vsub.f32 v31, v52;
	v56 =	vsub.f32 v32, v53;
	_ =	sdelay $0x1  }
0x1c1: {  	v57 =	vsub.f32 v33, v54;
	v31 =	vmul.f32 v31, v31;
	v32 =	vmul.f32 v56, v56  }
0x1c2: {  	v58 =	vsub.f32 v55, v34  }
0x1c3: {  	v33 =	vmul.f32 v57, v57;
	v31 =	vadd.f32 v32, v31  }
0x1c4: {  	v59 =	vsub.f32 $0.0e+00, v58  }
0x1c5: {  	v31 =	vadd.f32 v33, v31  }
0x1c6: {  	v32 =	vmul.f32 v59, v58  }
0x1c7: {  	v31 =	vsub.f32 $0.0e+00, v31  }
0x1c8: {  	v32 =	vmul.f32 v32, v25  }
0x1c9: {  	v31 =	vmul.f32 v31, v21  }
0x1ca: {  	v32 =	vmul.f32 $1.442695020e+00, v32  }
0x1cb: {  	v31 =	vmul.f32 $1.442695020e+00, v31  }
0x1cc: {  	(erf) = vpow2.f32 v32  }
0x1cd: {  	(erf) = vpow2.f32 v31;
	_ =	sdelay $0x3  }
0x1ce: {  	v31 =	vor.u32 @p0 s23, v0  }
0x1cf: {  	vm1 =	vlt.s32 @p0 v31, v30  }
0x1d0: {  	v34 =	vmul.f32 @p1 v37, v38;
	v32 =	vmul.f32 @p0 v41, v39;
	v31 =	vsel @p0 vm1, $0x3F800000, v27  }
0x1d1: {  	v31 =	vmul.f32 @p0 $9.999999970e-07, v31  }
0x1d2: {  	v60 =	vor.u32 s9, v0;
	v34 =	vadd.f32 @p1 v34, v35;
	v32 =	vnsel @p0 vm1, $0x0, v32;
	v61 =	vpop (erf)  }
0x1d3: {  	v31 =	vadd.f32 @p0 v32, v31;
	v32 =	vnsel @p0 vm1, $0x0, v40;
	vm1 =	vlt.s32 v60, v30;
	v30 =	vpop (erf)  }
0x1d4: {  	v33 =	vadd.f32 @p1 v37, v36;
	v62 =	vsel vm1, $0x3F800000, v27;
	v30 =	vmul.f32 v30, v61  }
0x1d5: {  	v32 =	vpsel p0, v32, v0;
	v31 =	vpsel p0, v31, v0;
	v35 =	vmul.f32 $9.999999970e-07, v62  }
0x1d6: {  	v33 =	vpsel p1, v33, v29;
	v32 =	vmul.f32 @p0 v31, v32;
	v30 =	vnsel vm1, $0x0, v30  }
.Ltmp9:
0x1d7: {  	v34 =	vpsel p1, v34, v29;
	v31 =	vadd.f32 @p0 v31, v33;
	v30 =	vadd.f32 v30, v35;
	(pc) =	sbr.rel .LBB2_13-.Ltmp9, $4  }
0x1d8: {  	v63 =	vnsel vm1, $0x0, v55;
	v32 =	vadd.f32 @p0 v32, v34  }
0x1d9: {  	v31 =	vpsel p0, v31, v29;
	v33 =	vmul.f32 v30, v63  }
0x1da: {  	v29 =	vpsel p0, v32, v29;
	v30 =	vadd.f32 v30, v31  }
0x1db: {  	v29 =	vadd.f32 v33, v29  }
.LBB2_5:
.Ltmp10:
0x1dc: {  	(pc) =	sbr.rel .LBB2_12-.Ltmp10, $2  }
0x1dd: {  	_ =	sdelay $0x2  }
0x1de: {  	v36 =	vimm.f32 $0.0e+00;
	v35 =	vimm.f32 $0.0e+00  }
.LBB2_7:
.Ltmp11:
0x1df: {  	(pc) =	sbr.rel .LBB2_12-.Ltmp11, $2  }
0x1e0: {  	_ =	sdelay $0x2  }
0x1e1: {  	v36 =	vimm.f32 $0.0e+00;
	v35 =	vimm.f32 $0.0e+00;
	s23 =	simm.s32 $0x0;
	s9 =	simm.s32 $0x10  }
.LBB2_9:
.Ltmp12:
0x1e2: {  	(pc) =	sbr.rel .LBB2_12-.Ltmp12, $2  }
0x1e3: {  	_ =	sdelay $0x2  }
0x1e4: {  	v36 =	vimm.f32 $0.0e+00;
	v35 =	vimm.f32 $0.0e+00;
	s9 =	simm.s32 $0x20  }
.LBB2_15:
0x1e5: {  	_ =	sfence.sel $0x180000  }
0x1e6: {  	[bflag:$0x0] =	sbarrier.arrive $0xFFFF  }
0x1e7: {  	_ =	strace $0x90000047  }
0x1e8: {  	s0 =	stileid.u32;
	[bflag:$0x2] =	sbarrier.arrive $0xFFFF  }
0x1e9: {  	p0 =	sne.s32 s0, $0x0;
	s0 =	rddreg [dreg:$0x4]  }
0x1ea: {  	s0 =	sadd.s32 @!p0 $0x100000, s0  }
0x1eb: {  	[sflag:s0] =	ssyncadd.tile.s32 @!p0 $0x1;
	_ =	shalt  }
.Lfunc_end2:
_tile_overlayer_lowered:
.L_overlay_start_2:
0x1ec: {  	(tag) =	ssettag $0x2  }
0x1ed: {  	s0 =	rddreg [dreg:$0x0];
	s2 =	stileid.u32  }
0x1ee: {  	s1 =	rddreg [dreg:$0x1];
	p0 =	sne.s32 s2, $0x0  }
0x1ef: {  	s3 =	rddreg [dreg:$0x2];
	[bflag:$0x3] =	sbarrier.arrive $0xFFFF;
	s2 =	simm.s32 @!p0 $0x1C05  }
0x1f0: {  	[timem:s3], [sflag:s2] =	dma.local @!p0 [hbm:s0], s1  }
0x1f1: {  	s0 =	simm.s32 @!p0 $0x5  }
0x1f2: {  	_ =	swait.ge @!p0 [sflag:s0], s1  }
0x1f3: {  	s1 =	ssub.s32 @!p0 $0x0, s1;
	[sflag:s0] =	ssyncset.done @!p0 $0x0  }
0x1f4: {  	[sflag:s0] =	ssyncadd.s32 @!p0 s1  }
0x1f5: {  	[bflag:$0x3] =	sbarrier.arrive $0xFFFF  }
0x1f6: {  	_ =	shalt  }

</sc_bundles>
